<compile_context>
chip_gen: v7x
topology: tpu7x:2x2x1
jax: 0.10.2.dev20260603
libtpu: 0.0.44.dev20260713+nightly
codegen_flags: <defaults>
</compile_context>

<pallas_src>
import functools

import jax
import jax.numpy as jnp
from jax import lax
from jax.experimental import pallas as pl
from jax.experimental.pallas import tpu as pltpu
from jax.experimental.pallas import tpu_sc as plsc

_NC = 2
_NS = 16
_NW = _NC * _NS
_CB = 4
_LANE = 128


@functools.cache
def _build(batch: int, hist: int, dim: int):
    tail = dim - 2 * _LANE
    nb_w = batch // _NW
    n_chunks = nb_w // _CB
    rows = _CB * hist
    mesh = plsc.VectorSubcoreMesh(core_axis_name="c", subcore_axis_name="s")

    @functools.partial(
        pl.kernel,
        mesh=mesh,
        compiler_params=pltpu.CompilerParams(use_tc_tiling_on_sc=True),
        out_type=jax.ShapeDtypeStruct((batch, hist, dim), jnp.float32),
        scratch_types=[
            pltpu.VMEM((n_chunks, rows), jnp.int32),
            pltpu.VMEM((2, 2, rows, _LANE), jnp.float32),
            pltpu.VMEM((2, rows, tail), jnp.float32),
            pltpu.SemaphoreType.DMA,
            pltpu.SemaphoreType.DMA,
            pltpu.SemaphoreType.DMA,
        ],
    )
    def gather_kernel(ids_hbm, table_hbm, out_hbm, idx_v, rows_v, tail_v,
                      gsem, tsem, wsem):
        wid = lax.axis_index("s") * _NC + lax.axis_index("c")
        b_base = wid * nb_w
        pltpu.sync_copy(ids_hbm.at[wid], idx_v)

        def gather(j, b, p):
            src = table_hbm.at[idx_v.at[j], pl.ds(p * _LANE, _LANE)]
            return pltpu.make_async_copy(src, rows_v.at[b, p], gsem)

        def start_tail(j, b):
            def row16(g, carry):
                vec = idx_v[j, pl.ds(g * 16, 16)]
                for k in range(16):
                    pltpu.make_async_copy(
                        table_hbm.at[vec[k], pl.ds(2 * _LANE, tail)],
                        tail_v.at[b, g * 16 + k], tsem).start()
                return carry
            lax.fori_loop(0, rows // 16, row16, 0)

        def tail_drain(b):
            return pltpu.make_async_copy(
                table_hbm.at[pl.ds(0, rows), pl.ds(2 * _LANE, tail)],
                tail_v.at[b], tsem)

        def writes(j, b):
            bstart = b_base + j * _CB
            ds = []
            for k in range(_CB):
                dst = out_hbm.at[bstart + k]
                for p in range(2):
                    ds.append(pltpu.make_async_copy(
                        rows_v.at[b, p, pl.ds(k * hist, hist)],
                        dst.at[:, pl.ds(p * _LANE, _LANE)], wsem))
                ds.append(pltpu.make_async_copy(
                    tail_v.at[b, pl.ds(k * hist, hist)],
                    dst.at[:, pl.ds(2 * _LANE, tail)], wsem))
            return ds

        def start_chunk(j, b):
            gather(j, b, 0).start()
            gather(j, b, 1).start()
            start_tail(j, b)

        def drain_chunk(j, b):
            gather(j, b, 0).wait()
            gather(j, b, 1).wait()
            tail_drain(b).wait()

        def body(j, carry):
            b = j % 2

            @pl.when(j >= 2)
            def _():
                for d in writes(j - 2, b):
                    d.wait()

            start_chunk(j, b)

            @pl.when(j >= 1)
            def _():
                drain_chunk(j - 1, 1 - b)
                for d in writes(j - 1, 1 - b):
                    d.start()

            return carry

        lax.fori_loop(0, n_chunks, body, 0)
        last = n_chunks - 1
        lb = last % 2
        drain_chunk(last, lb)
        for d in writes(last, lb):
            d.start()
        if n_chunks >= 2:
            for d in writes(last - 1, 1 - lb):
                d.wait()
        for d in writes(last, lb):
            d.wait()

    return gather_kernel


def kernel(word_ids, table):
    batch, hist = word_ids.shape
    vocab, dim = table.shape
    nb_w = batch // _NW
    n_chunks = nb_w // _CB
    ids3 = word_ids.reshape(_NW, n_chunks, _CB * hist)
    return _build(batch, hist, dim)(ids3, table)

# --- scband reference (transcript-rebuilt; emitter-appended) ---
"""Pipeline reference for scband-simple-glove-embedding-15470472200518 (READ-ONLY COPY).

The authoritative reference and input builder live on the scoring server;
editing this copy changes nothing except your own understanding.
"""

import jax, jax.numpy as jnp
import numpy as np

VOCAB = 400000
DIM = 300
BATCH = 4096
HIST = 20


def setup_inputs(seed: int = 0) -> dict:
    key = jax.random.key(seed)
    k1, k2 = jax.random.split(key)
    # word indices standing in for the string->id mapping of the GloVe dict
    word_ids = jax.random.randint(k1, (BATCH, HIST), 0, VOCAB, dtype=jnp.int32)
    # the GloVe embedding table (embedding_dict materialized as a dense matrix)
    table = jax.random.normal(k2, (VOCAB, DIM), dtype=jnp.float32) * 0.1
    return {"word_ids": word_ids, "table": table}


def reference(word_ids, table):
    # Faithful translation of: embedding_dict.get(word, unk_word)
    # In-vocab ids -> gathered row; out-of-vocab ids -> zeros (the unk_word vector).
    n_vocab = table.shape[0]
    in_range = (word_ids >= 0) & (word_ids < n_vocab)
    safe_ids = jnp.clip(word_ids, 0, n_vocab - 1)
    emb = jnp.take(table, safe_ids, axis=0)
    return jnp.where(in_range[..., None], emb, jnp.zeros((), dtype=emb.dtype))

if __name__ == "__main__":
    import jax
    _d = setup_inputs()
    print(jax.jit(kernel)(*tuple(_d.values())))

</pallas_src>

<mosaic_0001>
#map = affine_map<(d0, d1) -> (0, 0, 0)>
#map1 = affine_map<(d0, d1) -> (0, 0)>
module attributes {stable_mosaic.version = 14 : i64} {
  func.func @gather_kernel(%arg0: i32, %arg1: i32, %arg2: memref<32x32x80xi32, #tpu.memory_space<hbm>>, %arg3: memref<400000x300xf32, #tpu.memory_space<hbm>>, %arg4: memref<4096x20x300xf32, #tpu.memory_space<hbm>>, %arg5: memref<32x80xi32, #tpu.memory_space<vmem>>, %arg6: memref<2x2x80x128xf32, #tpu.memory_space<vmem>>, %arg7: memref<2x80x44xf32, #tpu.memory_space<vmem>>, %arg8: memref<!tpu.dma_semaphore, #tpu.memory_space<semaphore_mem>>, %arg9: memref<!tpu.dma_semaphore, #tpu.memory_space<semaphore_mem>>, %arg10: memref<!tpu.dma_semaphore, #tpu.memory_space<semaphore_mem>>) attributes {dimension_semantics = [#tpu.dimension_semantics<core_parallel>, #tpu.dimension_semantics<subcore_parallel>], iteration_bounds = array<i64: 2, 16>, scalar_prefetch = 0 : i64, scratch_operands = 6 : i64, tpu.core_type = #tpu.core_type<sc_vector_subcore>, window_params = [{transform_indices = #map}, {transform_indices = #map1}, {transform_indices = #map}]} {
    %mul3A = arith.constant 2 : i32
    %mul3A_0 = arith.muli %arg1, %mul3A : i32
    %add3A = arith.addi %mul3A_0, %arg0 : i32
    %mul3A_1 = arith.constant 128 : i32
    %mul3A_2 = arith.muli %add3A, %mul3A_1 : i32
    "tpu.region"() ({
      %run_scoped3A = tpu.sem_alloc : memref<!tpu.dma_semaphore, #tpu.memory_space<semaphore_mem>>
      %dma_start3A_929 = arith.constant 0 : i32
      %dma_start3A_930 = arith.constant 0 : i32
      %dma_start3A_931 = tpu.memref_slice %arg2[%add3A, %dma_start3A_929, %dma_start3A_930] : memref<32x32x80xi32, #tpu.memory_space<hbm>> -> memref<1x32x80xi32, #tpu.memory_space<hbm>>
      %dma_start3A_932 = tpu.memref_squeeze %dma_start3A_931 : memref<1x32x80xi32, #tpu.memory_space<hbm>> -> memref<32x80xi32, #tpu.memory_space<hbm>>
      %dma_start3A_933 = arith.constant 0 : i32
      %dma_start3A_934 = arith.constant 0 : i32
      %dma_start3A_935 = tpu.memref_slice %arg2[%add3A, %dma_start3A_933, %dma_start3A_934] : memref<32x32x80xi32, #tpu.memory_space<hbm>> -> memref<1x32x80xi32, #tpu.memory_space<hbm>>
      %dma_start3A_936 = tpu.memref_squeeze %dma_start3A_935 : memref<1x32x80xi32, #tpu.memory_space<hbm>> -> memref<32x80xi32, #tpu.memory_space<hbm>>
      tpu.enqueue_dma source(%dma_start3A_936 : memref<32x80xi32, #tpu.memory_space<hbm>>) target(%arg5 : memref<32x80xi32, #tpu.memory_space<vmem>>) target_semaphore(%run_scoped3A : memref<!tpu.dma_semaphore, #tpu.memory_space<semaphore_mem>>)
      %dma_wait3A_937 = arith.constant 0 : i32
      %dma_wait3A_938 = arith.constant 0 : i32
      %dma_wait3A_939 = tpu.memref_slice %arg2[%add3A, %dma_wait3A_937, %dma_wait3A_938] : memref<32x32x80xi32, #tpu.memory_space<hbm>> -> memref<1x32x80xi32, #tpu.memory_space<hbm>>
      %dma_wait3A_940 = tpu.memref_squeeze %dma_wait3A_939 : memref<1x32x80xi32, #tpu.memory_space<hbm>> -> memref<32x80xi32, #tpu.memory_space<hbm>>
      %dma_wait3A_941 = arith.constant 0 : i32
      %dma_wait3A_942 = arith.constant 0 : i32
      %dma_wait3A_943 = tpu.memref_slice %arg2[%add3A, %dma_wait3A_941, %dma_wait3A_942] : memref<32x32x80xi32, #tpu.memory_space<hbm>> -> memref<1x32x80xi32, #tpu.memory_space<hbm>>
      %dma_wait3A_944 = tpu.memref_squeeze %dma_wait3A_943 : memref<1x32x80xi32, #tpu.memory_space<hbm>> -> memref<32x80xi32, #tpu.memory_space<hbm>>
      tpu.wait_dma2 semaphore(%run_scoped3A : memref<!tpu.dma_semaphore, #tpu.memory_space<semaphore_mem>>) src(%dma_wait3A_944 : memref<32x80xi32, #tpu.memory_space<hbm>>) dst(%arg5 : memref<32x80xi32, #tpu.memory_space<vmem>>)
      tpu.yield
    }) : () -> ()
    %scan3A = arith.constant 0 : i32
    %scan3A_3 = arith.constant 0 : i32
    %scan3A_4 = arith.constant 32 : i32
    %scan3A_5 = arith.addi %scan3A_3, %scan3A_4 : i32
    %scan3A_6 = arith.constant 1 : i32
    scf.for %scan3A_929 = %scan3A_3 to %scan3A_5 step %scan3A_6  : i32 {
      %jit3A = arith.constant 2 : i32
      %eq3A = arith.constant 0 : i32
      %eq3A_930 = arith.cmpi eq, %jit3A, %eq3A : i32
      %jit3A_931 = arith.constant 1 : i32
      %select_n3A = arith.select %eq3A_930, %jit3A_931, %jit3A : i32
      %rem3A = arith.remsi %scan3A_929, %select_n3A : i32
      %ne3A = arith.constant 0 : i32
      %ne3A_932 = arith.cmpi ne, %rem3A, %ne3A : i32
      %lt3A = arith.constant 0 : i32
      %lt3A_933 = arith.cmpi slt, %rem3A, %lt3A : i32
      %lt3A_934 = arith.constant 0 : i32
      %lt3A_935 = arith.cmpi slt, %select_n3A, %lt3A_934 : i32
      %ne3A_936 = arith.xori %lt3A_933, %lt3A_935 : i1
      %and3A = arith.andi %ne3A_936, %ne3A_932 : i1
      %add3A_937 = arith.addi %rem3A, %select_n3A : i32
      %select_n3A_938 = arith.select %and3A, %add3A_937, %rem3A : i32
      %ge3A = arith.constant 2 : i32
      %ge3A_939 = arith.cmpi sge, %scan3A_929, %ge3A : i32
      %convert_element_type3A = arith.extui %ge3A_939 : i1 to i32
      %cond3A = arith.constant 0 : i32
      %cond3A_940 = arith.cmpi ne, %convert_element_type3A, %cond3A : i32
      scf.if %cond3A_940 {
        %sub3A = arith.constant 2 : i32
        %sub3A_974 = arith.subi %scan3A_929, %sub3A : i32
        %mul3A_975 = arith.constant 4 : i32
        %mul3A_976 = arith.muli %sub3A_974, %mul3A_975 : i32
        %add3A_977 = arith.addi %mul3A_2, %mul3A_976 : i32
        %add3A_978 = arith.constant 0 : i32
        %add3A_979 = arith.addi %add3A_977, %add3A_978 : i32
        %add3A_980 = arith.constant 1 : i32
        %add3A_981 = arith.addi %add3A_977, %add3A_980 : i32
        %add3A_982 = arith.constant 2 : i32
        %add3A_983 = arith.addi %add3A_977, %add3A_982 : i32
        %add3A_984 = arith.constant 3 : i32
        %add3A_985 = arith.addi %add3A_977, %add3A_984 : i32
        %dma_wait3A_986 = arith.constant 0 : i32
        %dma_wait3A_987 = arith.constant 0 : i32
        %dma_wait3A_988 = arith.constant 0 : i32
        %dma_wait3A_989 = tpu.memref_slice %arg6[%select_n3A_938, %dma_wait3A_986, %dma_wait3A_987, %dma_wait3A_988] : memref<2x2x80x128xf32, #tpu.memory_space<vmem>> -> memref<1x1x20x128xf32, #tpu.memory_space<vmem>>
        %dma_wait3A_990 = tpu.memref_squeeze %dma_wait3A_989 : memref<1x1x20x128xf32, #tpu.memory_space<vmem>> -> memref<20x128xf32, #tpu.memory_space<vmem>>
        %dma_wait3A_991 = arith.constant 0 : i32
        %dma_wait3A_992 = arith.constant 0 : i32
        %dma_wait3A_993 = tpu.memref_slice %arg4[%add3A_979, %dma_wait3A_991, %dma_wait3A_992] : memref<4096x20x300xf32, #tpu.memory_space<hbm>> -> memref<1x20x300xf32, #tpu.memory_space<hbm>>
        %dma_wait3A_994 = tpu.memref_squeeze %dma_wait3A_993 : memref<1x20x300xf32, #tpu.memory_space<hbm>> -> memref<20x300xf32, #tpu.memory_space<hbm>>
        %dma_wait3A_995 = arith.constant 0 : i32
        %dma_wait3A_996 = arith.constant 0 : i32
        %dma_wait3A_997 = tpu.memref_slice %dma_wait3A_994[%dma_wait3A_995, %dma_wait3A_996] : memref<20x300xf32, #tpu.memory_space<hbm>> -> memref<20x128xf32, #tpu.memory_space<hbm>>
        %dma_wait3A_998 = arith.constant 0 : i32
        %dma_wait3A_999 = arith.constant 0 : i32
        %dma_wait3A_1000 = tpu.memref_slice %arg4[%add3A_979, %dma_wait3A_998, %dma_wait3A_999] : memref<4096x20x300xf32, #tpu.memory_space<hbm>> -> memref<1x20x300xf32, #tpu.memory_space<hbm>>
        %dma_wait3A_1001 = tpu.memref_squeeze %dma_wait3A_1000 : memref<1x20x300xf32, #tpu.memory_space<hbm>> -> memref<20x300xf32, #tpu.memory_space<hbm>>
        %dma_wait3A_1002 = arith.constant 0 : i32
        %dma_wait3A_1003 = arith.constant 0 : i32
        %dma_wait3A_1004 = tpu.memref_slice %dma_wait3A_1001[%dma_wait3A_1002, %dma_wait3A_1003] : memref<20x300xf32, #tpu.memory_space<hbm>> -> memref<20x128xf32, #tpu.memory_space<hbm>>
        %dma_wait3A_1005 = arith.constant 0 : i32
        %dma_wait3A_1006 = arith.constant 0 : i32
        %dma_wait3A_1007 = tpu.memref_slice %arg6[%select_n3A_938, %dma_wait3A_986, %dma_wait3A_1005, %dma_wait3A_1006] : memref<2x2x80x128xf32, #tpu.memory_space<vmem>> -> memref<1x1x20x128xf32, #tpu.memory_space<vmem>>
        %dma_wait3A_1008 = tpu.memref_squeeze %dma_wait3A_1007 : memref<1x1x20x128xf32, #tpu.memory_space<vmem>> -> memref<20x128xf32, #tpu.memory_space<vmem>>
        tpu.wait_dma2 semaphore(%arg10 : memref<!tpu.dma_semaphore, #tpu.memory_space<semaphore_mem>>) src(%dma_wait3A_1008 : memref<20x128xf32, #tpu.memory_space<vmem>>) dst(%dma_wait3A_1004 : memref<20x128xf32, #tpu.memory_space<hbm>>)
        %dma_wait3A_1009 = arith.constant 1 : i32
        %dma_wait3A_1010 = arith.constant 0 : i32
        %dma_wait3A_1011 = arith.constant 0 : i32
        %dma_wait3A_1012 = tpu.memref_slice %arg6[%select_n3A_938, %dma_wait3A_1009, %dma_wait3A_1010, %dma_wait3A_1011] : memref<2x2x80x128xf32, #tpu.memory_space<vmem>> -> memref<1x1x20x128xf32, #tpu.memory_space<vmem>>
        %dma_wait3A_1013 = tpu.memref_squeeze %dma_wait3A_1012 : memref<1x1x20x128xf32, #tpu.memory_space<vmem>> -> memref<20x128xf32, #tpu.memory_space<vmem>>
        %dma_wait3A_1014 = arith.constant 0 : i32
        %dma_wait3A_1015 = arith.constant 0 : i32
        %dma_wait3A_1016 = tpu.memref_slice %arg4[%add3A_979, %dma_wait3A_1014, %dma_wait3A_1015] : memref<4096x20x300xf32, #tpu.memory_space<hbm>> -> memref<1x20x300xf32, #tpu.memory_space<hbm>>
        %dma_wait3A_1017 = tpu.memref_squeeze %dma_wait3A_1016 : memref<1x20x300xf32, #tpu.memory_space<hbm>> -> memref<20x300xf32, #tpu.memory_space<hbm>>
        %dma_wait3A_1018 = arith.constant 0 : i32
        %dma_wait3A_1019 = arith.constant 128 : i32
        %dma_wait3A_1020 = tpu.memref_slice %dma_wait3A_1017[%dma_wait3A_1018, %dma_wait3A_1019] : memref<20x300xf32, #tpu.memory_space<hbm>> -> memref<20x128xf32, #tpu.memory_space<hbm>>
        %dma_wait3A_1021 = arith.constant 0 : i32
        %dma_wait3A_1022 = arith.constant 0 : i32
        %dma_wait3A_1023 = tpu.memref_slice %arg4[%add3A_979, %dma_wait3A_1021, %dma_wait3A_1022] : memref<4096x20x300xf32, #tpu.memory_space<hbm>> -> memref<1x20x300xf32, #tpu.memory_space<hbm>>
        %dma_wait3A_1024 = tpu.memref_squeeze %dma_wait3A_1023 : memref<1x20x300xf32, #tpu.memory_space<hbm>> -> memref<20x300xf32, #tpu.memory_space<hbm>>
        %dma_wait3A_1025 = arith.constant 0 : i32
        %dma_wait3A_1026 = arith.constant 128 : i32
        %dma_wait3A_1027 = tpu.memref_slice %dma_wait3A_1024[%dma_wait3A_1025, %dma_wait3A_1026] : memref<20x300xf32, #tpu.memory_space<hbm>> -> memref<20x128xf32, #tpu.memory_space<hbm>>
        %dma_wait3A_1028 = arith.constant 0 : i32
        %dma_wait3A_1029 = arith.constant 0 : i32
        %dma_wait3A_1030 = tpu.memref_slice %arg6[%select_n3A_938, %dma_wait3A_1009, %dma_wait3A_1028, %dma_wait3A_1029] : memref<2x2x80x128xf32, #tpu.memory_space<vmem>> -> memref<1x1x20x128xf32, #tpu.memory_space<vmem>>
        %dma_wait3A_1031 = tpu.memref_squeeze %dma_wait3A_1030 : memref<1x1x20x128xf32, #tpu.memory_space<vmem>> -> memref<20x128xf32, #tpu.memory_space<vmem>>
        tpu.wait_dma2 semaphore(%arg10 : memref<!tpu.dma_semaphore, #tpu.memory_space<semaphore_mem>>) src(%dma_wait3A_1031 : memref<20x128xf32, #tpu.memory_space<vmem>>) dst(%dma_wait3A_1027 : memref<20x128xf32, #tpu.memory_space<hbm>>)
        %dma_wait3A_1032 = arith.constant 0 : i32
        %dma_wait3A_1033 = arith.constant 0 : i32
        %dma_wait3A_1034 = tpu.memref_slice %arg7[%select_n3A_938, %dma_wait3A_1032, %dma_wait3A_1033] : memref<2x80x44xf32, #tpu.memory_space<vmem>> -> memref<1x20x44xf32, #tpu.memory_space<vmem>>
        %dma_wait3A_1035 = tpu.memref_squeeze %dma_wait3A_1034 : memref<1x20x44xf32, #tpu.memory_space<vmem>> -> memref<20x44xf32, #tpu.memory_space<vmem>>
        %dma_wait3A_1036 = arith.constant 0 : i32
        %dma_wait3A_1037 = arith.constant 0 : i32
        %dma_wait3A_1038 = tpu.memref_slice %arg4[%add3A_979, %dma_wait3A_1036, %dma_wait3A_1037] : memref<4096x20x300xf32, #tpu.memory_space<hbm>> -> memref<1x20x300xf32, #tpu.memory_space<hbm>>
        %dma_wait3A_1039 = tpu.memref_squeeze %dma_wait3A_1038 : memref<1x20x300xf32, #tpu.memory_space<hbm>> -> memref<20x300xf32, #tpu.memory_space<hbm>>
        %dma_wait3A_1040 = arith.constant 0 : i32
        %dma_wait3A_1041 = arith.constant 256 : i32
        %dma_wait3A_1042 = tpu.memref_slice %dma_wait3A_1039[%dma_wait3A_1040, %dma_wait3A_1041] : memref<20x300xf32, #tpu.memory_space<hbm>> -> memref<20x44xf32, #tpu.memory_space<hbm>>
        %dma_wait3A_1043 = arith.constant 0 : i32
        %dma_wait3A_1044 = arith.constant 0 : i32
        %dma_wait3A_1045 = tpu.memref_slice %arg4[%add3A_979, %dma_wait3A_1043, %dma_wait3A_1044] : memref<4096x20x300xf32, #tpu.memory_space<hbm>> -> memref<1x20x300xf32, #tpu.memory_space<hbm>>
        %dma_wait3A_1046 = tpu.memref_squeeze %dma_wait3A_1045 : memref<1x20x300xf32, #tpu.memory_space<hbm>> -> memref<20x300xf32, #tpu.memory_space<hbm>>
        %dma_wait3A_1047 = arith.constant 0 : i32
        %dma_wait3A_1048 = arith.constant 256 : i32
        %dma_wait3A_1049 = tpu.memref_slice %dma_wait3A_1046[%dma_wait3A_1047, %dma_wait3A_1048] : memref<20x300xf32, #tpu.memory_space<hbm>> -> memref<20x44xf32, #tpu.memory_space<hbm>>
        %dma_wait3A_1050 = arith.constant 0 : i32
        %dma_wait3A_1051 = arith.constant 0 : i32
        %dma_wait3A_1052 = tpu.memref_slice %arg7[%select_n3A_938, %dma_wait3A_1050, %dma_wait3A_1051] : memref<2x80x44xf32, #tpu.memory_space<vmem>> -> memref<1x20x44xf32, #tpu.memory_space<vmem>>
        %dma_wait3A_1053 = tpu.memref_squeeze %dma_wait3A_1052 : memref<1x20x44xf32, #tpu.memory_space<vmem>> -> memref<20x44xf32, #tpu.memory_space<vmem>>
        tpu.wait_dma2 semaphore(%arg10 : memref<!tpu.dma_semaphore, #tpu.memory_space<semaphore_mem>>) src(%dma_wait3A_1053 : memref<20x44xf32, #tpu.memory_space<vmem>>) dst(%dma_wait3A_1049 : memref<20x44xf32, #tpu.memory_space<hbm>>)
        %dma_wait3A_1054 = arith.constant 0 : i32
        %dma_wait3A_1055 = arith.constant 20 : i32
        %dma_wait3A_1056 = arith.constant 0 : i32
        %dma_wait3A_1057 = tpu.memref_slice %arg6[%select_n3A_938, %dma_wait3A_1054, %dma_wait3A_1055, %dma_wait3A_1056] : memref<2x2x80x128xf32, #tpu.memory_space<vmem>> -> memref<1x1x20x128xf32, #tpu.memory_space<vmem>>
        %dma_wait3A_1058 = tpu.memref_squeeze %dma_wait3A_1057 : memref<1x1x20x128xf32, #tpu.memory_space<vmem>> -> memref<20x128xf32, #tpu.memory_space<vmem>>
        %dma_wait3A_1059 = arith.constant 0 : i32
        %dma_wait3A_1060 = arith.constant 0 : i32
        %dma_wait3A_1061 = tpu.memref_slice %arg4[%add3A_981, %dma_wait3A_1059, %dma_wait3A_1060] : memref<4096x20x300xf32, #tpu.memory_space<hbm>> -> memref<1x20x300xf32, #tpu.memory_space<hbm>>
        %dma_wait3A_1062 = tpu.memref_squeeze %dma_wait3A_1061 : memref<1x20x300xf32, #tpu.memory_space<hbm>> -> memref<20x300xf32, #tpu.memory_space<hbm>>
        %dma_wait3A_1063 = arith.constant 0 : i32
        %dma_wait3A_1064 = arith.constant 0 : i32
        %dma_wait3A_1065 = tpu.memref_slice %dma_wait3A_1062[%dma_wait3A_1063, %dma_wait3A_1064] : memref<20x300xf32, #tpu.memory_space<hbm>> -> memref<20x128xf32, #tpu.memory_space<hbm>>
        %dma_wait3A_1066 = arith.constant 0 : i32
        %dma_wait3A_1067 = arith.constant 0 : i32
        %dma_wait3A_1068 = tpu.memref_slice %arg4[%add3A_981, %dma_wait3A_1066, %dma_wait3A_1067] : memref<4096x20x300xf32, #tpu.memory_space<hbm>> -> memref<1x20x300xf32, #tpu.memory_space<hbm>>
        %dma_wait3A_1069 = tpu.memref_squeeze %dma_wait3A_1068 : memref<1x20x300xf32, #tpu.memory_space<hbm>> -> memref<20x300xf32, #tpu.memory_space<hbm>>
        %dma_wait3A_1070 = arith.constant 0 : i32
        %dma_wait3A_1071 = arith.constant 0 : i32
        %dma_wait3A_1072 = tpu.memref_slice %dma_wait3A_1069[%dma_wait3A_1070, %dma_wait3A_1071] : memref<20x300xf32, #tpu.memory_space<hbm>> -> memref<20x128xf32, #tpu.memory_space<hbm>>
        %dma_wait3A_1073 = arith.constant 20 : i32
        %dma_wait3A_1074 = arith.constant 0 : i32
        %dma_wait3A_1075 = tpu.memref_slice %arg6[%select_n3A_938, %dma_wait3A_1054, %dma_wait3A_1073, %dma_wait3A_1074] : memref<2x2x80x128xf32, #tpu.memory_space<vmem>> -> memref<1x1x20x128xf32, #tpu.memory_space<vmem>>
        %dma_wait3A_1076 = tpu.memref_squeeze %dma_wait3A_1075 : memref<1x1x20x128xf32, #tpu.memory_space<vmem>> -> memref<20x128xf32, #tpu.memory_space<vmem>>
        tpu.wait_dma2 semaphore(%arg10 : memref<!tpu.dma_semaphore, #tpu.memory_space<semaphore_mem>>) src(%dma_wait3A_1076 : memref<20x128xf32, #tpu.memory_space<vmem>>) dst(%dma_wait3A_1072 : memref<20x128xf32, #tpu.memory_space<hbm>>)
        %dma_wait3A_1077 = arith.constant 1 : i32
        %dma_wait3A_1078 = arith.constant 20 : i32
        %dma_wait3A_1079 = arith.constant 0 : i32
        %dma_wait3A_1080 = tpu.memref_slice %arg6[%select_n3A_938, %dma_wait3A_1077, %dma_wait3A_1078, %dma_wait3A_1079] : memref<2x2x80x128xf32, #tpu.memory_space<vmem>> -> memref<1x1x20x128xf32, #tpu.memory_space<vmem>>
        %dma_wait3A_1081 = tpu.memref_squeeze %dma_wait3A_1080 : memref<1x1x20x128xf32, #tpu.memory_space<vmem>> -> memref<20x128xf32, #tpu.memory_space<vmem>>
        %dma_wait3A_1082 = arith.constant 0 : i32
        %dma_wait3A_1083 = arith.constant 0 : i32
        %dma_wait3A_1084 = tpu.memref_slice %arg4[%add3A_981, %dma_wait3A_1082, %dma_wait3A_1083] : memref<4096x20x300xf32, #tpu.memory_space<hbm>> -> memref<1x20x300xf32, #tpu.memory_space<hbm>>
        %dma_wait3A_1085 = tpu.memref_squeeze %dma_wait3A_1084 : memref<1x20x300xf32, #tpu.memory_space<hbm>> -> memref<20x300xf32, #tpu.memory_space<hbm>>
        %dma_wait3A_1086 = arith.constant 0 : i32
        %dma_wait3A_1087 = arith.constant 128 : i32
        %dma_wait3A_1088 = tpu.memref_slice %dma_wait3A_1085[%dma_wait3A_1086, %dma_wait3A_1087] : memref<20x300xf32, #tpu.memory_space<hbm>> -> memref<20x128xf32, #tpu.memory_space<hbm>>
        %dma_wait3A_1089 = arith.constant 0 : i32
        %dma_wait3A_1090 = arith.constant 0 : i32
        %dma_wait3A_1091 = tpu.memref_slice %arg4[%add3A_981, %dma_wait3A_1089, %dma_wait3A_1090] : memref<4096x20x300xf32, #tpu.memory_space<hbm>> -> memref<1x20x300xf32, #tpu.memory_space<hbm>>
        %dma_wait3A_1092 = tpu.memref_squeeze %dma_wait3A_1091 : memref<1x20x300xf32, #tpu.memory_space<hbm>> -> memref<20x300xf32, #tpu.memory_space<hbm>>
        %dma_wait3A_1093 = arith.constant 0 : i32
        %dma_wait3A_1094 = arith.constant 128 : i32
        %dma_wait3A_1095 = tpu.memref_slice %dma_wait3A_1092[%dma_wait3A_1093, %dma_wait3A_1094] : memref<20x300xf32, #tpu.memory_space<hbm>> -> memref<20x128xf32, #tpu.memory_space<hbm>>
        %dma_wait3A_1096 = arith.constant 20 : i32
        %dma_wait3A_1097 = arith.constant 0 : i32
        %dma_wait3A_1098 = tpu.memref_slice %arg6[%select_n3A_938, %dma_wait3A_1077, %dma_wait3A_1096, %dma_wait3A_1097] : memref<2x2x80x128xf32, #tpu.memory_space<vmem>> -> memref<1x1x20x128xf32, #tpu.memory_space<vmem>>
        %dma_wait3A_1099 = tpu.memref_squeeze %dma_wait3A_1098 : memref<1x1x20x128xf32, #tpu.memory_space<vmem>> -> memref<20x128xf32, #tpu.memory_space<vmem>>
        tpu.wait_dma2 semaphore(%arg10 : memref<!tpu.dma_semaphore, #tpu.memory_space<semaphore_mem>>) src(%dma_wait3A_1099 : memref<20x128xf32, #tpu.memory_space<vmem>>) dst(%dma_wait3A_1095 : memref<20x128xf32, #tpu.memory_space<hbm>>)
        %dma_wait3A_1100 = arith.constant 20 : i32
        %dma_wait3A_1101 = arith.constant 0 : i32
        %dma_wait3A_1102 = tpu.memref_slice %arg7[%select_n3A_938, %dma_wait3A_1100, %dma_wait3A_1101] : memref<2x80x44xf32, #tpu.memory_space<vmem>> -> memref<1x20x44xf32, #tpu.memory_space<vmem>>
        %dma_wait3A_1103 = tpu.memref_squeeze %dma_wait3A_1102 : memref<1x20x44xf32, #tpu.memory_space<vmem>> -> memref<20x44xf32, #tpu.memory_space<vmem>>
        %dma_wait3A_1104 = arith.constant 0 : i32
        %dma_wait3A_1105 = arith.constant 0 : i32
        %dma_wait3A_1106 = tpu.memref_slice %arg4[%add3A_981, %dma_wait3A_1104, %dma_wait3A_1105] : memref<4096x20x300xf32, #tpu.memory_space<hbm>> -> memref<1x20x300xf32, #tpu.memory_space<hbm>>
        %dma_wait3A_1107 = tpu.memref_squeeze %dma_wait3A_1106 : memref<1x20x300xf32, #tpu.memory_space<hbm>> -> memref<20x300xf32, #tpu.memory_space<hbm>>
        %dma_wait3A_1108 = arith.constant 0 : i32
        %dma_wait3A_1109 = arith.constant 256 : i32
        %dma_wait3A_1110 = tpu.memref_slice %dma_wait3A_1107[%dma_wait3A_1108, %dma_wait3A_1109] : memref<20x300xf32, #tpu.memory_space<hbm>> -> memref<20x44xf32, #tpu.memory_space<hbm>>
        %dma_wait3A_1111 = arith.constant 0 : i32
        %dma_wait3A_1112 = arith.constant 0 : i32
        %dma_wait3A_1113 = tpu.memref_slice %arg4[%add3A_981, %dma_wait3A_1111, %dma_wait3A_1112] : memref<4096x20x300xf32, #tpu.memory_space<hbm>> -> memref<1x20x300xf32, #tpu.memory_space<hbm>>
        %dma_wait3A_1114 = tpu.memref_squeeze %dma_wait3A_1113 : memref<1x20x300xf32, #tpu.memory_space<hbm>> -> memref<20x300xf32, #tpu.memory_space<hbm>>
        %dma_wait3A_1115 = arith.constant 0 : i32
        %dma_wait3A_1116 = arith.constant 256 : i32
        %dma_wait3A_1117 = tpu.memref_slice %dma_wait3A_1114[%dma_wait3A_1115, %dma_wait3A_1116] : memref<20x300xf32, #tpu.memory_space<hbm>> -> memref<20x44xf32, #tpu.memory_space<hbm>>
        %dma_wait3A_1118 = arith.constant 20 : i32
        %dma_wait3A_1119 = arith.constant 0 : i32
        %dma_wait3A_1120 = tpu.memref_slice %arg7[%select_n3A_938, %dma_wait3A_1118, %dma_wait3A_1119] : memref<2x80x44xf32, #tpu.memory_space<vmem>> -> memref<1x20x44xf32, #tpu.memory_space<vmem>>
        %dma_wait3A_1121 = tpu.memref_squeeze %dma_wait3A_1120 : memref<1x20x44xf32, #tpu.memory_space<vmem>> -> memref<20x44xf32, #tpu.memory_space<vmem>>
        tpu.wait_dma2 semaphore(%arg10 : memref<!tpu.dma_semaphore, #tpu.memory_space<semaphore_mem>>) src(%dma_wait3A_1121 : memref<20x44xf32, #tpu.memory_space<vmem>>) dst(%dma_wait3A_1117 : memref<20x44xf32, #tpu.memory_space<hbm>>)
        %dma_wait3A_1122 = arith.constant 0 : i32
        %dma_wait3A_1123 = arith.constant 40 : i32
        %dma_wait3A_1124 = arith.constant 0 : i32
        %dma_wait3A_1125 = tpu.memref_slice %arg6[%select_n3A_938, %dma_wait3A_1122, %dma_wait3A_1123, %dma_wait3A_1124] : memref<2x2x80x128xf32, #tpu.memory_space<vmem>> -> memref<1x1x20x128xf32, #tpu.memory_space<vmem>>
        %dma_wait3A_1126 = tpu.memref_squeeze %dma_wait3A_1125 : memref<1x1x20x128xf32, #tpu.memory_space<vmem>> -> memref<20x128xf32, #tpu.memory_space<vmem>>
        %dma_wait3A_1127 = arith.constant 0 : i32
        %dma_wait3A_1128 = arith.constant 0 : i32
        %dma_wait3A_1129 = tpu.memref_slice %arg4[%add3A_983, %dma_wait3A_1127, %dma_wait3A_1128] : memref<4096x20x300xf32, #tpu.memory_space<hbm>> -> memref<1x20x300xf32, #tpu.memory_space<hbm>>
        %dma_wait3A_1130 = tpu.memref_squeeze %dma_wait3A_1129 : memref<1x20x300xf32, #tpu.memory_space<hbm>> -> memref<20x300xf32, #tpu.memory_space<hbm>>
        %dma_wait3A_1131 = arith.constant 0 : i32
        %dma_wait3A_1132 = arith.constant 0 : i32
        %dma_wait3A_1133 = tpu.memref_slice %dma_wait3A_1130[%dma_wait3A_1131, %dma_wait3A_1132] : memref<20x300xf32, #tpu.memory_space<hbm>> -> memref<20x128xf32, #tpu.memory_space<hbm>>
        %dma_wait3A_1134 = arith.constant 0 : i32
        %dma_wait3A_1135 = arith.constant 0 : i32
        %dma_wait3A_1136 = tpu.memref_slice %arg4[%add3A_983, %dma_wait3A_1134, %dma_wait3A_1135] : memref<4096x20x300xf32, #tpu.memory_space<hbm>> -> memref<1x20x300xf32, #tpu.memory_space<hbm>>
        %dma_wait3A_1137 = tpu.memref_squeeze %dma_wait3A_1136 : memref<1x20x300xf32, #tpu.memory_space<hbm>> -> memref<20x300xf32, #tpu.memory_space<hbm>>
        %dma_wait3A_1138 = arith.constant 0 : i32
        %dma_wait3A_1139 = arith.constant 0 : i32
        %dma_wait3A_1140 = tpu.memref_slice %dma_wait3A_1137[%dma_wait3A_1138, %dma_wait3A_1139] : memref<20x300xf32, #tpu.memory_space<hbm>> -> memref<20x128xf32, #tpu.memory_space<hbm>>
        %dma_wait3A_1141 = arith.constant 40 : i32
        %dma_wait3A_1142 = arith.constant 0 : i32
        %dma_wait3A_1143 = tpu.memref_slice %arg6[%select_n3A_938, %dma_wait3A_1122, %dma_wait3A_1141, %dma_wait3A_1142] : memref<2x2x80x128xf32, #tpu.memory_space<vmem>> -> memref<1x1x20x128xf32, #tpu.memory_space<vmem>>
        %dma_wait3A_1144 = tpu.memref_squeeze %dma_wait3A_1143 : memref<1x1x20x128xf32, #tpu.memory_space<vmem>> -> memref<20x128xf32, #tpu.memory_space<vmem>>
        tpu.wait_dma2 semaphore(%arg10 : memref<!tpu.dma_semaphore, #tpu.memory_space<semaphore_mem>>) src(%dma_wait3A_1144 : memref<20x128xf32, #tpu.memory_space<vmem>>) dst(%dma_wait3A_1140 : memref<20x128xf32, #tpu.memory_space<hbm>>)
        %dma_wait3A_1145 = arith.constant 1 : i32
        %dma_wait3A_1146 = arith.constant 40 : i32
        %dma_wait3A_1147 = arith.constant 0 : i32
        %dma_wait3A_1148 = tpu.memref_slice %arg6[%select_n3A_938, %dma_wait3A_1145, %dma_wait3A_1146, %dma_wait3A_1147] : memref<2x2x80x128xf32, #tpu.memory_space<vmem>> -> memref<1x1x20x128xf32, #tpu.memory_space<vmem>>
        %dma_wait3A_1149 = tpu.memref_squeeze %dma_wait3A_1148 : memref<1x1x20x128xf32, #tpu.memory_space<vmem>> -> memref<20x128xf32, #tpu.memory_space<vmem>>
        %dma_wait3A_1150 = arith.constant 0 : i32
        %dma_wait3A_1151 = arith.constant 0 : i32
        %dma_wait3A_1152 = tpu.memref_slice %arg4[%add3A_983, %dma_wait3A_1150, %dma_wait3A_1151] : memref<4096x20x300xf32, #tpu.memory_space<hbm>> -> memref<1x20x300xf32, #tpu.memory_space<hbm>>
        %dma_wait3A_1153 = tpu.memref_squeeze %dma_wait3A_1152 : memref<1x20x300xf32, #tpu.memory_space<hbm>> -> memref<20x300xf32, #tpu.memory_space<hbm>>
        %dma_wait3A_1154 = arith.constant 0 : i32
        %dma_wait3A_1155 = arith.constant 128 : i32
        %dma_wait3A_1156 = tpu.memref_slice %dma_wait3A_1153[%dma_wait3A_1154, %dma_wait3A_1155] : memref<20x300xf32, #tpu.memory_space<hbm>> -> memref<20x128xf32, #tpu.memory_space<hbm>>
        %dma_wait3A_1157 = arith.constant 0 : i32
        %dma_wait3A_1158 = arith.constant 0 : i32
        %dma_wait3A_1159 = tpu.memref_slice %arg4[%add3A_983, %dma_wait3A_1157, %dma_wait3A_1158] : memref<4096x20x300xf32, #tpu.memory_space<hbm>> -> memref<1x20x300xf32, #tpu.memory_space<hbm>>
        %dma_wait3A_1160 = tpu.memref_squeeze %dma_wait3A_1159 : memref<1x20x300xf32, #tpu.memory_space<hbm>> -> memref<20x300xf32, #tpu.memory_space<hbm>>
        %dma_wait3A_1161 = arith.constant 0 : i32
        %dma_wait3A_1162 = arith.constant 128 : i32
        %dma_wait3A_1163 = tpu.memref_slice %dma_wait3A_1160[%dma_wait3A_1161, %dma_wait3A_1162] : memref<20x300xf32, #tpu.memory_space<hbm>> -> memref<20x128xf32, #tpu.memory_space<hbm>>
        %dma_wait3A_1164 = arith.constant 40 : i32
        %dma_wait3A_1165 = arith.constant 0 : i32
        %dma_wait3A_1166 = tpu.memref_slice %arg6[%select_n3A_938, %dma_wait3A_1145, %dma_wait3A_1164, %dma_wait3A_1165] : memref<2x2x80x128xf32, #tpu.memory_space<vmem>> -> memref<1x1x20x128xf32, #tpu.memory_space<vmem>>
        %dma_wait3A_1167 = tpu.memref_squeeze %dma_wait3A_1166 : memref<1x1x20x128xf32, #tpu.memory_space<vmem>> -> memref<20x128xf32, #tpu.memory_space<vmem>>
        tpu.wait_dma2 semaphore(%arg10 : memref<!tpu.dma_semaphore, #tpu.memory_space<semaphore_mem>>) src(%dma_wait3A_1167 : memref<20x128xf32, #tpu.memory_space<vmem>>) dst(%dma_wait3A_1163 : memref<20x128xf32, #tpu.memory_space<hbm>>)
        %dma_wait3A_1168 = arith.constant 40 : i32
        %dma_wait3A_1169 = arith.constant 0 : i32
        %dma_wait3A_1170 = tpu.memref_slice %arg7[%select_n3A_938, %dma_wait3A_1168, %dma_wait3A_1169] : memref<2x80x44xf32, #tpu.memory_space<vmem>> -> memref<1x20x44xf32, #tpu.memory_space<vmem>>
        %dma_wait3A_1171 = tpu.memref_squeeze %dma_wait3A_1170 : memref<1x20x44xf32, #tpu.memory_space<vmem>> -> memref<20x44xf32, #tpu.memory_space<vmem>>
        %dma_wait3A_1172 = arith.constant 0 : i32
        %dma_wait3A_1173 = arith.constant 0 : i32
        %dma_wait3A_1174 = tpu.memref_slice %arg4[%add3A_983, %dma_wait3A_1172, %dma_wait3A_1173] : memref<4096x20x300xf32, #tpu.memory_space<hbm>> -> memref<1x20x300xf32, #tpu.memory_space<hbm>>
        %dma_wait3A_1175 = tpu.memref_squeeze %dma_wait3A_1174 : memref<1x20x300xf32, #tpu.memory_space<hbm>> -> memref<20x300xf32, #tpu.memory_space<hbm>>
        %dma_wait3A_1176 = arith.constant 0 : i32
        %dma_wait3A_1177 = arith.constant 256 : i32
        %dma_wait3A_1178 = tpu.memref_slice %dma_wait3A_1175[%dma_wait3A_1176, %dma_wait3A_1177] : memref<20x300xf32, #tpu.memory_space<hbm>> -> memref<20x44xf32, #tpu.memory_space<hbm>>
        %dma_wait3A_1179 = arith.constant 0 : i32
        %dma_wait3A_1180 = arith.constant 0 : i32
        %dma_wait3A_1181 = tpu.memref_slice %arg4[%add3A_983, %dma_wait3A_1179, %dma_wait3A_1180] : memref<4096x20x300xf32, #tpu.memory_space<hbm>> -> memref<1x20x300xf32, #tpu.memory_space<hbm>>
        %dma_wait3A_1182 = tpu.memref_squeeze %dma_wait3A_1181 : memref<1x20x300xf32, #tpu.memory_space<hbm>> -> memref<20x300xf32, #tpu.memory_space<hbm>>
        %dma_wait3A_1183 = arith.constant 0 : i32
        %dma_wait3A_1184 = arith.constant 256 : i32
        %dma_wait3A_1185 = tpu.memref_slice %dma_wait3A_1182[%dma_wait3A_1183, %dma_wait3A_1184] : memref<20x300xf32, #tpu.memory_space<hbm>> -> memref<20x44xf32, #tpu.memory_space<hbm>>
        %dma_wait3A_1186 = arith.constant 40 : i32
        %dma_wait3A_1187 = arith.constant 0 : i32
        %dma_wait3A_1188 = tpu.memref_slice %arg7[%select_n3A_938, %dma_wait3A_1186, %dma_wait3A_1187] : memref<2x80x44xf32, #tpu.memory_space<vmem>> -> memref<1x20x44xf32, #tpu.memory_space<vmem>>
        %dma_wait3A_1189 = tpu.memref_squeeze %dma_wait3A_1188 : memref<1x20x44xf32, #tpu.memory_space<vmem>> -> memref<20x44xf32, #tpu.memory_space<vmem>>
        tpu.wait_dma2 semaphore(%arg10 : memref<!tpu.dma_semaphore, #tpu.memory_space<semaphore_mem>>) src(%dma_wait3A_1189 : memref<20x44xf32, #tpu.memory_space<vmem>>) dst(%dma_wait3A_1185 : memref<20x44xf32, #tpu.memory_space<hbm>>)
        %dma_wait3A_1190 = arith.constant 0 : i32
        %dma_wait3A_1191 = arith.constant 60 : i32
        %dma_wait3A_1192 = arith.constant 0 : i32
        %dma_wait3A_1193 = tpu.memref_slice %arg6[%select_n3A_938, %dma_wait3A_1190, %dma_wait3A_1191, %dma_wait3A_1192] : memref<2x2x80x128xf32, #tpu.memory_space<vmem>> -> memref<1x1x20x128xf32, #tpu.memory_space<vmem>>
        %dma_wait3A_1194 = tpu.memref_squeeze %dma_wait3A_1193 : memref<1x1x20x128xf32, #tpu.memory_space<vmem>> -> memref<20x128xf32, #tpu.memory_space<vmem>>
        %dma_wait3A_1195 = arith.constant 0 : i32
        %dma_wait3A_1196 = arith.constant 0 : i32
        %dma_wait3A_1197 = tpu.memref_slice %arg4[%add3A_985, %dma_wait3A_1195, %dma_wait3A_1196] : memref<4096x20x300xf32, #tpu.memory_space<hbm>> -> memref<1x20x300xf32, #tpu.memory_space<hbm>>
        %dma_wait3A_1198 = tpu.memref_squeeze %dma_wait3A_1197 : memref<1x20x300xf32, #tpu.memory_space<hbm>> -> memref<20x300xf32, #tpu.memory_space<hbm>>
        %dma_wait3A_1199 = arith.constant 0 : i32
        %dma_wait3A_1200 = arith.constant 0 : i32
        %dma_wait3A_1201 = tpu.memref_slice %dma_wait3A_1198[%dma_wait3A_1199, %dma_wait3A_1200] : memref<20x300xf32, #tpu.memory_space<hbm>> -> memref<20x128xf32, #tpu.memory_space<hbm>>
        %dma_wait3A_1202 = arith.constant 0 : i32
        %dma_wait3A_1203 = arith.constant 0 : i32
        %dma_wait3A_1204 = tpu.memref_slice %arg4[%add3A_985, %dma_wait3A_1202, %dma_wait3A_1203] : memref<4096x20x300xf32, #tpu.memory_space<hbm>> -> memref<1x20x300xf32, #tpu.memory_space<hbm>>
        %dma_wait3A_1205 = tpu.memref_squeeze %dma_wait3A_1204 : memref<1x20x300xf32, #tpu.memory_space<hbm>> -> memref<20x300xf32, #tpu.memory_space<hbm>>
        %dma_wait3A_1206 = arith.constant 0 : i32
        %dma_wait3A_1207 = arith.constant 0 : i32
        %dma_wait3A_1208 = tpu.memref_slice %dma_wait3A_1205[%dma_wait3A_1206, %dma_wait3A_1207] : memref<20x300xf32, #tpu.memory_space<hbm>> -> memref<20x128xf32, #tpu.memory_space<hbm>>
        %dma_wait3A_1209 = arith.constant 60 : i32
        %dma_wait3A_1210 = arith.constant 0 : i32
        %dma_wait3A_1211 = tpu.memref_slice %arg6[%select_n3A_938, %dma_wait3A_1190, %dma_wait3A_1209, %dma_wait3A_1210] : memref<2x2x80x128xf32, #tpu.memory_space<vmem>> -> memref<1x1x20x128xf32, #tpu.memory_space<vmem>>
        %dma_wait3A_1212 = tpu.memref_squeeze %dma_wait3A_1211 : memref<1x1x20x128xf32, #tpu.memory_space<vmem>> -> memref<20x128xf32, #tpu.memory_space<vmem>>
        tpu.wait_dma2 semaphore(%arg10 : memref<!tpu.dma_semaphore, #tpu.memory_space<semaphore_mem>>) src(%dma_wait3A_1212 : memref<20x128xf32, #tpu.memory_space<vmem>>) dst(%dma_wait3A_1208 : memref<20x128xf32, #tpu.memory_space<hbm>>)
        %dma_wait3A_1213 = arith.constant 1 : i32
        %dma_wait3A_1214 = arith.constant 60 : i32
        %dma_wait3A_1215 = arith.constant 0 : i32
        %dma_wait3A_1216 = tpu.memref_slice %arg6[%select_n3A_938, %dma_wait3A_1213, %dma_wait3A_1214, %dma_wait3A_1215] : memref<2x2x80x128xf32, #tpu.memory_space<vmem>> -> memref<1x1x20x128xf32, #tpu.memory_space<vmem>>
        %dma_wait3A_1217 = tpu.memref_squeeze %dma_wait3A_1216 : memref<1x1x20x128xf32, #tpu.memory_space<vmem>> -> memref<20x128xf32, #tpu.memory_space<vmem>>
        %dma_wait3A_1218 = arith.constant 0 : i32
        %dma_wait3A_1219 = arith.constant 0 : i32
        %dma_wait3A_1220 = tpu.memref_slice %arg4[%add3A_985, %dma_wait3A_1218, %dma_wait3A_1219] : memref<4096x20x300xf32, #tpu.memory_space<hbm>> -> memref<1x20x300xf32, #tpu.memory_space<hbm>>
        %dma_wait3A_1221 = tpu.memref_squeeze %dma_wait3A_1220 : memref<1x20x300xf32, #tpu.memory_space<hbm>> -> memref<20x300xf32, #tpu.memory_space<hbm>>
        %dma_wait3A_1222 = arith.constant 0 : i32
        %dma_wait3A_1223 = arith.constant 128 : i32
        %dma_wait3A_1224 = tpu.memref_slice %dma_wait3A_1221[%dma_wait3A_1222, %dma_wait3A_1223] : memref<20x300xf32, #tpu.memory_space<hbm>> -> memref<20x128xf32, #tpu.memory_space<hbm>>
        %dma_wait3A_1225 = arith.constant 0 : i32
        %dma_wait3A_1226 = arith.constant 0 : i32
        %dma_wait3A_1227 = tpu.memref_slice %arg4[%add3A_985, %dma_wait3A_1225, %dma_wait3A_1226] : memref<4096x20x300xf32, #tpu.memory_space<hbm>> -> memref<1x20x300xf32, #tpu.memory_space<hbm>>
        %dma_wait3A_1228 = tpu.memref_squeeze %dma_wait3A_1227 : memref<1x20x300xf32, #tpu.memory_space<hbm>> -> memref<20x300xf32, #tpu.memory_space<hbm>>
        %dma_wait3A_1229 = arith.constant 0 : i32
        %dma_wait3A_1230 = arith.constant 128 : i32
        %dma_wait3A_1231 = tpu.memref_slice %dma_wait3A_1228[%dma_wait3A_1229, %dma_wait3A_1230] : memref<20x300xf32, #tpu.memory_space<hbm>> -> memref<20x128xf32, #tpu.memory_space<hbm>>
        %dma_wait3A_1232 = arith.constant 60 : i32
        %dma_wait3A_1233 = arith.constant 0 : i32
        %dma_wait3A_1234 = tpu.memref_slice %arg6[%select_n3A_938, %dma_wait3A_1213, %dma_wait3A_1232, %dma_wait3A_1233] : memref<2x2x80x128xf32, #tpu.memory_space<vmem>> -> memref<1x1x20x128xf32, #tpu.memory_space<vmem>>
        %dma_wait3A_1235 = tpu.memref_squeeze %dma_wait3A_1234 : memref<1x1x20x128xf32, #tpu.memory_space<vmem>> -> memref<20x128xf32, #tpu.memory_space<vmem>>
        tpu.wait_dma2 semaphore(%arg10 : memref<!tpu.dma_semaphore, #tpu.memory_space<semaphore_mem>>) src(%dma_wait3A_1235 : memref<20x128xf32, #tpu.memory_space<vmem>>) dst(%dma_wait3A_1231 : memref<20x128xf32, #tpu.memory_space<hbm>>)
        %dma_wait3A_1236 = arith.constant 60 : i32
        %dma_wait3A_1237 = arith.constant 0 : i32
        %dma_wait3A_1238 = tpu.memref_slice %arg7[%select_n3A_938, %dma_wait3A_1236, %dma_wait3A_1237] : memref<2x80x44xf32, #tpu.memory_space<vmem>> -> memref<1x20x44xf32, #tpu.memory_space<vmem>>
        %dma_wait3A_1239 = tpu.memref_squeeze %dma_wait3A_1238 : memref<1x20x44xf32, #tpu.memory_space<vmem>> -> memref<20x44xf32, #tpu.memory_space<vmem>>
        %dma_wait3A_1240 = arith.constant 0 : i32
        %dma_wait3A_1241 = arith.constant 0 : i32
        %dma_wait3A_1242 = tpu.memref_slice %arg4[%add3A_985, %dma_wait3A_1240, %dma_wait3A_1241] : memref<4096x20x300xf32, #tpu.memory_space<hbm>> -> memref<1x20x300xf32, #tpu.memory_space<hbm>>
        %dma_wait3A_1243 = tpu.memref_squeeze %dma_wait3A_1242 : memref<1x20x300xf32, #tpu.memory_space<hbm>> -> memref<20x300xf32, #tpu.memory_space<hbm>>
        %dma_wait3A_1244 = arith.constant 0 : i32
        %dma_wait3A_1245 = arith.constant 256 : i32
        %dma_wait3A_1246 = tpu.memref_slice %dma_wait3A_1243[%dma_wait3A_1244, %dma_wait3A_1245] : memref<20x300xf32, #tpu.memory_space<hbm>> -> memref<20x44xf32, #tpu.memory_space<hbm>>
        %dma_wait3A_1247 = arith.constant 0 : i32
        %dma_wait3A_1248 = arith.constant 0 : i32
        %dma_wait3A_1249 = tpu.memref_slice %arg4[%add3A_985, %dma_wait3A_1247, %dma_wait3A_1248] : memref<4096x20x300xf32, #tpu.memory_space<hbm>> -> memref<1x20x300xf32, #tpu.memory_space<hbm>>
        %dma_wait3A_1250 = tpu.memref_squeeze %dma_wait3A_1249 : memref<1x20x300xf32, #tpu.memory_space<hbm>> -> memref<20x300xf32, #tpu.memory_space<hbm>>
        %dma_wait3A_1251 = arith.constant 0 : i32
        %dma_wait3A_1252 = arith.constant 256 : i32
        %dma_wait3A_1253 = tpu.memref_slice %dma_wait3A_1250[%dma_wait3A_1251, %dma_wait3A_1252] : memref<20x300xf32, #tpu.memory_space<hbm>> -> memref<20x44xf32, #tpu.memory_space<hbm>>
        %dma_wait3A_1254 = arith.constant 60 : i32
        %dma_wait3A_1255 = arith.constant 0 : i32
        %dma_wait3A_1256 = tpu.memref_slice %arg7[%select_n3A_938, %dma_wait3A_1254, %dma_wait3A_1255] : memref<2x80x44xf32, #tpu.memory_space<vmem>> -> memref<1x20x44xf32, #tpu.memory_space<vmem>>
        %dma_wait3A_1257 = tpu.memref_squeeze %dma_wait3A_1256 : memref<1x20x44xf32, #tpu.memory_space<vmem>> -> memref<20x44xf32, #tpu.memory_space<vmem>>
        tpu.wait_dma2 semaphore(%arg10 : memref<!tpu.dma_semaphore, #tpu.memory_space<semaphore_mem>>) src(%dma_wait3A_1257 : memref<20x44xf32, #tpu.memory_space<vmem>>) dst(%dma_wait3A_1253 : memref<20x44xf32, #tpu.memory_space<hbm>>)
      } else {
      }
      %dma_start3A_941 = arith.constant 0 : i32
      %dma_start3A_942 = arith.constant 0 : i32
      %dma_start3A_943 = arith.constant 0 : i32
      %dma_start3A_944 = tpu.memref_slice %arg6[%select_n3A_938, %dma_start3A_941, %dma_start3A_942, %dma_start3A_943] : memref<2x2x80x128xf32, #tpu.memory_space<vmem>> -> memref<1x1x80x128xf32, #tpu.memory_space<vmem>>
      %dma_start3A_945 = tpu.memref_squeeze %dma_start3A_944 : memref<1x1x80x128xf32, #tpu.memory_space<vmem>> -> memref<80x128xf32, #tpu.memory_space<vmem>>
      %dma_start3A_946 = arith.constant 0 : i32
      %dma_start3A_947 = tpu.memref_slice %arg5[%scan3A_929, %dma_start3A_946] : memref<32x80xi32, #tpu.memory_space<vmem>> -> memref<1x80xi32, #tpu.memory_space<vmem>>
      %dma_start3A_948 = tpu.memref_squeeze %dma_start3A_947 : memref<1x80xi32, #tpu.memory_space<vmem>> -> memref<80xi32, #tpu.memory_space<vmem>>
      %dma_start3A_949 = arith.constant 0 : i32
      %dma_start3A_950 = arith.constant 0 : i32
      %dma_start3A_951 = tpu.memref_slice %arg3[%dma_start3A_949, %dma_start3A_950] : memref<400000x300xf32, #tpu.memory_space<hbm>> -> memref<400000x128xf32, #tpu.memory_space<hbm>>
      tpu.enqueue_indirect_dma source(%dma_start3A_951 : memref<400000x128xf32, #tpu.memory_space<hbm>>) target(%dma_start3A_945 : memref<80x128xf32, #tpu.memory_space<vmem>>) offsets(%dma_start3A_948 : memref<80xi32, #tpu.memory_space<vmem>>) semaphore(%arg8 : memref<!tpu.dma_semaphore, #tpu.memory_space<semaphore_mem>>)
      %dma_start3A_952 = arith.constant 1 : i32
      %dma_start3A_953 = arith.constant 0 : i32
      %dma_start3A_954 = arith.constant 0 : i32
      %dma_start3A_955 = tpu.memref_slice %arg6[%select_n3A_938, %dma_start3A_952, %dma_start3A_953, %dma_start3A_954] : memref<2x2x80x128xf32, #tpu.memory_space<vmem>> -> memref<1x1x80x128xf32, #tpu.memory_space<vmem>>
      %dma_start3A_956 = tpu.memref_squeeze %dma_start3A_955 : memref<1x1x80x128xf32, #tpu.memory_space<vmem>> -> memref<80x128xf32, #tpu.memory_space<vmem>>
      %dma_start3A_957 = arith.constant 0 : i32
      %dma_start3A_958 = tpu.memref_slice %arg5[%scan3A_929, %dma_start3A_957] : memref<32x80xi32, #tpu.memory_space<vmem>> -> memref<1x80xi32, #tpu.memory_space<vmem>>
      %dma_start3A_959 = tpu.memref_squeeze %dma_start3A_958 : memref<1x80xi32, #tpu.memory_space<vmem>> -> memref<80xi32, #tpu.memory_space<vmem>>
      %dma_start3A_960 = arith.constant 0 : i32
      %dma_start3A_961 = arith.constant 128 : i32
      %dma_start3A_962 = tpu.memref_slice %arg3[%dma_start3A_960, %dma_start3A_961] : memref<400000x300xf32, #tpu.memory_space<hbm>> -> memref<400000x128xf32, #tpu.memory_space<hbm>>
      tpu.enqueue_indirect_dma source(%dma_start3A_962 : memref<400000x128xf32, #tpu.memory_space<hbm>>) target(%dma_start3A_956 : memref<80x128xf32, #tpu.memory_space<vmem>>) offsets(%dma_start3A_959 : memref<80xi32, #tpu.memory_space<vmem>>) semaphore(%arg8 : memref<!tpu.dma_semaphore, #tpu.memory_space<semaphore_mem>>)
      %scan3A_963 = arith.constant 0 : i32
      %scan3A_964 = arith.constant 0 : i32
      %scan3A_965 = arith.constant 5 : i32
      %scan3A_966 = arith.addi %scan3A_964, %scan3A_965 : i32
      %scan3A_967 = arith.constant 1 : i32
      scf.for %scan3A_974 = %scan3A_964 to %scan3A_966 step %scan3A_967  : i32 {
        %mul3A_975 = arith.constant 16 : i32
        %mul3A_976 = arith.muli %scan3A_974, %mul3A_975 : i32
        %get3A = arith.index_cast %scan3A_929 : i32 to index
        %get3A_977 = arith.index_cast %mul3A_976 : i32 to index
        %get3A_978 = tpu.vector_load %arg5[%get3A, %get3A_977] {strides = array<i32>} : memref<32x80xi32, #tpu.memory_space<vmem>>, vector<1x16xi32>,
        %get3A_979 = vector.shape_cast %get3A_978 : vector<1x16xi32> to vector<16xi32>
        %slice3A = vector.extract_strided_slice %get3A_979 {offsets = [0], sizes = [1], strides = [1]} : vector<16xi32> to vector<1xi32>
        %squeeze3A = vector.extract %slice3A[0] : i32 from vector<1xi32>
        %mul3A_980 = arith.constant 16 : i32
        %mul3A_981 = arith.muli %scan3A_974, %mul3A_980 : i32
        %add3A_982 = arith.constant 0 : i32
        %add3A_983 = arith.addi %mul3A_981, %add3A_982 : i32
        %dma_start3A_984 = arith.constant 0 : i32
        %dma_start3A_985 = tpu.memref_slice %arg7[%select_n3A_938, %add3A_983, %dma_start3A_984] : memref<2x80x44xf32, #tpu.memory_space<vmem>> -> memref<1x1x44xf32, #tpu.memory_space<vmem>>
        %dma_start3A_986 = tpu.memref_squeeze %dma_start3A_985 : memref<1x1x44xf32, #tpu.memory_space<vmem>> -> memref<44xf32, #tpu.memory_space<vmem>>
        %dma_start3A_987 = arith.constant 256 : i32
        %dma_start3A_988 = tpu.memref_slice %arg3[%squeeze3A, %dma_start3A_987] : memref<400000x300xf32, #tpu.memory_space<hbm>> -> memref<1x44xf32, #tpu.memory_space<hbm>>
        %dma_start3A_989 = tpu.memref_squeeze %dma_start3A_988 : memref<1x44xf32, #tpu.memory_space<hbm>> -> memref<44xf32, #tpu.memory_space<hbm>>
        %dma_start3A_990 = arith.constant 0 : i32
        %dma_start3A_991 = tpu.memref_slice %arg7[%select_n3A_938, %add3A_983, %dma_start3A_990] : memref<2x80x44xf32, #tpu.memory_space<vmem>> -> memref<1x1x44xf32, #tpu.memory_space<vmem>>
        %dma_start3A_992 = tpu.memref_squeeze %dma_start3A_991 : memref<1x1x44xf32, #tpu.memory_space<vmem>> -> memref<44xf32, #tpu.memory_space<vmem>>
        %dma_start3A_993 = arith.constant 256 : i32
        %dma_start3A_994 = tpu.memref_slice %arg3[%squeeze3A, %dma_start3A_993] : memref<400000x300xf32, #tpu.memory_space<hbm>> -> memref<1x44xf32, #tpu.memory_space<hbm>>
        %dma_start3A_995 = tpu.memref_squeeze %dma_start3A_994 : memref<1x44xf32, #tpu.memory_space<hbm>> -> memref<44xf32, #tpu.memory_space<hbm>>
        tpu.enqueue_dma source(%dma_start3A_995 : memref<44xf32, #tpu.memory_space<hbm>>) target(%dma_start3A_992 : memref<44xf32, #tpu.memory_space<vmem>>) target_semaphore(%arg9 : memref<!tpu.dma_semaphore, #tpu.memory_space<semaphore_mem>>)
        %slice3A_996 = vector.extract_strided_slice %get3A_979 {offsets = [1], sizes = [1], strides = [1]} : vector<16xi32> to vector<1xi32>
        %squeeze3A_997 = vector.extract %slice3A_996[0] : i32 from vector<1xi32>
        %mul3A_998 = arith.constant 16 : i32
        %mul3A_999 = arith.muli %scan3A_974, %mul3A_998 : i32
        %add3A_1000 = arith.constant 1 : i32
        %add3A_1001 = arith.addi %mul3A_999, %add3A_1000 : i32
        %dma_start3A_1002 = arith.constant 0 : i32
        %dma_start3A_1003 = tpu.memref_slice %arg7[%select_n3A_938, %add3A_1001, %dma_start3A_1002] : memref<2x80x44xf32, #tpu.memory_space<vmem>> -> memref<1x1x44xf32, #tpu.memory_space<vmem>>
        %dma_start3A_1004 = tpu.memref_squeeze %dma_start3A_1003 : memref<1x1x44xf32, #tpu.memory_space<vmem>> -> memref<44xf32, #tpu.memory_space<vmem>>
        %dma_start3A_1005 = arith.constant 256 : i32
        %dma_start3A_1006 = tpu.memref_slice %arg3[%squeeze3A_997, %dma_start3A_1005] : memref<400000x300xf32, #tpu.memory_space<hbm>> -> memref<1x44xf32, #tpu.memory_space<hbm>>
        %dma_start3A_1007 = tpu.memref_squeeze %dma_start3A_1006 : memref<1x44xf32, #tpu.memory_space<hbm>> -> memref<44xf32, #tpu.memory_space<hbm>>
        %dma_start3A_1008 = arith.constant 0 : i32
        %dma_start3A_1009 = tpu.memref_slice %arg7[%select_n3A_938, %add3A_1001, %dma_start3A_1008] : memref<2x80x44xf32, #tpu.memory_space<vmem>> -> memref<1x1x44xf32, #tpu.memory_space<vmem>>
        %dma_start3A_1010 = tpu.memref_squeeze %dma_start3A_1009 : memref<1x1x44xf32, #tpu.memory_space<vmem>> -> memref<44xf32, #tpu.memory_space<vmem>>
        %dma_start3A_1011 = arith.constant 256 : i32
        %dma_start3A_1012 = tpu.memref_slice %arg3[%squeeze3A_997, %dma_start3A_1011] : memref<400000x300xf32, #tpu.memory_space<hbm>> -> memref<1x44xf32, #tpu.memory_space<hbm>>
        %dma_start3A_1013 = tpu.memref_squeeze %dma_start3A_1012 : memref<1x44xf32, #tpu.memory_space<hbm>> -> memref<44xf32, #tpu.memory_space<hbm>>
        tpu.enqueue_dma source(%dma_start3A_1013 : memref<44xf32, #tpu.memory_space<hbm>>) target(%dma_start3A_1010 : memref<44xf32, #tpu.memory_space<vmem>>) target_semaphore(%arg9 : memref<!tpu.dma_semaphore, #tpu.memory_space<semaphore_mem>>)
        %slice3A_1014 = vector.extract_strided_slice %get3A_979 {offsets = [2], sizes = [1], strides = [1]} : vector<16xi32> to vector<1xi32>
        %squeeze3A_1015 = vector.extract %slice3A_1014[0] : i32 from vector<1xi32>
        %mul3A_1016 = arith.constant 16 : i32
        %mul3A_1017 = arith.muli %scan3A_974, %mul3A_1016 : i32
        %add3A_1018 = arith.constant 2 : i32
        %add3A_1019 = arith.addi %mul3A_1017, %add3A_1018 : i32
        %dma_start3A_1020 = arith.constant 0 : i32
        %dma_start3A_1021 = tpu.memref_slice %arg7[%select_n3A_938, %add3A_1019, %dma_start3A_1020] : memref<2x80x44xf32, #tpu.memory_space<vmem>> -> memref<1x1x44xf32, #tpu.memory_space<vmem>>
        %dma_start3A_1022 = tpu.memref_squeeze %dma_start3A_1021 : memref<1x1x44xf32, #tpu.memory_space<vmem>> -> memref<44xf32, #tpu.memory_space<vmem>>
        %dma_start3A_1023 = arith.constant 256 : i32
        %dma_start3A_1024 = tpu.memref_slice %arg3[%squeeze3A_1015, %dma_start3A_1023] : memref<400000x300xf32, #tpu.memory_space<hbm>> -> memref<1x44xf32, #tpu.memory_space<hbm>>
        %dma_start3A_1025 = tpu.memref_squeeze %dma_start3A_1024 : memref<1x44xf32, #tpu.memory_space<hbm>> -> memref<44xf32, #tpu.memory_space<hbm>>
        %dma_start3A_1026 = arith.constant 0 : i32
        %dma_start3A_1027 = tpu.memref_slice %arg7[%select_n3A_938, %add3A_1019, %dma_start3A_1026] : memref<2x80x44xf32, #tpu.memory_space<vmem>> -> memref<1x1x44xf32, #tpu.memory_space<vmem>>
        %dma_start3A_1028 = tpu.memref_squeeze %dma_start3A_1027 : memref<1x1x44xf32, #tpu.memory_space<vmem>> -> memref<44xf32, #tpu.memory_space<vmem>>
        %dma_start3A_1029 = arith.constant 256 : i32
        %dma_start3A_1030 = tpu.memref_slice %arg3[%squeeze3A_1015, %dma_start3A_1029] : memref<400000x300xf32, #tpu.memory_space<hbm>> -> memref<1x44xf32, #tpu.memory_space<hbm>>
        %dma_start3A_1031 = tpu.memref_squeeze %dma_start3A_1030 : memref<1x44xf32, #tpu.memory_space<hbm>> -> memref<44xf32, #tpu.memory_space<hbm>>
        tpu.enqueue_dma source(%dma_start3A_1031 : memref<44xf32, #tpu.memory_space<hbm>>) target(%dma_start3A_1028 : memref<44xf32, #tpu.memory_space<vmem>>) target_semaphore(%arg9 : memref<!tpu.dma_semaphore, #tpu.memory_space<semaphore_mem>>)
        %slice3A_1032 = vector.extract_strided_slice %get3A_979 {offsets = [3], sizes = [1], strides = [1]} : vector<16xi32> to vector<1xi32>
        %squeeze3A_1033 = vector.extract %slice3A_1032[0] : i32 from vector<1xi32>
        %mul3A_1034 = arith.constant 16 : i32
        %mul3A_1035 = arith.muli %scan3A_974, %mul3A_1034 : i32
        %add3A_1036 = arith.constant 3 : i32
        %add3A_1037 = arith.addi %mul3A_1035, %add3A_1036 : i32
        %dma_start3A_1038 = arith.constant 0 : i32
        %dma_start3A_1039 = tpu.memref_slice %arg7[%select_n3A_938, %add3A_1037, %dma_start3A_1038] : memref<2x80x44xf32, #tpu.memory_space<vmem>> -> memref<1x1x44xf32, #tpu.memory_space<vmem>>
        %dma_start3A_1040 = tpu.memref_squeeze %dma_start3A_1039 : memref<1x1x44xf32, #tpu.memory_space<vmem>> -> memref<44xf32, #tpu.memory_space<vmem>>
        %dma_start3A_1041 = arith.constant 256 : i32
        %dma_start3A_1042 = tpu.memref_slice %arg3[%squeeze3A_1033, %dma_start3A_1041] : memref<400000x300xf32, #tpu.memory_space<hbm>> -> memref<1x44xf32, #tpu.memory_space<hbm>>
        %dma_start3A_1043 = tpu.memref_squeeze %dma_start3A_1042 : memref<1x44xf32, #tpu.memory_space<hbm>> -> memref<44xf32, #tpu.memory_space<hbm>>
        %dma_start3A_1044 = arith.constant 0 : i32
        %dma_start3A_1045 = tpu.memref_slice %arg7[%select_n3A_938, %add3A_1037, %dma_start3A_1044] : memref<2x80x44xf32, #tpu.memory_space<vmem>> -> memref<1x1x44xf32, #tpu.memory_space<vmem>>
        %dma_start3A_1046 = tpu.memref_squeeze %dma_start3A_1045 : memref<1x1x44xf32, #tpu.memory_space<vmem>> -> memref<44xf32, #tpu.memory_space<vmem>>
        %dma_start3A_1047 = arith.constant 256 : i32
        %dma_start3A_1048 = tpu.memref_slice %arg3[%squeeze3A_1033, %dma_start3A_1047] : memref<400000x300xf32, #tpu.memory_space<hbm>> -> memref<1x44xf32, #tpu.memory_space<hbm>>
        %dma_start3A_1049 = tpu.memref_squeeze %dma_start3A_1048 : memref<1x44xf32, #tpu.memory_space<hbm>> -> memref<44xf32, #tpu.memory_space<hbm>>
        tpu.enqueue_dma source(%dma_start3A_1049 : memref<44xf32, #tpu.memory_space<hbm>>) target(%dma_start3A_1046 : memref<44xf32, #tpu.memory_space<vmem>>) target_semaphore(%arg9 : memref<!tpu.dma_semaphore, #tpu.memory_space<semaphore_mem>>)
        %slice3A_1050 = vector.extract_strided_slice %get3A_979 {offsets = [4], sizes = [1], strides = [1]} : vector<16xi32> to vector<1xi32>
        %squeeze3A_1051 = vector.extract %slice3A_1050[0] : i32 from vector<1xi32>
        %mul3A_1052 = arith.constant 16 : i32
        %mul3A_1053 = arith.muli %scan3A_974, %mul3A_1052 : i32
        %add3A_1054 = arith.constant 4 : i32
        %add3A_1055 = arith.addi %mul3A_1053, %add3A_1054 : i32
        %dma_start3A_1056 = arith.constant 0 : i32
        %dma_start3A_1057 = tpu.memref_slice %arg7[%select_n3A_938, %add3A_1055, %dma_start3A_1056] : memref<2x80x44xf32, #tpu.memory_space<vmem>> -> memref<1x1x44xf32, #tpu.memory_space<vmem>>
        %dma_start3A_1058 = tpu.memref_squeeze %dma_start3A_1057 : memref<1x1x44xf32, #tpu.memory_space<vmem>> -> memref<44xf32, #tpu.memory_space<vmem>>
        %dma_start3A_1059 = arith.constant 256 : i32
        %dma_start3A_1060 = tpu.memref_slice %arg3[%squeeze3A_1051, %dma_start3A_1059] : memref<400000x300xf32, #tpu.memory_space<hbm>> -> memref<1x44xf32, #tpu.memory_space<hbm>>
        %dma_start3A_1061 = tpu.memref_squeeze %dma_start3A_1060 : memref<1x44xf32, #tpu.memory_space<hbm>> -> memref<44xf32, #tpu.memory_space<hbm>>
        %dma_start3A_1062 = arith.constant 0 : i32
        %dma_start3A_1063 = tpu.memref_slice %arg7[%select_n3A_938, %add3A_1055, %dma_start3A_1062] : memref<2x80x44xf32, #tpu.memory_space<vmem>> -> memref<1x1x44xf32, #tpu.memory_space<vmem>>
        %dma_start3A_1064 = tpu.memref_squeeze %dma_start3A_1063 : memref<1x1x44xf32, #tpu.memory_space<vmem>> -> memref<44xf32, #tpu.memory_space<vmem>>
        %dma_start3A_1065 = arith.constant 256 : i32
        %dma_start3A_1066 = tpu.memref_slice %arg3[%squeeze3A_1051, %dma_start3A_1065] : memref<400000x300xf32, #tpu.memory_space<hbm>> -> memref<1x44xf32, #tpu.memory_space<hbm>>
        %dma_start3A_1067 = tpu.memref_squeeze %dma_start3A_1066 : memref<1x44xf32, #tpu.memory_space<hbm>> -> memref<44xf32, #tpu.memory_space<hbm>>
        tpu.enqueue_dma source(%dma_start3A_1067 : memref<44xf32, #tpu.memory_space<hbm>>) target(%dma_start3A_1064 : memref<44xf32, #tpu.memory_space<vmem>>) target_semaphore(%arg9 : memref<!tpu.dma_semaphore, #tpu.memory_space<semaphore_mem>>)
        %slice3A_1068 = vector.extract_strided_slice %get3A_979 {offsets = [5], sizes = [1], strides = [1]} : vector<16xi32> to vector<1xi32>
        %squeeze3A_1069 = vector.extract %slice3A_1068[0] : i32 from vector<1xi32>
        %mul3A_1070 = arith.constant 16 : i32
        %mul3A_1071 = arith.muli %scan3A_974, %mul3A_1070 : i32
        %add3A_1072 = arith.constant 5 : i32
        %add3A_1073 = arith.addi %mul3A_1071, %add3A_1072 : i32
        %dma_start3A_1074 = arith.constant 0 : i32
        %dma_start3A_1075 = tpu.memref_slice %arg7[%select_n3A_938, %add3A_1073, %dma_start3A_1074] : memref<2x80x44xf32, #tpu.memory_space<vmem>> -> memref<1x1x44xf32, #tpu.memory_space<vmem>>
        %dma_start3A_1076 = tpu.memref_squeeze %dma_start3A_1075 : memref<1x1x44xf32, #tpu.memory_space<vmem>> -> memref<44xf32, #tpu.memory_space<vmem>>
        %dma_start3A_1077 = arith.constant 256 : i32
        %dma_start3A_1078 = tpu.memref_slice %arg3[%squeeze3A_1069, %dma_start3A_1077] : memref<400000x300xf32, #tpu.memory_space<hbm>> -> memref<1x44xf32, #tpu.memory_space<hbm>>
        %dma_start3A_1079 = tpu.memref_squeeze %dma_start3A_1078 : memref<1x44xf32, #tpu.memory_space<hbm>> -> memref<44xf32, #tpu.memory_space<hbm>>
        %dma_start3A_1080 = arith.constant 0 : i32
        %dma_start3A_1081 = tpu.memref_slice %arg7[%select_n3A_938, %add3A_1073, %dma_start3A_1080] : memref<2x80x44xf32, #tpu.memory_space<vmem>> -> memref<1x1x44xf32, #tpu.memory_space<vmem>>
        %dma_start3A_1082 = tpu.memref_squeeze %dma_start3A_1081 : memref<1x1x44xf32, #tpu.memory_space<vmem>> -> memref<44xf32, #tpu.memory_space<vmem>>
        %dma_start3A_1083 = arith.constant 256 : i32
        %dma_start3A_1084 = tpu.memref_slice %arg3[%squeeze3A_1069, %dma_start3A_1083] : memref<400000x300xf32, #tpu.memory_space<hbm>> -> memref<1x44xf32, #tpu.memory_space<hbm>>
        %dma_start3A_1085 = tpu.memref_squeeze %dma_start3A_1084 : memref<1x44xf32, #tpu.memory_space<hbm>> -> memref<44xf32, #tpu.memory_space<hbm>>
        tpu.enqueue_dma source(%dma_start3A_1085 : memref<44xf32, #tpu.memory_space<hbm>>) target(%dma_start3A_1082 : memref<44xf32, #tpu.memory_space<vmem>>) target_semaphore(%arg9 : memref<!tpu.dma_semaphore, #tpu.memory_space<semaphore_mem>>)
        %slice3A_1086 = vector.extract_strided_slice %get3A_979 {offsets = [6], sizes = [1], strides = [1]} : vector<16xi32> to vector<1xi32>
        %squeeze3A_1087 = vector.extract %slice3A_1086[0] : i32 from vector<1xi32>
        %mul3A_1088 = arith.constant 16 : i32
        %mul3A_1089 = arith.muli %scan3A_974, %mul3A_1088 : i32
        %add3A_1090 = arith.constant 6 : i32
        %add3A_1091 = arith.addi %mul3A_1089, %add3A_1090 : i32
        %dma_start3A_1092 = arith.constant 0 : i32
        %dma_start3A_1093 = tpu.memref_slice %arg7[%select_n3A_938, %add3A_1091, %dma_start3A_1092] : memref<2x80x44xf32, #tpu.memory_space<vmem>> -> memref<1x1x44xf32, #tpu.memory_space<vmem>>
        %dma_start3A_1094 = tpu.memref_squeeze %dma_start3A_1093 : memref<1x1x44xf32, #tpu.memory_space<vmem>> -> memref<44xf32, #tpu.memory_space<vmem>>
        %dma_start3A_1095 = arith.constant 256 : i32
        %dma_start3A_1096 = tpu.memref_slice %arg3[%squeeze3A_1087, %dma_start3A_1095] : memref<400000x300xf32, #tpu.memory_space<hbm>> -> memref<1x44xf32, #tpu.memory_space<hbm>>
        %dma_start3A_1097 = tpu.memref_squeeze %dma_start3A_1096 : memref<1x44xf32, #tpu.memory_space<hbm>> -> memref<44xf32, #tpu.memory_space<hbm>>
        %dma_start3A_1098 = arith.constant 0 : i32
        %dma_start3A_1099 = tpu.memref_slice %arg7[%select_n3A_938, %add3A_1091, %dma_start3A_1098] : memref<2x80x44xf32, #tpu.memory_space<vmem>> -> memref<1x1x44xf32, #tpu.memory_space<vmem>>
        %dma_start3A_1100 = tpu.memref_squeeze %dma_start3A_1099 : memref<1x1x44xf32, #tpu.memory_space<vmem>> -> memref<44xf32, #tpu.memory_space<vmem>>
        %dma_start3A_1101 = arith.constant 256 : i32
        %dma_start3A_1102 = tpu.memref_slice %arg3[%squeeze3A_1087, %dma_start3A_1101] : memref<400000x300xf32, #tpu.memory_space<hbm>> -> memref<1x44xf32, #tpu.memory_space<hbm>>
        %dma_start3A_1103 = tpu.memref_squeeze %dma_start3A_1102 : memref<1x44xf32, #tpu.memory_space<hbm>> -> memref<44xf32, #tpu.memory_space<hbm>>
        tpu.enqueue_dma source(%dma_start3A_1103 : memref<44xf32, #tpu.memory_space<hbm>>) target(%dma_start3A_1100 : memref<44xf32, #tpu.memory_space<vmem>>) target_semaphore(%arg9 : memref<!tpu.dma_semaphore, #tpu.memory_space<semaphore_mem>>)
        %slice3A_1104 = vector.extract_strided_slice %get3A_979 {offsets = [7], sizes = [1], strides = [1]} : vector<16xi32> to vector<1xi32>
        %squeeze3A_1105 = vector.extract %slice3A_1104[0] : i32 from vector<1xi32>
        %mul3A_1106 = arith.constant 16 : i32
        %mul3A_1107 = arith.muli %scan3A_974, %mul3A_1106 : i32
        %add3A_1108 = arith.constant 7 : i32
        %add3A_1109 = arith.addi %mul3A_1107, %add3A_1108 : i32
        %dma_start3A_1110 = arith.constant 0 : i32
        %dma_start3A_1111 = tpu.memref_slice %arg7[%select_n3A_938, %add3A_1109, %dma_start3A_1110] : memref<2x80x44xf32, #tpu.memory_space<vmem>> -> memref<1x1x44xf32, #tpu.memory_space<vmem>>
        %dma_start3A_1112 = tpu.memref_squeeze %dma_start3A_1111 : memref<1x1x44xf32, #tpu.memory_space<vmem>> -> memref<44xf32, #tpu.memory_space<vmem>>
        %dma_start3A_1113 = arith.constant 256 : i32
        %dma_start3A_1114 = tpu.memref_slice %arg3[%squeeze3A_1105, %dma_start3A_1113] : memref<400000x300xf32, #tpu.memory_space<hbm>> -> memref<1x44xf32, #tpu.memory_space<hbm>>
        %dma_start3A_1115 = tpu.memref_squeeze %dma_start3A_1114 : memref<1x44xf32, #tpu.memory_space<hbm>> -> memref<44xf32, #tpu.memory_space<hbm>>
        %dma_start3A_1116 = arith.constant 0 : i32
        %dma_start3A_1117 = tpu.memref_slice %arg7[%select_n3A_938, %add3A_1109, %dma_start3A_1116] : memref<2x80x44xf32, #tpu.memory_space<vmem>> -> memref<1x1x44xf32, #tpu.memory_space<vmem>>
        %dma_start3A_1118 = tpu.memref_squeeze %dma_start3A_1117 : memref<1x1x44xf32, #tpu.memory_space<vmem>> -> memref<44xf32, #tpu.memory_space<vmem>>
        %dma_start3A_1119 = arith.constant 256 : i32
        %dma_start3A_1120 = tpu.memref_slice %arg3[%squeeze3A_1105, %dma_start3A_1119] : memref<400000x300xf32, #tpu.memory_space<hbm>> -> memref<1x44xf32, #tpu.memory_space<hbm>>
        %dma_start3A_1121 = tpu.memref_squeeze %dma_start3A_1120 : memref<1x44xf32, #tpu.memory_space<hbm>> -> memref<44xf32, #tpu.memory_space<hbm>>
        tpu.enqueue_dma source(%dma_start3A_1121 : memref<44xf32, #tpu.memory_space<hbm>>) target(%dma_start3A_1118 : memref<44xf32, #tpu.memory_space<vmem>>) target_semaphore(%arg9 : memref<!tpu.dma_semaphore, #tpu.memory_space<semaphore_mem>>)
        %slice3A_1122 = vector.extract_strided_slice %get3A_979 {offsets = [8], sizes = [1], strides = [1]} : vector<16xi32> to vector<1xi32>
        %squeeze3A_1123 = vector.extract %slice3A_1122[0] : i32 from vector<1xi32>
        %mul3A_1124 = arith.constant 16 : i32
        %mul3A_1125 = arith.muli %scan3A_974, %mul3A_1124 : i32
        %add3A_1126 = arith.constant 8 : i32
        %add3A_1127 = arith.addi %mul3A_1125, %add3A_1126 : i32
        %dma_start3A_1128 = arith.constant 0 : i32
        %dma_start3A_1129 = tpu.memref_slice %arg7[%select_n3A_938, %add3A_1127, %dma_start3A_1128] : memref<2x80x44xf32, #tpu.memory_space<vmem>> -> memref<1x1x44xf32, #tpu.memory_space<vmem>>
        %dma_start3A_1130 = tpu.memref_squeeze %dma_start3A_1129 : memref<1x1x44xf32, #tpu.memory_space<vmem>> -> memref<44xf32, #tpu.memory_space<vmem>>
        %dma_start3A_1131 = arith.constant 256 : i32
        %dma_start3A_1132 = tpu.memref_slice %arg3[%squeeze3A_1123, %dma_start3A_1131] : memref<400000x300xf32, #tpu.memory_space<hbm>> -> memref<1x44xf32, #tpu.memory_space<hbm>>
        %dma_start3A_1133 = tpu.memref_squeeze %dma_start3A_1132 : memref<1x44xf32, #tpu.memory_space<hbm>> -> memref<44xf32, #tpu.memory_space<hbm>>
        %dma_start3A_1134 = arith.constant 0 : i32
        %dma_start3A_1135 = tpu.memref_slice %arg7[%select_n3A_938, %add3A_1127, %dma_start3A_1134] : memref<2x80x44xf32, #tpu.memory_space<vmem>> -> memref<1x1x44xf32, #tpu.memory_space<vmem>>
        %dma_start3A_1136 = tpu.memref_squeeze %dma_start3A_1135 : memref<1x1x44xf32, #tpu.memory_space<vmem>> -> memref<44xf32, #tpu.memory_space<vmem>>
        %dma_start3A_1137 = arith.constant 256 : i32
        %dma_start3A_1138 = tpu.memref_slice %arg3[%squeeze3A_1123, %dma_start3A_1137] : memref<400000x300xf32, #tpu.memory_space<hbm>> -> memref<1x44xf32, #tpu.memory_space<hbm>>
        %dma_start3A_1139 = tpu.memref_squeeze %dma_start3A_1138 : memref<1x44xf32, #tpu.memory_space<hbm>> -> memref<44xf32, #tpu.memory_space<hbm>>
        tpu.enqueue_dma source(%dma_start3A_1139 : memref<44xf32, #tpu.memory_space<hbm>>) target(%dma_start3A_1136 : memref<44xf32, #tpu.memory_space<vmem>>) target_semaphore(%arg9 : memref<!tpu.dma_semaphore, #tpu.memory_space<semaphore_mem>>)
        %slice3A_1140 = vector.extract_strided_slice %get3A_979 {offsets = [9], sizes = [1], strides = [1]} : vector<16xi32> to vector<1xi32>
        %squeeze3A_1141 = vector.extract %slice3A_1140[0] : i32 from vector<1xi32>
        %mul3A_1142 = arith.constant 16 : i32
        %mul3A_1143 = arith.muli %scan3A_974, %mul3A_1142 : i32
        %add3A_1144 = arith.constant 9 : i32
        %add3A_1145 = arith.addi %mul3A_1143, %add3A_1144 : i32
        %dma_start3A_1146 = arith.constant 0 : i32
        %dma_start3A_1147 = tpu.memref_slice %arg7[%select_n3A_938, %add3A_1145, %dma_start3A_1146] : memref<2x80x44xf32, #tpu.memory_space<vmem>> -> memref<1x1x44xf32, #tpu.memory_space<vmem>>
        %dma_start3A_1148 = tpu.memref_squeeze %dma_start3A_1147 : memref<1x1x44xf32, #tpu.memory_space<vmem>> -> memref<44xf32, #tpu.memory_space<vmem>>
        %dma_start3A_1149 = arith.constant 256 : i32
        %dma_start3A_1150 = tpu.memref_slice %arg3[%squeeze3A_1141, %dma_start3A_1149] : memref<400000x300xf32, #tpu.memory_space<hbm>> -> memref<1x44xf32, #tpu.memory_space<hbm>>
        %dma_start3A_1151 = tpu.memref_squeeze %dma_start3A_1150 : memref<1x44xf32, #tpu.memory_space<hbm>> -> memref<44xf32, #tpu.memory_space<hbm>>
        %dma_start3A_1152 = arith.constant 0 : i32
        %dma_start3A_1153 = tpu.memref_slice %arg7[%select_n3A_938, %add3A_1145, %dma_start3A_1152] : memref<2x80x44xf32, #tpu.memory_space<vmem>> -> memref<1x1x44xf32, #tpu.memory_space<vmem>>
        %dma_start3A_1154 = tpu.memref_squeeze %dma_start3A_1153 : memref<1x1x44xf32, #tpu.memory_space<vmem>> -> memref<44xf32, #tpu.memory_space<vmem>>
        %dma_start3A_1155 = arith.constant 256 : i32
        %dma_start3A_1156 = tpu.memref_slice %arg3[%squeeze3A_1141, %dma_start3A_1155] : memref<400000x300xf32, #tpu.memory_space<hbm>> -> memref<1x44xf32, #tpu.memory_space<hbm>>
        %dma_start3A_1157 = tpu.memref_squeeze %dma_start3A_1156 : memref<1x44xf32, #tpu.memory_space<hbm>> -> memref<44xf32, #tpu.memory_space<hbm>>
        tpu.enqueue_dma source(%dma_start3A_1157 : memref<44xf32, #tpu.memory_space<hbm>>) target(%dma_start3A_1154 : memref<44xf32, #tpu.memory_space<vmem>>) target_semaphore(%arg9 : memref<!tpu.dma_semaphore, #tpu.memory_space<semaphore_mem>>)
        %slice3A_1158 = vector.extract_strided_slice %get3A_979 {offsets = [10], sizes = [1], strides = [1]} : vector<16xi32> to vector<1xi32>
        %squeeze3A_1159 = vector.extract %slice3A_1158[0] : i32 from vector<1xi32>
        %mul3A_1160 = arith.constant 16 : i32
        %mul3A_1161 = arith.muli %scan3A_974, %mul3A_1160 : i32
        %add3A_1162 = arith.constant 10 : i32
        %add3A_1163 = arith.addi %mul3A_1161, %add3A_1162 : i32
        %dma_start3A_1164 = arith.constant 0 : i32
        %dma_start3A_1165 = tpu.memref_slice %arg7[%select_n3A_938, %add3A_1163, %dma_start3A_1164] : memref<2x80x44xf32, #tpu.memory_space<vmem>> -> memref<1x1x44xf32, #tpu.memory_space<vmem>>
        %dma_start3A_1166 = tpu.memref_squeeze %dma_start3A_1165 : memref<1x1x44xf32, #tpu.memory_space<vmem>> -> memref<44xf32, #tpu.memory_space<vmem>>
        %dma_start3A_1167 = arith.constant 256 : i32
        %dma_start3A_1168 = tpu.memref_slice %arg3[%squeeze3A_1159, %dma_start3A_1167] : memref<400000x300xf32, #tpu.memory_space<hbm>> -> memref<1x44xf32, #tpu.memory_space<hbm>>
        %dma_start3A_1169 = tpu.memref_squeeze %dma_start3A_1168 : memref<1x44xf32, #tpu.memory_space<hbm>> -> memref<44xf32, #tpu.memory_space<hbm>>
        %dma_start3A_1170 = arith.constant 0 : i32
        %dma_start3A_1171 = tpu.memref_slice %arg7[%select_n3A_938, %add3A_1163, %dma_start3A_1170] : memref<2x80x44xf32, #tpu.memory_space<vmem>> -> memref<1x1x44xf32, #tpu.memory_space<vmem>>
        %dma_start3A_1172 = tpu.memref_squeeze %dma_start3A_1171 : memref<1x1x44xf32, #tpu.memory_space<vmem>> -> memref<44xf32, #tpu.memory_space<vmem>>
        %dma_start3A_1173 = arith.constant 256 : i32
        %dma_start3A_1174 = tpu.memref_slice %arg3[%squeeze3A_1159, %dma_start3A_1173] : memref<400000x300xf32, #tpu.memory_space<hbm>> -> memref<1x44xf32, #tpu.memory_space<hbm>>
        %dma_start3A_1175 = tpu.memref_squeeze %dma_start3A_1174 : memref<1x44xf32, #tpu.memory_space<hbm>> -> memref<44xf32, #tpu.memory_space<hbm>>
        tpu.enqueue_dma source(%dma_start3A_1175 : memref<44xf32, #tpu.memory_space<hbm>>) target(%dma_start3A_1172 : memref<44xf32, #tpu.memory_space<vmem>>) target_semaphore(%arg9 : memref<!tpu.dma_semaphore, #tpu.memory_space<semaphore_mem>>)
        %slice3A_1176 = vector.extract_strided_slice %get3A_979 {offsets = [11], sizes = [1], strides = [1]} : vector<16xi32> to vector<1xi32>
        %squeeze3A_1177 = vector.extract %slice3A_1176[0] : i32 from vector<1xi32>
        %mul3A_1178 = arith.constant 16 : i32
        %mul3A_1179 = arith.muli %scan3A_974, %mul3A_1178 : i32
        %add3A_1180 = arith.constant 11 : i32
        %add3A_1181 = arith.addi %mul3A_1179, %add3A_1180 : i32
        %dma_start3A_1182 = arith.constant 0 : i32
        %dma_start3A_1183 = tpu.memref_slice %arg7[%select_n3A_938, %add3A_1181, %dma_start3A_1182] : memref<2x80x44xf32, #tpu.memory_space<vmem>> -> memref<1x1x44xf32, #tpu.memory_space<vmem>>
        %dma_start3A_1184 = tpu.memref_squeeze %dma_start3A_1183 : memref<1x1x44xf32, #tpu.memory_space<vmem>> -> memref<44xf32, #tpu.memory_space<vmem>>
        %dma_start3A_1185 = arith.constant 256 : i32
        %dma_start3A_1186 = tpu.memref_slice %arg3[%squeeze3A_1177, %dma_start3A_1185] : memref<400000x300xf32, #tpu.memory_space<hbm>> -> memref<1x44xf32, #tpu.memory_space<hbm>>
        %dma_start3A_1187 = tpu.memref_squeeze %dma_start3A_1186 : memref<1x44xf32, #tpu.memory_space<hbm>> -> memref<44xf32, #tpu.memory_space<hbm>>
        %dma_start3A_1188 = arith.constant 0 : i32
        %dma_start3A_1189 = tpu.memref_slice %arg7[%select_n3A_938, %add3A_1181, %dma_start3A_1188] : memref<2x80x44xf32, #tpu.memory_space<vmem>> -> memref<1x1x44xf32, #tpu.memory_space<vmem>>
        %dma_start3A_1190 = tpu.memref_squeeze %dma_start3A_1189 : memref<1x1x44xf32, #tpu.memory_space<vmem>> -> memref<44xf32, #tpu.memory_space<vmem>>
        %dma_start3A_1191 = arith.constant 256 : i32
        %dma_start3A_1192 = tpu.memref_slice %arg3[%squeeze3A_1177, %dma_start3A_1191] : memref<400000x300xf32, #tpu.memory_space<hbm>> -> memref<1x44xf32, #tpu.memory_space<hbm>>
        %dma_start3A_1193 = tpu.memref_squeeze %dma_start3A_1192 : memref<1x44xf32, #tpu.memory_space<hbm>> -> memref<44xf32, #tpu.memory_space<hbm>>
        tpu.enqueue_dma source(%dma_start3A_1193 : memref<44xf32, #tpu.memory_space<hbm>>) target(%dma_start3A_1190 : memref<44xf32, #tpu.memory_space<vmem>>) target_semaphore(%arg9 : memref<!tpu.dma_semaphore, #tpu.memory_space<semaphore_mem>>)
        %slice3A_1194 = vector.extract_strided_slice %get3A_979 {offsets = [12], sizes = [1], strides = [1]} : vector<16xi32> to vector<1xi32>
        %squeeze3A_1195 = vector.extract %slice3A_1194[0] : i32 from vector<1xi32>
        %mul3A_1196 = arith.constant 16 : i32
        %mul3A_1197 = arith.muli %scan3A_974, %mul3A_1196 : i32
        %add3A_1198 = arith.constant 12 : i32
        %add3A_1199 = arith.addi %mul3A_1197, %add3A_1198 : i32
        %dma_start3A_1200 = arith.constant 0 : i32
        %dma_start3A_1201 = tpu.memref_slice %arg7[%select_n3A_938, %add3A_1199, %dma_start3A_1200] : memref<2x80x44xf32, #tpu.memory_space<vmem>> -> memref<1x1x44xf32, #tpu.memory_space<vmem>>
        %dma_start3A_1202 = tpu.memref_squeeze %dma_start3A_1201 : memref<1x1x44xf32, #tpu.memory_space<vmem>> -> memref<44xf32, #tpu.memory_space<vmem>>
        %dma_start3A_1203 = arith.constant 256 : i32
        %dma_start3A_1204 = tpu.memref_slice %arg3[%squeeze3A_1195, %dma_start3A_1203] : memref<400000x300xf32, #tpu.memory_space<hbm>> -> memref<1x44xf32, #tpu.memory_space<hbm>>
        %dma_start3A_1205 = tpu.memref_squeeze %dma_start3A_1204 : memref<1x44xf32, #tpu.memory_space<hbm>> -> memref<44xf32, #tpu.memory_space<hbm>>
        %dma_start3A_1206 = arith.constant 0 : i32
        %dma_start3A_1207 = tpu.memref_slice %arg7[%select_n3A_938, %add3A_1199, %dma_start3A_1206] : memref<2x80x44xf32, #tpu.memory_space<vmem>> -> memref<1x1x44xf32, #tpu.memory_space<vmem>>
        %dma_start3A_1208 = tpu.memref_squeeze %dma_start3A_1207 : memref<1x1x44xf32, #tpu.memory_space<vmem>> -> memref<44xf32, #tpu.memory_space<vmem>>
        %dma_start3A_1209 = arith.constant 256 : i32
        %dma_start3A_1210 = tpu.memref_slice %arg3[%squeeze3A_1195, %dma_start3A_1209] : memref<400000x300xf32, #tpu.memory_space<hbm>> -> memref<1x44xf32, #tpu.memory_space<hbm>>
        %dma_start3A_1211 = tpu.memref_squeeze %dma_start3A_1210 : memref<1x44xf32, #tpu.memory_space<hbm>> -> memref<44xf32, #tpu.memory_space<hbm>>
        tpu.enqueue_dma source(%dma_start3A_1211 : memref<44xf32, #tpu.memory_space<hbm>>) target(%dma_start3A_1208 : memref<44xf32, #tpu.memory_space<vmem>>) target_semaphore(%arg9 : memref<!tpu.dma_semaphore, #tpu.memory_space<semaphore_mem>>)
        %slice3A_1212 = vector.extract_strided_slice %get3A_979 {offsets = [13], sizes = [1], strides = [1]} : vector<16xi32> to vector<1xi32>
        %squeeze3A_1213 = vector.extract %slice3A_1212[0] : i32 from vector<1xi32>
        %mul3A_1214 = arith.constant 16 : i32
        %mul3A_1215 = arith.muli %scan3A_974, %mul3A_1214 : i32
        %add3A_1216 = arith.constant 13 : i32
        %add3A_1217 = arith.addi %mul3A_1215, %add3A_1216 : i32
        %dma_start3A_1218 = arith.constant 0 : i32
        %dma_start3A_1219 = tpu.memref_slice %arg7[%select_n3A_938, %add3A_1217, %dma_start3A_1218] : memref<2x80x44xf32, #tpu.memory_space<vmem>> -> memref<1x1x44xf32, #tpu.memory_space<vmem>>
        %dma_start3A_1220 = tpu.memref_squeeze %dma_start3A_1219 : memref<1x1x44xf32, #tpu.memory_space<vmem>> -> memref<44xf32, #tpu.memory_space<vmem>>
        %dma_start3A_1221 = arith.constant 256 : i32
        %dma_start3A_1222 = tpu.memref_slice %arg3[%squeeze3A_1213, %dma_start3A_1221] : memref<400000x300xf32, #tpu.memory_space<hbm>> -> memref<1x44xf32, #tpu.memory_space<hbm>>
        %dma_start3A_1223 = tpu.memref_squeeze %dma_start3A_1222 : memref<1x44xf32, #tpu.memory_space<hbm>> -> memref<44xf32, #tpu.memory_space<hbm>>
        %dma_start3A_1224 = arith.constant 0 : i32
        %dma_start3A_1225 = tpu.memref_slice %arg7[%select_n3A_938, %add3A_1217, %dma_start3A_1224] : memref<2x80x44xf32, #tpu.memory_space<vmem>> -> memref<1x1x44xf32, #tpu.memory_space<vmem>>
        %dma_start3A_1226 = tpu.memref_squeeze %dma_start3A_1225 : memref<1x1x44xf32, #tpu.memory_space<vmem>> -> memref<44xf32, #tpu.memory_space<vmem>>
        %dma_start3A_1227 = arith.constant 256 : i32
        %dma_start3A_1228 = tpu.memref_slice %arg3[%squeeze3A_1213, %dma_start3A_1227] : memref<400000x300xf32, #tpu.memory_space<hbm>> -> memref<1x44xf32, #tpu.memory_space<hbm>>
        %dma_start3A_1229 = tpu.memref_squeeze %dma_start3A_1228 : memref<1x44xf32, #tpu.memory_space<hbm>> -> memref<44xf32, #tpu.memory_space<hbm>>
        tpu.enqueue_dma source(%dma_start3A_1229 : memref<44xf32, #tpu.memory_space<hbm>>) target(%dma_start3A_1226 : memref<44xf32, #tpu.memory_space<vmem>>) target_semaphore(%arg9 : memref<!tpu.dma_semaphore, #tpu.memory_space<semaphore_mem>>)
        %slice3A_1230 = vector.extract_strided_slice %get3A_979 {offsets = [14], sizes = [1], strides = [1]} : vector<16xi32> to vector<1xi32>
        %squeeze3A_1231 = vector.extract %slice3A_1230[0] : i32 from vector<1xi32>
        %mul3A_1232 = arith.constant 16 : i32
        %mul3A_1233 = arith.muli %scan3A_974, %mul3A_1232 : i32
        %add3A_1234 = arith.constant 14 : i32
        %add3A_1235 = arith.addi %mul3A_1233, %add3A_1234 : i32
        %dma_start3A_1236 = arith.constant 0 : i32
        %dma_start3A_1237 = tpu.memref_slice %arg7[%select_n3A_938, %add3A_1235, %dma_start3A_1236] : memref<2x80x44xf32, #tpu.memory_space<vmem>> -> memref<1x1x44xf32, #tpu.memory_space<vmem>>
        %dma_start3A_1238 = tpu.memref_squeeze %dma_start3A_1237 : memref<1x1x44xf32, #tpu.memory_space<vmem>> -> memref<44xf32, #tpu.memory_space<vmem>>
        %dma_start3A_1239 = arith.constant 256 : i32
        %dma_start3A_1240 = tpu.memref_slice %arg3[%squeeze3A_1231, %dma_start3A_1239] : memref<400000x300xf32, #tpu.memory_space<hbm>> -> memref<1x44xf32, #tpu.memory_space<hbm>>
        %dma_start3A_1241 = tpu.memref_squeeze %dma_start3A_1240 : memref<1x44xf32, #tpu.memory_space<hbm>> -> memref<44xf32, #tpu.memory_space<hbm>>
        %dma_start3A_1242 = arith.constant 0 : i32
        %dma_start3A_1243 = tpu.memref_slice %arg7[%select_n3A_938, %add3A_1235, %dma_start3A_1242] : memref<2x80x44xf32, #tpu.memory_space<vmem>> -> memref<1x1x44xf32, #tpu.memory_space<vmem>>
        %dma_start3A_1244 = tpu.memref_squeeze %dma_start3A_1243 : memref<1x1x44xf32, #tpu.memory_space<vmem>> -> memref<44xf32, #tpu.memory_space<vmem>>
        %dma_start3A_1245 = arith.constant 256 : i32
        %dma_start3A_1246 = tpu.memref_slice %arg3[%squeeze3A_1231, %dma_start3A_1245] : memref<400000x300xf32, #tpu.memory_space<hbm>> -> memref<1x44xf32, #tpu.memory_space<hbm>>
        %dma_start3A_1247 = tpu.memref_squeeze %dma_start3A_1246 : memref<1x44xf32, #tpu.memory_space<hbm>> -> memref<44xf32, #tpu.memory_space<hbm>>
        tpu.enqueue_dma source(%dma_start3A_1247 : memref<44xf32, #tpu.memory_space<hbm>>) target(%dma_start3A_1244 : memref<44xf32, #tpu.memory_space<vmem>>) target_semaphore(%arg9 : memref<!tpu.dma_semaphore, #tpu.memory_space<semaphore_mem>>)
        %slice3A_1248 = vector.extract_strided_slice %get3A_979 {offsets = [15], sizes = [1], strides = [1]} : vector<16xi32> to vector<1xi32>
        %squeeze3A_1249 = vector.extract %slice3A_1248[0] : i32 from vector<1xi32>
        %mul3A_1250 = arith.constant 16 : i32
        %mul3A_1251 = arith.muli %scan3A_974, %mul3A_1250 : i32
        %add3A_1252 = arith.constant 15 : i32
        %add3A_1253 = arith.addi %mul3A_1251, %add3A_1252 : i32
        %dma_start3A_1254 = arith.constant 0 : i32
        %dma_start3A_1255 = tpu.memref_slice %arg7[%select_n3A_938, %add3A_1253, %dma_start3A_1254] : memref<2x80x44xf32, #tpu.memory_space<vmem>> -> memref<1x1x44xf32, #tpu.memory_space<vmem>>
        %dma_start3A_1256 = tpu.memref_squeeze %dma_start3A_1255 : memref<1x1x44xf32, #tpu.memory_space<vmem>> -> memref<44xf32, #tpu.memory_space<vmem>>
        %dma_start3A_1257 = arith.constant 256 : i32
        %dma_start3A_1258 = tpu.memref_slice %arg3[%squeeze3A_1249, %dma_start3A_1257] : memref<400000x300xf32, #tpu.memory_space<hbm>> -> memref<1x44xf32, #tpu.memory_space<hbm>>
        %dma_start3A_1259 = tpu.memref_squeeze %dma_start3A_1258 : memref<1x44xf32, #tpu.memory_space<hbm>> -> memref<44xf32, #tpu.memory_space<hbm>>
        %dma_start3A_1260 = arith.constant 0 : i32
        %dma_start3A_1261 = tpu.memref_slice %arg7[%select_n3A_938, %add3A_1253, %dma_start3A_1260] : memref<2x80x44xf32, #tpu.memory_space<vmem>> -> memref<1x1x44xf32, #tpu.memory_space<vmem>>
        %dma_start3A_1262 = tpu.memref_squeeze %dma_start3A_1261 : memref<1x1x44xf32, #tpu.memory_space<vmem>> -> memref<44xf32, #tpu.memory_space<vmem>>
        %dma_start3A_1263 = arith.constant 256 : i32
        %dma_start3A_1264 = tpu.memref_slice %arg3[%squeeze3A_1249, %dma_start3A_1263] : memref<400000x300xf32, #tpu.memory_space<hbm>> -> memref<1x44xf32, #tpu.memory_space<hbm>>
        %dma_start3A_1265 = tpu.memref_squeeze %dma_start3A_1264 : memref<1x44xf32, #tpu.memory_space<hbm>> -> memref<44xf32, #tpu.memory_space<hbm>>
        tpu.enqueue_dma source(%dma_start3A_1265 : memref<44xf32, #tpu.memory_space<hbm>>) target(%dma_start3A_1262 : memref<44xf32, #tpu.memory_space<vmem>>) target_semaphore(%arg9 : memref<!tpu.dma_semaphore, #tpu.memory_space<semaphore_mem>>)
      }
      %scan3A_968 = arith.constant 5 : i32
      %ge3A_969 = arith.constant 1 : i32
      %ge3A_970 = arith.cmpi sge, %scan3A_929, %ge3A_969 : i32
      %convert_element_type3A_971 = arith.extui %ge3A_970 : i1 to i32
      %cond3A_972 = arith.constant 0 : i32
      %cond3A_973 = arith.cmpi ne, %convert_element_type3A_971, %cond3A_972 : i32
      scf.if %cond3A_973 {
        %sub3A = arith.constant 1 : i32
        %sub3A_974 = arith.subi %scan3A_929, %sub3A : i32
        %sub3A_975 = arith.constant 1 : i32
        %sub3A_976 = arith.subi %sub3A_975, %select_n3A_938 : i32
        %dma_wait3A_977 = arith.constant 0 : i32
        %dma_wait3A_978 = arith.constant 0 : i32
        %dma_wait3A_979 = arith.constant 0 : i32
        %dma_wait3A_980 = tpu.memref_slice %arg6[%sub3A_976, %dma_wait3A_977, %dma_wait3A_978, %dma_wait3A_979] : memref<2x2x80x128xf32, #tpu.memory_space<vmem>> -> memref<1x1x80x128xf32, #tpu.memory_space<vmem>>
        %dma_wait3A_981 = tpu.memref_squeeze %dma_wait3A_980 : memref<1x1x80x128xf32, #tpu.memory_space<vmem>> -> memref<80x128xf32, #tpu.memory_space<vmem>>
        %dma_wait3A_982 = arith.constant 0 : i32
        %dma_wait3A_983 = tpu.memref_slice %arg5[%sub3A_974, %dma_wait3A_982] : memref<32x80xi32, #tpu.memory_space<vmem>> -> memref<1x80xi32, #tpu.memory_space<vmem>>
        %dma_wait3A_984 = tpu.memref_squeeze %dma_wait3A_983 : memref<1x80xi32, #tpu.memory_space<vmem>> -> memref<80xi32, #tpu.memory_space<vmem>>
        %dma_wait3A_985 = arith.constant 0 : i32
        %dma_wait3A_986 = arith.constant 0 : i32
        %dma_wait3A_987 = tpu.memref_slice %arg3[%dma_wait3A_985, %dma_wait3A_986] : memref<400000x300xf32, #tpu.memory_space<hbm>> -> memref<400000x128xf32, #tpu.memory_space<hbm>>
        tpu.wait_indirect_dma semaphore(%arg8 : memref<!tpu.dma_semaphore, #tpu.memory_space<semaphore_mem>>) src(%dma_wait3A_987 : memref<400000x128xf32, #tpu.memory_space<hbm>>) dst(%dma_wait3A_981 : memref<80x128xf32, #tpu.memory_space<vmem>>)
        %dma_wait3A_988 = arith.constant 1 : i32
        %dma_wait3A_989 = arith.constant 0 : i32
        %dma_wait3A_990 = arith.constant 0 : i32
        %dma_wait3A_991 = tpu.memref_slice %arg6[%sub3A_976, %dma_wait3A_988, %dma_wait3A_989, %dma_wait3A_990] : memref<2x2x80x128xf32, #tpu.memory_space<vmem>> -> memref<1x1x80x128xf32, #tpu.memory_space<vmem>>
        %dma_wait3A_992 = tpu.memref_squeeze %dma_wait3A_991 : memref<1x1x80x128xf32, #tpu.memory_space<vmem>> -> memref<80x128xf32, #tpu.memory_space<vmem>>
        %dma_wait3A_993 = arith.constant 0 : i32
        %dma_wait3A_994 = tpu.memref_slice %arg5[%sub3A_974, %dma_wait3A_993] : memref<32x80xi32, #tpu.memory_space<vmem>> -> memref<1x80xi32, #tpu.memory_space<vmem>>
        %dma_wait3A_995 = tpu.memref_squeeze %dma_wait3A_994 : memref<1x80xi32, #tpu.memory_space<vmem>> -> memref<80xi32, #tpu.memory_space<vmem>>
        %dma_wait3A_996 = arith.constant 0 : i32
        %dma_wait3A_997 = arith.constant 128 : i32
        %dma_wait3A_998 = tpu.memref_slice %arg3[%dma_wait3A_996, %dma_wait3A_997] : memref<400000x300xf32, #tpu.memory_space<hbm>> -> memref<400000x128xf32, #tpu.memory_space<hbm>>
        tpu.wait_indirect_dma semaphore(%arg8 : memref<!tpu.dma_semaphore, #tpu.memory_space<semaphore_mem>>) src(%dma_wait3A_998 : memref<400000x128xf32, #tpu.memory_space<hbm>>) dst(%dma_wait3A_992 : memref<80x128xf32, #tpu.memory_space<vmem>>)
        %dma_wait3A_999 = arith.constant 0 : i32
        %dma_wait3A_1000 = arith.constant 0 : i32
        %dma_wait3A_1001 = tpu.memref_slice %arg7[%sub3A_976, %dma_wait3A_999, %dma_wait3A_1000] : memref<2x80x44xf32, #tpu.memory_space<vmem>> -> memref<1x80x44xf32, #tpu.memory_space<vmem>>
        %dma_wait3A_1002 = tpu.memref_squeeze %dma_wait3A_1001 : memref<1x80x44xf32, #tpu.memory_space<vmem>> -> memref<80x44xf32, #tpu.memory_space<vmem>>
        %dma_wait3A_1003 = arith.constant 0 : i32
        %dma_wait3A_1004 = arith.constant 256 : i32
        %dma_wait3A_1005 = tpu.memref_slice %arg3[%dma_wait3A_1003, %dma_wait3A_1004] : memref<400000x300xf32, #tpu.memory_space<hbm>> -> memref<80x44xf32, #tpu.memory_space<hbm>>
        %dma_wait3A_1006 = arith.constant 0 : i32
        %dma_wait3A_1007 = arith.constant 0 : i32
        %dma_wait3A_1008 = tpu.memref_slice %arg7[%sub3A_976, %dma_wait3A_1006, %dma_wait3A_1007] : memref<2x80x44xf32, #tpu.memory_space<vmem>> -> memref<1x80x44xf32, #tpu.memory_space<vmem>>
        %dma_wait3A_1009 = tpu.memref_squeeze %dma_wait3A_1008 : memref<1x80x44xf32, #tpu.memory_space<vmem>> -> memref<80x44xf32, #tpu.memory_space<vmem>>
        %dma_wait3A_1010 = arith.constant 0 : i32
        %dma_wait3A_1011 = arith.constant 256 : i32
        %dma_wait3A_1012 = tpu.memref_slice %arg3[%dma_wait3A_1010, %dma_wait3A_1011] : memref<400000x300xf32, #tpu.memory_space<hbm>> -> memref<80x44xf32, #tpu.memory_space<hbm>>
        tpu.wait_dma2 semaphore(%arg9 : memref<!tpu.dma_semaphore, #tpu.memory_space<semaphore_mem>>) src(%dma_wait3A_1012 : memref<80x44xf32, #tpu.memory_space<hbm>>) dst(%dma_wait3A_1009 : memref<80x44xf32, #tpu.memory_space<vmem>>)
        %sub3A_1013 = arith.constant 1 : i32
        %sub3A_1014 = arith.subi %scan3A_929, %sub3A_1013 : i32
        %sub3A_1015 = arith.constant 1 : i32
        %sub3A_1016 = arith.subi %sub3A_1015, %select_n3A_938 : i32
        %mul3A_1017 = arith.constant 4 : i32
        %mul3A_1018 = arith.muli %sub3A_1014, %mul3A_1017 : i32
        %add3A_1019 = arith.addi %mul3A_2, %mul3A_1018 : i32
        %add3A_1020 = arith.constant 0 : i32
        %add3A_1021 = arith.addi %add3A_1019, %add3A_1020 : i32
        %add3A_1022 = arith.constant 1 : i32
        %add3A_1023 = arith.addi %add3A_1019, %add3A_1022 : i32
        %add3A_1024 = arith.constant 2 : i32
        %add3A_1025 = arith.addi %add3A_1019, %add3A_1024 : i32
        %add3A_1026 = arith.constant 3 : i32
        %add3A_1027 = arith.addi %add3A_1019, %add3A_1026 : i32
        %dma_start3A_1028 = arith.constant 0 : i32
        %dma_start3A_1029 = arith.constant 0 : i32
        %dma_start3A_1030 = arith.constant 0 : i32
        %dma_start3A_1031 = tpu.memref_slice %arg6[%sub3A_1016, %dma_start3A_1028, %dma_start3A_1029, %dma_start3A_1030] : memref<2x2x80x128xf32, #tpu.memory_space<vmem>> -> memref<1x1x20x128xf32, #tpu.memory_space<vmem>>
        %dma_start3A_1032 = tpu.memref_squeeze %dma_start3A_1031 : memref<1x1x20x128xf32, #tpu.memory_space<vmem>> -> memref<20x128xf32, #tpu.memory_space<vmem>>
        %dma_start3A_1033 = arith.constant 0 : i32
        %dma_start3A_1034 = arith.constant 0 : i32
        %dma_start3A_1035 = tpu.memref_slice %arg4[%add3A_1021, %dma_start3A_1033, %dma_start3A_1034] : memref<4096x20x300xf32, #tpu.memory_space<hbm>> -> memref<1x20x300xf32, #tpu.memory_space<hbm>>
        %dma_start3A_1036 = tpu.memref_squeeze %dma_start3A_1035 : memref<1x20x300xf32, #tpu.memory_space<hbm>> -> memref<20x300xf32, #tpu.memory_space<hbm>>
        %dma_start3A_1037 = arith.constant 0 : i32
        %dma_start3A_1038 = arith.constant 0 : i32
        %dma_start3A_1039 = tpu.memref_slice %dma_start3A_1036[%dma_start3A_1037, %dma_start3A_1038] : memref<20x300xf32, #tpu.memory_space<hbm>> -> memref<20x128xf32, #tpu.memory_space<hbm>>
        %dma_start3A_1040 = arith.constant 0 : i32
        %dma_start3A_1041 = arith.constant 0 : i32
        %dma_start3A_1042 = tpu.memref_slice %arg4[%add3A_1021, %dma_start3A_1040, %dma_start3A_1041] : memref<4096x20x300xf32, #tpu.memory_space<hbm>> -> memref<1x20x300xf32, #tpu.memory_space<hbm>>
        %dma_start3A_1043 = tpu.memref_squeeze %dma_start3A_1042 : memref<1x20x300xf32, #tpu.memory_space<hbm>> -> memref<20x300xf32, #tpu.memory_space<hbm>>
        %dma_start3A_1044 = arith.constant 0 : i32
        %dma_start3A_1045 = arith.constant 0 : i32
        %dma_start3A_1046 = tpu.memref_slice %dma_start3A_1043[%dma_start3A_1044, %dma_start3A_1045] : memref<20x300xf32, #tpu.memory_space<hbm>> -> memref<20x128xf32, #tpu.memory_space<hbm>>
        %dma_start3A_1047 = arith.constant 0 : i32
        %dma_start3A_1048 = arith.constant 0 : i32
        %dma_start3A_1049 = tpu.memref_slice %arg6[%sub3A_1016, %dma_start3A_1028, %dma_start3A_1047, %dma_start3A_1048] : memref<2x2x80x128xf32, #tpu.memory_space<vmem>> -> memref<1x1x20x128xf32, #tpu.memory_space<vmem>>
        %dma_start3A_1050 = tpu.memref_squeeze %dma_start3A_1049 : memref<1x1x20x128xf32, #tpu.memory_space<vmem>> -> memref<20x128xf32, #tpu.memory_space<vmem>>
        tpu.enqueue_dma source(%dma_start3A_1050 : memref<20x128xf32, #tpu.memory_space<vmem>>) target(%dma_start3A_1046 : memref<20x128xf32, #tpu.memory_space<hbm>>) target_semaphore(%arg10 : memref<!tpu.dma_semaphore, #tpu.memory_space<semaphore_mem>>)
        %dma_start3A_1051 = arith.constant 1 : i32
        %dma_start3A_1052 = arith.constant 0 : i32
        %dma_start3A_1053 = arith.constant 0 : i32
        %dma_start3A_1054 = tpu.memref_slice %arg6[%sub3A_1016, %dma_start3A_1051, %dma_start3A_1052, %dma_start3A_1053] : memref<2x2x80x128xf32, #tpu.memory_space<vmem>> -> memref<1x1x20x128xf32, #tpu.memory_space<vmem>>
        %dma_start3A_1055 = tpu.memref_squeeze %dma_start3A_1054 : memref<1x1x20x128xf32, #tpu.memory_space<vmem>> -> memref<20x128xf32, #tpu.memory_space<vmem>>
        %dma_start3A_1056 = arith.constant 0 : i32
        %dma_start3A_1057 = arith.constant 0 : i32
        %dma_start3A_1058 = tpu.memref_slice %arg4[%add3A_1021, %dma_start3A_1056, %dma_start3A_1057] : memref<4096x20x300xf32, #tpu.memory_space<hbm>> -> memref<1x20x300xf32, #tpu.memory_space<hbm>>
        %dma_start3A_1059 = tpu.memref_squeeze %dma_start3A_1058 : memref<1x20x300xf32, #tpu.memory_space<hbm>> -> memref<20x300xf32, #tpu.memory_space<hbm>>
        %dma_start3A_1060 = arith.constant 0 : i32
        %dma_start3A_1061 = arith.constant 128 : i32
        %dma_start3A_1062 = tpu.memref_slice %dma_start3A_1059[%dma_start3A_1060, %dma_start3A_1061] : memref<20x300xf32, #tpu.memory_space<hbm>> -> memref<20x128xf32, #tpu.memory_space<hbm>>
        %dma_start3A_1063 = arith.constant 0 : i32
        %dma_start3A_1064 = arith.constant 0 : i32
        %dma_start3A_1065 = tpu.memref_slice %arg4[%add3A_1021, %dma_start3A_1063, %dma_start3A_1064] : memref<4096x20x300xf32, #tpu.memory_space<hbm>> -> memref<1x20x300xf32, #tpu.memory_space<hbm>>
        %dma_start3A_1066 = tpu.memref_squeeze %dma_start3A_1065 : memref<1x20x300xf32, #tpu.memory_space<hbm>> -> memref<20x300xf32, #tpu.memory_space<hbm>>
        %dma_start3A_1067 = arith.constant 0 : i32
        %dma_start3A_1068 = arith.constant 128 : i32
        %dma_start3A_1069 = tpu.memref_slice %dma_start3A_1066[%dma_start3A_1067, %dma_start3A_1068] : memref<20x300xf32, #tpu.memory_space<hbm>> -> memref<20x128xf32, #tpu.memory_space<hbm>>
        %dma_start3A_1070 = arith.constant 0 : i32
        %dma_start3A_1071 = arith.constant 0 : i32
        %dma_start3A_1072 = tpu.memref_slice %arg6[%sub3A_1016, %dma_start3A_1051, %dma_start3A_1070, %dma_start3A_1071] : memref<2x2x80x128xf32, #tpu.memory_space<vmem>> -> memref<1x1x20x128xf32, #tpu.memory_space<vmem>>
        %dma_start3A_1073 = tpu.memref_squeeze %dma_start3A_1072 : memref<1x1x20x128xf32, #tpu.memory_space<vmem>> -> memref<20x128xf32, #tpu.memory_space<vmem>>
        tpu.enqueue_dma source(%dma_start3A_1073 : memref<20x128xf32, #tpu.memory_space<vmem>>) target(%dma_start3A_1069 : memref<20x128xf32, #tpu.memory_space<hbm>>) target_semaphore(%arg10 : memref<!tpu.dma_semaphore, #tpu.memory_space<semaphore_mem>>)
        %dma_start3A_1074 = arith.constant 0 : i32
        %dma_start3A_1075 = arith.constant 0 : i32
        %dma_start3A_1076 = tpu.memref_slice %arg7[%sub3A_1016, %dma_start3A_1074, %dma_start3A_1075] : memref<2x80x44xf32, #tpu.memory_space<vmem>> -> memref<1x20x44xf32, #tpu.memory_space<vmem>>
        %dma_start3A_1077 = tpu.memref_squeeze %dma_start3A_1076 : memref<1x20x44xf32, #tpu.memory_space<vmem>> -> memref<20x44xf32, #tpu.memory_space<vmem>>
        %dma_start3A_1078 = arith.constant 0 : i32
        %dma_start3A_1079 = arith.constant 0 : i32
        %dma_start3A_1080 = tpu.memref_slice %arg4[%add3A_1021, %dma_start3A_1078, %dma_start3A_1079] : memref<4096x20x300xf32, #tpu.memory_space<hbm>> -> memref<1x20x300xf32, #tpu.memory_space<hbm>>
        %dma_start3A_1081 = tpu.memref_squeeze %dma_start3A_1080 : memref<1x20x300xf32, #tpu.memory_space<hbm>> -> memref<20x300xf32, #tpu.memory_space<hbm>>
        %dma_start3A_1082 = arith.constant 0 : i32
        %dma_start3A_1083 = arith.constant 256 : i32
        %dma_start3A_1084 = tpu.memref_slice %dma_start3A_1081[%dma_start3A_1082, %dma_start3A_1083] : memref<20x300xf32, #tpu.memory_space<hbm>> -> memref<20x44xf32, #tpu.memory_space<hbm>>
        %dma_start3A_1085 = arith.constant 0 : i32
        %dma_start3A_1086 = arith.constant 0 : i32
        %dma_start3A_1087 = tpu.memref_slice %arg4[%add3A_1021, %dma_start3A_1085, %dma_start3A_1086] : memref<4096x20x300xf32, #tpu.memory_space<hbm>> -> memref<1x20x300xf32, #tpu.memory_space<hbm>>
        %dma_start3A_1088 = tpu.memref_squeeze %dma_start3A_1087 : memref<1x20x300xf32, #tpu.memory_space<hbm>> -> memref<20x300xf32, #tpu.memory_space<hbm>>
        %dma_start3A_1089 = arith.constant 0 : i32
        %dma_start3A_1090 = arith.constant 256 : i32
        %dma_start3A_1091 = tpu.memref_slice %dma_start3A_1088[%dma_start3A_1089, %dma_start3A_1090] : memref<20x300xf32, #tpu.memory_space<hbm>> -> memref<20x44xf32, #tpu.memory_space<hbm>>
        %dma_start3A_1092 = arith.constant 0 : i32
        %dma_start3A_1093 = arith.constant 0 : i32
        %dma_start3A_1094 = tpu.memref_slice %arg7[%sub3A_1016, %dma_start3A_1092, %dma_start3A_1093] : memref<2x80x44xf32, #tpu.memory_space<vmem>> -> memref<1x20x44xf32, #tpu.memory_space<vmem>>
        %dma_start3A_1095 = tpu.memref_squeeze %dma_start3A_1094 : memref<1x20x44xf32, #tpu.memory_space<vmem>> -> memref<20x44xf32, #tpu.memory_space<vmem>>
        tpu.enqueue_dma source(%dma_start3A_1095 : memref<20x44xf32, #tpu.memory_space<vmem>>) target(%dma_start3A_1091 : memref<20x44xf32, #tpu.memory_space<hbm>>) target_semaphore(%arg10 : memref<!tpu.dma_semaphore, #tpu.memory_space<semaphore_mem>>)
        %dma_start3A_1096 = arith.constant 0 : i32
        %dma_start3A_1097 = arith.constant 20 : i32
        %dma_start3A_1098 = arith.constant 0 : i32
        %dma_start3A_1099 = tpu.memref_slice %arg6[%sub3A_1016, %dma_start3A_1096, %dma_start3A_1097, %dma_start3A_1098] : memref<2x2x80x128xf32, #tpu.memory_space<vmem>> -> memref<1x1x20x128xf32, #tpu.memory_space<vmem>>
        %dma_start3A_1100 = tpu.memref_squeeze %dma_start3A_1099 : memref<1x1x20x128xf32, #tpu.memory_space<vmem>> -> memref<20x128xf32, #tpu.memory_space<vmem>>
        %dma_start3A_1101 = arith.constant 0 : i32
        %dma_start3A_1102 = arith.constant 0 : i32
        %dma_start3A_1103 = tpu.memref_slice %arg4[%add3A_1023, %dma_start3A_1101, %dma_start3A_1102] : memref<4096x20x300xf32, #tpu.memory_space<hbm>> -> memref<1x20x300xf32, #tpu.memory_space<hbm>>
        %dma_start3A_1104 = tpu.memref_squeeze %dma_start3A_1103 : memref<1x20x300xf32, #tpu.memory_space<hbm>> -> memref<20x300xf32, #tpu.memory_space<hbm>>
        %dma_start3A_1105 = arith.constant 0 : i32
        %dma_start3A_1106 = arith.constant 0 : i32
        %dma_start3A_1107 = tpu.memref_slice %dma_start3A_1104[%dma_start3A_1105, %dma_start3A_1106] : memref<20x300xf32, #tpu.memory_space<hbm>> -> memref<20x128xf32, #tpu.memory_space<hbm>>
        %dma_start3A_1108 = arith.constant 0 : i32
        %dma_start3A_1109 = arith.constant 0 : i32
        %dma_start3A_1110 = tpu.memref_slice %arg4[%add3A_1023, %dma_start3A_1108, %dma_start3A_1109] : memref<4096x20x300xf32, #tpu.memory_space<hbm>> -> memref<1x20x300xf32, #tpu.memory_space<hbm>>
        %dma_start3A_1111 = tpu.memref_squeeze %dma_start3A_1110 : memref<1x20x300xf32, #tpu.memory_space<hbm>> -> memref<20x300xf32, #tpu.memory_space<hbm>>
        %dma_start3A_1112 = arith.constant 0 : i32
        %dma_start3A_1113 = arith.constant 0 : i32
        %dma_start3A_1114 = tpu.memref_slice %dma_start3A_1111[%dma_start3A_1112, %dma_start3A_1113] : memref<20x300xf32, #tpu.memory_space<hbm>> -> memref<20x128xf32, #tpu.memory_space<hbm>>
        %dma_start3A_1115 = arith.constant 20 : i32
        %dma_start3A_1116 = arith.constant 0 : i32
        %dma_start3A_1117 = tpu.memref_slice %arg6[%sub3A_1016, %dma_start3A_1096, %dma_start3A_1115, %dma_start3A_1116] : memref<2x2x80x128xf32, #tpu.memory_space<vmem>> -> memref<1x1x20x128xf32, #tpu.memory_space<vmem>>
        %dma_start3A_1118 = tpu.memref_squeeze %dma_start3A_1117 : memref<1x1x20x128xf32, #tpu.memory_space<vmem>> -> memref<20x128xf32, #tpu.memory_space<vmem>>
        tpu.enqueue_dma source(%dma_start3A_1118 : memref<20x128xf32, #tpu.memory_space<vmem>>) target(%dma_start3A_1114 : memref<20x128xf32, #tpu.memory_space<hbm>>) target_semaphore(%arg10 : memref<!tpu.dma_semaphore, #tpu.memory_space<semaphore_mem>>)
        %dma_start3A_1119 = arith.constant 1 : i32
        %dma_start3A_1120 = arith.constant 20 : i32
        %dma_start3A_1121 = arith.constant 0 : i32
        %dma_start3A_1122 = tpu.memref_slice %arg6[%sub3A_1016, %dma_start3A_1119, %dma_start3A_1120, %dma_start3A_1121] : memref<2x2x80x128xf32, #tpu.memory_space<vmem>> -> memref<1x1x20x128xf32, #tpu.memory_space<vmem>>
        %dma_start3A_1123 = tpu.memref_squeeze %dma_start3A_1122 : memref<1x1x20x128xf32, #tpu.memory_space<vmem>> -> memref<20x128xf32, #tpu.memory_space<vmem>>
        %dma_start3A_1124 = arith.constant 0 : i32
        %dma_start3A_1125 = arith.constant 0 : i32
        %dma_start3A_1126 = tpu.memref_slice %arg4[%add3A_1023, %dma_start3A_1124, %dma_start3A_1125] : memref<4096x20x300xf32, #tpu.memory_space<hbm>> -> memref<1x20x300xf32, #tpu.memory_space<hbm>>
        %dma_start3A_1127 = tpu.memref_squeeze %dma_start3A_1126 : memref<1x20x300xf32, #tpu.memory_space<hbm>> -> memref<20x300xf32, #tpu.memory_space<hbm>>
        %dma_start3A_1128 = arith.constant 0 : i32
        %dma_start3A_1129 = arith.constant 128 : i32
        %dma_start3A_1130 = tpu.memref_slice %dma_start3A_1127[%dma_start3A_1128, %dma_start3A_1129] : memref<20x300xf32, #tpu.memory_space<hbm>> -> memref<20x128xf32, #tpu.memory_space<hbm>>
        %dma_start3A_1131 = arith.constant 0 : i32
        %dma_start3A_1132 = arith.constant 0 : i32
        %dma_start3A_1133 = tpu.memref_slice %arg4[%add3A_1023, %dma_start3A_1131, %dma_start3A_1132] : memref<4096x20x300xf32, #tpu.memory_space<hbm>> -> memref<1x20x300xf32, #tpu.memory_space<hbm>>
        %dma_start3A_1134 = tpu.memref_squeeze %dma_start3A_1133 : memref<1x20x300xf32, #tpu.memory_space<hbm>> -> memref<20x300xf32, #tpu.memory_space<hbm>>
        %dma_start3A_1135 = arith.constant 0 : i32
        %dma_start3A_1136 = arith.constant 128 : i32
        %dma_start3A_1137 = tpu.memref_slice %dma_start3A_1134[%dma_start3A_1135, %dma_start3A_1136] : memref<20x300xf32, #tpu.memory_space<hbm>> -> memref<20x128xf32, #tpu.memory_space<hbm>>
        %dma_start3A_1138 = arith.constant 20 : i32
        %dma_start3A_1139 = arith.constant 0 : i32
        %dma_start3A_1140 = tpu.memref_slice %arg6[%sub3A_1016, %dma_start3A_1119, %dma_start3A_1138, %dma_start3A_1139] : memref<2x2x80x128xf32, #tpu.memory_space<vmem>> -> memref<1x1x20x128xf32, #tpu.memory_space<vmem>>
        %dma_start3A_1141 = tpu.memref_squeeze %dma_start3A_1140 : memref<1x1x20x128xf32, #tpu.memory_space<vmem>> -> memref<20x128xf32, #tpu.memory_space<vmem>>
        tpu.enqueue_dma source(%dma_start3A_1141 : memref<20x128xf32, #tpu.memory_space<vmem>>) target(%dma_start3A_1137 : memref<20x128xf32, #tpu.memory_space<hbm>>) target_semaphore(%arg10 : memref<!tpu.dma_semaphore, #tpu.memory_space<semaphore_mem>>)
        %dma_start3A_1142 = arith.constant 20 : i32
        %dma_start3A_1143 = arith.constant 0 : i32
        %dma_start3A_1144 = tpu.memref_slice %arg7[%sub3A_1016, %dma_start3A_1142, %dma_start3A_1143] : memref<2x80x44xf32, #tpu.memory_space<vmem>> -> memref<1x20x44xf32, #tpu.memory_space<vmem>>
        %dma_start3A_1145 = tpu.memref_squeeze %dma_start3A_1144 : memref<1x20x44xf32, #tpu.memory_space<vmem>> -> memref<20x44xf32, #tpu.memory_space<vmem>>
        %dma_start3A_1146 = arith.constant 0 : i32
        %dma_start3A_1147 = arith.constant 0 : i32
        %dma_start3A_1148 = tpu.memref_slice %arg4[%add3A_1023, %dma_start3A_1146, %dma_start3A_1147] : memref<4096x20x300xf32, #tpu.memory_space<hbm>> -> memref<1x20x300xf32, #tpu.memory_space<hbm>>
        %dma_start3A_1149 = tpu.memref_squeeze %dma_start3A_1148 : memref<1x20x300xf32, #tpu.memory_space<hbm>> -> memref<20x300xf32, #tpu.memory_space<hbm>>
        %dma_start3A_1150 = arith.constant 0 : i32
        %dma_start3A_1151 = arith.constant 256 : i32
        %dma_start3A_1152 = tpu.memref_slice %dma_start3A_1149[%dma_start3A_1150, %dma_start3A_1151] : memref<20x300xf32, #tpu.memory_space<hbm>> -> memref<20x44xf32, #tpu.memory_space<hbm>>
        %dma_start3A_1153 = arith.constant 0 : i32
        %dma_start3A_1154 = arith.constant 0 : i32
        %dma_start3A_1155 = tpu.memref_slice %arg4[%add3A_1023, %dma_start3A_1153, %dma_start3A_1154] : memref<4096x20x300xf32, #tpu.memory_space<hbm>> -> memref<1x20x300xf32, #tpu.memory_space<hbm>>
        %dma_start3A_1156 = tpu.memref_squeeze %dma_start3A_1155 : memref<1x20x300xf32, #tpu.memory_space<hbm>> -> memref<20x300xf32, #tpu.memory_space<hbm>>
        %dma_start3A_1157 = arith.constant 0 : i32
        %dma_start3A_1158 = arith.constant 256 : i32
        %dma_start3A_1159 = tpu.memref_slice %dma_start3A_1156[%dma_start3A_1157, %dma_start3A_1158] : memref<20x300xf32, #tpu.memory_space<hbm>> -> memref<20x44xf32, #tpu.memory_space<hbm>>
        %dma_start3A_1160 = arith.constant 20 : i32
        %dma_start3A_1161 = arith.constant 0 : i32
        %dma_start3A_1162 = tpu.memref_slice %arg7[%sub3A_1016, %dma_start3A_1160, %dma_start3A_1161] : memref<2x80x44xf32, #tpu.memory_space<vmem>> -> memref<1x20x44xf32, #tpu.memory_space<vmem>>
        %dma_start3A_1163 = tpu.memref_squeeze %dma_start3A_1162 : memref<1x20x44xf32, #tpu.memory_space<vmem>> -> memref<20x44xf32, #tpu.memory_space<vmem>>
        tpu.enqueue_dma source(%dma_start3A_1163 : memref<20x44xf32, #tpu.memory_space<vmem>>) target(%dma_start3A_1159 : memref<20x44xf32, #tpu.memory_space<hbm>>) target_semaphore(%arg10 : memref<!tpu.dma_semaphore, #tpu.memory_space<semaphore_mem>>)
        %dma_start3A_1164 = arith.constant 0 : i32
        %dma_start3A_1165 = arith.constant 40 : i32
        %dma_start3A_1166 = arith.constant 0 : i32
        %dma_start3A_1167 = tpu.memref_slice %arg6[%sub3A_1016, %dma_start3A_1164, %dma_start3A_1165, %dma_start3A_1166] : memref<2x2x80x128xf32, #tpu.memory_space<vmem>> -> memref<1x1x20x128xf32, #tpu.memory_space<vmem>>
        %dma_start3A_1168 = tpu.memref_squeeze %dma_start3A_1167 : memref<1x1x20x128xf32, #tpu.memory_space<vmem>> -> memref<20x128xf32, #tpu.memory_space<vmem>>
        %dma_start3A_1169 = arith.constant 0 : i32
        %dma_start3A_1170 = arith.constant 0 : i32
        %dma_start3A_1171 = tpu.memref_slice %arg4[%add3A_1025, %dma_start3A_1169, %dma_start3A_1170] : memref<4096x20x300xf32, #tpu.memory_space<hbm>> -> memref<1x20x300xf32, #tpu.memory_space<hbm>>
        %dma_start3A_1172 = tpu.memref_squeeze %dma_start3A_1171 : memref<1x20x300xf32, #tpu.memory_space<hbm>> -> memref<20x300xf32, #tpu.memory_space<hbm>>
        %dma_start3A_1173 = arith.constant 0 : i32
        %dma_start3A_1174 = arith.constant 0 : i32
        %dma_start3A_1175 = tpu.memref_slice %dma_start3A_1172[%dma_start3A_1173, %dma_start3A_1174] : memref<20x300xf32, #tpu.memory_space<hbm>> -> memref<20x128xf32, #tpu.memory_space<hbm>>
        %dma_start3A_1176 = arith.constant 0 : i32
        %dma_start3A_1177 = arith.constant 0 : i32
        %dma_start3A_1178 = tpu.memref_slice %arg4[%add3A_1025, %dma_start3A_1176, %dma_start3A_1177] : memref<4096x20x300xf32, #tpu.memory_space<hbm>> -> memref<1x20x300xf32, #tpu.memory_space<hbm>>
        %dma_start3A_1179 = tpu.memref_squeeze %dma_start3A_1178 : memref<1x20x300xf32, #tpu.memory_space<hbm>> -> memref<20x300xf32, #tpu.memory_space<hbm>>
        %dma_start3A_1180 = arith.constant 0 : i32
        %dma_start3A_1181 = arith.constant 0 : i32
        %dma_start3A_1182 = tpu.memref_slice %dma_start3A_1179[%dma_start3A_1180, %dma_start3A_1181] : memref<20x300xf32, #tpu.memory_space<hbm>> -> memref<20x128xf32, #tpu.memory_space<hbm>>
        %dma_start3A_1183 = arith.constant 40 : i32
        %dma_start3A_1184 = arith.constant 0 : i32
        %dma_start3A_1185 = tpu.memref_slice %arg6[%sub3A_1016, %dma_start3A_1164, %dma_start3A_1183, %dma_start3A_1184] : memref<2x2x80x128xf32, #tpu.memory_space<vmem>> -> memref<1x1x20x128xf32, #tpu.memory_space<vmem>>
        %dma_start3A_1186 = tpu.memref_squeeze %dma_start3A_1185 : memref<1x1x20x128xf32, #tpu.memory_space<vmem>> -> memref<20x128xf32, #tpu.memory_space<vmem>>
        tpu.enqueue_dma source(%dma_start3A_1186 : memref<20x128xf32, #tpu.memory_space<vmem>>) target(%dma_start3A_1182 : memref<20x128xf32, #tpu.memory_space<hbm>>) target_semaphore(%arg10 : memref<!tpu.dma_semaphore, #tpu.memory_space<semaphore_mem>>)
        %dma_start3A_1187 = arith.constant 1 : i32
        %dma_start3A_1188 = arith.constant 40 : i32
        %dma_start3A_1189 = arith.constant 0 : i32
        %dma_start3A_1190 = tpu.memref_slice %arg6[%sub3A_1016, %dma_start3A_1187, %dma_start3A_1188, %dma_start3A_1189] : memref<2x2x80x128xf32, #tpu.memory_space<vmem>> -> memref<1x1x20x128xf32, #tpu.memory_space<vmem>>
        %dma_start3A_1191 = tpu.memref_squeeze %dma_start3A_1190 : memref<1x1x20x128xf32, #tpu.memory_space<vmem>> -> memref<20x128xf32, #tpu.memory_space<vmem>>
        %dma_start3A_1192 = arith.constant 0 : i32
        %dma_start3A_1193 = arith.constant 0 : i32
        %dma_start3A_1194 = tpu.memref_slice %arg4[%add3A_1025, %dma_start3A_1192, %dma_start3A_1193] : memref<4096x20x300xf32, #tpu.memory_space<hbm>> -> memref<1x20x300xf32, #tpu.memory_space<hbm>>
        %dma_start3A_1195 = tpu.memref_squeeze %dma_start3A_1194 : memref<1x20x300xf32, #tpu.memory_space<hbm>> -> memref<20x300xf32, #tpu.memory_space<hbm>>
        %dma_start3A_1196 = arith.constant 0 : i32
        %dma_start3A_1197 = arith.constant 128 : i32
        %dma_start3A_1198 = tpu.memref_slice %dma_start3A_1195[%dma_start3A_1196, %dma_start3A_1197] : memref<20x300xf32, #tpu.memory_space<hbm>> -> memref<20x128xf32, #tpu.memory_space<hbm>>
        %dma_start3A_1199 = arith.constant 0 : i32
        %dma_start3A_1200 = arith.constant 0 : i32
        %dma_start3A_1201 = tpu.memref_slice %arg4[%add3A_1025, %dma_start3A_1199, %dma_start3A_1200] : memref<4096x20x300xf32, #tpu.memory_space<hbm>> -> memref<1x20x300xf32, #tpu.memory_space<hbm>>
        %dma_start3A_1202 = tpu.memref_squeeze %dma_start3A_1201 : memref<1x20x300xf32, #tpu.memory_space<hbm>> -> memref<20x300xf32, #tpu.memory_space<hbm>>
        %dma_start3A_1203 = arith.constant 0 : i32
        %dma_start3A_1204 = arith.constant 128 : i32
        %dma_start3A_1205 = tpu.memref_slice %dma_start3A_1202[%dma_start3A_1203, %dma_start3A_1204] : memref<20x300xf32, #tpu.memory_space<hbm>> -> memref<20x128xf32, #tpu.memory_space<hbm>>
        %dma_start3A_1206 = arith.constant 40 : i32
        %dma_start3A_1207 = arith.constant 0 : i32
        %dma_start3A_1208 = tpu.memref_slice %arg6[%sub3A_1016, %dma_start3A_1187, %dma_start3A_1206, %dma_start3A_1207] : memref<2x2x80x128xf32, #tpu.memory_space<vmem>> -> memref<1x1x20x128xf32, #tpu.memory_space<vmem>>
        %dma_start3A_1209 = tpu.memref_squeeze %dma_start3A_1208 : memref<1x1x20x128xf32, #tpu.memory_space<vmem>> -> memref<20x128xf32, #tpu.memory_space<vmem>>
        tpu.enqueue_dma source(%dma_start3A_1209 : memref<20x128xf32, #tpu.memory_space<vmem>>) target(%dma_start3A_1205 : memref<20x128xf32, #tpu.memory_space<hbm>>) target_semaphore(%arg10 : memref<!tpu.dma_semaphore, #tpu.memory_space<semaphore_mem>>)
        %dma_start3A_1210 = arith.constant 40 : i32
        %dma_start3A_1211 = arith.constant 0 : i32
        %dma_start3A_1212 = tpu.memref_slice %arg7[%sub3A_1016, %dma_start3A_1210, %dma_start3A_1211] : memref<2x80x44xf32, #tpu.memory_space<vmem>> -> memref<1x20x44xf32, #tpu.memory_space<vmem>>
        %dma_start3A_1213 = tpu.memref_squeeze %dma_start3A_1212 : memref<1x20x44xf32, #tpu.memory_space<vmem>> -> memref<20x44xf32, #tpu.memory_space<vmem>>
        %dma_start3A_1214 = arith.constant 0 : i32
        %dma_start3A_1215 = arith.constant 0 : i32
        %dma_start3A_1216 = tpu.memref_slice %arg4[%add3A_1025, %dma_start3A_1214, %dma_start3A_1215] : memref<4096x20x300xf32, #tpu.memory_space<hbm>> -> memref<1x20x300xf32, #tpu.memory_space<hbm>>
        %dma_start3A_1217 = tpu.memref_squeeze %dma_start3A_1216 : memref<1x20x300xf32, #tpu.memory_space<hbm>> -> memref<20x300xf32, #tpu.memory_space<hbm>>
        %dma_start3A_1218 = arith.constant 0 : i32
        %dma_start3A_1219 = arith.constant 256 : i32
        %dma_start3A_1220 = tpu.memref_slice %dma_start3A_1217[%dma_start3A_1218, %dma_start3A_1219] : memref<20x300xf32, #tpu.memory_space<hbm>> -> memref<20x44xf32, #tpu.memory_space<hbm>>
        %dma_start3A_1221 = arith.constant 0 : i32
        %dma_start3A_1222 = arith.constant 0 : i32
        %dma_start3A_1223 = tpu.memref_slice %arg4[%add3A_1025, %dma_start3A_1221, %dma_start3A_1222] : memref<4096x20x300xf32, #tpu.memory_space<hbm>> -> memref<1x20x300xf32, #tpu.memory_space<hbm>>
        %dma_start3A_1224 = tpu.memref_squeeze %dma_start3A_1223 : memref<1x20x300xf32, #tpu.memory_space<hbm>> -> memref<20x300xf32, #tpu.memory_space<hbm>>
        %dma_start3A_1225 = arith.constant 0 : i32
        %dma_start3A_1226 = arith.constant 256 : i32
        %dma_start3A_1227 = tpu.memref_slice %dma_start3A_1224[%dma_start3A_1225, %dma_start3A_1226] : memref<20x300xf32, #tpu.memory_space<hbm>> -> memref<20x44xf32, #tpu.memory_space<hbm>>
        %dma_start3A_1228 = arith.constant 40 : i32
        %dma_start3A_1229 = arith.constant 0 : i32
        %dma_start3A_1230 = tpu.memref_slice %arg7[%sub3A_1016, %dma_start3A_1228, %dma_start3A_1229] : memref<2x80x44xf32, #tpu.memory_space<vmem>> -> memref<1x20x44xf32, #tpu.memory_space<vmem>>
        %dma_start3A_1231 = tpu.memref_squeeze %dma_start3A_1230 : memref<1x20x44xf32, #tpu.memory_space<vmem>> -> memref<20x44xf32, #tpu.memory_space<vmem>>
        tpu.enqueue_dma source(%dma_start3A_1231 : memref<20x44xf32, #tpu.memory_space<vmem>>) target(%dma_start3A_1227 : memref<20x44xf32, #tpu.memory_space<hbm>>) target_semaphore(%arg10 : memref<!tpu.dma_semaphore, #tpu.memory_space<semaphore_mem>>)
        %dma_start3A_1232 = arith.constant 0 : i32
        %dma_start3A_1233 = arith.constant 60 : i32
        %dma_start3A_1234 = arith.constant 0 : i32
        %dma_start3A_1235 = tpu.memref_slice %arg6[%sub3A_1016, %dma_start3A_1232, %dma_start3A_1233, %dma_start3A_1234] : memref<2x2x80x128xf32, #tpu.memory_space<vmem>> -> memref<1x1x20x128xf32, #tpu.memory_space<vmem>>
        %dma_start3A_1236 = tpu.memref_squeeze %dma_start3A_1235 : memref<1x1x20x128xf32, #tpu.memory_space<vmem>> -> memref<20x128xf32, #tpu.memory_space<vmem>>
        %dma_start3A_1237 = arith.constant 0 : i32
        %dma_start3A_1238 = arith.constant 0 : i32
        %dma_start3A_1239 = tpu.memref_slice %arg4[%add3A_1027, %dma_start3A_1237, %dma_start3A_1238] : memref<4096x20x300xf32, #tpu.memory_space<hbm>> -> memref<1x20x300xf32, #tpu.memory_space<hbm>>
        %dma_start3A_1240 = tpu.memref_squeeze %dma_start3A_1239 : memref<1x20x300xf32, #tpu.memory_space<hbm>> -> memref<20x300xf32, #tpu.memory_space<hbm>>
        %dma_start3A_1241 = arith.constant 0 : i32
        %dma_start3A_1242 = arith.constant 0 : i32
        %dma_start3A_1243 = tpu.memref_slice %dma_start3A_1240[%dma_start3A_1241, %dma_start3A_1242] : memref<20x300xf32, #tpu.memory_space<hbm>> -> memref<20x128xf32, #tpu.memory_space<hbm>>
        %dma_start3A_1244 = arith.constant 0 : i32
        %dma_start3A_1245 = arith.constant 0 : i32
        %dma_start3A_1246 = tpu.memref_slice %arg4[%add3A_1027, %dma_start3A_1244, %dma_start3A_1245] : memref<4096x20x300xf32, #tpu.memory_space<hbm>> -> memref<1x20x300xf32, #tpu.memory_space<hbm>>
        %dma_start3A_1247 = tpu.memref_squeeze %dma_start3A_1246 : memref<1x20x300xf32, #tpu.memory_space<hbm>> -> memref<20x300xf32, #tpu.memory_space<hbm>>
        %dma_start3A_1248 = arith.constant 0 : i32
        %dma_start3A_1249 = arith.constant 0 : i32
        %dma_start3A_1250 = tpu.memref_slice %dma_start3A_1247[%dma_start3A_1248, %dma_start3A_1249] : memref<20x300xf32, #tpu.memory_space<hbm>> -> memref<20x128xf32, #tpu.memory_space<hbm>>
        %dma_start3A_1251 = arith.constant 60 : i32
        %dma_start3A_1252 = arith.constant 0 : i32
        %dma_start3A_1253 = tpu.memref_slice %arg6[%sub3A_1016, %dma_start3A_1232, %dma_start3A_1251, %dma_start3A_1252] : memref<2x2x80x128xf32, #tpu.memory_space<vmem>> -> memref<1x1x20x128xf32, #tpu.memory_space<vmem>>
        %dma_start3A_1254 = tpu.memref_squeeze %dma_start3A_1253 : memref<1x1x20x128xf32, #tpu.memory_space<vmem>> -> memref<20x128xf32, #tpu.memory_space<vmem>>
        tpu.enqueue_dma source(%dma_start3A_1254 : memref<20x128xf32, #tpu.memory_space<vmem>>) target(%dma_start3A_1250 : memref<20x128xf32, #tpu.memory_space<hbm>>) target_semaphore(%arg10 : memref<!tpu.dma_semaphore, #tpu.memory_space<semaphore_mem>>)
        %dma_start3A_1255 = arith.constant 1 : i32
        %dma_start3A_1256 = arith.constant 60 : i32
        %dma_start3A_1257 = arith.constant 0 : i32
        %dma_start3A_1258 = tpu.memref_slice %arg6[%sub3A_1016, %dma_start3A_1255, %dma_start3A_1256, %dma_start3A_1257] : memref<2x2x80x128xf32, #tpu.memory_space<vmem>> -> memref<1x1x20x128xf32, #tpu.memory_space<vmem>>
        %dma_start3A_1259 = tpu.memref_squeeze %dma_start3A_1258 : memref<1x1x20x128xf32, #tpu.memory_space<vmem>> -> memref<20x128xf32, #tpu.memory_space<vmem>>
        %dma_start3A_1260 = arith.constant 0 : i32
        %dma_start3A_1261 = arith.constant 0 : i32
        %dma_start3A_1262 = tpu.memref_slice %arg4[%add3A_1027, %dma_start3A_1260, %dma_start3A_1261] : memref<4096x20x300xf32, #tpu.memory_space<hbm>> -> memref<1x20x300xf32, #tpu.memory_space<hbm>>
        %dma_start3A_1263 = tpu.memref_squeeze %dma_start3A_1262 : memref<1x20x300xf32, #tpu.memory_space<hbm>> -> memref<20x300xf32, #tpu.memory_space<hbm>>
        %dma_start3A_1264 = arith.constant 0 : i32
        %dma_start3A_1265 = arith.constant 128 : i32
        %dma_start3A_1266 = tpu.memref_slice %dma_start3A_1263[%dma_start3A_1264, %dma_start3A_1265] : memref<20x300xf32, #tpu.memory_space<hbm>> -> memref<20x128xf32, #tpu.memory_space<hbm>>
        %dma_start3A_1267 = arith.constant 0 : i32
        %dma_start3A_1268 = arith.constant 0 : i32
        %dma_start3A_1269 = tpu.memref_slice %arg4[%add3A_1027, %dma_start3A_1267, %dma_start3A_1268] : memref<4096x20x300xf32, #tpu.memory_space<hbm>> -> memref<1x20x300xf32, #tpu.memory_space<hbm>>
        %dma_start3A_1270 = tpu.memref_squeeze %dma_start3A_1269 : memref<1x20x300xf32, #tpu.memory_space<hbm>> -> memref<20x300xf32, #tpu.memory_space<hbm>>
        %dma_start3A_1271 = arith.constant 0 : i32
        %dma_start3A_1272 = arith.constant 128 : i32
        %dma_start3A_1273 = tpu.memref_slice %dma_start3A_1270[%dma_start3A_1271, %dma_start3A_1272] : memref<20x300xf32, #tpu.memory_space<hbm>> -> memref<20x128xf32, #tpu.memory_space<hbm>>
        %dma_start3A_1274 = arith.constant 60 : i32
        %dma_start3A_1275 = arith.constant 0 : i32
        %dma_start3A_1276 = tpu.memref_slice %arg6[%sub3A_1016, %dma_start3A_1255, %dma_start3A_1274, %dma_start3A_1275] : memref<2x2x80x128xf32, #tpu.memory_space<vmem>> -> memref<1x1x20x128xf32, #tpu.memory_space<vmem>>
        %dma_start3A_1277 = tpu.memref_squeeze %dma_start3A_1276 : memref<1x1x20x128xf32, #tpu.memory_space<vmem>> -> memref<20x128xf32, #tpu.memory_space<vmem>>
        tpu.enqueue_dma source(%dma_start3A_1277 : memref<20x128xf32, #tpu.memory_space<vmem>>) target(%dma_start3A_1273 : memref<20x128xf32, #tpu.memory_space<hbm>>) target_semaphore(%arg10 : memref<!tpu.dma_semaphore, #tpu.memory_space<semaphore_mem>>)
        %dma_start3A_1278 = arith.constant 60 : i32
        %dma_start3A_1279 = arith.constant 0 : i32
        %dma_start3A_1280 = tpu.memref_slice %arg7[%sub3A_1016, %dma_start3A_1278, %dma_start3A_1279] : memref<2x80x44xf32, #tpu.memory_space<vmem>> -> memref<1x20x44xf32, #tpu.memory_space<vmem>>
        %dma_start3A_1281 = tpu.memref_squeeze %dma_start3A_1280 : memref<1x20x44xf32, #tpu.memory_space<vmem>> -> memref<20x44xf32, #tpu.memory_space<vmem>>
        %dma_start3A_1282 = arith.constant 0 : i32
        %dma_start3A_1283 = arith.constant 0 : i32
        %dma_start3A_1284 = tpu.memref_slice %arg4[%add3A_1027, %dma_start3A_1282, %dma_start3A_1283] : memref<4096x20x300xf32, #tpu.memory_space<hbm>> -> memref<1x20x300xf32, #tpu.memory_space<hbm>>
        %dma_start3A_1285 = tpu.memref_squeeze %dma_start3A_1284 : memref<1x20x300xf32, #tpu.memory_space<hbm>> -> memref<20x300xf32, #tpu.memory_space<hbm>>
        %dma_start3A_1286 = arith.constant 0 : i32
        %dma_start3A_1287 = arith.constant 256 : i32
        %dma_start3A_1288 = tpu.memref_slice %dma_start3A_1285[%dma_start3A_1286, %dma_start3A_1287] : memref<20x300xf32, #tpu.memory_space<hbm>> -> memref<20x44xf32, #tpu.memory_space<hbm>>
        %dma_start3A_1289 = arith.constant 0 : i32
        %dma_start3A_1290 = arith.constant 0 : i32
        %dma_start3A_1291 = tpu.memref_slice %arg4[%add3A_1027, %dma_start3A_1289, %dma_start3A_1290] : memref<4096x20x300xf32, #tpu.memory_space<hbm>> -> memref<1x20x300xf32, #tpu.memory_space<hbm>>
        %dma_start3A_1292 = tpu.memref_squeeze %dma_start3A_1291 : memref<1x20x300xf32, #tpu.memory_space<hbm>> -> memref<20x300xf32, #tpu.memory_space<hbm>>
        %dma_start3A_1293 = arith.constant 0 : i32
        %dma_start3A_1294 = arith.constant 256 : i32
        %dma_start3A_1295 = tpu.memref_slice %dma_start3A_1292[%dma_start3A_1293, %dma_start3A_1294] : memref<20x300xf32, #tpu.memory_space<hbm>> -> memref<20x44xf32, #tpu.memory_space<hbm>>
        %dma_start3A_1296 = arith.constant 60 : i32
        %dma_start3A_1297 = arith.constant 0 : i32
        %dma_start3A_1298 = tpu.memref_slice %arg7[%sub3A_1016, %dma_start3A_1296, %dma_start3A_1297] : memref<2x80x44xf32, #tpu.memory_space<vmem>> -> memref<1x20x44xf32, #tpu.memory_space<vmem>>
        %dma_start3A_1299 = tpu.memref_squeeze %dma_start3A_1298 : memref<1x20x44xf32, #tpu.memory_space<vmem>> -> memref<20x44xf32, #tpu.memory_space<vmem>>
        tpu.enqueue_dma source(%dma_start3A_1299 : memref<20x44xf32, #tpu.memory_space<vmem>>) target(%dma_start3A_1295 : memref<20x44xf32, #tpu.memory_space<hbm>>) target_semaphore(%arg10 : memref<!tpu.dma_semaphore, #tpu.memory_space<semaphore_mem>>)
      } else {
      }
    }
    %scan3A_7 = arith.constant 32 : i32
    %dma_wait3A = arith.constant 31 : i32
    %dma_wait3A_8 = arith.constant 1 : i32
    %dma_wait3A_9 = arith.constant 0 : i32
    %dma_wait3A_10 = arith.constant 0 : i32
    %dma_wait3A_11 = arith.constant 0 : i32
    %dma_wait3A_12 = tpu.memref_slice %arg6[%dma_wait3A_8, %dma_wait3A_9, %dma_wait3A_10, %dma_wait3A_11] : memref<2x2x80x128xf32, #tpu.memory_space<vmem>> -> memref<1x1x80x128xf32, #tpu.memory_space<vmem>>
    %dma_wait3A_13 = tpu.memref_squeeze %dma_wait3A_12 : memref<1x1x80x128xf32, #tpu.memory_space<vmem>> -> memref<80x128xf32, #tpu.memory_space<vmem>>
    %dma_wait3A_14 = arith.constant 0 : i32
    %dma_wait3A_15 = tpu.memref_slice %arg5[%dma_wait3A, %dma_wait3A_14] : memref<32x80xi32, #tpu.memory_space<vmem>> -> memref<1x80xi32, #tpu.memory_space<vmem>>
    %dma_wait3A_16 = tpu.memref_squeeze %dma_wait3A_15 : memref<1x80xi32, #tpu.memory_space<vmem>> -> memref<80xi32, #tpu.memory_space<vmem>>
    %dma_wait3A_17 = arith.constant 0 : i32
    %dma_wait3A_18 = arith.constant 0 : i32
    %dma_wait3A_19 = tpu.memref_slice %arg3[%dma_wait3A_17, %dma_wait3A_18] : memref<400000x300xf32, #tpu.memory_space<hbm>> -> memref<400000x128xf32, #tpu.memory_space<hbm>>
    tpu.wait_indirect_dma semaphore(%arg8 : memref<!tpu.dma_semaphore, #tpu.memory_space<semaphore_mem>>) src(%dma_wait3A_19 : memref<400000x128xf32, #tpu.memory_space<hbm>>) dst(%dma_wait3A_13 : memref<80x128xf32, #tpu.memory_space<vmem>>)
    %dma_wait3A_20 = arith.constant 31 : i32
    %dma_wait3A_21 = arith.constant 1 : i32
    %dma_wait3A_22 = arith.constant 1 : i32
    %dma_wait3A_23 = arith.constant 0 : i32
    %dma_wait3A_24 = arith.constant 0 : i32
    %dma_wait3A_25 = tpu.memref_slice %arg6[%dma_wait3A_21, %dma_wait3A_22, %dma_wait3A_23, %dma_wait3A_24] : memref<2x2x80x128xf32, #tpu.memory_space<vmem>> -> memref<1x1x80x128xf32, #tpu.memory_space<vmem>>
    %dma_wait3A_26 = tpu.memref_squeeze %dma_wait3A_25 : memref<1x1x80x128xf32, #tpu.memory_space<vmem>> -> memref<80x128xf32, #tpu.memory_space<vmem>>
    %dma_wait3A_27 = arith.constant 0 : i32
    %dma_wait3A_28 = tpu.memref_slice %arg5[%dma_wait3A_20, %dma_wait3A_27] : memref<32x80xi32, #tpu.memory_space<vmem>> -> memref<1x80xi32, #tpu.memory_space<vmem>>
    %dma_wait3A_29 = tpu.memref_squeeze %dma_wait3A_28 : memref<1x80xi32, #tpu.memory_space<vmem>> -> memref<80xi32, #tpu.memory_space<vmem>>
    %dma_wait3A_30 = arith.constant 0 : i32
    %dma_wait3A_31 = arith.constant 128 : i32
    %dma_wait3A_32 = tpu.memref_slice %arg3[%dma_wait3A_30, %dma_wait3A_31] : memref<400000x300xf32, #tpu.memory_space<hbm>> -> memref<400000x128xf32, #tpu.memory_space<hbm>>
    tpu.wait_indirect_dma semaphore(%arg8 : memref<!tpu.dma_semaphore, #tpu.memory_space<semaphore_mem>>) src(%dma_wait3A_32 : memref<400000x128xf32, #tpu.memory_space<hbm>>) dst(%dma_wait3A_26 : memref<80x128xf32, #tpu.memory_space<vmem>>)
    %dma_wait3A_33 = arith.constant 1 : i32
    %dma_wait3A_34 = arith.constant 0 : i32
    %dma_wait3A_35 = arith.constant 0 : i32
    %dma_wait3A_36 = tpu.memref_slice %arg7[%dma_wait3A_33, %dma_wait3A_34, %dma_wait3A_35] : memref<2x80x44xf32, #tpu.memory_space<vmem>> -> memref<1x80x44xf32, #tpu.memory_space<vmem>>
    %dma_wait3A_37 = tpu.memref_squeeze %dma_wait3A_36 : memref<1x80x44xf32, #tpu.memory_space<vmem>> -> memref<80x44xf32, #tpu.memory_space<vmem>>
    %dma_wait3A_38 = arith.constant 0 : i32
    %dma_wait3A_39 = arith.constant 256 : i32
    %dma_wait3A_40 = tpu.memref_slice %arg3[%dma_wait3A_38, %dma_wait3A_39] : memref<400000x300xf32, #tpu.memory_space<hbm>> -> memref<80x44xf32, #tpu.memory_space<hbm>>
    %dma_wait3A_41 = arith.constant 0 : i32
    %dma_wait3A_42 = arith.constant 0 : i32
    %dma_wait3A_43 = tpu.memref_slice %arg7[%dma_wait3A_33, %dma_wait3A_41, %dma_wait3A_42] : memref<2x80x44xf32, #tpu.memory_space<vmem>> -> memref<1x80x44xf32, #tpu.memory_space<vmem>>
    %dma_wait3A_44 = tpu.memref_squeeze %dma_wait3A_43 : memref<1x80x44xf32, #tpu.memory_space<vmem>> -> memref<80x44xf32, #tpu.memory_space<vmem>>
    %dma_wait3A_45 = arith.constant 0 : i32
    %dma_wait3A_46 = arith.constant 256 : i32
    %dma_wait3A_47 = tpu.memref_slice %arg3[%dma_wait3A_45, %dma_wait3A_46] : memref<400000x300xf32, #tpu.memory_space<hbm>> -> memref<80x44xf32, #tpu.memory_space<hbm>>
    tpu.wait_dma2 semaphore(%arg9 : memref<!tpu.dma_semaphore, #tpu.memory_space<semaphore_mem>>) src(%dma_wait3A_47 : memref<80x44xf32, #tpu.memory_space<hbm>>) dst(%dma_wait3A_44 : memref<80x44xf32, #tpu.memory_space<vmem>>)
    %add3A_48 = arith.constant 124 : i32
    %add3A_49 = arith.addi %mul3A_2, %add3A_48 : i32
    %add3A_50 = arith.constant 0 : i32
    %add3A_51 = arith.addi %add3A_49, %add3A_50 : i32
    %add3A_52 = arith.constant 1 : i32
    %add3A_53 = arith.addi %add3A_49, %add3A_52 : i32
    %add3A_54 = arith.constant 2 : i32
    %add3A_55 = arith.addi %add3A_49, %add3A_54 : i32
    %add3A_56 = arith.constant 3 : i32
    %add3A_57 = arith.addi %add3A_49, %add3A_56 : i32
    %dma_start3A = arith.constant 1 : i32
    %dma_start3A_58 = arith.constant 0 : i32
    %dma_start3A_59 = arith.constant 0 : i32
    %dma_start3A_60 = arith.constant 0 : i32
    %dma_start3A_61 = tpu.memref_slice %arg6[%dma_start3A, %dma_start3A_58, %dma_start3A_59, %dma_start3A_60] : memref<2x2x80x128xf32, #tpu.memory_space<vmem>> -> memref<1x1x20x128xf32, #tpu.memory_space<vmem>>
    %dma_start3A_62 = tpu.memref_squeeze %dma_start3A_61 : memref<1x1x20x128xf32, #tpu.memory_space<vmem>> -> memref<20x128xf32, #tpu.memory_space<vmem>>
    %dma_start3A_63 = arith.constant 0 : i32
    %dma_start3A_64 = arith.constant 0 : i32
    %dma_start3A_65 = tpu.memref_slice %arg4[%add3A_51, %dma_start3A_63, %dma_start3A_64] : memref<4096x20x300xf32, #tpu.memory_space<hbm>> -> memref<1x20x300xf32, #tpu.memory_space<hbm>>
    %dma_start3A_66 = tpu.memref_squeeze %dma_start3A_65 : memref<1x20x300xf32, #tpu.memory_space<hbm>> -> memref<20x300xf32, #tpu.memory_space<hbm>>
    %dma_start3A_67 = arith.constant 0 : i32
    %dma_start3A_68 = arith.constant 0 : i32
    %dma_start3A_69 = tpu.memref_slice %dma_start3A_66[%dma_start3A_67, %dma_start3A_68] : memref<20x300xf32, #tpu.memory_space<hbm>> -> memref<20x128xf32, #tpu.memory_space<hbm>>
    %dma_start3A_70 = arith.constant 0 : i32
    %dma_start3A_71 = arith.constant 0 : i32
    %dma_start3A_72 = tpu.memref_slice %arg4[%add3A_51, %dma_start3A_70, %dma_start3A_71] : memref<4096x20x300xf32, #tpu.memory_space<hbm>> -> memref<1x20x300xf32, #tpu.memory_space<hbm>>
    %dma_start3A_73 = tpu.memref_squeeze %dma_start3A_72 : memref<1x20x300xf32, #tpu.memory_space<hbm>> -> memref<20x300xf32, #tpu.memory_space<hbm>>
    %dma_start3A_74 = arith.constant 0 : i32
    %dma_start3A_75 = arith.constant 0 : i32
    %dma_start3A_76 = tpu.memref_slice %dma_start3A_73[%dma_start3A_74, %dma_start3A_75] : memref<20x300xf32, #tpu.memory_space<hbm>> -> memref<20x128xf32, #tpu.memory_space<hbm>>
    %dma_start3A_77 = arith.constant 0 : i32
    %dma_start3A_78 = arith.constant 0 : i32
    %dma_start3A_79 = tpu.memref_slice %arg6[%dma_start3A, %dma_start3A_58, %dma_start3A_77, %dma_start3A_78] : memref<2x2x80x128xf32, #tpu.memory_space<vmem>> -> memref<1x1x20x128xf32, #tpu.memory_space<vmem>>
    %dma_start3A_80 = tpu.memref_squeeze %dma_start3A_79 : memref<1x1x20x128xf32, #tpu.memory_space<vmem>> -> memref<20x128xf32, #tpu.memory_space<vmem>>
    tpu.enqueue_dma source(%dma_start3A_80 : memref<20x128xf32, #tpu.memory_space<vmem>>) target(%dma_start3A_76 : memref<20x128xf32, #tpu.memory_space<hbm>>) target_semaphore(%arg10 : memref<!tpu.dma_semaphore, #tpu.memory_space<semaphore_mem>>)
    %dma_start3A_81 = arith.constant 1 : i32
    %dma_start3A_82 = arith.constant 1 : i32
    %dma_start3A_83 = arith.constant 0 : i32
    %dma_start3A_84 = arith.constant 0 : i32
    %dma_start3A_85 = tpu.memref_slice %arg6[%dma_start3A_81, %dma_start3A_82, %dma_start3A_83, %dma_start3A_84] : memref<2x2x80x128xf32, #tpu.memory_space<vmem>> -> memref<1x1x20x128xf32, #tpu.memory_space<vmem>>
    %dma_start3A_86 = tpu.memref_squeeze %dma_start3A_85 : memref<1x1x20x128xf32, #tpu.memory_space<vmem>> -> memref<20x128xf32, #tpu.memory_space<vmem>>
    %dma_start3A_87 = arith.constant 0 : i32
    %dma_start3A_88 = arith.constant 0 : i32
    %dma_start3A_89 = tpu.memref_slice %arg4[%add3A_51, %dma_start3A_87, %dma_start3A_88] : memref<4096x20x300xf32, #tpu.memory_space<hbm>> -> memref<1x20x300xf32, #tpu.memory_space<hbm>>
    %dma_start3A_90 = tpu.memref_squeeze %dma_start3A_89 : memref<1x20x300xf32, #tpu.memory_space<hbm>> -> memref<20x300xf32, #tpu.memory_space<hbm>>
    %dma_start3A_91 = arith.constant 0 : i32
    %dma_start3A_92 = arith.constant 128 : i32
    %dma_start3A_93 = tpu.memref_slice %dma_start3A_90[%dma_start3A_91, %dma_start3A_92] : memref<20x300xf32, #tpu.memory_space<hbm>> -> memref<20x128xf32, #tpu.memory_space<hbm>>
    %dma_start3A_94 = arith.constant 0 : i32
    %dma_start3A_95 = arith.constant 0 : i32
    %dma_start3A_96 = tpu.memref_slice %arg4[%add3A_51, %dma_start3A_94, %dma_start3A_95] : memref<4096x20x300xf32, #tpu.memory_space<hbm>> -> memref<1x20x300xf32, #tpu.memory_space<hbm>>
    %dma_start3A_97 = tpu.memref_squeeze %dma_start3A_96 : memref<1x20x300xf32, #tpu.memory_space<hbm>> -> memref<20x300xf32, #tpu.memory_space<hbm>>
    %dma_start3A_98 = arith.constant 0 : i32
    %dma_start3A_99 = arith.constant 128 : i32
    %dma_start3A_100 = tpu.memref_slice %dma_start3A_97[%dma_start3A_98, %dma_start3A_99] : memref<20x300xf32, #tpu.memory_space<hbm>> -> memref<20x128xf32, #tpu.memory_space<hbm>>
    %dma_start3A_101 = arith.constant 0 : i32
    %dma_start3A_102 = arith.constant 0 : i32
    %dma_start3A_103 = tpu.memref_slice %arg6[%dma_start3A_81, %dma_start3A_82, %dma_start3A_101, %dma_start3A_102] : memref<2x2x80x128xf32, #tpu.memory_space<vmem>> -> memref<1x1x20x128xf32, #tpu.memory_space<vmem>>
    %dma_start3A_104 = tpu.memref_squeeze %dma_start3A_103 : memref<1x1x20x128xf32, #tpu.memory_space<vmem>> -> memref<20x128xf32, #tpu.memory_space<vmem>>
    tpu.enqueue_dma source(%dma_start3A_104 : memref<20x128xf32, #tpu.memory_space<vmem>>) target(%dma_start3A_100 : memref<20x128xf32, #tpu.memory_space<hbm>>) target_semaphore(%arg10 : memref<!tpu.dma_semaphore, #tpu.memory_space<semaphore_mem>>)
    %dma_start3A_105 = arith.constant 1 : i32
    %dma_start3A_106 = arith.constant 0 : i32
    %dma_start3A_107 = arith.constant 0 : i32
    %dma_start3A_108 = tpu.memref_slice %arg7[%dma_start3A_105, %dma_start3A_106, %dma_start3A_107] : memref<2x80x44xf32, #tpu.memory_space<vmem>> -> memref<1x20x44xf32, #tpu.memory_space<vmem>>
    %dma_start3A_109 = tpu.memref_squeeze %dma_start3A_108 : memref<1x20x44xf32, #tpu.memory_space<vmem>> -> memref<20x44xf32, #tpu.memory_space<vmem>>
    %dma_start3A_110 = arith.constant 0 : i32
    %dma_start3A_111 = arith.constant 0 : i32
    %dma_start3A_112 = tpu.memref_slice %arg4[%add3A_51, %dma_start3A_110, %dma_start3A_111] : memref<4096x20x300xf32, #tpu.memory_space<hbm>> -> memref<1x20x300xf32, #tpu.memory_space<hbm>>
    %dma_start3A_113 = tpu.memref_squeeze %dma_start3A_112 : memref<1x20x300xf32, #tpu.memory_space<hbm>> -> memref<20x300xf32, #tpu.memory_space<hbm>>
    %dma_start3A_114 = arith.constant 0 : i32
    %dma_start3A_115 = arith.constant 256 : i32
    %dma_start3A_116 = tpu.memref_slice %dma_start3A_113[%dma_start3A_114, %dma_start3A_115] : memref<20x300xf32, #tpu.memory_space<hbm>> -> memref<20x44xf32, #tpu.memory_space<hbm>>
    %dma_start3A_117 = arith.constant 0 : i32
    %dma_start3A_118 = arith.constant 0 : i32
    %dma_start3A_119 = tpu.memref_slice %arg4[%add3A_51, %dma_start3A_117, %dma_start3A_118] : memref<4096x20x300xf32, #tpu.memory_space<hbm>> -> memref<1x20x300xf32, #tpu.memory_space<hbm>>
    %dma_start3A_120 = tpu.memref_squeeze %dma_start3A_119 : memref<1x20x300xf32, #tpu.memory_space<hbm>> -> memref<20x300xf32, #tpu.memory_space<hbm>>
    %dma_start3A_121 = arith.constant 0 : i32
    %dma_start3A_122 = arith.constant 256 : i32
    %dma_start3A_123 = tpu.memref_slice %dma_start3A_120[%dma_start3A_121, %dma_start3A_122] : memref<20x300xf32, #tpu.memory_space<hbm>> -> memref<20x44xf32, #tpu.memory_space<hbm>>
    %dma_start3A_124 = arith.constant 0 : i32
    %dma_start3A_125 = arith.constant 0 : i32
    %dma_start3A_126 = tpu.memref_slice %arg7[%dma_start3A_105, %dma_start3A_124, %dma_start3A_125] : memref<2x80x44xf32, #tpu.memory_space<vmem>> -> memref<1x20x44xf32, #tpu.memory_space<vmem>>
    %dma_start3A_127 = tpu.memref_squeeze %dma_start3A_126 : memref<1x20x44xf32, #tpu.memory_space<vmem>> -> memref<20x44xf32, #tpu.memory_space<vmem>>
    tpu.enqueue_dma source(%dma_start3A_127 : memref<20x44xf32, #tpu.memory_space<vmem>>) target(%dma_start3A_123 : memref<20x44xf32, #tpu.memory_space<hbm>>) target_semaphore(%arg10 : memref<!tpu.dma_semaphore, #tpu.memory_space<semaphore_mem>>)
    %dma_start3A_128 = arith.constant 1 : i32
    %dma_start3A_129 = arith.constant 0 : i32
    %dma_start3A_130 = arith.constant 20 : i32
    %dma_start3A_131 = arith.constant 0 : i32
    %dma_start3A_132 = tpu.memref_slice %arg6[%dma_start3A_128, %dma_start3A_129, %dma_start3A_130, %dma_start3A_131] : memref<2x2x80x128xf32, #tpu.memory_space<vmem>> -> memref<1x1x20x128xf32, #tpu.memory_space<vmem>>
    %dma_start3A_133 = tpu.memref_squeeze %dma_start3A_132 : memref<1x1x20x128xf32, #tpu.memory_space<vmem>> -> memref<20x128xf32, #tpu.memory_space<vmem>>
    %dma_start3A_134 = arith.constant 0 : i32
    %dma_start3A_135 = arith.constant 0 : i32
    %dma_start3A_136 = tpu.memref_slice %arg4[%add3A_53, %dma_start3A_134, %dma_start3A_135] : memref<4096x20x300xf32, #tpu.memory_space<hbm>> -> memref<1x20x300xf32, #tpu.memory_space<hbm>>
    %dma_start3A_137 = tpu.memref_squeeze %dma_start3A_136 : memref<1x20x300xf32, #tpu.memory_space<hbm>> -> memref<20x300xf32, #tpu.memory_space<hbm>>
    %dma_start3A_138 = arith.constant 0 : i32
    %dma_start3A_139 = arith.constant 0 : i32
    %dma_start3A_140 = tpu.memref_slice %dma_start3A_137[%dma_start3A_138, %dma_start3A_139] : memref<20x300xf32, #tpu.memory_space<hbm>> -> memref<20x128xf32, #tpu.memory_space<hbm>>
    %dma_start3A_141 = arith.constant 0 : i32
    %dma_start3A_142 = arith.constant 0 : i32
    %dma_start3A_143 = tpu.memref_slice %arg4[%add3A_53, %dma_start3A_141, %dma_start3A_142] : memref<4096x20x300xf32, #tpu.memory_space<hbm>> -> memref<1x20x300xf32, #tpu.memory_space<hbm>>
    %dma_start3A_144 = tpu.memref_squeeze %dma_start3A_143 : memref<1x20x300xf32, #tpu.memory_space<hbm>> -> memref<20x300xf32, #tpu.memory_space<hbm>>
    %dma_start3A_145 = arith.constant 0 : i32
    %dma_start3A_146 = arith.constant 0 : i32
    %dma_start3A_147 = tpu.memref_slice %dma_start3A_144[%dma_start3A_145, %dma_start3A_146] : memref<20x300xf32, #tpu.memory_space<hbm>> -> memref<20x128xf32, #tpu.memory_space<hbm>>
    %dma_start3A_148 = arith.constant 20 : i32
    %dma_start3A_149 = arith.constant 0 : i32
    %dma_start3A_150 = tpu.memref_slice %arg6[%dma_start3A_128, %dma_start3A_129, %dma_start3A_148, %dma_start3A_149] : memref<2x2x80x128xf32, #tpu.memory_space<vmem>> -> memref<1x1x20x128xf32, #tpu.memory_space<vmem>>
    %dma_start3A_151 = tpu.memref_squeeze %dma_start3A_150 : memref<1x1x20x128xf32, #tpu.memory_space<vmem>> -> memref<20x128xf32, #tpu.memory_space<vmem>>
    tpu.enqueue_dma source(%dma_start3A_151 : memref<20x128xf32, #tpu.memory_space<vmem>>) target(%dma_start3A_147 : memref<20x128xf32, #tpu.memory_space<hbm>>) target_semaphore(%arg10 : memref<!tpu.dma_semaphore, #tpu.memory_space<semaphore_mem>>)
    %dma_start3A_152 = arith.constant 1 : i32
    %dma_start3A_153 = arith.constant 1 : i32
    %dma_start3A_154 = arith.constant 20 : i32
    %dma_start3A_155 = arith.constant 0 : i32
    %dma_start3A_156 = tpu.memref_slice %arg6[%dma_start3A_152, %dma_start3A_153, %dma_start3A_154, %dma_start3A_155] : memref<2x2x80x128xf32, #tpu.memory_space<vmem>> -> memref<1x1x20x128xf32, #tpu.memory_space<vmem>>
    %dma_start3A_157 = tpu.memref_squeeze %dma_start3A_156 : memref<1x1x20x128xf32, #tpu.memory_space<vmem>> -> memref<20x128xf32, #tpu.memory_space<vmem>>
    %dma_start3A_158 = arith.constant 0 : i32
    %dma_start3A_159 = arith.constant 0 : i32
    %dma_start3A_160 = tpu.memref_slice %arg4[%add3A_53, %dma_start3A_158, %dma_start3A_159] : memref<4096x20x300xf32, #tpu.memory_space<hbm>> -> memref<1x20x300xf32, #tpu.memory_space<hbm>>
    %dma_start3A_161 = tpu.memref_squeeze %dma_start3A_160 : memref<1x20x300xf32, #tpu.memory_space<hbm>> -> memref<20x300xf32, #tpu.memory_space<hbm>>
    %dma_start3A_162 = arith.constant 0 : i32
    %dma_start3A_163 = arith.constant 128 : i32
    %dma_start3A_164 = tpu.memref_slice %dma_start3A_161[%dma_start3A_162, %dma_start3A_163] : memref<20x300xf32, #tpu.memory_space<hbm>> -> memref<20x128xf32, #tpu.memory_space<hbm>>
    %dma_start3A_165 = arith.constant 0 : i32
    %dma_start3A_166 = arith.constant 0 : i32
    %dma_start3A_167 = tpu.memref_slice %arg4[%add3A_53, %dma_start3A_165, %dma_start3A_166] : memref<4096x20x300xf32, #tpu.memory_space<hbm>> -> memref<1x20x300xf32, #tpu.memory_space<hbm>>
    %dma_start3A_168 = tpu.memref_squeeze %dma_start3A_167 : memref<1x20x300xf32, #tpu.memory_space<hbm>> -> memref<20x300xf32, #tpu.memory_space<hbm>>
    %dma_start3A_169 = arith.constant 0 : i32
    %dma_start3A_170 = arith.constant 128 : i32
    %dma_start3A_171 = tpu.memref_slice %dma_start3A_168[%dma_start3A_169, %dma_start3A_170] : memref<20x300xf32, #tpu.memory_space<hbm>> -> memref<20x128xf32, #tpu.memory_space<hbm>>
    %dma_start3A_172 = arith.constant 20 : i32
    %dma_start3A_173 = arith.constant 0 : i32
    %dma_start3A_174 = tpu.memref_slice %arg6[%dma_start3A_152, %dma_start3A_153, %dma_start3A_172, %dma_start3A_173] : memref<2x2x80x128xf32, #tpu.memory_space<vmem>> -> memref<1x1x20x128xf32, #tpu.memory_space<vmem>>
    %dma_start3A_175 = tpu.memref_squeeze %dma_start3A_174 : memref<1x1x20x128xf32, #tpu.memory_space<vmem>> -> memref<20x128xf32, #tpu.memory_space<vmem>>
    tpu.enqueue_dma source(%dma_start3A_175 : memref<20x128xf32, #tpu.memory_space<vmem>>) target(%dma_start3A_171 : memref<20x128xf32, #tpu.memory_space<hbm>>) target_semaphore(%arg10 : memref<!tpu.dma_semaphore, #tpu.memory_space<semaphore_mem>>)
    %dma_start3A_176 = arith.constant 1 : i32
    %dma_start3A_177 = arith.constant 20 : i32
    %dma_start3A_178 = arith.constant 0 : i32
    %dma_start3A_179 = tpu.memref_slice %arg7[%dma_start3A_176, %dma_start3A_177, %dma_start3A_178] : memref<2x80x44xf32, #tpu.memory_space<vmem>> -> memref<1x20x44xf32, #tpu.memory_space<vmem>>
    %dma_start3A_180 = tpu.memref_squeeze %dma_start3A_179 : memref<1x20x44xf32, #tpu.memory_space<vmem>> -> memref<20x44xf32, #tpu.memory_space<vmem>>
    %dma_start3A_181 = arith.constant 0 : i32
    %dma_start3A_182 = arith.constant 0 : i32
    %dma_start3A_183 = tpu.memref_slice %arg4[%add3A_53, %dma_start3A_181, %dma_start3A_182] : memref<4096x20x300xf32, #tpu.memory_space<hbm>> -> memref<1x20x300xf32, #tpu.memory_space<hbm>>
    %dma_start3A_184 = tpu.memref_squeeze %dma_start3A_183 : memref<1x20x300xf32, #tpu.memory_space<hbm>> -> memref<20x300xf32, #tpu.memory_space<hbm>>
    %dma_start3A_185 = arith.constant 0 : i32
    %dma_start3A_186 = arith.constant 256 : i32
    %dma_start3A_187 = tpu.memref_slice %dma_start3A_184[%dma_start3A_185, %dma_start3A_186] : memref<20x300xf32, #tpu.memory_space<hbm>> -> memref<20x44xf32, #tpu.memory_space<hbm>>
    %dma_start3A_188 = arith.constant 0 : i32
    %dma_start3A_189 = arith.constant 0 : i32
    %dma_start3A_190 = tpu.memref_slice %arg4[%add3A_53, %dma_start3A_188, %dma_start3A_189] : memref<4096x20x300xf32, #tpu.memory_space<hbm>> -> memref<1x20x300xf32, #tpu.memory_space<hbm>>
    %dma_start3A_191 = tpu.memref_squeeze %dma_start3A_190 : memref<1x20x300xf32, #tpu.memory_space<hbm>> -> memref<20x300xf32, #tpu.memory_space<hbm>>
    %dma_start3A_192 = arith.constant 0 : i32
    %dma_start3A_193 = arith.constant 256 : i32
    %dma_start3A_194 = tpu.memref_slice %dma_start3A_191[%dma_start3A_192, %dma_start3A_193] : memref<20x300xf32, #tpu.memory_space<hbm>> -> memref<20x44xf32, #tpu.memory_space<hbm>>
    %dma_start3A_195 = arith.constant 20 : i32
    %dma_start3A_196 = arith.constant 0 : i32
    %dma_start3A_197 = tpu.memref_slice %arg7[%dma_start3A_176, %dma_start3A_195, %dma_start3A_196] : memref<2x80x44xf32, #tpu.memory_space<vmem>> -> memref<1x20x44xf32, #tpu.memory_space<vmem>>
    %dma_start3A_198 = tpu.memref_squeeze %dma_start3A_197 : memref<1x20x44xf32, #tpu.memory_space<vmem>> -> memref<20x44xf32, #tpu.memory_space<vmem>>
    tpu.enqueue_dma source(%dma_start3A_198 : memref<20x44xf32, #tpu.memory_space<vmem>>) target(%dma_start3A_194 : memref<20x44xf32, #tpu.memory_space<hbm>>) target_semaphore(%arg10 : memref<!tpu.dma_semaphore, #tpu.memory_space<semaphore_mem>>)
    %dma_start3A_199 = arith.constant 1 : i32
    %dma_start3A_200 = arith.constant 0 : i32
    %dma_start3A_201 = arith.constant 40 : i32
    %dma_start3A_202 = arith.constant 0 : i32
    %dma_start3A_203 = tpu.memref_slice %arg6[%dma_start3A_199, %dma_start3A_200, %dma_start3A_201, %dma_start3A_202] : memref<2x2x80x128xf32, #tpu.memory_space<vmem>> -> memref<1x1x20x128xf32, #tpu.memory_space<vmem>>
    %dma_start3A_204 = tpu.memref_squeeze %dma_start3A_203 : memref<1x1x20x128xf32, #tpu.memory_space<vmem>> -> memref<20x128xf32, #tpu.memory_space<vmem>>
    %dma_start3A_205 = arith.constant 0 : i32
    %dma_start3A_206 = arith.constant 0 : i32
    %dma_start3A_207 = tpu.memref_slice %arg4[%add3A_55, %dma_start3A_205, %dma_start3A_206] : memref<4096x20x300xf32, #tpu.memory_space<hbm>> -> memref<1x20x300xf32, #tpu.memory_space<hbm>>
    %dma_start3A_208 = tpu.memref_squeeze %dma_start3A_207 : memref<1x20x300xf32, #tpu.memory_space<hbm>> -> memref<20x300xf32, #tpu.memory_space<hbm>>
    %dma_start3A_209 = arith.constant 0 : i32
    %dma_start3A_210 = arith.constant 0 : i32
    %dma_start3A_211 = tpu.memref_slice %dma_start3A_208[%dma_start3A_209, %dma_start3A_210] : memref<20x300xf32, #tpu.memory_space<hbm>> -> memref<20x128xf32, #tpu.memory_space<hbm>>
    %dma_start3A_212 = arith.constant 0 : i32
    %dma_start3A_213 = arith.constant 0 : i32
    %dma_start3A_214 = tpu.memref_slice %arg4[%add3A_55, %dma_start3A_212, %dma_start3A_213] : memref<4096x20x300xf32, #tpu.memory_space<hbm>> -> memref<1x20x300xf32, #tpu.memory_space<hbm>>
    %dma_start3A_215 = tpu.memref_squeeze %dma_start3A_214 : memref<1x20x300xf32, #tpu.memory_space<hbm>> -> memref<20x300xf32, #tpu.memory_space<hbm>>
    %dma_start3A_216 = arith.constant 0 : i32
    %dma_start3A_217 = arith.constant 0 : i32
    %dma_start3A_218 = tpu.memref_slice %dma_start3A_215[%dma_start3A_216, %dma_start3A_217] : memref<20x300xf32, #tpu.memory_space<hbm>> -> memref<20x128xf32, #tpu.memory_space<hbm>>
    %dma_start3A_219 = arith.constant 40 : i32
    %dma_start3A_220 = arith.constant 0 : i32
    %dma_start3A_221 = tpu.memref_slice %arg6[%dma_start3A_199, %dma_start3A_200, %dma_start3A_219, %dma_start3A_220] : memref<2x2x80x128xf32, #tpu.memory_space<vmem>> -> memref<1x1x20x128xf32, #tpu.memory_space<vmem>>
    %dma_start3A_222 = tpu.memref_squeeze %dma_start3A_221 : memref<1x1x20x128xf32, #tpu.memory_space<vmem>> -> memref<20x128xf32, #tpu.memory_space<vmem>>
    tpu.enqueue_dma source(%dma_start3A_222 : memref<20x128xf32, #tpu.memory_space<vmem>>) target(%dma_start3A_218 : memref<20x128xf32, #tpu.memory_space<hbm>>) target_semaphore(%arg10 : memref<!tpu.dma_semaphore, #tpu.memory_space<semaphore_mem>>)
    %dma_start3A_223 = arith.constant 1 : i32
    %dma_start3A_224 = arith.constant 1 : i32
    %dma_start3A_225 = arith.constant 40 : i32
    %dma_start3A_226 = arith.constant 0 : i32
    %dma_start3A_227 = tpu.memref_slice %arg6[%dma_start3A_223, %dma_start3A_224, %dma_start3A_225, %dma_start3A_226] : memref<2x2x80x128xf32, #tpu.memory_space<vmem>> -> memref<1x1x20x128xf32, #tpu.memory_space<vmem>>
    %dma_start3A_228 = tpu.memref_squeeze %dma_start3A_227 : memref<1x1x20x128xf32, #tpu.memory_space<vmem>> -> memref<20x128xf32, #tpu.memory_space<vmem>>
    %dma_start3A_229 = arith.constant 0 : i32
    %dma_start3A_230 = arith.constant 0 : i32
    %dma_start3A_231 = tpu.memref_slice %arg4[%add3A_55, %dma_start3A_229, %dma_start3A_230] : memref<4096x20x300xf32, #tpu.memory_space<hbm>> -> memref<1x20x300xf32, #tpu.memory_space<hbm>>
    %dma_start3A_232 = tpu.memref_squeeze %dma_start3A_231 : memref<1x20x300xf32, #tpu.memory_space<hbm>> -> memref<20x300xf32, #tpu.memory_space<hbm>>
    %dma_start3A_233 = arith.constant 0 : i32
    %dma_start3A_234 = arith.constant 128 : i32
    %dma_start3A_235 = tpu.memref_slice %dma_start3A_232[%dma_start3A_233, %dma_start3A_234] : memref<20x300xf32, #tpu.memory_space<hbm>> -> memref<20x128xf32, #tpu.memory_space<hbm>>
    %dma_start3A_236 = arith.constant 0 : i32
    %dma_start3A_237 = arith.constant 0 : i32
    %dma_start3A_238 = tpu.memref_slice %arg4[%add3A_55, %dma_start3A_236, %dma_start3A_237] : memref<4096x20x300xf32, #tpu.memory_space<hbm>> -> memref<1x20x300xf32, #tpu.memory_space<hbm>>
    %dma_start3A_239 = tpu.memref_squeeze %dma_start3A_238 : memref<1x20x300xf32, #tpu.memory_space<hbm>> -> memref<20x300xf32, #tpu.memory_space<hbm>>
    %dma_start3A_240 = arith.constant 0 : i32
    %dma_start3A_241 = arith.constant 128 : i32
    %dma_start3A_242 = tpu.memref_slice %dma_start3A_239[%dma_start3A_240, %dma_start3A_241] : memref<20x300xf32, #tpu.memory_space<hbm>> -> memref<20x128xf32, #tpu.memory_space<hbm>>
    %dma_start3A_243 = arith.constant 40 : i32
    %dma_start3A_244 = arith.constant 0 : i32
    %dma_start3A_245 = tpu.memref_slice %arg6[%dma_start3A_223, %dma_start3A_224, %dma_start3A_243, %dma_start3A_244] : memref<2x2x80x128xf32, #tpu.memory_space<vmem>> -> memref<1x1x20x128xf32, #tpu.memory_space<vmem>>
    %dma_start3A_246 = tpu.memref_squeeze %dma_start3A_245 : memref<1x1x20x128xf32, #tpu.memory_space<vmem>> -> memref<20x128xf32, #tpu.memory_space<vmem>>
    tpu.enqueue_dma source(%dma_start3A_246 : memref<20x128xf32, #tpu.memory_space<vmem>>) target(%dma_start3A_242 : memref<20x128xf32, #tpu.memory_space<hbm>>) target_semaphore(%arg10 : memref<!tpu.dma_semaphore, #tpu.memory_space<semaphore_mem>>)
    %dma_start3A_247 = arith.constant 1 : i32
    %dma_start3A_248 = arith.constant 40 : i32
    %dma_start3A_249 = arith.constant 0 : i32
    %dma_start3A_250 = tpu.memref_slice %arg7[%dma_start3A_247, %dma_start3A_248, %dma_start3A_249] : memref<2x80x44xf32, #tpu.memory_space<vmem>> -> memref<1x20x44xf32, #tpu.memory_space<vmem>>
    %dma_start3A_251 = tpu.memref_squeeze %dma_start3A_250 : memref<1x20x44xf32, #tpu.memory_space<vmem>> -> memref<20x44xf32, #tpu.memory_space<vmem>>
    %dma_start3A_252 = arith.constant 0 : i32
    %dma_start3A_253 = arith.constant 0 : i32
    %dma_start3A_254 = tpu.memref_slice %arg4[%add3A_55, %dma_start3A_252, %dma_start3A_253] : memref<4096x20x300xf32, #tpu.memory_space<hbm>> -> memref<1x20x300xf32, #tpu.memory_space<hbm>>
    %dma_start3A_255 = tpu.memref_squeeze %dma_start3A_254 : memref<1x20x300xf32, #tpu.memory_space<hbm>> -> memref<20x300xf32, #tpu.memory_space<hbm>>
    %dma_start3A_256 = arith.constant 0 : i32
    %dma_start3A_257 = arith.constant 256 : i32
    %dma_start3A_258 = tpu.memref_slice %dma_start3A_255[%dma_start3A_256, %dma_start3A_257] : memref<20x300xf32, #tpu.memory_space<hbm>> -> memref<20x44xf32, #tpu.memory_space<hbm>>
    %dma_start3A_259 = arith.constant 0 : i32
    %dma_start3A_260 = arith.constant 0 : i32
    %dma_start3A_261 = tpu.memref_slice %arg4[%add3A_55, %dma_start3A_259, %dma_start3A_260] : memref<4096x20x300xf32, #tpu.memory_space<hbm>> -> memref<1x20x300xf32, #tpu.memory_space<hbm>>
    %dma_start3A_262 = tpu.memref_squeeze %dma_start3A_261 : memref<1x20x300xf32, #tpu.memory_space<hbm>> -> memref<20x300xf32, #tpu.memory_space<hbm>>
    %dma_start3A_263 = arith.constant 0 : i32
    %dma_start3A_264 = arith.constant 256 : i32
    %dma_start3A_265 = tpu.memref_slice %dma_start3A_262[%dma_start3A_263, %dma_start3A_264] : memref<20x300xf32, #tpu.memory_space<hbm>> -> memref<20x44xf32, #tpu.memory_space<hbm>>
    %dma_start3A_266 = arith.constant 40 : i32
    %dma_start3A_267 = arith.constant 0 : i32
    %dma_start3A_268 = tpu.memref_slice %arg7[%dma_start3A_247, %dma_start3A_266, %dma_start3A_267] : memref<2x80x44xf32, #tpu.memory_space<vmem>> -> memref<1x20x44xf32, #tpu.memory_space<vmem>>
    %dma_start3A_269 = tpu.memref_squeeze %dma_start3A_268 : memref<1x20x44xf32, #tpu.memory_space<vmem>> -> memref<20x44xf32, #tpu.memory_space<vmem>>
    tpu.enqueue_dma source(%dma_start3A_269 : memref<20x44xf32, #tpu.memory_space<vmem>>) target(%dma_start3A_265 : memref<20x44xf32, #tpu.memory_space<hbm>>) target_semaphore(%arg10 : memref<!tpu.dma_semaphore, #tpu.memory_space<semaphore_mem>>)
    %dma_start3A_270 = arith.constant 1 : i32
    %dma_start3A_271 = arith.constant 0 : i32
    %dma_start3A_272 = arith.constant 60 : i32
    %dma_start3A_273 = arith.constant 0 : i32
    %dma_start3A_274 = tpu.memref_slice %arg6[%dma_start3A_270, %dma_start3A_271, %dma_start3A_272, %dma_start3A_273] : memref<2x2x80x128xf32, #tpu.memory_space<vmem>> -> memref<1x1x20x128xf32, #tpu.memory_space<vmem>>
    %dma_start3A_275 = tpu.memref_squeeze %dma_start3A_274 : memref<1x1x20x128xf32, #tpu.memory_space<vmem>> -> memref<20x128xf32, #tpu.memory_space<vmem>>
    %dma_start3A_276 = arith.constant 0 : i32
    %dma_start3A_277 = arith.constant 0 : i32
    %dma_start3A_278 = tpu.memref_slice %arg4[%add3A_57, %dma_start3A_276, %dma_start3A_277] : memref<4096x20x300xf32, #tpu.memory_space<hbm>> -> memref<1x20x300xf32, #tpu.memory_space<hbm>>
    %dma_start3A_279 = tpu.memref_squeeze %dma_start3A_278 : memref<1x20x300xf32, #tpu.memory_space<hbm>> -> memref<20x300xf32, #tpu.memory_space<hbm>>
    %dma_start3A_280 = arith.constant 0 : i32
    %dma_start3A_281 = arith.constant 0 : i32
    %dma_start3A_282 = tpu.memref_slice %dma_start3A_279[%dma_start3A_280, %dma_start3A_281] : memref<20x300xf32, #tpu.memory_space<hbm>> -> memref<20x128xf32, #tpu.memory_space<hbm>>
    %dma_start3A_283 = arith.constant 0 : i32
    %dma_start3A_284 = arith.constant 0 : i32
    %dma_start3A_285 = tpu.memref_slice %arg4[%add3A_57, %dma_start3A_283, %dma_start3A_284] : memref<4096x20x300xf32, #tpu.memory_space<hbm>> -> memref<1x20x300xf32, #tpu.memory_space<hbm>>
    %dma_start3A_286 = tpu.memref_squeeze %dma_start3A_285 : memref<1x20x300xf32, #tpu.memory_space<hbm>> -> memref<20x300xf32, #tpu.memory_space<hbm>>
    %dma_start3A_287 = arith.constant 0 : i32
    %dma_start3A_288 = arith.constant 0 : i32
    %dma_start3A_289 = tpu.memref_slice %dma_start3A_286[%dma_start3A_287, %dma_start3A_288] : memref<20x300xf32, #tpu.memory_space<hbm>> -> memref<20x128xf32, #tpu.memory_space<hbm>>
    %dma_start3A_290 = arith.constant 60 : i32
    %dma_start3A_291 = arith.constant 0 : i32
    %dma_start3A_292 = tpu.memref_slice %arg6[%dma_start3A_270, %dma_start3A_271, %dma_start3A_290, %dma_start3A_291] : memref<2x2x80x128xf32, #tpu.memory_space<vmem>> -> memref<1x1x20x128xf32, #tpu.memory_space<vmem>>
    %dma_start3A_293 = tpu.memref_squeeze %dma_start3A_292 : memref<1x1x20x128xf32, #tpu.memory_space<vmem>> -> memref<20x128xf32, #tpu.memory_space<vmem>>
    tpu.enqueue_dma source(%dma_start3A_293 : memref<20x128xf32, #tpu.memory_space<vmem>>) target(%dma_start3A_289 : memref<20x128xf32, #tpu.memory_space<hbm>>) target_semaphore(%arg10 : memref<!tpu.dma_semaphore, #tpu.memory_space<semaphore_mem>>)
    %dma_start3A_294 = arith.constant 1 : i32
    %dma_start3A_295 = arith.constant 1 : i32
    %dma_start3A_296 = arith.constant 60 : i32
    %dma_start3A_297 = arith.constant 0 : i32
    %dma_start3A_298 = tpu.memref_slice %arg6[%dma_start3A_294, %dma_start3A_295, %dma_start3A_296, %dma_start3A_297] : memref<2x2x80x128xf32, #tpu.memory_space<vmem>> -> memref<1x1x20x128xf32, #tpu.memory_space<vmem>>
    %dma_start3A_299 = tpu.memref_squeeze %dma_start3A_298 : memref<1x1x20x128xf32, #tpu.memory_space<vmem>> -> memref<20x128xf32, #tpu.memory_space<vmem>>
    %dma_start3A_300 = arith.constant 0 : i32
    %dma_start3A_301 = arith.constant 0 : i32
    %dma_start3A_302 = tpu.memref_slice %arg4[%add3A_57, %dma_start3A_300, %dma_start3A_301] : memref<4096x20x300xf32, #tpu.memory_space<hbm>> -> memref<1x20x300xf32, #tpu.memory_space<hbm>>
    %dma_start3A_303 = tpu.memref_squeeze %dma_start3A_302 : memref<1x20x300xf32, #tpu.memory_space<hbm>> -> memref<20x300xf32, #tpu.memory_space<hbm>>
    %dma_start3A_304 = arith.constant 0 : i32
    %dma_start3A_305 = arith.constant 128 : i32
    %dma_start3A_306 = tpu.memref_slice %dma_start3A_303[%dma_start3A_304, %dma_start3A_305] : memref<20x300xf32, #tpu.memory_space<hbm>> -> memref<20x128xf32, #tpu.memory_space<hbm>>
    %dma_start3A_307 = arith.constant 0 : i32
    %dma_start3A_308 = arith.constant 0 : i32
    %dma_start3A_309 = tpu.memref_slice %arg4[%add3A_57, %dma_start3A_307, %dma_start3A_308] : memref<4096x20x300xf32, #tpu.memory_space<hbm>> -> memref<1x20x300xf32, #tpu.memory_space<hbm>>
    %dma_start3A_310 = tpu.memref_squeeze %dma_start3A_309 : memref<1x20x300xf32, #tpu.memory_space<hbm>> -> memref<20x300xf32, #tpu.memory_space<hbm>>
    %dma_start3A_311 = arith.constant 0 : i32
    %dma_start3A_312 = arith.constant 128 : i32
    %dma_start3A_313 = tpu.memref_slice %dma_start3A_310[%dma_start3A_311, %dma_start3A_312] : memref<20x300xf32, #tpu.memory_space<hbm>> -> memref<20x128xf32, #tpu.memory_space<hbm>>
    %dma_start3A_314 = arith.constant 60 : i32
    %dma_start3A_315 = arith.constant 0 : i32
    %dma_start3A_316 = tpu.memref_slice %arg6[%dma_start3A_294, %dma_start3A_295, %dma_start3A_314, %dma_start3A_315] : memref<2x2x80x128xf32, #tpu.memory_space<vmem>> -> memref<1x1x20x128xf32, #tpu.memory_space<vmem>>
    %dma_start3A_317 = tpu.memref_squeeze %dma_start3A_316 : memref<1x1x20x128xf32, #tpu.memory_space<vmem>> -> memref<20x128xf32, #tpu.memory_space<vmem>>
    tpu.enqueue_dma source(%dma_start3A_317 : memref<20x128xf32, #tpu.memory_space<vmem>>) target(%dma_start3A_313 : memref<20x128xf32, #tpu.memory_space<hbm>>) target_semaphore(%arg10 : memref<!tpu.dma_semaphore, #tpu.memory_space<semaphore_mem>>)
    %dma_start3A_318 = arith.constant 1 : i32
    %dma_start3A_319 = arith.constant 60 : i32
    %dma_start3A_320 = arith.constant 0 : i32
    %dma_start3A_321 = tpu.memref_slice %arg7[%dma_start3A_318, %dma_start3A_319, %dma_start3A_320] : memref<2x80x44xf32, #tpu.memory_space<vmem>> -> memref<1x20x44xf32, #tpu.memory_space<vmem>>
    %dma_start3A_322 = tpu.memref_squeeze %dma_start3A_321 : memref<1x20x44xf32, #tpu.memory_space<vmem>> -> memref<20x44xf32, #tpu.memory_space<vmem>>
    %dma_start3A_323 = arith.constant 0 : i32
    %dma_start3A_324 = arith.constant 0 : i32
    %dma_start3A_325 = tpu.memref_slice %arg4[%add3A_57, %dma_start3A_323, %dma_start3A_324] : memref<4096x20x300xf32, #tpu.memory_space<hbm>> -> memref<1x20x300xf32, #tpu.memory_space<hbm>>
    %dma_start3A_326 = tpu.memref_squeeze %dma_start3A_325 : memref<1x20x300xf32, #tpu.memory_space<hbm>> -> memref<20x300xf32, #tpu.memory_space<hbm>>
    %dma_start3A_327 = arith.constant 0 : i32
    %dma_start3A_328 = arith.constant 256 : i32
    %dma_start3A_329 = tpu.memref_slice %dma_start3A_326[%dma_start3A_327, %dma_start3A_328] : memref<20x300xf32, #tpu.memory_space<hbm>> -> memref<20x44xf32, #tpu.memory_space<hbm>>
    %dma_start3A_330 = arith.constant 0 : i32
    %dma_start3A_331 = arith.constant 0 : i32
    %dma_start3A_332 = tpu.memref_slice %arg4[%add3A_57, %dma_start3A_330, %dma_start3A_331] : memref<4096x20x300xf32, #tpu.memory_space<hbm>> -> memref<1x20x300xf32, #tpu.memory_space<hbm>>
    %dma_start3A_333 = tpu.memref_squeeze %dma_start3A_332 : memref<1x20x300xf32, #tpu.memory_space<hbm>> -> memref<20x300xf32, #tpu.memory_space<hbm>>
    %dma_start3A_334 = arith.constant 0 : i32
    %dma_start3A_335 = arith.constant 256 : i32
    %dma_start3A_336 = tpu.memref_slice %dma_start3A_333[%dma_start3A_334, %dma_start3A_335] : memref<20x300xf32, #tpu.memory_space<hbm>> -> memref<20x44xf32, #tpu.memory_space<hbm>>
    %dma_start3A_337 = arith.constant 60 : i32
    %dma_start3A_338 = arith.constant 0 : i32
    %dma_start3A_339 = tpu.memref_slice %arg7[%dma_start3A_318, %dma_start3A_337, %dma_start3A_338] : memref<2x80x44xf32, #tpu.memory_space<vmem>> -> memref<1x20x44xf32, #tpu.memory_space<vmem>>
    %dma_start3A_340 = tpu.memref_squeeze %dma_start3A_339 : memref<1x20x44xf32, #tpu.memory_space<vmem>> -> memref<20x44xf32, #tpu.memory_space<vmem>>
    tpu.enqueue_dma source(%dma_start3A_340 : memref<20x44xf32, #tpu.memory_space<vmem>>) target(%dma_start3A_336 : memref<20x44xf32, #tpu.memory_space<hbm>>) target_semaphore(%arg10 : memref<!tpu.dma_semaphore, #tpu.memory_space<semaphore_mem>>)
    %add3A_341 = arith.constant 120 : i32
    %add3A_342 = arith.addi %mul3A_2, %add3A_341 : i32
    %add3A_343 = arith.constant 0 : i32
    %add3A_344 = arith.addi %add3A_342, %add3A_343 : i32
    %add3A_345 = arith.constant 1 : i32
    %add3A_346 = arith.addi %add3A_342, %add3A_345 : i32
    %add3A_347 = arith.constant 2 : i32
    %add3A_348 = arith.addi %add3A_342, %add3A_347 : i32
    %add3A_349 = arith.constant 3 : i32
    %add3A_350 = arith.addi %add3A_342, %add3A_349 : i32
    %dma_wait3A_351 = arith.constant 0 : i32
    %dma_wait3A_352 = arith.constant 0 : i32
    %dma_wait3A_353 = arith.constant 0 : i32
    %dma_wait3A_354 = arith.constant 0 : i32
    %dma_wait3A_355 = tpu.memref_slice %arg6[%dma_wait3A_351, %dma_wait3A_352, %dma_wait3A_353, %dma_wait3A_354] : memref<2x2x80x128xf32, #tpu.memory_space<vmem>> -> memref<1x1x20x128xf32, #tpu.memory_space<vmem>>
    %dma_wait3A_356 = tpu.memref_squeeze %dma_wait3A_355 : memref<1x1x20x128xf32, #tpu.memory_space<vmem>> -> memref<20x128xf32, #tpu.memory_space<vmem>>
    %dma_wait3A_357 = arith.constant 0 : i32
    %dma_wait3A_358 = arith.constant 0 : i32
    %dma_wait3A_359 = tpu.memref_slice %arg4[%add3A_344, %dma_wait3A_357, %dma_wait3A_358] : memref<4096x20x300xf32, #tpu.memory_space<hbm>> -> memref<1x20x300xf32, #tpu.memory_space<hbm>>
    %dma_wait3A_360 = tpu.memref_squeeze %dma_wait3A_359 : memref<1x20x300xf32, #tpu.memory_space<hbm>> -> memref<20x300xf32, #tpu.memory_space<hbm>>
    %dma_wait3A_361 = arith.constant 0 : i32
    %dma_wait3A_362 = arith.constant 0 : i32
    %dma_wait3A_363 = tpu.memref_slice %dma_wait3A_360[%dma_wait3A_361, %dma_wait3A_362] : memref<20x300xf32, #tpu.memory_space<hbm>> -> memref<20x128xf32, #tpu.memory_space<hbm>>
    %dma_wait3A_364 = arith.constant 0 : i32
    %dma_wait3A_365 = arith.constant 0 : i32
    %dma_wait3A_366 = tpu.memref_slice %arg4[%add3A_344, %dma_wait3A_364, %dma_wait3A_365] : memref<4096x20x300xf32, #tpu.memory_space<hbm>> -> memref<1x20x300xf32, #tpu.memory_space<hbm>>
    %dma_wait3A_367 = tpu.memref_squeeze %dma_wait3A_366 : memref<1x20x300xf32, #tpu.memory_space<hbm>> -> memref<20x300xf32, #tpu.memory_space<hbm>>
    %dma_wait3A_368 = arith.constant 0 : i32
    %dma_wait3A_369 = arith.constant 0 : i32
    %dma_wait3A_370 = tpu.memref_slice %dma_wait3A_367[%dma_wait3A_368, %dma_wait3A_369] : memref<20x300xf32, #tpu.memory_space<hbm>> -> memref<20x128xf32, #tpu.memory_space<hbm>>
    %dma_wait3A_371 = arith.constant 0 : i32
    %dma_wait3A_372 = arith.constant 0 : i32
    %dma_wait3A_373 = tpu.memref_slice %arg6[%dma_wait3A_351, %dma_wait3A_352, %dma_wait3A_371, %dma_wait3A_372] : memref<2x2x80x128xf32, #tpu.memory_space<vmem>> -> memref<1x1x20x128xf32, #tpu.memory_space<vmem>>
    %dma_wait3A_374 = tpu.memref_squeeze %dma_wait3A_373 : memref<1x1x20x128xf32, #tpu.memory_space<vmem>> -> memref<20x128xf32, #tpu.memory_space<vmem>>
    tpu.wait_dma2 semaphore(%arg10 : memref<!tpu.dma_semaphore, #tpu.memory_space<semaphore_mem>>) src(%dma_wait3A_374 : memref<20x128xf32, #tpu.memory_space<vmem>>) dst(%dma_wait3A_370 : memref<20x128xf32, #tpu.memory_space<hbm>>)
    %dma_wait3A_375 = arith.constant 0 : i32
    %dma_wait3A_376 = arith.constant 1 : i32
    %dma_wait3A_377 = arith.constant 0 : i32
    %dma_wait3A_378 = arith.constant 0 : i32
    %dma_wait3A_379 = tpu.memref_slice %arg6[%dma_wait3A_375, %dma_wait3A_376, %dma_wait3A_377, %dma_wait3A_378] : memref<2x2x80x128xf32, #tpu.memory_space<vmem>> -> memref<1x1x20x128xf32, #tpu.memory_space<vmem>>
    %dma_wait3A_380 = tpu.memref_squeeze %dma_wait3A_379 : memref<1x1x20x128xf32, #tpu.memory_space<vmem>> -> memref<20x128xf32, #tpu.memory_space<vmem>>
    %dma_wait3A_381 = arith.constant 0 : i32
    %dma_wait3A_382 = arith.constant 0 : i32
    %dma_wait3A_383 = tpu.memref_slice %arg4[%add3A_344, %dma_wait3A_381, %dma_wait3A_382] : memref<4096x20x300xf32, #tpu.memory_space<hbm>> -> memref<1x20x300xf32, #tpu.memory_space<hbm>>
    %dma_wait3A_384 = tpu.memref_squeeze %dma_wait3A_383 : memref<1x20x300xf32, #tpu.memory_space<hbm>> -> memref<20x300xf32, #tpu.memory_space<hbm>>
    %dma_wait3A_385 = arith.constant 0 : i32
    %dma_wait3A_386 = arith.constant 128 : i32
    %dma_wait3A_387 = tpu.memref_slice %dma_wait3A_384[%dma_wait3A_385, %dma_wait3A_386] : memref<20x300xf32, #tpu.memory_space<hbm>> -> memref<20x128xf32, #tpu.memory_space<hbm>>
    %dma_wait3A_388 = arith.constant 0 : i32
    %dma_wait3A_389 = arith.constant 0 : i32
    %dma_wait3A_390 = tpu.memref_slice %arg4[%add3A_344, %dma_wait3A_388, %dma_wait3A_389] : memref<4096x20x300xf32, #tpu.memory_space<hbm>> -> memref<1x20x300xf32, #tpu.memory_space<hbm>>
    %dma_wait3A_391 = tpu.memref_squeeze %dma_wait3A_390 : memref<1x20x300xf32, #tpu.memory_space<hbm>> -> memref<20x300xf32, #tpu.memory_space<hbm>>
    %dma_wait3A_392 = arith.constant 0 : i32
    %dma_wait3A_393 = arith.constant 128 : i32
    %dma_wait3A_394 = tpu.memref_slice %dma_wait3A_391[%dma_wait3A_392, %dma_wait3A_393] : memref<20x300xf32, #tpu.memory_space<hbm>> -> memref<20x128xf32, #tpu.memory_space<hbm>>
    %dma_wait3A_395 = arith.constant 0 : i32
    %dma_wait3A_396 = arith.constant 0 : i32
    %dma_wait3A_397 = tpu.memref_slice %arg6[%dma_wait3A_375, %dma_wait3A_376, %dma_wait3A_395, %dma_wait3A_396] : memref<2x2x80x128xf32, #tpu.memory_space<vmem>> -> memref<1x1x20x128xf32, #tpu.memory_space<vmem>>
    %dma_wait3A_398 = tpu.memref_squeeze %dma_wait3A_397 : memref<1x1x20x128xf32, #tpu.memory_space<vmem>> -> memref<20x128xf32, #tpu.memory_space<vmem>>
    tpu.wait_dma2 semaphore(%arg10 : memref<!tpu.dma_semaphore, #tpu.memory_space<semaphore_mem>>) src(%dma_wait3A_398 : memref<20x128xf32, #tpu.memory_space<vmem>>) dst(%dma_wait3A_394 : memref<20x128xf32, #tpu.memory_space<hbm>>)
    %dma_wait3A_399 = arith.constant 0 : i32
    %dma_wait3A_400 = arith.constant 0 : i32
    %dma_wait3A_401 = arith.constant 0 : i32
    %dma_wait3A_402 = tpu.memref_slice %arg7[%dma_wait3A_399, %dma_wait3A_400, %dma_wait3A_401] : memref<2x80x44xf32, #tpu.memory_space<vmem>> -> memref<1x20x44xf32, #tpu.memory_space<vmem>>
    %dma_wait3A_403 = tpu.memref_squeeze %dma_wait3A_402 : memref<1x20x44xf32, #tpu.memory_space<vmem>> -> memref<20x44xf32, #tpu.memory_space<vmem>>
    %dma_wait3A_404 = arith.constant 0 : i32
    %dma_wait3A_405 = arith.constant 0 : i32
    %dma_wait3A_406 = tpu.memref_slice %arg4[%add3A_344, %dma_wait3A_404, %dma_wait3A_405] : memref<4096x20x300xf32, #tpu.memory_space<hbm>> -> memref<1x20x300xf32, #tpu.memory_space<hbm>>
    %dma_wait3A_407 = tpu.memref_squeeze %dma_wait3A_406 : memref<1x20x300xf32, #tpu.memory_space<hbm>> -> memref<20x300xf32, #tpu.memory_space<hbm>>
    %dma_wait3A_408 = arith.constant 0 : i32
    %dma_wait3A_409 = arith.constant 256 : i32
    %dma_wait3A_410 = tpu.memref_slice %dma_wait3A_407[%dma_wait3A_408, %dma_wait3A_409] : memref<20x300xf32, #tpu.memory_space<hbm>> -> memref<20x44xf32, #tpu.memory_space<hbm>>
    %dma_wait3A_411 = arith.constant 0 : i32
    %dma_wait3A_412 = arith.constant 0 : i32
    %dma_wait3A_413 = tpu.memref_slice %arg4[%add3A_344, %dma_wait3A_411, %dma_wait3A_412] : memref<4096x20x300xf32, #tpu.memory_space<hbm>> -> memref<1x20x300xf32, #tpu.memory_space<hbm>>
    %dma_wait3A_414 = tpu.memref_squeeze %dma_wait3A_413 : memref<1x20x300xf32, #tpu.memory_space<hbm>> -> memref<20x300xf32, #tpu.memory_space<hbm>>
    %dma_wait3A_415 = arith.constant 0 : i32
    %dma_wait3A_416 = arith.constant 256 : i32
    %dma_wait3A_417 = tpu.memref_slice %dma_wait3A_414[%dma_wait3A_415, %dma_wait3A_416] : memref<20x300xf32, #tpu.memory_space<hbm>> -> memref<20x44xf32, #tpu.memory_space<hbm>>
    %dma_wait3A_418 = arith.constant 0 : i32
    %dma_wait3A_419 = arith.constant 0 : i32
    %dma_wait3A_420 = tpu.memref_slice %arg7[%dma_wait3A_399, %dma_wait3A_418, %dma_wait3A_419] : memref<2x80x44xf32, #tpu.memory_space<vmem>> -> memref<1x20x44xf32, #tpu.memory_space<vmem>>
    %dma_wait3A_421 = tpu.memref_squeeze %dma_wait3A_420 : memref<1x20x44xf32, #tpu.memory_space<vmem>> -> memref<20x44xf32, #tpu.memory_space<vmem>>
    tpu.wait_dma2 semaphore(%arg10 : memref<!tpu.dma_semaphore, #tpu.memory_space<semaphore_mem>>) src(%dma_wait3A_421 : memref<20x44xf32, #tpu.memory_space<vmem>>) dst(%dma_wait3A_417 : memref<20x44xf32, #tpu.memory_space<hbm>>)
    %dma_wait3A_422 = arith.constant 0 : i32
    %dma_wait3A_423 = arith.constant 0 : i32
    %dma_wait3A_424 = arith.constant 20 : i32
    %dma_wait3A_425 = arith.constant 0 : i32
    %dma_wait3A_426 = tpu.memref_slice %arg6[%dma_wait3A_422, %dma_wait3A_423, %dma_wait3A_424, %dma_wait3A_425] : memref<2x2x80x128xf32, #tpu.memory_space<vmem>> -> memref<1x1x20x128xf32, #tpu.memory_space<vmem>>
    %dma_wait3A_427 = tpu.memref_squeeze %dma_wait3A_426 : memref<1x1x20x128xf32, #tpu.memory_space<vmem>> -> memref<20x128xf32, #tpu.memory_space<vmem>>
    %dma_wait3A_428 = arith.constant 0 : i32
    %dma_wait3A_429 = arith.constant 0 : i32
    %dma_wait3A_430 = tpu.memref_slice %arg4[%add3A_346, %dma_wait3A_428, %dma_wait3A_429] : memref<4096x20x300xf32, #tpu.memory_space<hbm>> -> memref<1x20x300xf32, #tpu.memory_space<hbm>>
    %dma_wait3A_431 = tpu.memref_squeeze %dma_wait3A_430 : memref<1x20x300xf32, #tpu.memory_space<hbm>> -> memref<20x300xf32, #tpu.memory_space<hbm>>
    %dma_wait3A_432 = arith.constant 0 : i32
    %dma_wait3A_433 = arith.constant 0 : i32
    %dma_wait3A_434 = tpu.memref_slice %dma_wait3A_431[%dma_wait3A_432, %dma_wait3A_433] : memref<20x300xf32, #tpu.memory_space<hbm>> -> memref<20x128xf32, #tpu.memory_space<hbm>>
    %dma_wait3A_435 = arith.constant 0 : i32
    %dma_wait3A_436 = arith.constant 0 : i32
    %dma_wait3A_437 = tpu.memref_slice %arg4[%add3A_346, %dma_wait3A_435, %dma_wait3A_436] : memref<4096x20x300xf32, #tpu.memory_space<hbm>> -> memref<1x20x300xf32, #tpu.memory_space<hbm>>
    %dma_wait3A_438 = tpu.memref_squeeze %dma_wait3A_437 : memref<1x20x300xf32, #tpu.memory_space<hbm>> -> memref<20x300xf32, #tpu.memory_space<hbm>>
    %dma_wait3A_439 = arith.constant 0 : i32
    %dma_wait3A_440 = arith.constant 0 : i32
    %dma_wait3A_441 = tpu.memref_slice %dma_wait3A_438[%dma_wait3A_439, %dma_wait3A_440] : memref<20x300xf32, #tpu.memory_space<hbm>> -> memref<20x128xf32, #tpu.memory_space<hbm>>
    %dma_wait3A_442 = arith.constant 20 : i32
    %dma_wait3A_443 = arith.constant 0 : i32
    %dma_wait3A_444 = tpu.memref_slice %arg6[%dma_wait3A_422, %dma_wait3A_423, %dma_wait3A_442, %dma_wait3A_443] : memref<2x2x80x128xf32, #tpu.memory_space<vmem>> -> memref<1x1x20x128xf32, #tpu.memory_space<vmem>>
    %dma_wait3A_445 = tpu.memref_squeeze %dma_wait3A_444 : memref<1x1x20x128xf32, #tpu.memory_space<vmem>> -> memref<20x128xf32, #tpu.memory_space<vmem>>
    tpu.wait_dma2 semaphore(%arg10 : memref<!tpu.dma_semaphore, #tpu.memory_space<semaphore_mem>>) src(%dma_wait3A_445 : memref<20x128xf32, #tpu.memory_space<vmem>>) dst(%dma_wait3A_441 : memref<20x128xf32, #tpu.memory_space<hbm>>)
    %dma_wait3A_446 = arith.constant 0 : i32
    %dma_wait3A_447 = arith.constant 1 : i32
    %dma_wait3A_448 = arith.constant 20 : i32
    %dma_wait3A_449 = arith.constant 0 : i32
    %dma_wait3A_450 = tpu.memref_slice %arg6[%dma_wait3A_446, %dma_wait3A_447, %dma_wait3A_448, %dma_wait3A_449] : memref<2x2x80x128xf32, #tpu.memory_space<vmem>> -> memref<1x1x20x128xf32, #tpu.memory_space<vmem>>
    %dma_wait3A_451 = tpu.memref_squeeze %dma_wait3A_450 : memref<1x1x20x128xf32, #tpu.memory_space<vmem>> -> memref<20x128xf32, #tpu.memory_space<vmem>>
    %dma_wait3A_452 = arith.constant 0 : i32
    %dma_wait3A_453 = arith.constant 0 : i32
    %dma_wait3A_454 = tpu.memref_slice %arg4[%add3A_346, %dma_wait3A_452, %dma_wait3A_453] : memref<4096x20x300xf32, #tpu.memory_space<hbm>> -> memref<1x20x300xf32, #tpu.memory_space<hbm>>
    %dma_wait3A_455 = tpu.memref_squeeze %dma_wait3A_454 : memref<1x20x300xf32, #tpu.memory_space<hbm>> -> memref<20x300xf32, #tpu.memory_space<hbm>>
    %dma_wait3A_456 = arith.constant 0 : i32
    %dma_wait3A_457 = arith.constant 128 : i32
    %dma_wait3A_458 = tpu.memref_slice %dma_wait3A_455[%dma_wait3A_456, %dma_wait3A_457] : memref<20x300xf32, #tpu.memory_space<hbm>> -> memref<20x128xf32, #tpu.memory_space<hbm>>
    %dma_wait3A_459 = arith.constant 0 : i32
    %dma_wait3A_460 = arith.constant 0 : i32
    %dma_wait3A_461 = tpu.memref_slice %arg4[%add3A_346, %dma_wait3A_459, %dma_wait3A_460] : memref<4096x20x300xf32, #tpu.memory_space<hbm>> -> memref<1x20x300xf32, #tpu.memory_space<hbm>>
    %dma_wait3A_462 = tpu.memref_squeeze %dma_wait3A_461 : memref<1x20x300xf32, #tpu.memory_space<hbm>> -> memref<20x300xf32, #tpu.memory_space<hbm>>
    %dma_wait3A_463 = arith.constant 0 : i32
    %dma_wait3A_464 = arith.constant 128 : i32
    %dma_wait3A_465 = tpu.memref_slice %dma_wait3A_462[%dma_wait3A_463, %dma_wait3A_464] : memref<20x300xf32, #tpu.memory_space<hbm>> -> memref<20x128xf32, #tpu.memory_space<hbm>>
    %dma_wait3A_466 = arith.constant 20 : i32
    %dma_wait3A_467 = arith.constant 0 : i32
    %dma_wait3A_468 = tpu.memref_slice %arg6[%dma_wait3A_446, %dma_wait3A_447, %dma_wait3A_466, %dma_wait3A_467] : memref<2x2x80x128xf32, #tpu.memory_space<vmem>> -> memref<1x1x20x128xf32, #tpu.memory_space<vmem>>
    %dma_wait3A_469 = tpu.memref_squeeze %dma_wait3A_468 : memref<1x1x20x128xf32, #tpu.memory_space<vmem>> -> memref<20x128xf32, #tpu.memory_space<vmem>>
    tpu.wait_dma2 semaphore(%arg10 : memref<!tpu.dma_semaphore, #tpu.memory_space<semaphore_mem>>) src(%dma_wait3A_469 : memref<20x128xf32, #tpu.memory_space<vmem>>) dst(%dma_wait3A_465 : memref<20x128xf32, #tpu.memory_space<hbm>>)
    %dma_wait3A_470 = arith.constant 0 : i32
    %dma_wait3A_471 = arith.constant 20 : i32
    %dma_wait3A_472 = arith.constant 0 : i32
    %dma_wait3A_473 = tpu.memref_slice %arg7[%dma_wait3A_470, %dma_wait3A_471, %dma_wait3A_472] : memref<2x80x44xf32, #tpu.memory_space<vmem>> -> memref<1x20x44xf32, #tpu.memory_space<vmem>>
    %dma_wait3A_474 = tpu.memref_squeeze %dma_wait3A_473 : memref<1x20x44xf32, #tpu.memory_space<vmem>> -> memref<20x44xf32, #tpu.memory_space<vmem>>
    %dma_wait3A_475 = arith.constant 0 : i32
    %dma_wait3A_476 = arith.constant 0 : i32
    %dma_wait3A_477 = tpu.memref_slice %arg4[%add3A_346, %dma_wait3A_475, %dma_wait3A_476] : memref<4096x20x300xf32, #tpu.memory_space<hbm>> -> memref<1x20x300xf32, #tpu.memory_space<hbm>>
    %dma_wait3A_478 = tpu.memref_squeeze %dma_wait3A_477 : memref<1x20x300xf32, #tpu.memory_space<hbm>> -> memref<20x300xf32, #tpu.memory_space<hbm>>
    %dma_wait3A_479 = arith.constant 0 : i32
    %dma_wait3A_480 = arith.constant 256 : i32
    %dma_wait3A_481 = tpu.memref_slice %dma_wait3A_478[%dma_wait3A_479, %dma_wait3A_480] : memref<20x300xf32, #tpu.memory_space<hbm>> -> memref<20x44xf32, #tpu.memory_space<hbm>>
    %dma_wait3A_482 = arith.constant 0 : i32
    %dma_wait3A_483 = arith.constant 0 : i32
    %dma_wait3A_484 = tpu.memref_slice %arg4[%add3A_346, %dma_wait3A_482, %dma_wait3A_483] : memref<4096x20x300xf32, #tpu.memory_space<hbm>> -> memref<1x20x300xf32, #tpu.memory_space<hbm>>
    %dma_wait3A_485 = tpu.memref_squeeze %dma_wait3A_484 : memref<1x20x300xf32, #tpu.memory_space<hbm>> -> memref<20x300xf32, #tpu.memory_space<hbm>>
    %dma_wait3A_486 = arith.constant 0 : i32
    %dma_wait3A_487 = arith.constant 256 : i32
    %dma_wait3A_488 = tpu.memref_slice %dma_wait3A_485[%dma_wait3A_486, %dma_wait3A_487] : memref<20x300xf32, #tpu.memory_space<hbm>> -> memref<20x44xf32, #tpu.memory_space<hbm>>
    %dma_wait3A_489 = arith.constant 20 : i32
    %dma_wait3A_490 = arith.constant 0 : i32
    %dma_wait3A_491 = tpu.memref_slice %arg7[%dma_wait3A_470, %dma_wait3A_489, %dma_wait3A_490] : memref<2x80x44xf32, #tpu.memory_space<vmem>> -> memref<1x20x44xf32, #tpu.memory_space<vmem>>
    %dma_wait3A_492 = tpu.memref_squeeze %dma_wait3A_491 : memref<1x20x44xf32, #tpu.memory_space<vmem>> -> memref<20x44xf32, #tpu.memory_space<vmem>>
    tpu.wait_dma2 semaphore(%arg10 : memref<!tpu.dma_semaphore, #tpu.memory_space<semaphore_mem>>) src(%dma_wait3A_492 : memref<20x44xf32, #tpu.memory_space<vmem>>) dst(%dma_wait3A_488 : memref<20x44xf32, #tpu.memory_space<hbm>>)
    %dma_wait3A_493 = arith.constant 0 : i32
    %dma_wait3A_494 = arith.constant 0 : i32
    %dma_wait3A_495 = arith.constant 40 : i32
    %dma_wait3A_496 = arith.constant 0 : i32
    %dma_wait3A_497 = tpu.memref_slice %arg6[%dma_wait3A_493, %dma_wait3A_494, %dma_wait3A_495, %dma_wait3A_496] : memref<2x2x80x128xf32, #tpu.memory_space<vmem>> -> memref<1x1x20x128xf32, #tpu.memory_space<vmem>>
    %dma_wait3A_498 = tpu.memref_squeeze %dma_wait3A_497 : memref<1x1x20x128xf32, #tpu.memory_space<vmem>> -> memref<20x128xf32, #tpu.memory_space<vmem>>
    %dma_wait3A_499 = arith.constant 0 : i32
    %dma_wait3A_500 = arith.constant 0 : i32
    %dma_wait3A_501 = tpu.memref_slice %arg4[%add3A_348, %dma_wait3A_499, %dma_wait3A_500] : memref<4096x20x300xf32, #tpu.memory_space<hbm>> -> memref<1x20x300xf32, #tpu.memory_space<hbm>>
    %dma_wait3A_502 = tpu.memref_squeeze %dma_wait3A_501 : memref<1x20x300xf32, #tpu.memory_space<hbm>> -> memref<20x300xf32, #tpu.memory_space<hbm>>
    %dma_wait3A_503 = arith.constant 0 : i32
    %dma_wait3A_504 = arith.constant 0 : i32
    %dma_wait3A_505 = tpu.memref_slice %dma_wait3A_502[%dma_wait3A_503, %dma_wait3A_504] : memref<20x300xf32, #tpu.memory_space<hbm>> -> memref<20x128xf32, #tpu.memory_space<hbm>>
    %dma_wait3A_506 = arith.constant 0 : i32
    %dma_wait3A_507 = arith.constant 0 : i32
    %dma_wait3A_508 = tpu.memref_slice %arg4[%add3A_348, %dma_wait3A_506, %dma_wait3A_507] : memref<4096x20x300xf32, #tpu.memory_space<hbm>> -> memref<1x20x300xf32, #tpu.memory_space<hbm>>
    %dma_wait3A_509 = tpu.memref_squeeze %dma_wait3A_508 : memref<1x20x300xf32, #tpu.memory_space<hbm>> -> memref<20x300xf32, #tpu.memory_space<hbm>>
    %dma_wait3A_510 = arith.constant 0 : i32
    %dma_wait3A_511 = arith.constant 0 : i32
    %dma_wait3A_512 = tpu.memref_slice %dma_wait3A_509[%dma_wait3A_510, %dma_wait3A_511] : memref<20x300xf32, #tpu.memory_space<hbm>> -> memref<20x128xf32, #tpu.memory_space<hbm>>
    %dma_wait3A_513 = arith.constant 40 : i32
    %dma_wait3A_514 = arith.constant 0 : i32
    %dma_wait3A_515 = tpu.memref_slice %arg6[%dma_wait3A_493, %dma_wait3A_494, %dma_wait3A_513, %dma_wait3A_514] : memref<2x2x80x128xf32, #tpu.memory_space<vmem>> -> memref<1x1x20x128xf32, #tpu.memory_space<vmem>>
    %dma_wait3A_516 = tpu.memref_squeeze %dma_wait3A_515 : memref<1x1x20x128xf32, #tpu.memory_space<vmem>> -> memref<20x128xf32, #tpu.memory_space<vmem>>
    tpu.wait_dma2 semaphore(%arg10 : memref<!tpu.dma_semaphore, #tpu.memory_space<semaphore_mem>>) src(%dma_wait3A_516 : memref<20x128xf32, #tpu.memory_space<vmem>>) dst(%dma_wait3A_512 : memref<20x128xf32, #tpu.memory_space<hbm>>)
    %dma_wait3A_517 = arith.constant 0 : i32
    %dma_wait3A_518 = arith.constant 1 : i32
    %dma_wait3A_519 = arith.constant 40 : i32
    %dma_wait3A_520 = arith.constant 0 : i32
    %dma_wait3A_521 = tpu.memref_slice %arg6[%dma_wait3A_517, %dma_wait3A_518, %dma_wait3A_519, %dma_wait3A_520] : memref<2x2x80x128xf32, #tpu.memory_space<vmem>> -> memref<1x1x20x128xf32, #tpu.memory_space<vmem>>
    %dma_wait3A_522 = tpu.memref_squeeze %dma_wait3A_521 : memref<1x1x20x128xf32, #tpu.memory_space<vmem>> -> memref<20x128xf32, #tpu.memory_space<vmem>>
    %dma_wait3A_523 = arith.constant 0 : i32
    %dma_wait3A_524 = arith.constant 0 : i32
    %dma_wait3A_525 = tpu.memref_slice %arg4[%add3A_348, %dma_wait3A_523, %dma_wait3A_524] : memref<4096x20x300xf32, #tpu.memory_space<hbm>> -> memref<1x20x300xf32, #tpu.memory_space<hbm>>
    %dma_wait3A_526 = tpu.memref_squeeze %dma_wait3A_525 : memref<1x20x300xf32, #tpu.memory_space<hbm>> -> memref<20x300xf32, #tpu.memory_space<hbm>>
    %dma_wait3A_527 = arith.constant 0 : i32
    %dma_wait3A_528 = arith.constant 128 : i32
    %dma_wait3A_529 = tpu.memref_slice %dma_wait3A_526[%dma_wait3A_527, %dma_wait3A_528] : memref<20x300xf32, #tpu.memory_space<hbm>> -> memref<20x128xf32, #tpu.memory_space<hbm>>
    %dma_wait3A_530 = arith.constant 0 : i32
    %dma_wait3A_531 = arith.constant 0 : i32
    %dma_wait3A_532 = tpu.memref_slice %arg4[%add3A_348, %dma_wait3A_530, %dma_wait3A_531] : memref<4096x20x300xf32, #tpu.memory_space<hbm>> -> memref<1x20x300xf32, #tpu.memory_space<hbm>>
    %dma_wait3A_533 = tpu.memref_squeeze %dma_wait3A_532 : memref<1x20x300xf32, #tpu.memory_space<hbm>> -> memref<20x300xf32, #tpu.memory_space<hbm>>
    %dma_wait3A_534 = arith.constant 0 : i32
    %dma_wait3A_535 = arith.constant 128 : i32
    %dma_wait3A_536 = tpu.memref_slice %dma_wait3A_533[%dma_wait3A_534, %dma_wait3A_535] : memref<20x300xf32, #tpu.memory_space<hbm>> -> memref<20x128xf32, #tpu.memory_space<hbm>>
    %dma_wait3A_537 = arith.constant 40 : i32
    %dma_wait3A_538 = arith.constant 0 : i32
    %dma_wait3A_539 = tpu.memref_slice %arg6[%dma_wait3A_517, %dma_wait3A_518, %dma_wait3A_537, %dma_wait3A_538] : memref<2x2x80x128xf32, #tpu.memory_space<vmem>> -> memref<1x1x20x128xf32, #tpu.memory_space<vmem>>
    %dma_wait3A_540 = tpu.memref_squeeze %dma_wait3A_539 : memref<1x1x20x128xf32, #tpu.memory_space<vmem>> -> memref<20x128xf32, #tpu.memory_space<vmem>>
    tpu.wait_dma2 semaphore(%arg10 : memref<!tpu.dma_semaphore, #tpu.memory_space<semaphore_mem>>) src(%dma_wait3A_540 : memref<20x128xf32, #tpu.memory_space<vmem>>) dst(%dma_wait3A_536 : memref<20x128xf32, #tpu.memory_space<hbm>>)
    %dma_wait3A_541 = arith.constant 0 : i32
    %dma_wait3A_542 = arith.constant 40 : i32
    %dma_wait3A_543 = arith.constant 0 : i32
    %dma_wait3A_544 = tpu.memref_slice %arg7[%dma_wait3A_541, %dma_wait3A_542, %dma_wait3A_543] : memref<2x80x44xf32, #tpu.memory_space<vmem>> -> memref<1x20x44xf32, #tpu.memory_space<vmem>>
    %dma_wait3A_545 = tpu.memref_squeeze %dma_wait3A_544 : memref<1x20x44xf32, #tpu.memory_space<vmem>> -> memref<20x44xf32, #tpu.memory_space<vmem>>
    %dma_wait3A_546 = arith.constant 0 : i32
    %dma_wait3A_547 = arith.constant 0 : i32
    %dma_wait3A_548 = tpu.memref_slice %arg4[%add3A_348, %dma_wait3A_546, %dma_wait3A_547] : memref<4096x20x300xf32, #tpu.memory_space<hbm>> -> memref<1x20x300xf32, #tpu.memory_space<hbm>>
    %dma_wait3A_549 = tpu.memref_squeeze %dma_wait3A_548 : memref<1x20x300xf32, #tpu.memory_space<hbm>> -> memref<20x300xf32, #tpu.memory_space<hbm>>
    %dma_wait3A_550 = arith.constant 0 : i32
    %dma_wait3A_551 = arith.constant 256 : i32
    %dma_wait3A_552 = tpu.memref_slice %dma_wait3A_549[%dma_wait3A_550, %dma_wait3A_551] : memref<20x300xf32, #tpu.memory_space<hbm>> -> memref<20x44xf32, #tpu.memory_space<hbm>>
    %dma_wait3A_553 = arith.constant 0 : i32
    %dma_wait3A_554 = arith.constant 0 : i32
    %dma_wait3A_555 = tpu.memref_slice %arg4[%add3A_348, %dma_wait3A_553, %dma_wait3A_554] : memref<4096x20x300xf32, #tpu.memory_space<hbm>> -> memref<1x20x300xf32, #tpu.memory_space<hbm>>
    %dma_wait3A_556 = tpu.memref_squeeze %dma_wait3A_555 : memref<1x20x300xf32, #tpu.memory_space<hbm>> -> memref<20x300xf32, #tpu.memory_space<hbm>>
    %dma_wait3A_557 = arith.constant 0 : i32
    %dma_wait3A_558 = arith.constant 256 : i32
    %dma_wait3A_559 = tpu.memref_slice %dma_wait3A_556[%dma_wait3A_557, %dma_wait3A_558] : memref<20x300xf32, #tpu.memory_space<hbm>> -> memref<20x44xf32, #tpu.memory_space<hbm>>
    %dma_wait3A_560 = arith.constant 40 : i32
    %dma_wait3A_561 = arith.constant 0 : i32
    %dma_wait3A_562 = tpu.memref_slice %arg7[%dma_wait3A_541, %dma_wait3A_560, %dma_wait3A_561] : memref<2x80x44xf32, #tpu.memory_space<vmem>> -> memref<1x20x44xf32, #tpu.memory_space<vmem>>
    %dma_wait3A_563 = tpu.memref_squeeze %dma_wait3A_562 : memref<1x20x44xf32, #tpu.memory_space<vmem>> -> memref<20x44xf32, #tpu.memory_space<vmem>>
    tpu.wait_dma2 semaphore(%arg10 : memref<!tpu.dma_semaphore, #tpu.memory_space<semaphore_mem>>) src(%dma_wait3A_563 : memref<20x44xf32, #tpu.memory_space<vmem>>) dst(%dma_wait3A_559 : memref<20x44xf32, #tpu.memory_space<hbm>>)
    %dma_wait3A_564 = arith.constant 0 : i32
    %dma_wait3A_565 = arith.constant 0 : i32
    %dma_wait3A_566 = arith.constant 60 : i32
    %dma_wait3A_567 = arith.constant 0 : i32
    %dma_wait3A_568 = tpu.memref_slice %arg6[%dma_wait3A_564, %dma_wait3A_565, %dma_wait3A_566, %dma_wait3A_567] : memref<2x2x80x128xf32, #tpu.memory_space<vmem>> -> memref<1x1x20x128xf32, #tpu.memory_space<vmem>>
    %dma_wait3A_569 = tpu.memref_squeeze %dma_wait3A_568 : memref<1x1x20x128xf32, #tpu.memory_space<vmem>> -> memref<20x128xf32, #tpu.memory_space<vmem>>
    %dma_wait3A_570 = arith.constant 0 : i32
    %dma_wait3A_571 = arith.constant 0 : i32
    %dma_wait3A_572 = tpu.memref_slice %arg4[%add3A_350, %dma_wait3A_570, %dma_wait3A_571] : memref<4096x20x300xf32, #tpu.memory_space<hbm>> -> memref<1x20x300xf32, #tpu.memory_space<hbm>>
    %dma_wait3A_573 = tpu.memref_squeeze %dma_wait3A_572 : memref<1x20x300xf32, #tpu.memory_space<hbm>> -> memref<20x300xf32, #tpu.memory_space<hbm>>
    %dma_wait3A_574 = arith.constant 0 : i32
    %dma_wait3A_575 = arith.constant 0 : i32
    %dma_wait3A_576 = tpu.memref_slice %dma_wait3A_573[%dma_wait3A_574, %dma_wait3A_575] : memref<20x300xf32, #tpu.memory_space<hbm>> -> memref<20x128xf32, #tpu.memory_space<hbm>>
    %dma_wait3A_577 = arith.constant 0 : i32
    %dma_wait3A_578 = arith.constant 0 : i32
    %dma_wait3A_579 = tpu.memref_slice %arg4[%add3A_350, %dma_wait3A_577, %dma_wait3A_578] : memref<4096x20x300xf32, #tpu.memory_space<hbm>> -> memref<1x20x300xf32, #tpu.memory_space<hbm>>
    %dma_wait3A_580 = tpu.memref_squeeze %dma_wait3A_579 : memref<1x20x300xf32, #tpu.memory_space<hbm>> -> memref<20x300xf32, #tpu.memory_space<hbm>>
    %dma_wait3A_581 = arith.constant 0 : i32
    %dma_wait3A_582 = arith.constant 0 : i32
    %dma_wait3A_583 = tpu.memref_slice %dma_wait3A_580[%dma_wait3A_581, %dma_wait3A_582] : memref<20x300xf32, #tpu.memory_space<hbm>> -> memref<20x128xf32, #tpu.memory_space<hbm>>
    %dma_wait3A_584 = arith.constant 60 : i32
    %dma_wait3A_585 = arith.constant 0 : i32
    %dma_wait3A_586 = tpu.memref_slice %arg6[%dma_wait3A_564, %dma_wait3A_565, %dma_wait3A_584, %dma_wait3A_585] : memref<2x2x80x128xf32, #tpu.memory_space<vmem>> -> memref<1x1x20x128xf32, #tpu.memory_space<vmem>>
    %dma_wait3A_587 = tpu.memref_squeeze %dma_wait3A_586 : memref<1x1x20x128xf32, #tpu.memory_space<vmem>> -> memref<20x128xf32, #tpu.memory_space<vmem>>
    tpu.wait_dma2 semaphore(%arg10 : memref<!tpu.dma_semaphore, #tpu.memory_space<semaphore_mem>>) src(%dma_wait3A_587 : memref<20x128xf32, #tpu.memory_space<vmem>>) dst(%dma_wait3A_583 : memref<20x128xf32, #tpu.memory_space<hbm>>)
    %dma_wait3A_588 = arith.constant 0 : i32
    %dma_wait3A_589 = arith.constant 1 : i32
    %dma_wait3A_590 = arith.constant 60 : i32
    %dma_wait3A_591 = arith.constant 0 : i32
    %dma_wait3A_592 = tpu.memref_slice %arg6[%dma_wait3A_588, %dma_wait3A_589, %dma_wait3A_590, %dma_wait3A_591] : memref<2x2x80x128xf32, #tpu.memory_space<vmem>> -> memref<1x1x20x128xf32, #tpu.memory_space<vmem>>
    %dma_wait3A_593 = tpu.memref_squeeze %dma_wait3A_592 : memref<1x1x20x128xf32, #tpu.memory_space<vmem>> -> memref<20x128xf32, #tpu.memory_space<vmem>>
    %dma_wait3A_594 = arith.constant 0 : i32
    %dma_wait3A_595 = arith.constant 0 : i32
    %dma_wait3A_596 = tpu.memref_slice %arg4[%add3A_350, %dma_wait3A_594, %dma_wait3A_595] : memref<4096x20x300xf32, #tpu.memory_space<hbm>> -> memref<1x20x300xf32, #tpu.memory_space<hbm>>
    %dma_wait3A_597 = tpu.memref_squeeze %dma_wait3A_596 : memref<1x20x300xf32, #tpu.memory_space<hbm>> -> memref<20x300xf32, #tpu.memory_space<hbm>>
    %dma_wait3A_598 = arith.constant 0 : i32
    %dma_wait3A_599 = arith.constant 128 : i32
    %dma_wait3A_600 = tpu.memref_slice %dma_wait3A_597[%dma_wait3A_598, %dma_wait3A_599] : memref<20x300xf32, #tpu.memory_space<hbm>> -> memref<20x128xf32, #tpu.memory_space<hbm>>
    %dma_wait3A_601 = arith.constant 0 : i32
    %dma_wait3A_602 = arith.constant 0 : i32
    %dma_wait3A_603 = tpu.memref_slice %arg4[%add3A_350, %dma_wait3A_601, %dma_wait3A_602] : memref<4096x20x300xf32, #tpu.memory_space<hbm>> -> memref<1x20x300xf32, #tpu.memory_space<hbm>>
    %dma_wait3A_604 = tpu.memref_squeeze %dma_wait3A_603 : memref<1x20x300xf32, #tpu.memory_space<hbm>> -> memref<20x300xf32, #tpu.memory_space<hbm>>
    %dma_wait3A_605 = arith.constant 0 : i32
    %dma_wait3A_606 = arith.constant 128 : i32
    %dma_wait3A_607 = tpu.memref_slice %dma_wait3A_604[%dma_wait3A_605, %dma_wait3A_606] : memref<20x300xf32, #tpu.memory_space<hbm>> -> memref<20x128xf32, #tpu.memory_space<hbm>>
    %dma_wait3A_608 = arith.constant 60 : i32
    %dma_wait3A_609 = arith.constant 0 : i32
    %dma_wait3A_610 = tpu.memref_slice %arg6[%dma_wait3A_588, %dma_wait3A_589, %dma_wait3A_608, %dma_wait3A_609] : memref<2x2x80x128xf32, #tpu.memory_space<vmem>> -> memref<1x1x20x128xf32, #tpu.memory_space<vmem>>
    %dma_wait3A_611 = tpu.memref_squeeze %dma_wait3A_610 : memref<1x1x20x128xf32, #tpu.memory_space<vmem>> -> memref<20x128xf32, #tpu.memory_space<vmem>>
    tpu.wait_dma2 semaphore(%arg10 : memref<!tpu.dma_semaphore, #tpu.memory_space<semaphore_mem>>) src(%dma_wait3A_611 : memref<20x128xf32, #tpu.memory_space<vmem>>) dst(%dma_wait3A_607 : memref<20x128xf32, #tpu.memory_space<hbm>>)
    %dma_wait3A_612 = arith.constant 0 : i32
    %dma_wait3A_613 = arith.constant 60 : i32
    %dma_wait3A_614 = arith.constant 0 : i32
    %dma_wait3A_615 = tpu.memref_slice %arg7[%dma_wait3A_612, %dma_wait3A_613, %dma_wait3A_614] : memref<2x80x44xf32, #tpu.memory_space<vmem>> -> memref<1x20x44xf32, #tpu.memory_space<vmem>>
    %dma_wait3A_616 = tpu.memref_squeeze %dma_wait3A_615 : memref<1x20x44xf32, #tpu.memory_space<vmem>> -> memref<20x44xf32, #tpu.memory_space<vmem>>
    %dma_wait3A_617 = arith.constant 0 : i32
    %dma_wait3A_618 = arith.constant 0 : i32
    %dma_wait3A_619 = tpu.memref_slice %arg4[%add3A_350, %dma_wait3A_617, %dma_wait3A_618] : memref<4096x20x300xf32, #tpu.memory_space<hbm>> -> memref<1x20x300xf32, #tpu.memory_space<hbm>>
    %dma_wait3A_620 = tpu.memref_squeeze %dma_wait3A_619 : memref<1x20x300xf32, #tpu.memory_space<hbm>> -> memref<20x300xf32, #tpu.memory_space<hbm>>
    %dma_wait3A_621 = arith.constant 0 : i32
    %dma_wait3A_622 = arith.constant 256 : i32
    %dma_wait3A_623 = tpu.memref_slice %dma_wait3A_620[%dma_wait3A_621, %dma_wait3A_622] : memref<20x300xf32, #tpu.memory_space<hbm>> -> memref<20x44xf32, #tpu.memory_space<hbm>>
    %dma_wait3A_624 = arith.constant 0 : i32
    %dma_wait3A_625 = arith.constant 0 : i32
    %dma_wait3A_626 = tpu.memref_slice %arg4[%add3A_350, %dma_wait3A_624, %dma_wait3A_625] : memref<4096x20x300xf32, #tpu.memory_space<hbm>> -> memref<1x20x300xf32, #tpu.memory_space<hbm>>
    %dma_wait3A_627 = tpu.memref_squeeze %dma_wait3A_626 : memref<1x20x300xf32, #tpu.memory_space<hbm>> -> memref<20x300xf32, #tpu.memory_space<hbm>>
    %dma_wait3A_628 = arith.constant 0 : i32
    %dma_wait3A_629 = arith.constant 256 : i32
    %dma_wait3A_630 = tpu.memref_slice %dma_wait3A_627[%dma_wait3A_628, %dma_wait3A_629] : memref<20x300xf32, #tpu.memory_space<hbm>> -> memref<20x44xf32, #tpu.memory_space<hbm>>
    %dma_wait3A_631 = arith.constant 60 : i32
    %dma_wait3A_632 = arith.constant 0 : i32
    %dma_wait3A_633 = tpu.memref_slice %arg7[%dma_wait3A_612, %dma_wait3A_631, %dma_wait3A_632] : memref<2x80x44xf32, #tpu.memory_space<vmem>> -> memref<1x20x44xf32, #tpu.memory_space<vmem>>
    %dma_wait3A_634 = tpu.memref_squeeze %dma_wait3A_633 : memref<1x20x44xf32, #tpu.memory_space<vmem>> -> memref<20x44xf32, #tpu.memory_space<vmem>>
    tpu.wait_dma2 semaphore(%arg10 : memref<!tpu.dma_semaphore, #tpu.memory_space<semaphore_mem>>) src(%dma_wait3A_634 : memref<20x44xf32, #tpu.memory_space<vmem>>) dst(%dma_wait3A_630 : memref<20x44xf32, #tpu.memory_space<hbm>>)
    %add3A_635 = arith.constant 124 : i32
    %add3A_636 = arith.addi %mul3A_2, %add3A_635 : i32
    %add3A_637 = arith.constant 0 : i32
    %add3A_638 = arith.addi %add3A_636, %add3A_637 : i32
    %add3A_639 = arith.constant 1 : i32
    %add3A_640 = arith.addi %add3A_636, %add3A_639 : i32
    %add3A_641 = arith.constant 2 : i32
    %add3A_642 = arith.addi %add3A_636, %add3A_641 : i32
    %add3A_643 = arith.constant 3 : i32
    %add3A_644 = arith.addi %add3A_636, %add3A_643 : i32
    %dma_wait3A_645 = arith.constant 1 : i32
    %dma_wait3A_646 = arith.constant 0 : i32
    %dma_wait3A_647 = arith.constant 0 : i32
    %dma_wait3A_648 = arith.constant 0 : i32
    %dma_wait3A_649 = tpu.memref_slice %arg6[%dma_wait3A_645, %dma_wait3A_646, %dma_wait3A_647, %dma_wait3A_648] : memref<2x2x80x128xf32, #tpu.memory_space<vmem>> -> memref<1x1x20x128xf32, #tpu.memory_space<vmem>>
    %dma_wait3A_650 = tpu.memref_squeeze %dma_wait3A_649 : memref<1x1x20x128xf32, #tpu.memory_space<vmem>> -> memref<20x128xf32, #tpu.memory_space<vmem>>
    %dma_wait3A_651 = arith.constant 0 : i32
    %dma_wait3A_652 = arith.constant 0 : i32
    %dma_wait3A_653 = tpu.memref_slice %arg4[%add3A_638, %dma_wait3A_651, %dma_wait3A_652] : memref<4096x20x300xf32, #tpu.memory_space<hbm>> -> memref<1x20x300xf32, #tpu.memory_space<hbm>>
    %dma_wait3A_654 = tpu.memref_squeeze %dma_wait3A_653 : memref<1x20x300xf32, #tpu.memory_space<hbm>> -> memref<20x300xf32, #tpu.memory_space<hbm>>
    %dma_wait3A_655 = arith.constant 0 : i32
    %dma_wait3A_656 = arith.constant 0 : i32
    %dma_wait3A_657 = tpu.memref_slice %dma_wait3A_654[%dma_wait3A_655, %dma_wait3A_656] : memref<20x300xf32, #tpu.memory_space<hbm>> -> memref<20x128xf32, #tpu.memory_space<hbm>>
    %dma_wait3A_658 = arith.constant 0 : i32
    %dma_wait3A_659 = arith.constant 0 : i32
    %dma_wait3A_660 = tpu.memref_slice %arg4[%add3A_638, %dma_wait3A_658, %dma_wait3A_659] : memref<4096x20x300xf32, #tpu.memory_space<hbm>> -> memref<1x20x300xf32, #tpu.memory_space<hbm>>
    %dma_wait3A_661 = tpu.memref_squeeze %dma_wait3A_660 : memref<1x20x300xf32, #tpu.memory_space<hbm>> -> memref<20x300xf32, #tpu.memory_space<hbm>>
    %dma_wait3A_662 = arith.constant 0 : i32
    %dma_wait3A_663 = arith.constant 0 : i32
    %dma_wait3A_664 = tpu.memref_slice %dma_wait3A_661[%dma_wait3A_662, %dma_wait3A_663] : memref<20x300xf32, #tpu.memory_space<hbm>> -> memref<20x128xf32, #tpu.memory_space<hbm>>
    %dma_wait3A_665 = arith.constant 0 : i32
    %dma_wait3A_666 = arith.constant 0 : i32
    %dma_wait3A_667 = tpu.memref_slice %arg6[%dma_wait3A_645, %dma_wait3A_646, %dma_wait3A_665, %dma_wait3A_666] : memref<2x2x80x128xf32, #tpu.memory_space<vmem>> -> memref<1x1x20x128xf32, #tpu.memory_space<vmem>>
    %dma_wait3A_668 = tpu.memref_squeeze %dma_wait3A_667 : memref<1x1x20x128xf32, #tpu.memory_space<vmem>> -> memref<20x128xf32, #tpu.memory_space<vmem>>
    tpu.wait_dma2 semaphore(%arg10 : memref<!tpu.dma_semaphore, #tpu.memory_space<semaphore_mem>>) src(%dma_wait3A_668 : memref<20x128xf32, #tpu.memory_space<vmem>>) dst(%dma_wait3A_664 : memref<20x128xf32, #tpu.memory_space<hbm>>)
    %dma_wait3A_669 = arith.constant 1 : i32
    %dma_wait3A_670 = arith.constant 1 : i32
    %dma_wait3A_671 = arith.constant 0 : i32
    %dma_wait3A_672 = arith.constant 0 : i32
    %dma_wait3A_673 = tpu.memref_slice %arg6[%dma_wait3A_669, %dma_wait3A_670, %dma_wait3A_671, %dma_wait3A_672] : memref<2x2x80x128xf32, #tpu.memory_space<vmem>> -> memref<1x1x20x128xf32, #tpu.memory_space<vmem>>
    %dma_wait3A_674 = tpu.memref_squeeze %dma_wait3A_673 : memref<1x1x20x128xf32, #tpu.memory_space<vmem>> -> memref<20x128xf32, #tpu.memory_space<vmem>>
    %dma_wait3A_675 = arith.constant 0 : i32
    %dma_wait3A_676 = arith.constant 0 : i32
    %dma_wait3A_677 = tpu.memref_slice %arg4[%add3A_638, %dma_wait3A_675, %dma_wait3A_676] : memref<4096x20x300xf32, #tpu.memory_space<hbm>> -> memref<1x20x300xf32, #tpu.memory_space<hbm>>
    %dma_wait3A_678 = tpu.memref_squeeze %dma_wait3A_677 : memref<1x20x300xf32, #tpu.memory_space<hbm>> -> memref<20x300xf32, #tpu.memory_space<hbm>>
    %dma_wait3A_679 = arith.constant 0 : i32
    %dma_wait3A_680 = arith.constant 128 : i32
    %dma_wait3A_681 = tpu.memref_slice %dma_wait3A_678[%dma_wait3A_679, %dma_wait3A_680] : memref<20x300xf32, #tpu.memory_space<hbm>> -> memref<20x128xf32, #tpu.memory_space<hbm>>
    %dma_wait3A_682 = arith.constant 0 : i32
    %dma_wait3A_683 = arith.constant 0 : i32
    %dma_wait3A_684 = tpu.memref_slice %arg4[%add3A_638, %dma_wait3A_682, %dma_wait3A_683] : memref<4096x20x300xf32, #tpu.memory_space<hbm>> -> memref<1x20x300xf32, #tpu.memory_space<hbm>>
    %dma_wait3A_685 = tpu.memref_squeeze %dma_wait3A_684 : memref<1x20x300xf32, #tpu.memory_space<hbm>> -> memref<20x300xf32, #tpu.memory_space<hbm>>
    %dma_wait3A_686 = arith.constant 0 : i32
    %dma_wait3A_687 = arith.constant 128 : i32
    %dma_wait3A_688 = tpu.memref_slice %dma_wait3A_685[%dma_wait3A_686, %dma_wait3A_687] : memref<20x300xf32, #tpu.memory_space<hbm>> -> memref<20x128xf32, #tpu.memory_space<hbm>>
    %dma_wait3A_689 = arith.constant 0 : i32
    %dma_wait3A_690 = arith.constant 0 : i32
    %dma_wait3A_691 = tpu.memref_slice %arg6[%dma_wait3A_669, %dma_wait3A_670, %dma_wait3A_689, %dma_wait3A_690] : memref<2x2x80x128xf32, #tpu.memory_space<vmem>> -> memref<1x1x20x128xf32, #tpu.memory_space<vmem>>
    %dma_wait3A_692 = tpu.memref_squeeze %dma_wait3A_691 : memref<1x1x20x128xf32, #tpu.memory_space<vmem>> -> memref<20x128xf32, #tpu.memory_space<vmem>>
    tpu.wait_dma2 semaphore(%arg10 : memref<!tpu.dma_semaphore, #tpu.memory_space<semaphore_mem>>) src(%dma_wait3A_692 : memref<20x128xf32, #tpu.memory_space<vmem>>) dst(%dma_wait3A_688 : memref<20x128xf32, #tpu.memory_space<hbm>>)
    %dma_wait3A_693 = arith.constant 1 : i32
    %dma_wait3A_694 = arith.constant 0 : i32
    %dma_wait3A_695 = arith.constant 0 : i32
    %dma_wait3A_696 = tpu.memref_slice %arg7[%dma_wait3A_693, %dma_wait3A_694, %dma_wait3A_695] : memref<2x80x44xf32, #tpu.memory_space<vmem>> -> memref<1x20x44xf32, #tpu.memory_space<vmem>>
    %dma_wait3A_697 = tpu.memref_squeeze %dma_wait3A_696 : memref<1x20x44xf32, #tpu.memory_space<vmem>> -> memref<20x44xf32, #tpu.memory_space<vmem>>
    %dma_wait3A_698 = arith.constant 0 : i32
    %dma_wait3A_699 = arith.constant 0 : i32
    %dma_wait3A_700 = tpu.memref_slice %arg4[%add3A_638, %dma_wait3A_698, %dma_wait3A_699] : memref<4096x20x300xf32, #tpu.memory_space<hbm>> -> memref<1x20x300xf32, #tpu.memory_space<hbm>>
    %dma_wait3A_701 = tpu.memref_squeeze %dma_wait3A_700 : memref<1x20x300xf32, #tpu.memory_space<hbm>> -> memref<20x300xf32, #tpu.memory_space<hbm>>
    %dma_wait3A_702 = arith.constant 0 : i32
    %dma_wait3A_703 = arith.constant 256 : i32
    %dma_wait3A_704 = tpu.memref_slice %dma_wait3A_701[%dma_wait3A_702, %dma_wait3A_703] : memref<20x300xf32, #tpu.memory_space<hbm>> -> memref<20x44xf32, #tpu.memory_space<hbm>>
    %dma_wait3A_705 = arith.constant 0 : i32
    %dma_wait3A_706 = arith.constant 0 : i32
    %dma_wait3A_707 = tpu.memref_slice %arg4[%add3A_638, %dma_wait3A_705, %dma_wait3A_706] : memref<4096x20x300xf32, #tpu.memory_space<hbm>> -> memref<1x20x300xf32, #tpu.memory_space<hbm>>
    %dma_wait3A_708 = tpu.memref_squeeze %dma_wait3A_707 : memref<1x20x300xf32, #tpu.memory_space<hbm>> -> memref<20x300xf32, #tpu.memory_space<hbm>>
    %dma_wait3A_709 = arith.constant 0 : i32
    %dma_wait3A_710 = arith.constant 256 : i32
    %dma_wait3A_711 = tpu.memref_slice %dma_wait3A_708[%dma_wait3A_709, %dma_wait3A_710] : memref<20x300xf32, #tpu.memory_space<hbm>> -> memref<20x44xf32, #tpu.memory_space<hbm>>
    %dma_wait3A_712 = arith.constant 0 : i32
    %dma_wait3A_713 = arith.constant 0 : i32
    %dma_wait3A_714 = tpu.memref_slice %arg7[%dma_wait3A_693, %dma_wait3A_712, %dma_wait3A_713] : memref<2x80x44xf32, #tpu.memory_space<vmem>> -> memref<1x20x44xf32, #tpu.memory_space<vmem>>
    %dma_wait3A_715 = tpu.memref_squeeze %dma_wait3A_714 : memref<1x20x44xf32, #tpu.memory_space<vmem>> -> memref<20x44xf32, #tpu.memory_space<vmem>>
    tpu.wait_dma2 semaphore(%arg10 : memref<!tpu.dma_semaphore, #tpu.memory_space<semaphore_mem>>) src(%dma_wait3A_715 : memref<20x44xf32, #tpu.memory_space<vmem>>) dst(%dma_wait3A_711 : memref<20x44xf32, #tpu.memory_space<hbm>>)
    %dma_wait3A_716 = arith.constant 1 : i32
    %dma_wait3A_717 = arith.constant 0 : i32
    %dma_wait3A_718 = arith.constant 20 : i32
    %dma_wait3A_719 = arith.constant 0 : i32
    %dma_wait3A_720 = tpu.memref_slice %arg6[%dma_wait3A_716, %dma_wait3A_717, %dma_wait3A_718, %dma_wait3A_719] : memref<2x2x80x128xf32, #tpu.memory_space<vmem>> -> memref<1x1x20x128xf32, #tpu.memory_space<vmem>>
    %dma_wait3A_721 = tpu.memref_squeeze %dma_wait3A_720 : memref<1x1x20x128xf32, #tpu.memory_space<vmem>> -> memref<20x128xf32, #tpu.memory_space<vmem>>
    %dma_wait3A_722 = arith.constant 0 : i32
    %dma_wait3A_723 = arith.constant 0 : i32
    %dma_wait3A_724 = tpu.memref_slice %arg4[%add3A_640, %dma_wait3A_722, %dma_wait3A_723] : memref<4096x20x300xf32, #tpu.memory_space<hbm>> -> memref<1x20x300xf32, #tpu.memory_space<hbm>>
    %dma_wait3A_725 = tpu.memref_squeeze %dma_wait3A_724 : memref<1x20x300xf32, #tpu.memory_space<hbm>> -> memref<20x300xf32, #tpu.memory_space<hbm>>
    %dma_wait3A_726 = arith.constant 0 : i32
    %dma_wait3A_727 = arith.constant 0 : i32
    %dma_wait3A_728 = tpu.memref_slice %dma_wait3A_725[%dma_wait3A_726, %dma_wait3A_727] : memref<20x300xf32, #tpu.memory_space<hbm>> -> memref<20x128xf32, #tpu.memory_space<hbm>>
    %dma_wait3A_729 = arith.constant 0 : i32
    %dma_wait3A_730 = arith.constant 0 : i32
    %dma_wait3A_731 = tpu.memref_slice %arg4[%add3A_640, %dma_wait3A_729, %dma_wait3A_730] : memref<4096x20x300xf32, #tpu.memory_space<hbm>> -> memref<1x20x300xf32, #tpu.memory_space<hbm>>
    %dma_wait3A_732 = tpu.memref_squeeze %dma_wait3A_731 : memref<1x20x300xf32, #tpu.memory_space<hbm>> -> memref<20x300xf32, #tpu.memory_space<hbm>>
    %dma_wait3A_733 = arith.constant 0 : i32
    %dma_wait3A_734 = arith.constant 0 : i32
    %dma_wait3A_735 = tpu.memref_slice %dma_wait3A_732[%dma_wait3A_733, %dma_wait3A_734] : memref<20x300xf32, #tpu.memory_space<hbm>> -> memref<20x128xf32, #tpu.memory_space<hbm>>
    %dma_wait3A_736 = arith.constant 20 : i32
    %dma_wait3A_737 = arith.constant 0 : i32
    %dma_wait3A_738 = tpu.memref_slice %arg6[%dma_wait3A_716, %dma_wait3A_717, %dma_wait3A_736, %dma_wait3A_737] : memref<2x2x80x128xf32, #tpu.memory_space<vmem>> -> memref<1x1x20x128xf32, #tpu.memory_space<vmem>>
    %dma_wait3A_739 = tpu.memref_squeeze %dma_wait3A_738 : memref<1x1x20x128xf32, #tpu.memory_space<vmem>> -> memref<20x128xf32, #tpu.memory_space<vmem>>
    tpu.wait_dma2 semaphore(%arg10 : memref<!tpu.dma_semaphore, #tpu.memory_space<semaphore_mem>>) src(%dma_wait3A_739 : memref<20x128xf32, #tpu.memory_space<vmem>>) dst(%dma_wait3A_735 : memref<20x128xf32, #tpu.memory_space<hbm>>)
    %dma_wait3A_740 = arith.constant 1 : i32
    %dma_wait3A_741 = arith.constant 1 : i32
    %dma_wait3A_742 = arith.constant 20 : i32
    %dma_wait3A_743 = arith.constant 0 : i32
    %dma_wait3A_744 = tpu.memref_slice %arg6[%dma_wait3A_740, %dma_wait3A_741, %dma_wait3A_742, %dma_wait3A_743] : memref<2x2x80x128xf32, #tpu.memory_space<vmem>> -> memref<1x1x20x128xf32, #tpu.memory_space<vmem>>
    %dma_wait3A_745 = tpu.memref_squeeze %dma_wait3A_744 : memref<1x1x20x128xf32, #tpu.memory_space<vmem>> -> memref<20x128xf32, #tpu.memory_space<vmem>>
    %dma_wait3A_746 = arith.constant 0 : i32
    %dma_wait3A_747 = arith.constant 0 : i32
    %dma_wait3A_748 = tpu.memref_slice %arg4[%add3A_640, %dma_wait3A_746, %dma_wait3A_747] : memref<4096x20x300xf32, #tpu.memory_space<hbm>> -> memref<1x20x300xf32, #tpu.memory_space<hbm>>
    %dma_wait3A_749 = tpu.memref_squeeze %dma_wait3A_748 : memref<1x20x300xf32, #tpu.memory_space<hbm>> -> memref<20x300xf32, #tpu.memory_space<hbm>>
    %dma_wait3A_750 = arith.constant 0 : i32
    %dma_wait3A_751 = arith.constant 128 : i32
    %dma_wait3A_752 = tpu.memref_slice %dma_wait3A_749[%dma_wait3A_750, %dma_wait3A_751] : memref<20x300xf32, #tpu.memory_space<hbm>> -> memref<20x128xf32, #tpu.memory_space<hbm>>
    %dma_wait3A_753 = arith.constant 0 : i32
    %dma_wait3A_754 = arith.constant 0 : i32
    %dma_wait3A_755 = tpu.memref_slice %arg4[%add3A_640, %dma_wait3A_753, %dma_wait3A_754] : memref<4096x20x300xf32, #tpu.memory_space<hbm>> -> memref<1x20x300xf32, #tpu.memory_space<hbm>>
    %dma_wait3A_756 = tpu.memref_squeeze %dma_wait3A_755 : memref<1x20x300xf32, #tpu.memory_space<hbm>> -> memref<20x300xf32, #tpu.memory_space<hbm>>
    %dma_wait3A_757 = arith.constant 0 : i32
    %dma_wait3A_758 = arith.constant 128 : i32
    %dma_wait3A_759 = tpu.memref_slice %dma_wait3A_756[%dma_wait3A_757, %dma_wait3A_758] : memref<20x300xf32, #tpu.memory_space<hbm>> -> memref<20x128xf32, #tpu.memory_space<hbm>>
    %dma_wait3A_760 = arith.constant 20 : i32
    %dma_wait3A_761 = arith.constant 0 : i32
    %dma_wait3A_762 = tpu.memref_slice %arg6[%dma_wait3A_740, %dma_wait3A_741, %dma_wait3A_760, %dma_wait3A_761] : memref<2x2x80x128xf32, #tpu.memory_space<vmem>> -> memref<1x1x20x128xf32, #tpu.memory_space<vmem>>
    %dma_wait3A_763 = tpu.memref_squeeze %dma_wait3A_762 : memref<1x1x20x128xf32, #tpu.memory_space<vmem>> -> memref<20x128xf32, #tpu.memory_space<vmem>>
    tpu.wait_dma2 semaphore(%arg10 : memref<!tpu.dma_semaphore, #tpu.memory_space<semaphore_mem>>) src(%dma_wait3A_763 : memref<20x128xf32, #tpu.memory_space<vmem>>) dst(%dma_wait3A_759 : memref<20x128xf32, #tpu.memory_space<hbm>>)
    %dma_wait3A_764 = arith.constant 1 : i32
    %dma_wait3A_765 = arith.constant 20 : i32
    %dma_wait3A_766 = arith.constant 0 : i32
    %dma_wait3A_767 = tpu.memref_slice %arg7[%dma_wait3A_764, %dma_wait3A_765, %dma_wait3A_766] : memref<2x80x44xf32, #tpu.memory_space<vmem>> -> memref<1x20x44xf32, #tpu.memory_space<vmem>>
    %dma_wait3A_768 = tpu.memref_squeeze %dma_wait3A_767 : memref<1x20x44xf32, #tpu.memory_space<vmem>> -> memref<20x44xf32, #tpu.memory_space<vmem>>
    %dma_wait3A_769 = arith.constant 0 : i32
    %dma_wait3A_770 = arith.constant 0 : i32
    %dma_wait3A_771 = tpu.memref_slice %arg4[%add3A_640, %dma_wait3A_769, %dma_wait3A_770] : memref<4096x20x300xf32, #tpu.memory_space<hbm>> -> memref<1x20x300xf32, #tpu.memory_space<hbm>>
    %dma_wait3A_772 = tpu.memref_squeeze %dma_wait3A_771 : memref<1x20x300xf32, #tpu.memory_space<hbm>> -> memref<20x300xf32, #tpu.memory_space<hbm>>
    %dma_wait3A_773 = arith.constant 0 : i32
    %dma_wait3A_774 = arith.constant 256 : i32
    %dma_wait3A_775 = tpu.memref_slice %dma_wait3A_772[%dma_wait3A_773, %dma_wait3A_774] : memref<20x300xf32, #tpu.memory_space<hbm>> -> memref<20x44xf32, #tpu.memory_space<hbm>>
    %dma_wait3A_776 = arith.constant 0 : i32
    %dma_wait3A_777 = arith.constant 0 : i32
    %dma_wait3A_778 = tpu.memref_slice %arg4[%add3A_640, %dma_wait3A_776, %dma_wait3A_777] : memref<4096x20x300xf32, #tpu.memory_space<hbm>> -> memref<1x20x300xf32, #tpu.memory_space<hbm>>
    %dma_wait3A_779 = tpu.memref_squeeze %dma_wait3A_778 : memref<1x20x300xf32, #tpu.memory_space<hbm>> -> memref<20x300xf32, #tpu.memory_space<hbm>>
    %dma_wait3A_780 = arith.constant 0 : i32
    %dma_wait3A_781 = arith.constant 256 : i32
    %dma_wait3A_782 = tpu.memref_slice %dma_wait3A_779[%dma_wait3A_780, %dma_wait3A_781] : memref<20x300xf32, #tpu.memory_space<hbm>> -> memref<20x44xf32, #tpu.memory_space<hbm>>
    %dma_wait3A_783 = arith.constant 20 : i32
    %dma_wait3A_784 = arith.constant 0 : i32
    %dma_wait3A_785 = tpu.memref_slice %arg7[%dma_wait3A_764, %dma_wait3A_783, %dma_wait3A_784] : memref<2x80x44xf32, #tpu.memory_space<vmem>> -> memref<1x20x44xf32, #tpu.memory_space<vmem>>
    %dma_wait3A_786 = tpu.memref_squeeze %dma_wait3A_785 : memref<1x20x44xf32, #tpu.memory_space<vmem>> -> memref<20x44xf32, #tpu.memory_space<vmem>>
    tpu.wait_dma2 semaphore(%arg10 : memref<!tpu.dma_semaphore, #tpu.memory_space<semaphore_mem>>) src(%dma_wait3A_786 : memref<20x44xf32, #tpu.memory_space<vmem>>) dst(%dma_wait3A_782 : memref<20x44xf32, #tpu.memory_space<hbm>>)
    %dma_wait3A_787 = arith.constant 1 : i32
    %dma_wait3A_788 = arith.constant 0 : i32
    %dma_wait3A_789 = arith.constant 40 : i32
    %dma_wait3A_790 = arith.constant 0 : i32
    %dma_wait3A_791 = tpu.memref_slice %arg6[%dma_wait3A_787, %dma_wait3A_788, %dma_wait3A_789, %dma_wait3A_790] : memref<2x2x80x128xf32, #tpu.memory_space<vmem>> -> memref<1x1x20x128xf32, #tpu.memory_space<vmem>>
    %dma_wait3A_792 = tpu.memref_squeeze %dma_wait3A_791 : memref<1x1x20x128xf32, #tpu.memory_space<vmem>> -> memref<20x128xf32, #tpu.memory_space<vmem>>
    %dma_wait3A_793 = arith.constant 0 : i32
    %dma_wait3A_794 = arith.constant 0 : i32
    %dma_wait3A_795 = tpu.memref_slice %arg4[%add3A_642, %dma_wait3A_793, %dma_wait3A_794] : memref<4096x20x300xf32, #tpu.memory_space<hbm>> -> memref<1x20x300xf32, #tpu.memory_space<hbm>>
    %dma_wait3A_796 = tpu.memref_squeeze %dma_wait3A_795 : memref<1x20x300xf32, #tpu.memory_space<hbm>> -> memref<20x300xf32, #tpu.memory_space<hbm>>
    %dma_wait3A_797 = arith.constant 0 : i32
    %dma_wait3A_798 = arith.constant 0 : i32
    %dma_wait3A_799 = tpu.memref_slice %dma_wait3A_796[%dma_wait3A_797, %dma_wait3A_798] : memref<20x300xf32, #tpu.memory_space<hbm>> -> memref<20x128xf32, #tpu.memory_space<hbm>>
    %dma_wait3A_800 = arith.constant 0 : i32
    %dma_wait3A_801 = arith.constant 0 : i32
    %dma_wait3A_802 = tpu.memref_slice %arg4[%add3A_642, %dma_wait3A_800, %dma_wait3A_801] : memref<4096x20x300xf32, #tpu.memory_space<hbm>> -> memref<1x20x300xf32, #tpu.memory_space<hbm>>
    %dma_wait3A_803 = tpu.memref_squeeze %dma_wait3A_802 : memref<1x20x300xf32, #tpu.memory_space<hbm>> -> memref<20x300xf32, #tpu.memory_space<hbm>>
    %dma_wait3A_804 = arith.constant 0 : i32
    %dma_wait3A_805 = arith.constant 0 : i32
    %dma_wait3A_806 = tpu.memref_slice %dma_wait3A_803[%dma_wait3A_804, %dma_wait3A_805] : memref<20x300xf32, #tpu.memory_space<hbm>> -> memref<20x128xf32, #tpu.memory_space<hbm>>
    %dma_wait3A_807 = arith.constant 40 : i32
    %dma_wait3A_808 = arith.constant 0 : i32
    %dma_wait3A_809 = tpu.memref_slice %arg6[%dma_wait3A_787, %dma_wait3A_788, %dma_wait3A_807, %dma_wait3A_808] : memref<2x2x80x128xf32, #tpu.memory_space<vmem>> -> memref<1x1x20x128xf32, #tpu.memory_space<vmem>>
    %dma_wait3A_810 = tpu.memref_squeeze %dma_wait3A_809 : memref<1x1x20x128xf32, #tpu.memory_space<vmem>> -> memref<20x128xf32, #tpu.memory_space<vmem>>
    tpu.wait_dma2 semaphore(%arg10 : memref<!tpu.dma_semaphore, #tpu.memory_space<semaphore_mem>>) src(%dma_wait3A_810 : memref<20x128xf32, #tpu.memory_space<vmem>>) dst(%dma_wait3A_806 : memref<20x128xf32, #tpu.memory_space<hbm>>)
    %dma_wait3A_811 = arith.constant 1 : i32
    %dma_wait3A_812 = arith.constant 1 : i32
    %dma_wait3A_813 = arith.constant 40 : i32
    %dma_wait3A_814 = arith.constant 0 : i32
    %dma_wait3A_815 = tpu.memref_slice %arg6[%dma_wait3A_811, %dma_wait3A_812, %dma_wait3A_813, %dma_wait3A_814] : memref<2x2x80x128xf32, #tpu.memory_space<vmem>> -> memref<1x1x20x128xf32, #tpu.memory_space<vmem>>
    %dma_wait3A_816 = tpu.memref_squeeze %dma_wait3A_815 : memref<1x1x20x128xf32, #tpu.memory_space<vmem>> -> memref<20x128xf32, #tpu.memory_space<vmem>>
    %dma_wait3A_817 = arith.constant 0 : i32
    %dma_wait3A_818 = arith.constant 0 : i32
    %dma_wait3A_819 = tpu.memref_slice %arg4[%add3A_642, %dma_wait3A_817, %dma_wait3A_818] : memref<4096x20x300xf32, #tpu.memory_space<hbm>> -> memref<1x20x300xf32, #tpu.memory_space<hbm>>
    %dma_wait3A_820 = tpu.memref_squeeze %dma_wait3A_819 : memref<1x20x300xf32, #tpu.memory_space<hbm>> -> memref<20x300xf32, #tpu.memory_space<hbm>>
    %dma_wait3A_821 = arith.constant 0 : i32
    %dma_wait3A_822 = arith.constant 128 : i32
    %dma_wait3A_823 = tpu.memref_slice %dma_wait3A_820[%dma_wait3A_821, %dma_wait3A_822] : memref<20x300xf32, #tpu.memory_space<hbm>> -> memref<20x128xf32, #tpu.memory_space<hbm>>
    %dma_wait3A_824 = arith.constant 0 : i32
    %dma_wait3A_825 = arith.constant 0 : i32
    %dma_wait3A_826 = tpu.memref_slice %arg4[%add3A_642, %dma_wait3A_824, %dma_wait3A_825] : memref<4096x20x300xf32, #tpu.memory_space<hbm>> -> memref<1x20x300xf32, #tpu.memory_space<hbm>>
    %dma_wait3A_827 = tpu.memref_squeeze %dma_wait3A_826 : memref<1x20x300xf32, #tpu.memory_space<hbm>> -> memref<20x300xf32, #tpu.memory_space<hbm>>
    %dma_wait3A_828 = arith.constant 0 : i32
    %dma_wait3A_829 = arith.constant 128 : i32
    %dma_wait3A_830 = tpu.memref_slice %dma_wait3A_827[%dma_wait3A_828, %dma_wait3A_829] : memref<20x300xf32, #tpu.memory_space<hbm>> -> memref<20x128xf32, #tpu.memory_space<hbm>>
    %dma_wait3A_831 = arith.constant 40 : i32
    %dma_wait3A_832 = arith.constant 0 : i32
    %dma_wait3A_833 = tpu.memref_slice %arg6[%dma_wait3A_811, %dma_wait3A_812, %dma_wait3A_831, %dma_wait3A_832] : memref<2x2x80x128xf32, #tpu.memory_space<vmem>> -> memref<1x1x20x128xf32, #tpu.memory_space<vmem>>
    %dma_wait3A_834 = tpu.memref_squeeze %dma_wait3A_833 : memref<1x1x20x128xf32, #tpu.memory_space<vmem>> -> memref<20x128xf32, #tpu.memory_space<vmem>>
    tpu.wait_dma2 semaphore(%arg10 : memref<!tpu.dma_semaphore, #tpu.memory_space<semaphore_mem>>) src(%dma_wait3A_834 : memref<20x128xf32, #tpu.memory_space<vmem>>) dst(%dma_wait3A_830 : memref<20x128xf32, #tpu.memory_space<hbm>>)
    %dma_wait3A_835 = arith.constant 1 : i32
    %dma_wait3A_836 = arith.constant 40 : i32
    %dma_wait3A_837 = arith.constant 0 : i32
    %dma_wait3A_838 = tpu.memref_slice %arg7[%dma_wait3A_835, %dma_wait3A_836, %dma_wait3A_837] : memref<2x80x44xf32, #tpu.memory_space<vmem>> -> memref<1x20x44xf32, #tpu.memory_space<vmem>>
    %dma_wait3A_839 = tpu.memref_squeeze %dma_wait3A_838 : memref<1x20x44xf32, #tpu.memory_space<vmem>> -> memref<20x44xf32, #tpu.memory_space<vmem>>
    %dma_wait3A_840 = arith.constant 0 : i32
    %dma_wait3A_841 = arith.constant 0 : i32
    %dma_wait3A_842 = tpu.memref_slice %arg4[%add3A_642, %dma_wait3A_840, %dma_wait3A_841] : memref<4096x20x300xf32, #tpu.memory_space<hbm>> -> memref<1x20x300xf32, #tpu.memory_space<hbm>>
    %dma_wait3A_843 = tpu.memref_squeeze %dma_wait3A_842 : memref<1x20x300xf32, #tpu.memory_space<hbm>> -> memref<20x300xf32, #tpu.memory_space<hbm>>
    %dma_wait3A_844 = arith.constant 0 : i32
    %dma_wait3A_845 = arith.constant 256 : i32
    %dma_wait3A_846 = tpu.memref_slice %dma_wait3A_843[%dma_wait3A_844, %dma_wait3A_845] : memref<20x300xf32, #tpu.memory_space<hbm>> -> memref<20x44xf32, #tpu.memory_space<hbm>>
    %dma_wait3A_847 = arith.constant 0 : i32
    %dma_wait3A_848 = arith.constant 0 : i32
    %dma_wait3A_849 = tpu.memref_slice %arg4[%add3A_642, %dma_wait3A_847, %dma_wait3A_848] : memref<4096x20x300xf32, #tpu.memory_space<hbm>> -> memref<1x20x300xf32, #tpu.memory_space<hbm>>
    %dma_wait3A_850 = tpu.memref_squeeze %dma_wait3A_849 : memref<1x20x300xf32, #tpu.memory_space<hbm>> -> memref<20x300xf32, #tpu.memory_space<hbm>>
    %dma_wait3A_851 = arith.constant 0 : i32
    %dma_wait3A_852 = arith.constant 256 : i32
    %dma_wait3A_853 = tpu.memref_slice %dma_wait3A_850[%dma_wait3A_851, %dma_wait3A_852] : memref<20x300xf32, #tpu.memory_space<hbm>> -> memref<20x44xf32, #tpu.memory_space<hbm>>
    %dma_wait3A_854 = arith.constant 40 : i32
    %dma_wait3A_855 = arith.constant 0 : i32
    %dma_wait3A_856 = tpu.memref_slice %arg7[%dma_wait3A_835, %dma_wait3A_854, %dma_wait3A_855] : memref<2x80x44xf32, #tpu.memory_space<vmem>> -> memref<1x20x44xf32, #tpu.memory_space<vmem>>
    %dma_wait3A_857 = tpu.memref_squeeze %dma_wait3A_856 : memref<1x20x44xf32, #tpu.memory_space<vmem>> -> memref<20x44xf32, #tpu.memory_space<vmem>>
    tpu.wait_dma2 semaphore(%arg10 : memref<!tpu.dma_semaphore, #tpu.memory_space<semaphore_mem>>) src(%dma_wait3A_857 : memref<20x44xf32, #tpu.memory_space<vmem>>) dst(%dma_wait3A_853 : memref<20x44xf32, #tpu.memory_space<hbm>>)
    %dma_wait3A_858 = arith.constant 1 : i32
    %dma_wait3A_859 = arith.constant 0 : i32
    %dma_wait3A_860 = arith.constant 60 : i32
    %dma_wait3A_861 = arith.constant 0 : i32
    %dma_wait3A_862 = tpu.memref_slice %arg6[%dma_wait3A_858, %dma_wait3A_859, %dma_wait3A_860, %dma_wait3A_861] : memref<2x2x80x128xf32, #tpu.memory_space<vmem>> -> memref<1x1x20x128xf32, #tpu.memory_space<vmem>>
    %dma_wait3A_863 = tpu.memref_squeeze %dma_wait3A_862 : memref<1x1x20x128xf32, #tpu.memory_space<vmem>> -> memref<20x128xf32, #tpu.memory_space<vmem>>
    %dma_wait3A_864 = arith.constant 0 : i32
    %dma_wait3A_865 = arith.constant 0 : i32
    %dma_wait3A_866 = tpu.memref_slice %arg4[%add3A_644, %dma_wait3A_864, %dma_wait3A_865] : memref<4096x20x300xf32, #tpu.memory_space<hbm>> -> memref<1x20x300xf32, #tpu.memory_space<hbm>>
    %dma_wait3A_867 = tpu.memref_squeeze %dma_wait3A_866 : memref<1x20x300xf32, #tpu.memory_space<hbm>> -> memref<20x300xf32, #tpu.memory_space<hbm>>
    %dma_wait3A_868 = arith.constant 0 : i32
    %dma_wait3A_869 = arith.constant 0 : i32
    %dma_wait3A_870 = tpu.memref_slice %dma_wait3A_867[%dma_wait3A_868, %dma_wait3A_869] : memref<20x300xf32, #tpu.memory_space<hbm>> -> memref<20x128xf32, #tpu.memory_space<hbm>>
    %dma_wait3A_871 = arith.constant 0 : i32
    %dma_wait3A_872 = arith.constant 0 : i32
    %dma_wait3A_873 = tpu.memref_slice %arg4[%add3A_644, %dma_wait3A_871, %dma_wait3A_872] : memref<4096x20x300xf32, #tpu.memory_space<hbm>> -> memref<1x20x300xf32, #tpu.memory_space<hbm>>
    %dma_wait3A_874 = tpu.memref_squeeze %dma_wait3A_873 : memref<1x20x300xf32, #tpu.memory_space<hbm>> -> memref<20x300xf32, #tpu.memory_space<hbm>>
    %dma_wait3A_875 = arith.constant 0 : i32
    %dma_wait3A_876 = arith.constant 0 : i32
    %dma_wait3A_877 = tpu.memref_slice %dma_wait3A_874[%dma_wait3A_875, %dma_wait3A_876] : memref<20x300xf32, #tpu.memory_space<hbm>> -> memref<20x128xf32, #tpu.memory_space<hbm>>
    %dma_wait3A_878 = arith.constant 60 : i32
    %dma_wait3A_879 = arith.constant 0 : i32
    %dma_wait3A_880 = tpu.memref_slice %arg6[%dma_wait3A_858, %dma_wait3A_859, %dma_wait3A_878, %dma_wait3A_879] : memref<2x2x80x128xf32, #tpu.memory_space<vmem>> -> memref<1x1x20x128xf32, #tpu.memory_space<vmem>>
    %dma_wait3A_881 = tpu.memref_squeeze %dma_wait3A_880 : memref<1x1x20x128xf32, #tpu.memory_space<vmem>> -> memref<20x128xf32, #tpu.memory_space<vmem>>
    tpu.wait_dma2 semaphore(%arg10 : memref<!tpu.dma_semaphore, #tpu.memory_space<semaphore_mem>>) src(%dma_wait3A_881 : memref<20x128xf32, #tpu.memory_space<vmem>>) dst(%dma_wait3A_877 : memref<20x128xf32, #tpu.memory_space<hbm>>)
    %dma_wait3A_882 = arith.constant 1 : i32
    %dma_wait3A_883 = arith.constant 1 : i32
    %dma_wait3A_884 = arith.constant 60 : i32
    %dma_wait3A_885 = arith.constant 0 : i32
    %dma_wait3A_886 = tpu.memref_slice %arg6[%dma_wait3A_882, %dma_wait3A_883, %dma_wait3A_884, %dma_wait3A_885] : memref<2x2x80x128xf32, #tpu.memory_space<vmem>> -> memref<1x1x20x128xf32, #tpu.memory_space<vmem>>
    %dma_wait3A_887 = tpu.memref_squeeze %dma_wait3A_886 : memref<1x1x20x128xf32, #tpu.memory_space<vmem>> -> memref<20x128xf32, #tpu.memory_space<vmem>>
    %dma_wait3A_888 = arith.constant 0 : i32
    %dma_wait3A_889 = arith.constant 0 : i32
    %dma_wait3A_890 = tpu.memref_slice %arg4[%add3A_644, %dma_wait3A_888, %dma_wait3A_889] : memref<4096x20x300xf32, #tpu.memory_space<hbm>> -> memref<1x20x300xf32, #tpu.memory_space<hbm>>
    %dma_wait3A_891 = tpu.memref_squeeze %dma_wait3A_890 : memref<1x20x300xf32, #tpu.memory_space<hbm>> -> memref<20x300xf32, #tpu.memory_space<hbm>>
    %dma_wait3A_892 = arith.constant 0 : i32
    %dma_wait3A_893 = arith.constant 128 : i32
    %dma_wait3A_894 = tpu.memref_slice %dma_wait3A_891[%dma_wait3A_892, %dma_wait3A_893] : memref<20x300xf32, #tpu.memory_space<hbm>> -> memref<20x128xf32, #tpu.memory_space<hbm>>
    %dma_wait3A_895 = arith.constant 0 : i32
    %dma_wait3A_896 = arith.constant 0 : i32
    %dma_wait3A_897 = tpu.memref_slice %arg4[%add3A_644, %dma_wait3A_895, %dma_wait3A_896] : memref<4096x20x300xf32, #tpu.memory_space<hbm>> -> memref<1x20x300xf32, #tpu.memory_space<hbm>>
    %dma_wait3A_898 = tpu.memref_squeeze %dma_wait3A_897 : memref<1x20x300xf32, #tpu.memory_space<hbm>> -> memref<20x300xf32, #tpu.memory_space<hbm>>
    %dma_wait3A_899 = arith.constant 0 : i32
    %dma_wait3A_900 = arith.constant 128 : i32
    %dma_wait3A_901 = tpu.memref_slice %dma_wait3A_898[%dma_wait3A_899, %dma_wait3A_900] : memref<20x300xf32, #tpu.memory_space<hbm>> -> memref<20x128xf32, #tpu.memory_space<hbm>>
    %dma_wait3A_902 = arith.constant 60 : i32
    %dma_wait3A_903 = arith.constant 0 : i32
    %dma_wait3A_904 = tpu.memref_slice %arg6[%dma_wait3A_882, %dma_wait3A_883, %dma_wait3A_902, %dma_wait3A_903] : memref<2x2x80x128xf32, #tpu.memory_space<vmem>> -> memref<1x1x20x128xf32, #tpu.memory_space<vmem>>
    %dma_wait3A_905 = tpu.memref_squeeze %dma_wait3A_904 : memref<1x1x20x128xf32, #tpu.memory_space<vmem>> -> memref<20x128xf32, #tpu.memory_space<vmem>>
    tpu.wait_dma2 semaphore(%arg10 : memref<!tpu.dma_semaphore, #tpu.memory_space<semaphore_mem>>) src(%dma_wait3A_905 : memref<20x128xf32, #tpu.memory_space<vmem>>) dst(%dma_wait3A_901 : memref<20x128xf32, #tpu.memory_space<hbm>>)
    %dma_wait3A_906 = arith.constant 1 : i32
    %dma_wait3A_907 = arith.constant 60 : i32
    %dma_wait3A_908 = arith.constant 0 : i32
    %dma_wait3A_909 = tpu.memref_slice %arg7[%dma_wait3A_906, %dma_wait3A_907, %dma_wait3A_908] : memref<2x80x44xf32, #tpu.memory_space<vmem>> -> memref<1x20x44xf32, #tpu.memory_space<vmem>>
    %dma_wait3A_910 = tpu.memref_squeeze %dma_wait3A_909 : memref<1x20x44xf32, #tpu.memory_space<vmem>> -> memref<20x44xf32, #tpu.memory_space<vmem>>
    %dma_wait3A_911 = arith.constant 0 : i32
    %dma_wait3A_912 = arith.constant 0 : i32
    %dma_wait3A_913 = tpu.memref_slice %arg4[%add3A_644, %dma_wait3A_911, %dma_wait3A_912] : memref<4096x20x300xf32, #tpu.memory_space<hbm>> -> memref<1x20x300xf32, #tpu.memory_space<hbm>>
    %dma_wait3A_914 = tpu.memref_squeeze %dma_wait3A_913 : memref<1x20x300xf32, #tpu.memory_space<hbm>> -> memref<20x300xf32, #tpu.memory_space<hbm>>
    %dma_wait3A_915 = arith.constant 0 : i32
    %dma_wait3A_916 = arith.constant 256 : i32
    %dma_wait3A_917 = tpu.memref_slice %dma_wait3A_914[%dma_wait3A_915, %dma_wait3A_916] : memref<20x300xf32, #tpu.memory_space<hbm>> -> memref<20x44xf32, #tpu.memory_space<hbm>>
    %dma_wait3A_918 = arith.constant 0 : i32
    %dma_wait3A_919 = arith.constant 0 : i32
    %dma_wait3A_920 = tpu.memref_slice %arg4[%add3A_644, %dma_wait3A_918, %dma_wait3A_919] : memref<4096x20x300xf32, #tpu.memory_space<hbm>> -> memref<1x20x300xf32, #tpu.memory_space<hbm>>
    %dma_wait3A_921 = tpu.memref_squeeze %dma_wait3A_920 : memref<1x20x300xf32, #tpu.memory_space<hbm>> -> memref<20x300xf32, #tpu.memory_space<hbm>>
    %dma_wait3A_922 = arith.constant 0 : i32
    %dma_wait3A_923 = arith.constant 256 : i32
    %dma_wait3A_924 = tpu.memref_slice %dma_wait3A_921[%dma_wait3A_922, %dma_wait3A_923] : memref<20x300xf32, #tpu.memory_space<hbm>> -> memref<20x44xf32, #tpu.memory_space<hbm>>
    %dma_wait3A_925 = arith.constant 60 : i32
    %dma_wait3A_926 = arith.constant 0 : i32
    %dma_wait3A_927 = tpu.memref_slice %arg7[%dma_wait3A_906, %dma_wait3A_925, %dma_wait3A_926] : memref<2x80x44xf32, #tpu.memory_space<vmem>> -> memref<1x20x44xf32, #tpu.memory_space<vmem>>
    %dma_wait3A_928 = tpu.memref_squeeze %dma_wait3A_927 : memref<1x20x44xf32, #tpu.memory_space<vmem>> -> memref<20x44xf32, #tpu.memory_space<vmem>>
    tpu.wait_dma2 semaphore(%arg10 : memref<!tpu.dma_semaphore, #tpu.memory_space<semaphore_mem>>) src(%dma_wait3A_928 : memref<20x44xf32, #tpu.memory_space<vmem>>) dst(%dma_wait3A_924 : memref<20x44xf32, #tpu.memory_space<hbm>>)
    return
  }
}

</mosaic_0001>

<sc_bundles>
// kernel: kernel.3.cloned.1.call-start
scs
__scs_entry_jumppad:
0x0: {  	(pc) =	sbr.rel $0x88, $3  }
0x1: {  	(tag) =	ssettag $0x0;
	lr =	simm.s32 $0x1  }
0x2: {  	[smem:$0x3F9F] =	sst lr;
	_ =	strace $0xD0000000  }
0x3: {  	_ = 	snop  }
0x4: {  	_ = 	snop  }
0x5: {  	_ = 	snop  }
0x6: {  	_ = 	snop  }
0x7: {  	_ = 	snop  }
__scs_overlays_trampoline_lowered:
0x8: {  	[smem:$0x3FAE] =	sst s0  }
0x9: {  	[smem:$0x3FAF] =	sst s1  }
0xa: {  	[smem:$0x3FB0] =	sst s2  }
0xb: {  	[smem:$0x3FB1] =	sst s3  }
0xc: {  	[smem:$0x3FB2] =	sst s4  }
0xd: {  	[smem:$0x3FB3] =	sst s5  }
0xe: {  	[smem:$0x3FB4] =	sst s6  }
0xf: {  	[smem:$0x3FB5] =	sst s7  }
0x10: {  	[smem:$0x3FB6] =	sst s8  }
0x11: {  	[smem:$0x3FB7] =	sst s9;
	s0 =	simm.s32 @!p0 $0x0  }
0x12: {  	s1 =	sld [smem:$0x3F9D];
	s0 =	simm.s32 @p0 $0x1  }
0x13: {  	[smem:$0x3FB8] =	sst s0;
	s0 =	simm.s32 @!p1 $0x0  }
0x14: {  	s2 =	sld [smem:$0x3F9C];
	s0 =	simm.s32 @p1 $0x1  }
0x15: {  	[smem:$0x3FB9] =	sst s0;
	s0 =	simm.s32 @!p2 $0x0  }
0x16: {  	s3 =	sld [smem:$0x3FDB];
	s0 =	simm.s32 @p2 $0x1  }
0x17: {  	s4 =	simm.s32 $0x1BF5;
	[smem:$0x3FBB] =	sst s0  }
0x18: {  	s0 =	sld [smem:$0x3F9E];
	_ =	swait.ge [sflag:s4], $0x0  }
0x19: {  	s7 =	sld [smem:$0x3F9F]  }
0x1a: {  	s8 =	sadd.s32 $0xFFFFE003, lr  }
0x1b: {  	s9 =	sadd.s32 $0xFFFFFEF7, lr;
	s5 =	simm.s32 $0xFFFFFFFF;
	p2 =	slt.u32 s8, $0xFFFFF086  }
0x1c: {  	p1 =	slt.u32 s9, $0xF7A;
	s5 =	simm.s32 @!p2 $0x0  }
0x1d: {  	s5 =	simm.s32 @p1 $0x1;
	p0 =	seq.s32 s7, s2  }
0x1e: {  	s7 =	smul.u32 @!p0 $0xF7A, s2;
	p2 =	seq.s32 @!p0 s5, $0x0  }
0x1f: {  	s9 =	smul.u32 $0xF7A, s1;
	s8 =	simm.s32 @!p0 $0x1BF5;
	p2 =	por !p2, p0  }
0x20: {  	[sflag:s8] =	ssyncset.s32 @!p0 $0xFFFFF086;
	s6 =	sadd.s32 @!p0 s3, s7;
	s7 =	simm.s32 @!p0 $0x108  }
0x21: {  	s3 =	sadd.s32 s3, s9;
	s6 =	sadd.s32 @!p0 $0x88, s6;
	s7 =	simm.s32 @p2 $0x1082  }
0x22: {  	[simem:s7], [sflag:s8] =	dma.local @!p0 [hbm:s6], $0xF7A  }
0x23: {  	s9 =	sor.u32 $0xD0000000, s2;
	s6 =	simm.s32 $0x108;
	_ =	swait.ge @!p0 [sflag:s8], $0x0  }
0x24: {  	s3 =	sadd.s32 $0x88, s3;
	s6 =	simm.s32 @!p1 $0x1082;
	[sflag:s4] =	ssyncset.s32 $0xFFFFF086  }
0x25: {  	[simem:s6], [sflag:s4] =	dma.local [hbm:s3], $0xF7A  }
0x26: {  	[smem:$0x3F9F] =	sst s1;
	(tag) =	ssettag s2;
	_ =	strace s9  }
0x27: {  	s1 =	sld [smem:$0x3FAF]  }
0x28: {  	s2 =	sld [smem:$0x3FB0]  }
0x29: {  	s4 =	sld [smem:$0x3FB2]  }
0x2a: {  	p0 =	seq.s32 s5, $0x0;
	s5 =	sld [smem:$0x3FB3]  }
0x2b: {  	s6 =	sld [smem:$0x3FB4]  }
0x2c: {  	s7 =	sld [smem:$0x3FB5]  }
0x2d: {  	s3 =	simm.s32 $0x108;
	s8 =	sld [smem:$0x3FB6]  }
0x2e: {  	s3 =	simm.s32 @!p0 $0x1082;
	s9 =	sld [smem:$0x3FB7]  }
0x2f: {  	lr =	sadd.s32 s0, s3;
	s0 =	sld [smem:$0x3FAE]  }
0x30: {  	s3 =	sld [smem:$0x3FB1]  }
0x31: {  	[smem:$0x3FBA] =	sst s10  }
0x32: {  	s10 =	sld [smem:$0x3FB8];
	_ =	sdelay $0x3  }
0x33: {  	p0 =	seq.s32 s10, $0x1;
	s10 =	sld [smem:$0x3FBA];
	_ =	sdelay $0x3  }
0x34: {  	[smem:$0x3FBA] =	sst s10  }
0x35: {  	s10 =	sld [smem:$0x3FB9];
	_ =	sdelay $0x3  }
0x36: {  	p1 =	seq.s32 s10, $0x1;
	s10 =	sld [smem:$0x3FBA];
	_ =	sdelay $0x3  }
0x37: {  	[smem:$0x3FBA] =	sst s10  }
0x38: {  	s10 =	sld [smem:$0x3FBB]  }
0x39: {  	_ = 	snop;
	(pc) =	sbr.ind lr, $3  }
0x3a: {  	_ = 	snop  }
0x3b: {  	_ = 	snop  }
0x3c: {  	p2 =	seq.s32 s10, $0x1;
	s10 =	sld [smem:$0x3FBA]  }
0x3d: {  	_ =	shalt  }
0x3e: {  	_ =	shalt  }
0x3f: {  	_ =	shalt  }
0x40: {  	_ =	shalt  }
0x41: {  	_ =	shalt  }
0x42: {  	_ =	shalt  }
0x43: {  	_ =	shalt  }
0x44: {  	_ =	shalt  }
0x45: {  	_ =	shalt  }
0x46: {  	_ =	shalt  }
0x47: {  	_ =	shalt  }
0x48: {  	_ =	shalt  }
0x49: {  	_ =	shalt  }
0x4a: {  	_ =	shalt  }
0x4b: {  	_ =	shalt  }
0x4c: {  	_ =	shalt  }
0x4d: {  	_ =	shalt  }
0x4e: {  	_ =	shalt  }
0x4f: {  	_ =	shalt  }
0x50: {  	_ =	shalt  }
0x51: {  	_ =	shalt  }
0x52: {  	_ =	shalt  }
0x53: {  	_ =	shalt  }
0x54: {  	_ =	shalt  }
0x55: {  	_ =	shalt  }
0x56: {  	_ =	shalt  }
0x57: {  	_ =	shalt  }
0x58: {  	_ =	shalt  }
0x59: {  	_ =	shalt  }
0x5a: {  	_ =	shalt  }
0x5b: {  	_ =	shalt  }
0x5c: {  	_ =	shalt  }
0x5d: {  	_ =	shalt  }
0x5e: {  	_ =	shalt  }
0x5f: {  	_ =	shalt  }
0x60: {  	_ =	shalt  }
0x61: {  	_ =	shalt  }
0x62: {  	_ =	shalt  }
0x63: {  	_ =	shalt  }
0x64: {  	_ =	shalt  }
0x65: {  	_ =	shalt  }
0x66: {  	_ =	shalt  }
0x67: {  	_ =	shalt  }
0x68: {  	_ =	shalt  }
0x69: {  	_ =	shalt  }
0x6a: {  	_ =	shalt  }
0x6b: {  	_ =	shalt  }
0x6c: {  	_ =	shalt  }
0x6d: {  	_ =	shalt  }
0x6e: {  	_ =	shalt  }
0x6f: {  	_ =	shalt  }
0x70: {  	_ =	shalt  }
0x71: {  	_ =	shalt  }
0x72: {  	_ =	shalt  }
0x73: {  	_ =	shalt  }
0x74: {  	_ =	shalt  }
0x75: {  	_ =	shalt  }
0x76: {  	_ =	shalt  }
0x77: {  	_ =	shalt  }
0x78: {  	_ =	shalt  }
0x79: {  	_ =	shalt  }
0x7a: {  	_ =	shalt  }
0x7b: {  	_ =	shalt  }
0x7c: {  	_ =	shalt  }
0x7d: {  	_ =	shalt  }
0x7e: {  	_ =	shalt  }
0x7f: {  	_ =	shalt  }
0x80: {  	_ =	shalt  }
0x81: {  	_ =	shalt  }
0x82: {  	_ =	shalt  }
0x83: {  	_ =	shalt  }
0x84: {  	_ =	shalt  }
0x85: {  	_ =	shalt  }
0x86: {  	_ =	shalt  }
0x87: {  	_ =	shalt  }
.Lfunc_end0:
.L_simem_size_0:
called_computation_lowered:
.L_overlay_start_0:
0x88: {  	s2 =	sld [smem:$0x3FD9]  }
0x89: {  	s3 =	sld [smem:$0x3FFE];
	_ =	sdelay $0x1  }
0x8a: {  	s1 =	srdreg.scid  }
0x8b: {  	s0 =	sand.u32 $0x1, s1  }
0x8c: {  	s17 =	sshll.u32 s0, $0xA;
	s2 =	sadd.s32 s3, s2  }
0x8d: {  	s2 =	sadd.s32 s2, s17  }
0x8e: {  	[smem:$0x3FC6] =	sst s2  }
0x8f: {  	_ = 	snop  }
0x90: {  	s2 =	sld [smem:$0x3FD0];
	(tm) =	ssettm $0x1  }
0x91: {  	s18 =	sld [smem:$0x3FFB];
	_ =	sdelay $0x3  }
0x92: {  	_ =	strace s18  }
0x93: {  	s3 =	sld [smem:$0x3FFC];
	_ =	sdelay $0x3  }
0x94: {  	_ =	strace s3  }
0x95: {  	s3 =	sld [smem:$0x3FFD];
	_ =	sdelay $0x3  }
0x96: {  	_ =	strace s3  }
0x97: {  	_ =	strace $0x8FFFFFFF  }
0x98: {  	s19 =	sld [smem:$0x3FDB];
	_ =	sdelay $0x1  }
0x99: {  	s4 =	simm.s32 $_scs_section_size  }
0x9a: {  	s5 =	simm.s32 $_size__tile_overlayer_lowered;
	s6 =	simm.s32 $_tile_overlayer_lowered  }
0x9b: {  	s22 =	simm.s32 $0x1BFF;
	s21 =	sshll.u32 s6, $0x1;
	s3 =	sadd.s32 s4, s19  }
0x9c: {  	s7 =	simm.s32 $0x0;
	s20 =	sshll.u32 s5, $0x1;
	s5 =	sadd.s32 s21, s3  }
0x9d: {  	[timem:s7], [sflag:s22] =	dma.local [hbm:s5], s20  }
0x9e: {  	_ =	swait.ge [sflag:s22], s20  }
0x9f: {  	s4 =	ssub.s32 $0x0, s20;
	[sflag:s22] =	ssyncset.done $0x0  }
0xa0: {  	[sflag:s22] =	ssyncadd.s32 s4;
	_ =	sdelay $0x1  }
0xa1: {  	s23 =	simm.s32 $0x1B8B  }
0xa2: {  	_ =	swait.ge [sflag:s23], $0x1  }
0xa3: {  	[sflag:s23] =	ssyncset.done $0x0  }
0xa4: {  	s25 =	simm.s32 $0x1B8E;
	s24 =	sld [smem:$0x3FFE];
	[sflag:s23] =	ssyncadd.s32 $0xFFFFFFFF  }
0xa5: {  	s26 =	simm.s32 $execute0_lowered;
	[smem:$0x3FD2] =	sst s25  }
0xa6: {  	s5 =	sshll.u32 s26, $0x1;
	_ =	strace $0x80000046;
	[dreg:$0x1] =	wrdreg $0xFFFFFFFF  }
0xa7: {  	s28 =	simm.s32 $_size_execute0_lowered;
	s3 =	sadd.s32 s3, s5;
	[dreg:$0x0] =	wrdreg $0x0  }
0xa8: {  	s5 =	sshll.u32 s28, $0x1;
	[dreg:$0x2] =	wrdreg s3  }
0xa9: {  	[dreg:$0x3] =	wrdreg s5  }
0xaa: {  	[dreg:$0x4] =	wrdreg $0xC0  }
0xab: {  	_ =	task [dreg:s7], $0x5FFFF  }
0xac: {  	[dreg:$0x1] =	wrdreg $0xFFFFFFFF  }
0xad: {  	[dreg:$0x0] =	wrdreg $0x60  }
0xae: {  	[dreg:$0x2] =	wrdreg s2  }
0xaf: {  	[dreg:$0x3] =	wrdreg s24  }
0xb0: {  	[dreg:$0x4] =	wrdreg $0x9  }
0xb1: {  	_ =	task.clear_ibuf [dreg:s7], $0x5FFFF;
	_ =	strace $0x90000046  }
0xb2: {  	s29 =	simm.s32 $0x9;
	_ =	strace $0x80000048  }
0xb3: {  	_ =	swait.ge [sflag:s29], $0x1  }
0xb4: {  	[sflag:s29] =	ssyncadd.s32 $0xFFFFFFFF  }
0xb5: {  	_ =	strace $0x90000048  }
0xb6: {  	_ =	sfence  }
0xb7: {  	s30 =	sld [smem:$0x0];
	_ =	sdelay $0x2  }
0xb8: {  	s31 =	sshll.u32 s1, $0xD;
	s1 =	sshrl.u32 s1, $0x2  }
0xb9: {  	s3 =	sand.u32 $0x4000, s31;
	s1 =	sadd.s32 s1, s30  }
0xba: {  	s0 =	sor.u32 s3, s0;
	s1 =	sshll.u32 s1, $0x11  }
0xbb: {  	s0 =	sor.u32 s1, s0  }
0xbc: {  	s0 =	sadd.s32 $0x8F2B, s0  }
0xbd: {  	[sflag:s0] =	ssyncadd.remote.s32 $0x1  }
0xbe: {  	_ =	sfence.sel $0xFFFF  }
0xbf: {  	[dreg:$0x0] =	wrdreg $0xFFFFFFFF;
	(pc) =	sbr.abs _section_cstart, $3  }
0xc0: {  	[dreg:$0x1] =	wrdreg $0xFFFFFFFF  }
0xc1: {  	_ =	task.clear_ibuf [dreg:s7], $0x2FFFF;
	_ =	strace $0x9FFFFFFF  }
0xc2: {  	(tm) =	ssettm $0x7FFFFFFF  }
0xc3: {  	_ =	shalt  }
tec
execute0_lowered:
.L_overlay_start_1:
0x0: {  	(tag) =	ssettag $0x1  }
0x1: {  	s0 =	rddreg [dreg:$0x0]  }
0x2: {  	s1 =	rddreg [dreg:$0x1];
	s7 =	simm.s32 $0x0;
	s2 =	srdreg.scid  }
0x3: {  	s3 =	stileid.u32;
	[smem:$0x7FF] =	sst s7;
	s2 =	sand.u32 $0x1, s2  }
0x4: {  	s20 =	sadd.s32 $0x400, s1;
	s23 =	sadd.s32 $0x124FC00, s1;
	s1 =	sadd.s32 $0x480, s1  }
0x5: {  	s3 =	sshll.u32 s3, $0x1;
	_ =	strace $0x80000047;
	[dreg:$0x9] =	wrdreg s1  }
0x6: {  	s4 =	ssub.s32 $0x2, s2;
	s2 =	sor.u32 s2, s3;
	[dreg:$0x7] =	wrdreg s23  }
0x7: {  	s5 =	sshrl.u32 s4, $0x1;
	s6 =	smul.u32 $0x120000, s2;
	s24 =	sshll.u32 s2, $0x9  }
0x8: {  	s2 =	sshll.u32 s2, $0x7;
	s4 =	ssub.s32 s4, s5;
	s0 =	sadd.s32 s0, s24  }
0x9: {  	v0 =	vimm.s32 $0x3;
	s26 =	sadd.s32 $0xFFFFFFFC, s2;
	[dreg:$0x8] =	wrdreg s0;
	s25 =	sshrl.u32 s6, $0x3  }
0xa: {  	v1 =	vimm.s32 $0x7;
	v2 =	vimm.s32 $0x0;
	v3 =	vlaneseq.u32;
	[dreg:$0xa] =	wrdreg s26;
	s31 =	smax.u32 s4, $0x1;
	s0 =	sadd.s32 s23, s25  }
.Ltmp0:
0xb: {  	vm0 =	vmmov $0x1;
	v4 =	vimm.s32 $0x1;
	v5 =	vimm.s32 $0x2;
	[dreg:$0xf] =	wrdreg s31;
	s28 =	sadd.s32 $0x22E00, s0;
	(pc) =	sbr.rel .LBB2_1-.Ltmp0, $4  }
0xc: {  	v6 =	vimm.s32 $0x4;
	v7 =	vimm.s32 $0x5;
	v8 =	vimm.s32 $0x6;
	s29 =	sadd.s32 $0x23280, s0;
	[dreg:$0xb] =	wrdreg s28  }
0xd: {  	v9 =	vimm.s32 $0x8;
	v10 =	vimm.s32 $0x9;
	v11 =	vimm.s32 $0xA;
	s30 =	sadd.s32 $0x23700, s0;
	[dreg:$0xc] =	wrdreg s29  }
0xe: {  	v12 =	vimm.s32 $0xB;
	v13 =	vimm.s32 $0xC;
	v14 =	vimm.s32 $0xD;
	s0 =	sadd.s32 $0x23B80, s0;
	[dreg:$0xd] =	wrdreg s30  }
0xf: {  	v15 =	vimm.s32 $0xE;
	v16 =	vimm.s32 $0xF;
	v3 =	vmul.u32 $0x8, v3;
	s2 =	simm.s32 $0x0;
	[dreg:$0xe] =	wrdreg s0  }
.LBB2_7:
0x10: {  	s0 =	simm.s32 $0x1  }
0x11: {  	_ =	swait.ge [sflag:s0], $0x2800  }
0x12: {  	[sflag:s0] =	ssyncset.done $0x0  }
0x13: {  	[sflag:s0] =	ssyncadd.s32 $0xFFFFD800  }
0x14: {  	_ =	swait.ge [sflag:s0], $0x2800  }
0x15: {  	[sflag:s0] =	ssyncset.done $0x0  }
0x16: {  	s4 =	simm.s32 $0x2;
	[sflag:s0] =	ssyncadd.s32 $0xFFFFD800  }
0x17: {  	_ =	swait.ge [sflag:s4], $0x2800  }
0x18: {  	s2 =	simm.s32 $0x400;
	s3 =	simm.s32 $0xC00;
	[sflag:s4] =	ssyncset.done $0x0  }
0x19: {  	s5 =	simm.s32 $0x6000;
	s1 =	rddreg [dreg:$0xb];
	[sflag:s4] =	ssyncadd.s32 $0xFFFFD800  }
0x1a: {  	[hbm4b:s1+s2] =	stream.strided.scatter [tilespmem:s5], [sflag:$0x3], $0x800, s3, s2, $0x38;
	[tilespmem:$0x10000] =	vst v63  }
0x1b: {  	s6 =	sadd.s32 $0x300, s1;
	s4 =	simm.s32 $0x6800  }
0x1c: {  	[hbm4b:s6+s7] =	stream.linear.scatter [tilespmem:s4], [sflag:$0x3], $0x200, $0x38;
	[tilespmem:$0x10000] =	vst v63  }
0x1d: {  	s9 =	simm.s32 $0x8800;
	s8 =	sadd.s32 $0x80, s1  }
0x1e: {  	[hbm4b:s8+s2] =	stream.strided.scatter [tilespmem:s9], [sflag:$0x3], $0x800, s3, s2, $0x38;
	[tilespmem:$0x10000] =	vst v63  }
0x1f: {  	s11 =	simm.s32 $0x9000;
	s10 =	sadd.s32 $0x380, s1  }
0x20: {  	[hbm4b:s10+s7] =	stream.linear.scatter [tilespmem:s11], [sflag:$0x3], $0x200, $0x38;
	[tilespmem:$0x10000] =	vst v63  }
0x21: {  	s13 =	simm.s32 $0xD800;
	s12 =	sadd.s32 $0x100, s1  }
0x22: {  	[hbm4b:s12+s2] =	stream.strided.scatter [tilespmem:s13], [sflag:$0x3], $0x800, s3, s2, $0x38;
	[tilespmem:$0x10000] =	vst v63  }
0x23: {  	s15 =	simm.s32 $0xE000;
	s14 =	sadd.s32 $0x400, s1  }
0x24: {  	[hbm4b:s14+s7] =	stream.linear.scatter [tilespmem:s15], [sflag:$0x3], $0x200, $0x38;
	[tilespmem:$0x10000] =	vst v63  }
0x25: {  	s17 =	simm.s32 $0x6A00;
	s16 =	rddreg [dreg:$0xc]  }
0x26: {  	[hbm4b:s16+s2] =	stream.strided.scatter [tilespmem:s17], [sflag:$0x3], $0x800, s3, s2, $0x38;
	[tilespmem:$0x10000] =	vst v63  }
0x27: {  	s19 =	simm.s32 $0x7200;
	s18 =	sadd.s32 $0x300, s16  }
0x28: {  	[hbm4b:s18+s7] =	stream.linear.scatter [tilespmem:s19], [sflag:$0x3], $0x200, $0x38;
	[tilespmem:$0x10000] =	vst v63  }
0x29: {  	s22 =	simm.s32 $0x9200;
	s21 =	sadd.s32 $0x80, s16  }
0x2a: {  	[hbm4b:s21+s2] =	stream.strided.scatter [tilespmem:s22], [sflag:$0x3], $0x800, s3, s2, $0x38;
	[tilespmem:$0x10000] =	vst v63  }
0x2b: {  	s24 =	simm.s32 $0x9A00;
	s23 =	sadd.s32 $0x380, s16  }
0x2c: {  	[hbm4b:s23+s7] =	stream.linear.scatter [tilespmem:s24], [sflag:$0x3], $0x200, $0x38;
	[tilespmem:$0x10000] =	vst v63  }
0x2d: {  	s26 =	simm.s32 $0xE200;
	s25 =	sadd.s32 $0x100, s16  }
0x2e: {  	[hbm4b:s25+s2] =	stream.strided.scatter [tilespmem:s26], [sflag:$0x3], $0x800, s3, s2, $0x38;
	[tilespmem:$0x10000] =	vst v63  }
0x2f: {  	s29 =	simm.s32 $0xEA00;
	s28 =	sadd.s32 $0x400, s16  }
0x30: {  	[hbm4b:s28+s7] =	stream.linear.scatter [tilespmem:s29], [sflag:$0x3], $0x200, $0x38;
	[tilespmem:$0x10000] =	vst v63  }
0x31: {  	s31 =	simm.s32 $0x7400;
	s30 =	rddreg [dreg:$0xd]  }
0x32: {  	[hbm4b:s30+s2] =	stream.strided.scatter [tilespmem:s31], [sflag:$0x3], $0x800, s3, s2, $0x38;
	[tilespmem:$0x10000] =	vst v63  }
0x33: {  	s5 =	simm.s32 $0x7C00;
	s4 =	sadd.s32 $0x300, s30  }
0x34: {  	[hbm4b:s4+s7] =	stream.linear.scatter [tilespmem:s5], [sflag:$0x3], $0x200, $0x38;
	[tilespmem:$0x10000] =	vst v63  }
0x35: {  	s6 =	sadd.s32 $0x80, s30;
	s8 =	simm.s32 $0x9C00  }
0x36: {  	[hbm4b:s6+s2] =	stream.strided.scatter [tilespmem:s8], [sflag:$0x3], $0x800, s3, s2, $0x38;
	[tilespmem:$0x10000] =	vst v63  }
0x37: {  	s9 =	sadd.s32 $0x380, s30;
	s10 =	simm.s32 $0xA400  }
0x38: {  	[hbm4b:s9+s7] =	stream.linear.scatter [tilespmem:s10], [sflag:$0x3], $0x200, $0x38;
	[tilespmem:$0x10000] =	vst v63  }
0x39: {  	s11 =	sadd.s32 $0x100, s30;
	s12 =	simm.s32 $0xEC00  }
0x3a: {  	[hbm4b:s11+s2] =	stream.strided.scatter [tilespmem:s12], [sflag:$0x3], $0x800, s3, s2, $0x38;
	[tilespmem:$0x10000] =	vst v63  }
0x3b: {  	s13 =	sadd.s32 $0x400, s30;
	s14 =	simm.s32 $0xF400  }
0x3c: {  	[hbm4b:s13+s7] =	stream.linear.scatter [tilespmem:s14], [sflag:$0x3], $0x200, $0x38;
	[tilespmem:$0x10000] =	vst v63  }
0x3d: {  	s15 =	rddreg [dreg:$0xe];
	s16 =	simm.s32 $0x7E00  }
0x3e: {  	[hbm4b:s15+s2] =	stream.strided.scatter [tilespmem:s16], [sflag:$0x3], $0x800, s3, s2, $0x38;
	[tilespmem:$0x10000] =	vst v63  }
0x3f: {  	s17 =	sadd.s32 $0x300, s15;
	s18 =	simm.s32 $0x8600  }
0x40: {  	[hbm4b:s17+s7] =	stream.linear.scatter [tilespmem:s18], [sflag:$0x3], $0x200, $0x38;
	[tilespmem:$0x10000] =	vst v63  }
0x41: {  	s19 =	sadd.s32 $0x80, s15;
	s21 =	simm.s32 $0xA600  }
0x42: {  	[hbm4b:s19+s2] =	stream.strided.scatter [tilespmem:s21], [sflag:$0x3], $0x800, s3, s2, $0x38;
	[tilespmem:$0x10000] =	vst v63  }
0x43: {  	s22 =	sadd.s32 $0x380, s15;
	s23 =	simm.s32 $0xAE00  }
0x44: {  	[hbm4b:s22+s7] =	stream.linear.scatter [tilespmem:s23], [sflag:$0x3], $0x200, $0x38;
	[tilespmem:$0x10000] =	vst v63  }
0x45: {  	s24 =	sadd.s32 $0x100, s15;
	s25 =	simm.s32 $0xF600  }
0x46: {  	[hbm4b:s24+s2] =	stream.strided.scatter [tilespmem:s25], [sflag:$0x3], $0x800, s3, s2, $0x38;
	[tilespmem:$0x10000] =	vst v63  }
0x47: {  	s26 =	sadd.s32 $0x400, s15;
	s28 =	simm.s32 $0xFE00;
	s29 =	simm.s32 $0x3  }
0x48: {  	[hbm4b:s26+s7] =	stream.linear.scatter [tilespmem:s28], [sflag:$0x3], $0x200, $0x38;
	[tilespmem:$0x10000] =	vst v63  }
0x49: {  	_ =	swait.ge [sflag:s29], $0xA00  }
0x4a: {  	[sflag:s29] =	ssyncset.done $0x0  }
0x4b: {  	[sflag:s29] =	ssyncadd.s32 $0xFFFFF600  }
0x4c: {  	_ =	swait.ge [sflag:s29], $0xA00  }
0x4d: {  	[sflag:s29] =	ssyncset.done $0x0  }
0x4e: {  	[sflag:s29] =	ssyncadd.s32 $0xFFFFF600  }
0x4f: {  	_ =	swait.ge [sflag:s29], $0xA00  }
0x50: {  	[sflag:s29] =	ssyncset.done $0x0  }
0x51: {  	[sflag:s29] =	ssyncadd.s32 $0xFFFFF600  }
0x52: {  	_ =	swait.ge [sflag:s29], $0xA00  }
0x53: {  	[sflag:s29] =	ssyncset.done $0x0  }
0x54: {  	[sflag:s29] =	ssyncadd.s32 $0xFFFFF600  }
0x55: {  	_ =	swait.ge [sflag:s29], $0xA00  }
0x56: {  	[sflag:s29] =	ssyncset.done $0x0  }
0x57: {  	[sflag:s29] =	ssyncadd.s32 $0xFFFFF600  }
0x58: {  	_ =	swait.ge [sflag:s29], $0xA00  }
0x59: {  	[sflag:s29] =	ssyncset.done $0x0  }
0x5a: {  	[sflag:s29] =	ssyncadd.s32 $0xFFFFF600  }
0x5b: {  	_ =	swait.ge [sflag:s29], $0xA00  }
0x5c: {  	[sflag:s29] =	ssyncset.done $0x0  }
0x5d: {  	[sflag:s29] =	ssyncadd.s32 $0xFFFFF600  }
0x5e: {  	_ =	swait.ge [sflag:s29], $0xA00  }
0x5f: {  	[sflag:s29] =	ssyncset.done $0x0  }
0x60: {  	[sflag:s29] =	ssyncadd.s32 $0xFFFFF600  }
0x61: {  	_ =	swait.ge [sflag:s29], $0xA00  }
0x62: {  	[sflag:s29] =	ssyncset.done $0x0  }
0x63: {  	[sflag:s29] =	ssyncadd.s32 $0xFFFFF600  }
0x64: {  	_ =	swait.ge [sflag:s29], $0xA00  }
0x65: {  	[sflag:s29] =	ssyncset.done $0x0  }
0x66: {  	[sflag:s29] =	ssyncadd.s32 $0xFFFFF600  }
0x67: {  	_ =	swait.ge [sflag:s29], $0xA00  }
0x68: {  	[sflag:s29] =	ssyncset.done $0x0  }
0x69: {  	[sflag:s29] =	ssyncadd.s32 $0xFFFFF600  }
0x6a: {  	_ =	swait.ge [sflag:s29], $0xA00  }
0x6b: {  	[sflag:s29] =	ssyncset.done $0x0  }
0x6c: {  	[sflag:s29] =	ssyncadd.s32 $0xFFFFF600  }
0x6d: {  	_ =	swait.ge [sflag:s29], $0xA00  }
0x6e: {  	[sflag:s29] =	ssyncset.done $0x0  }
0x6f: {  	[sflag:s29] =	ssyncadd.s32 $0xFFFFF600  }
0x70: {  	_ =	swait.ge [sflag:s29], $0xA00  }
0x71: {  	[sflag:s29] =	ssyncset.done $0x0  }
0x72: {  	[sflag:s29] =	ssyncadd.s32 $0xFFFFF600  }
0x73: {  	_ =	swait.ge [sflag:s29], $0xA00  }
0x74: {  	[sflag:s29] =	ssyncset.done $0x0  }
0x75: {  	[sflag:s29] =	ssyncadd.s32 $0xFFFFF600  }
0x76: {  	_ =	swait.ge [sflag:s29], $0xA00  }
0x77: {  	[sflag:s29] =	ssyncset.done $0x0  }
0x78: {  	[sflag:s29] =	ssyncadd.s32 $0xFFFFF600  }
0x79: {  	_ =	swait.ge [sflag:s29], $0xA00  }
0x7a: {  	[sflag:s29] =	ssyncset.done $0x0  }
0x7b: {  	[sflag:s29] =	ssyncadd.s32 $0xFFFFF600  }
0x7c: {  	_ =	swait.ge [sflag:s29], $0xA00  }
0x7d: {  	[sflag:s29] =	ssyncset.done $0x0  }
0x7e: {  	[sflag:s29] =	ssyncadd.s32 $0xFFFFF600  }
0x7f: {  	_ =	swait.ge [sflag:s29], $0xA00  }
0x80: {  	[sflag:s29] =	ssyncset.done $0x0  }
0x81: {  	[sflag:s29] =	ssyncadd.s32 $0xFFFFF600  }
0x82: {  	_ =	swait.ge [sflag:s29], $0xA00  }
0x83: {  	[sflag:s29] =	ssyncset.done $0x0  }
0x84: {  	[sflag:s29] =	ssyncadd.s32 $0xFFFFF600  }
0x85: {  	_ =	swait.ge [sflag:s29], $0xA00  }
0x86: {  	[sflag:s29] =	ssyncset.done $0x0  }
0x87: {  	[sflag:s29] =	ssyncadd.s32 $0xFFFFF600  }
0x88: {  	_ =	swait.ge [sflag:s29], $0xA00  }
0x89: {  	[sflag:s29] =	ssyncset.done $0x0  }
0x8a: {  	[sflag:s29] =	ssyncadd.s32 $0xFFFFF600  }
0x8b: {  	_ =	swait.ge [sflag:s29], $0xA00  }
0x8c: {  	[sflag:s29] =	ssyncset.done $0x0  }
0x8d: {  	[sflag:s29] =	ssyncadd.s32 $0xFFFFF600  }
0x8e: {  	_ =	swait.ge [sflag:s29], $0xA00  }
0x8f: {  	s30 =	rddreg [dreg:$0x10]  }
0x90: {  	s31 =	rddreg [dreg:$0xf];
	s2 =	sadd.s32 $0x1, s30  }
0x91: {  	p0 =	sne.s32 s2, s31  }
.Ltmp1:
0x92: {  	_ = 	snop;
	(pc) =	sbr.rel @!p0 .LBB2_8-.Ltmp1, $3  }
0x93: {  	_ =	sdelay $0x1  }
0x94: {  	[sflag:s29] =	ssyncset.done $0x0  }
0x95: {  	[sflag:s29] =	ssyncadd.s32 $0xFFFFF600  }
.LBB2_1:
0x96: {  	[dreg:$0x10] =	wrdreg s2  }
.Ltmp2:
0x97: {  	s0 =	rddreg [dreg:$0x8];
	s31 =	simm.s32 $0x4;
	(pc) =	sbr.rel .LBB2_2-.Ltmp2, $4  }
0x98: {  	[tilespmem:s7], [sflag:$0x4] =	stream.linear.gather [hbm4b:s0+s7], $0x1000, $0x38;
	[tilespmem:$0x10000] =	vst v63  }
0x99: {  	_ =	swait.ge [sflag:s31], $0x1000  }
0x9a: {  	p0 =	por $0x0, $0x0;
	[sflag:s31] =	ssyncset.done $0x0  }
0x9b: {  	s3 =	simm.s32 $0x0;
	s11 =	simm.s32 $0x0;
	[sflag:s31] =	ssyncadd.s32 $0xFFFFF000  }
.LBB2_6:
0x9c: {  	s11 =	sadd.s32 $0x1, s11  }
0x9d: {  	p1 =	sne.s32 s11, $0x20  }
.Ltmp3:
0x9e: {  	_ = 	snop;
	(pc) =	sbr.rel @!p1 .LBB2_7-.Ltmp3, $3  }
0x9f: {  	_ =	sdelay $0x1  }
0xa0: {  	s3 =	rddreg [dreg:$0x11]  }
0xa1: {  	p0 =	por !p0, !p0;
	s3 =	sadd.s32 $0x80, s3  }
.LBB2_2:
0xa2: {  	s0 =	simm.s32 $0x1  }
0xa3: {  	s0 =	simm.s32 @!p0 $0x0  }
0xa4: {  	s0 =	smul.u32 $0xA000, s0;
	_ =	sdelay $0x1  }
0xa5: {  	s0 =	sshrl.u32 s0, $0x2  }
0xa6: {  	p1 =	slt.u32 s11, $0x2;
	s0 =	sadd.s32 $0xB000, s0  }
0xa7: {  	[dreg:$0x3] =	wrdreg s0;
	s0 =	simm.s32 @!p1 $0x3  }
0xa8: {  	_ =	swait.ge @!p1 [sflag:s0], $0xA00  }
0xa9: {  	[sflag:s0] =	ssyncset.done @!p1 $0x0  }
0xaa: {  	[sflag:s0] =	ssyncadd.s32 @!p1 $0xFFFFF600  }
0xab: {  	_ =	swait.ge @!p1 [sflag:s0], $0xA00  }
0xac: {  	[sflag:s0] =	ssyncset.done @!p1 $0x0  }
0xad: {  	[sflag:s0] =	ssyncadd.s32 @!p1 $0xFFFFF600  }
0xae: {  	_ =	swait.ge @!p1 [sflag:s0], $0xA00  }
0xaf: {  	[sflag:s0] =	ssyncset.done @!p1 $0x0  }
0xb0: {  	[sflag:s0] =	ssyncadd.s32 @!p1 $0xFFFFF600  }
0xb1: {  	_ =	swait.ge @!p1 [sflag:s0], $0xA00  }
0xb2: {  	[sflag:s0] =	ssyncset.done @!p1 $0x0  }
0xb3: {  	[sflag:s0] =	ssyncadd.s32 @!p1 $0xFFFFF600  }
0xb4: {  	_ =	swait.ge @!p1 [sflag:s0], $0xA00  }
0xb5: {  	[sflag:s0] =	ssyncset.done @!p1 $0x0  }
0xb6: {  	[sflag:s0] =	ssyncadd.s32 @!p1 $0xFFFFF600  }
0xb7: {  	_ =	swait.ge @!p1 [sflag:s0], $0xA00  }
0xb8: {  	[sflag:s0] =	ssyncset.done @!p1 $0x0  }
0xb9: {  	[sflag:s0] =	ssyncadd.s32 @!p1 $0xFFFFF600  }
0xba: {  	_ =	swait.ge @!p1 [sflag:s0], $0xA00  }
0xbb: {  	[sflag:s0] =	ssyncset.done @!p1 $0x0  }
0xbc: {  	[sflag:s0] =	ssyncadd.s32 @!p1 $0xFFFFF600  }
0xbd: {  	_ =	swait.ge @!p1 [sflag:s0], $0xA00  }
0xbe: {  	[sflag:s0] =	ssyncset.done @!p1 $0x0  }
0xbf: {  	[sflag:s0] =	ssyncadd.s32 @!p1 $0xFFFFF600  }
0xc0: {  	_ =	swait.ge @!p1 [sflag:s0], $0xA00  }
0xc1: {  	[sflag:s0] =	ssyncset.done @!p1 $0x0  }
0xc2: {  	[sflag:s0] =	ssyncadd.s32 @!p1 $0xFFFFF600  }
0xc3: {  	_ =	swait.ge @!p1 [sflag:s0], $0xA00  }
0xc4: {  	[sflag:s0] =	ssyncset.done @!p1 $0x0  }
0xc5: {  	[sflag:s0] =	ssyncadd.s32 @!p1 $0xFFFFF600  }
0xc6: {  	_ =	swait.ge @!p1 [sflag:s0], $0xA00  }
0xc7: {  	[sflag:s0] =	ssyncset.done @!p1 $0x0  }
0xc8: {  	[sflag:s0] =	ssyncadd.s32 @!p1 $0xFFFFF600  }
0xc9: {  	_ =	swait.ge @!p1 [sflag:s0], $0xA00  }
0xca: {  	s1 =	sshll.u32 s11, $0x7;
	[sflag:s0] =	ssyncset.done @!p1 $0x0  }
0xcb: {  	s19 =	sand.u32 $0x3FFFFF80, s1;
	[sflag:s0] =	ssyncadd.s32 @!p1 $0xFFFFF600  }
0xcc: {  	v17 =	vld [tilespmem:s19+$0x0];
	_ =	sdelay $0x4  }
0xcd: {  	v18 =	vshrl.u32 v17, $0x3  }
0xce: {  	v18 =	vmul.u32 $0x18, v18  }
0xcf: {  	v17 =	vand.u32 $0x7, v17  }
0xd0: {  	v17 =	vor.u32 v17, v18  }
0xd1: {  	v18 =	vperm.xlane v17, v2;
	_ =	sdelay $0x1  }
0xd2: {  	s16 =	sand.u32 $0x1, s11;
	v19 =	vperm.xlane v17, v4;
	v18 =	vadd.s32 v3, v18  }
0xd3: {  	s0 =	smul.u32 $0x14000, s16  }
0xd4: {  	v20 =	vperm.xlane v17, v5;
	v19 =	vadd.s32 v3, v19  }
0xd5: {  	s1 =	sshrl.u32 s0, $0x2  }
0xd6: {  	s18 =	simm.s32 $0x0;
	s0 =	sadd.s32 $0x1000, s1;
	v21 =	vperm.xlane v17, v0;
	v20 =	vadd.s32 v3, v20  }
0xd7: {  	[tilespmem:s0], [sflag:$0x1] =	stream.indirect_vreg.gather [hbm4b:s20+s18], $0x80, v18, vm0, $0xb8;
	[tilespmem:$0x10000] =	vst v63  }
0xd8: {  	s17 =	sadd.s32 $0x1080, s1;
	v56 =	vperm.xlane v17, v6;
	v18 =	vadd.s32 v3, v21  }
0xd9: {  	[tilespmem:s17], [sflag:$0x1] =	stream.indirect_vreg.gather [hbm4b:s20+s18], $0x80, v19, vm0, $0xb8;
	[tilespmem:$0x10000] =	vst v63  }
0xda: {  	s21 =	sadd.s32 $0x1100, s1;
	v57 =	vperm.xlane v17, v7;
	v19 =	vadd.s32 v3, v56  }
0xdb: {  	[tilespmem:s21], [sflag:$0x1] =	stream.indirect_vreg.gather [hbm4b:s20+s18], $0x80, v20, vm0, $0xb8;
	[tilespmem:$0x10000] =	vst v63  }
0xdc: {  	s22 =	sadd.s32 $0x1180, s1;
	v59 =	vperm.xlane v17, v8;
	v58 =	vadd.s32 v3, v57  }
0xdd: {  	[tilespmem:s22], [sflag:$0x1] =	stream.indirect_vreg.gather [hbm4b:s20+s18], $0x80, v18, vm0, $0xb8;
	[tilespmem:$0x10000] =	vst v63  }
0xde: {  	s23 =	sadd.s32 $0x1200, s1;
	v60 =	vperm.xlane v17, v1;
	v18 =	vadd.s32 v3, v59  }
0xdf: {  	[tilespmem:s23], [sflag:$0x1] =	stream.indirect_vreg.gather [hbm4b:s20+s18], $0x80, v19, vm0, $0xb8;
	[tilespmem:$0x10000] =	vst v63  }
0xe0: {  	s24 =	sadd.s32 $0x1280, s1;
	v61 =	vperm.xlane v17, v9;
	v19 =	vadd.s32 v3, v60  }
0xe1: {  	[tilespmem:s24], [sflag:$0x1] =	stream.indirect_vreg.gather [hbm4b:s20+s18], $0x80, v58, vm0, $0xb8;
	[tilespmem:$0x10000] =	vst v63  }
0xe2: {  	s25 =	sadd.s32 $0x1300, s1;
	v63 =	vperm.xlane v17, v10;
	v62 =	vadd.s32 v3, v61  }
0xe3: {  	[tilespmem:s25], [sflag:$0x1] =	stream.indirect_vreg.gather [hbm4b:s20+s18], $0x80, v18, vm0, $0xb8;
	[tilespmem:$0x10000] =	vst v63  }
0xe4: {  	s26 =	sadd.s32 $0x1380, s1;
	v24 =	vperm.xlane v17, v11;
	v18 =	vadd.s32 v3, v63  }
0xe5: {  	[tilespmem:s26], [sflag:$0x1] =	stream.indirect_vreg.gather [hbm4b:s20+s18], $0x80, v19, vm0, $0xb8;
	[tilespmem:$0x10000] =	vst v63  }
0xe6: {  	s2 =	sadd.s32 $0x1400, s1;
	v25 =	vperm.xlane v17, v12;
	v19 =	vadd.s32 v3, v24  }
0xe7: {  	[tilespmem:s2], [sflag:$0x1] =	stream.indirect_vreg.gather [hbm4b:s20+s18], $0x80, v62, vm0, $0xb8;
	[tilespmem:$0x10000] =	vst v63  }
0xe8: {  	s4 =	sadd.s32 $0x1480, s1;
	v27 =	vperm.xlane v17, v13;
	v26 =	vadd.s32 v3, v25  }
0xe9: {  	[tilespmem:s4], [sflag:$0x1] =	stream.indirect_vreg.gather [hbm4b:s20+s18], $0x80, v18, vm0, $0xb8;
	[tilespmem:$0x10000] =	vst v63  }
0xea: {  	s5 =	sadd.s32 $0x1500, s1;
	v28 =	vperm.xlane v17, v14;
	v18 =	vadd.s32 v3, v27  }
0xeb: {  	[tilespmem:s5], [sflag:$0x1] =	stream.indirect_vreg.gather [hbm4b:s20+s18], $0x80, v19, vm0, $0xb8;
	[tilespmem:$0x10000] =	vst v63  }
0xec: {  	s6 =	sadd.s32 $0x1580, s1;
	v29 =	vperm.xlane v17, v15;
	v19 =	vadd.s32 v3, v28  }
0xed: {  	[tilespmem:s6], [sflag:$0x1] =	stream.indirect_vreg.gather [hbm4b:s20+s18], $0x80, v26, vm0, $0xb8;
	[tilespmem:$0x10000] =	vst v63  }
0xee: {  	s7 =	sadd.s32 $0x1600, s1;
	v17 =	vperm.xlane v17, v16;
	v30 =	vadd.s32 v3, v29  }
0xef: {  	[tilespmem:s7], [sflag:$0x1] =	stream.indirect_vreg.gather [hbm4b:s20+s18], $0x80, v18, vm0, $0xb8;
	[tilespmem:$0x10000] =	vst v63  }
0xf0: {  	s8 =	sadd.s32 $0x1680, s1;
	v17 =	vadd.s32 v3, v17  }
0xf1: {  	[tilespmem:s8], [sflag:$0x1] =	stream.indirect_vreg.gather [hbm4b:s20+s18], $0x80, v19, vm0, $0xb8;
	[tilespmem:$0x10000] =	vst v63  }
0xf2: {  	s9 =	sadd.s32 $0x1700, s1  }
0xf3: {  	[tilespmem:s9], [sflag:$0x1] =	stream.indirect_vreg.gather [hbm4b:s20+s18], $0x80, v30, vm0, $0xb8;
	[tilespmem:$0x10000] =	vst v63  }
0xf4: {  	s10 =	sadd.s32 $0x1780, s1  }
0xf5: {  	[tilespmem:s10], [sflag:$0x1] =	stream.indirect_vreg.gather [hbm4b:s20+s18], $0x80, v17, vm0, $0xb8;
	[tilespmem:$0x10000] =	vst v63  }
0xf6: {  	v17 =	vld [tilespmem:s19+$0x10];
	_ =	sdelay $0x4  }
0xf7: {  	v18 =	vshrl.u32 v17, $0x3  }
0xf8: {  	v18 =	vmul.u32 $0x18, v18  }
0xf9: {  	v17 =	vand.u32 $0x7, v17  }
0xfa: {  	v17 =	vor.u32 v17, v18  }
0xfb: {  	v18 =	vperm.xlane v17, v2;
	_ =	sdelay $0x1  }
0xfc: {  	v19 =	vperm.xlane v17, v4;
	v18 =	vadd.s32 v3, v18;
	_ =	sdelay $0x1  }
0xfd: {  	v31 =	vperm.xlane v17, v5;
	v19 =	vadd.s32 v3, v19;
	_ =	sdelay $0x1  }
0xfe: {  	[dreg:$0x12] =	wrdreg s11;
	s11 =	sadd.s32 $0x1800, s1;
	v32 =	vperm.xlane v17, v0;
	v20 =	vadd.s32 v3, v31  }
0xff: {  	[tilespmem:s11], [sflag:$0x1] =	stream.indirect_vreg.gather [hbm4b:s20+s18], $0x80, v18, vm0, $0xb8;
	[tilespmem:$0x10000] =	vst v63  }
0x100: {  	s12 =	sadd.s32 $0x1880, s1;
	v33 =	vperm.xlane v17, v6;
	v18 =	vadd.s32 v3, v32  }
0x101: {  	[tilespmem:s12], [sflag:$0x1] =	stream.indirect_vreg.gather [hbm4b:s20+s18], $0x80, v19, vm0, $0xb8;
	[tilespmem:$0x10000] =	vst v63  }
0x102: {  	s13 =	sadd.s32 $0x1900, s1;
	v34 =	vperm.xlane v17, v7;
	v19 =	vadd.s32 v3, v33  }
0x103: {  	[tilespmem:s13], [sflag:$0x1] =	stream.indirect_vreg.gather [hbm4b:s20+s18], $0x80, v20, vm0, $0xb8;
	[tilespmem:$0x10000] =	vst v63  }
0x104: {  	s14 =	sadd.s32 $0x1980, s1;
	v36 =	vperm.xlane v17, v8;
	v35 =	vadd.s32 v3, v34  }
0x105: {  	[tilespmem:s14], [sflag:$0x1] =	stream.indirect_vreg.gather [hbm4b:s20+s18], $0x80, v18, vm0, $0xb8;
	[tilespmem:$0x10000] =	vst v63  }
0x106: {  	s15 =	sadd.s32 $0x1A00, s1;
	v37 =	vperm.xlane v17, v1;
	v18 =	vadd.s32 v3, v36  }
0x107: {  	[tilespmem:s15], [sflag:$0x1] =	stream.indirect_vreg.gather [hbm4b:s20+s18], $0x80, v19, vm0, $0xb8;
	[tilespmem:$0x10000] =	vst v63  }
0x108: {  	[dreg:$0x13] =	wrdreg s16;
	s16 =	sadd.s32 $0x1A80, s1;
	v38 =	vperm.xlane v17, v9;
	v19 =	vadd.s32 v3, v37  }
0x109: {  	[tilespmem:s16], [sflag:$0x1] =	stream.indirect_vreg.gather [hbm4b:s20+s18], $0x80, v35, vm0, $0xb8;
	[tilespmem:$0x10000] =	vst v63  }
0x10a: {  	s17 =	sadd.s32 $0x1B00, s1;
	v40 =	vperm.xlane v17, v10;
	v39 =	vadd.s32 v3, v38  }
0x10b: {  	[tilespmem:s17], [sflag:$0x1] =	stream.indirect_vreg.gather [hbm4b:s20+s18], $0x80, v18, vm0, $0xb8;
	[tilespmem:$0x10000] =	vst v63  }
0x10c: {  	s21 =	sadd.s32 $0x1B80, s1;
	v41 =	vperm.xlane v17, v11;
	v18 =	vadd.s32 v3, v40  }
0x10d: {  	[tilespmem:s21], [sflag:$0x1] =	stream.indirect_vreg.gather [hbm4b:s20+s18], $0x80, v19, vm0, $0xb8;
	[tilespmem:$0x10000] =	vst v63  }
0x10e: {  	s22 =	sadd.s32 $0x1C00, s1;
	v42 =	vperm.xlane v17, v12;
	v19 =	vadd.s32 v3, v41  }
0x10f: {  	[tilespmem:s22], [sflag:$0x1] =	stream.indirect_vreg.gather [hbm4b:s20+s18], $0x80, v39, vm0, $0xb8;
	[tilespmem:$0x10000] =	vst v63  }
0x110: {  	s23 =	sadd.s32 $0x1C80, s1;
	v44 =	vperm.xlane v17, v13;
	v43 =	vadd.s32 v3, v42  }
0x111: {  	[tilespmem:s23], [sflag:$0x1] =	stream.indirect_vreg.gather [hbm4b:s20+s18], $0x80, v18, vm0, $0xb8;
	[tilespmem:$0x10000] =	vst v63  }
0x112: {  	s24 =	sadd.s32 $0x1D00, s1;
	v45 =	vperm.xlane v17, v14;
	v18 =	vadd.s32 v3, v44  }
0x113: {  	[tilespmem:s24], [sflag:$0x1] =	stream.indirect_vreg.gather [hbm4b:s20+s18], $0x80, v19, vm0, $0xb8;
	[tilespmem:$0x10000] =	vst v63  }
0x114: {  	s25 =	sadd.s32 $0x1D80, s1;
	v46 =	vperm.xlane v17, v15;
	v19 =	vadd.s32 v3, v45  }
0x115: {  	[tilespmem:s25], [sflag:$0x1] =	stream.indirect_vreg.gather [hbm4b:s20+s18], $0x80, v43, vm0, $0xb8;
	[tilespmem:$0x10000] =	vst v63  }
0x116: {  	s26 =	sadd.s32 $0x1E00, s1;
	v17 =	vperm.xlane v17, v16;
	v47 =	vadd.s32 v3, v46  }
0x117: {  	[tilespmem:s26], [sflag:$0x1] =	stream.indirect_vreg.gather [hbm4b:s20+s18], $0x80, v18, vm0, $0xb8;
	[tilespmem:$0x10000] =	vst v63  }
0x118: {  	s2 =	sadd.s32 $0x1E80, s1;
	v17 =	vadd.s32 v3, v17  }
0x119: {  	[tilespmem:s2], [sflag:$0x1] =	stream.indirect_vreg.gather [hbm4b:s20+s18], $0x80, v19, vm0, $0xb8;
	[tilespmem:$0x10000] =	vst v63  }
0x11a: {  	s4 =	sadd.s32 $0x1F00, s1  }
0x11b: {  	[tilespmem:s4], [sflag:$0x1] =	stream.indirect_vreg.gather [hbm4b:s20+s18], $0x80, v47, vm0, $0xb8;
	[tilespmem:$0x10000] =	vst v63  }
0x11c: {  	s5 =	sadd.s32 $0x1F80, s1  }
0x11d: {  	[tilespmem:s5], [sflag:$0x1] =	stream.indirect_vreg.gather [hbm4b:s20+s18], $0x80, v17, vm0, $0xb8;
	[tilespmem:$0x10000] =	vst v63  }
0x11e: {  	v17 =	vld [tilespmem:s19+$0x20];
	_ =	sdelay $0x4  }
0x11f: {  	v18 =	vshrl.u32 v17, $0x3  }
0x120: {  	v18 =	vmul.u32 $0x18, v18  }
0x121: {  	v17 =	vand.u32 $0x7, v17  }
0x122: {  	v17 =	vor.u32 v17, v18  }
0x123: {  	v18 =	vperm.xlane v17, v2;
	_ =	sdelay $0x1  }
0x124: {  	v19 =	vperm.xlane v17, v4;
	v18 =	vadd.s32 v3, v18;
	_ =	sdelay $0x1  }
0x125: {  	v48 =	vperm.xlane v17, v5;
	v19 =	vadd.s32 v3, v19;
	_ =	sdelay $0x1  }
0x126: {  	s6 =	sadd.s32 $0x2000, s1;
	v49 =	vperm.xlane v17, v0;
	v20 =	vadd.s32 v3, v48  }
0x127: {  	[tilespmem:s6], [sflag:$0x1] =	stream.indirect_vreg.gather [hbm4b:s20+s18], $0x80, v18, vm0, $0xb8;
	[tilespmem:$0x10000] =	vst v63  }
0x128: {  	s7 =	sadd.s32 $0x2080, s1;
	v50 =	vperm.xlane v17, v6;
	v18 =	vadd.s32 v3, v49  }
0x129: {  	[tilespmem:s7], [sflag:$0x1] =	stream.indirect_vreg.gather [hbm4b:s20+s18], $0x80, v19, vm0, $0xb8;
	[tilespmem:$0x10000] =	vst v63  }
0x12a: {  	s8 =	sadd.s32 $0x2100, s1;
	v51 =	vperm.xlane v17, v7;
	v19 =	vadd.s32 v3, v50  }
0x12b: {  	[tilespmem:s8], [sflag:$0x1] =	stream.indirect_vreg.gather [hbm4b:s20+s18], $0x80, v20, vm0, $0xb8;
	[tilespmem:$0x10000] =	vst v63  }
0x12c: {  	s9 =	sadd.s32 $0x2180, s1;
	v53 =	vperm.xlane v17, v8;
	v52 =	vadd.s32 v3, v51  }
0x12d: {  	[tilespmem:s9], [sflag:$0x1] =	stream.indirect_vreg.gather [hbm4b:s20+s18], $0x80, v18, vm0, $0xb8;
	[tilespmem:$0x10000] =	vst v63  }
0x12e: {  	s10 =	sadd.s32 $0x2200, s1;
	v54 =	vperm.xlane v17, v1;
	v18 =	vadd.s32 v3, v53  }
0x12f: {  	[tilespmem:s10], [sflag:$0x1] =	stream.indirect_vreg.gather [hbm4b:s20+s18], $0x80, v19, vm0, $0xb8;
	[tilespmem:$0x10000] =	vst v63  }
0x130: {  	s11 =	sadd.s32 $0x2280, s1;
	v55 =	vperm.xlane v17, v9;
	v19 =	vadd.s32 v3, v54  }
0x131: {  	[tilespmem:s11], [sflag:$0x1] =	stream.indirect_vreg.gather [hbm4b:s20+s18], $0x80, v52, vm0, $0xb8;
	[tilespmem:$0x10000] =	vst v63  }
0x132: {  	s12 =	sadd.s32 $0x2300, s1;
	v57 =	vperm.xlane v17, v10;
	v56 =	vadd.s32 v3, v55  }
0x133: {  	[tilespmem:s12], [sflag:$0x1] =	stream.indirect_vreg.gather [hbm4b:s20+s18], $0x80, v18, vm0, $0xb8;
	[tilespmem:$0x10000] =	vst v63  }
0x134: {  	s13 =	sadd.s32 $0x2380, s1;
	v58 =	vperm.xlane v17, v11;
	v18 =	vadd.s32 v3, v57  }
0x135: {  	[tilespmem:s13], [sflag:$0x1] =	stream.indirect_vreg.gather [hbm4b:s20+s18], $0x80, v19, vm0, $0xb8;
	[tilespmem:$0x10000] =	vst v63  }
0x136: {  	s14 =	sadd.s32 $0x2400, s1;
	v59 =	vperm.xlane v17, v12;
	v19 =	vadd.s32 v3, v58  }
0x137: {  	[tilespmem:s14], [sflag:$0x1] =	stream.indirect_vreg.gather [hbm4b:s20+s18], $0x80, v56, vm0, $0xb8;
	[tilespmem:$0x10000] =	vst v63  }
0x138: {  	s15 =	sadd.s32 $0x2480, s1;
	v61 =	vperm.xlane v17, v13;
	v60 =	vadd.s32 v3, v59  }
0x139: {  	[tilespmem:s15], [sflag:$0x1] =	stream.indirect_vreg.gather [hbm4b:s20+s18], $0x80, v18, vm0, $0xb8;
	[tilespmem:$0x10000] =	vst v63  }
0x13a: {  	s16 =	sadd.s32 $0x2500, s1;
	v62 =	vperm.xlane v17, v14;
	v18 =	vadd.s32 v3, v61  }
0x13b: {  	[tilespmem:s16], [sflag:$0x1] =	stream.indirect_vreg.gather [hbm4b:s20+s18], $0x80, v19, vm0, $0xb8;
	[tilespmem:$0x10000] =	vst v63  }
0x13c: {  	s17 =	sadd.s32 $0x2580, s1;
	v63 =	vperm.xlane v17, v15;
	v19 =	vadd.s32 v3, v62  }
0x13d: {  	[tilespmem:s17], [sflag:$0x1] =	stream.indirect_vreg.gather [hbm4b:s20+s18], $0x80, v60, vm0, $0xb8;
	[tilespmem:$0x10000] =	vst v63  }
0x13e: {  	s21 =	sadd.s32 $0x2600, s1;
	v17 =	vperm.xlane v17, v16;
	v24 =	vadd.s32 v3, v63  }
0x13f: {  	[tilespmem:s21], [sflag:$0x1] =	stream.indirect_vreg.gather [hbm4b:s20+s18], $0x80, v18, vm0, $0xb8;
	[tilespmem:$0x10000] =	vst v63  }
0x140: {  	s22 =	sadd.s32 $0x2680, s1;
	v17 =	vadd.s32 v3, v17  }
0x141: {  	[tilespmem:s22], [sflag:$0x1] =	stream.indirect_vreg.gather [hbm4b:s20+s18], $0x80, v19, vm0, $0xb8;
	[tilespmem:$0x10000] =	vst v63  }
0x142: {  	s23 =	sadd.s32 $0x2700, s1  }
0x143: {  	[tilespmem:s23], [sflag:$0x1] =	stream.indirect_vreg.gather [hbm4b:s20+s18], $0x80, v24, vm0, $0xb8;
	[tilespmem:$0x10000] =	vst v63  }
0x144: {  	s24 =	sadd.s32 $0x2780, s1  }
0x145: {  	[tilespmem:s24], [sflag:$0x1] =	stream.indirect_vreg.gather [hbm4b:s20+s18], $0x80, v17, vm0, $0xb8;
	[tilespmem:$0x10000] =	vst v63  }
0x146: {  	v17 =	vld [tilespmem:s19+$0x30];
	_ =	sdelay $0x4  }
0x147: {  	v18 =	vshrl.u32 v17, $0x3  }
0x148: {  	v18 =	vmul.u32 $0x18, v18  }
0x149: {  	v17 =	vand.u32 $0x7, v17  }
0x14a: {  	v17 =	vor.u32 v17, v18  }
0x14b: {  	v18 =	vperm.xlane v17, v2;
	_ =	sdelay $0x1  }
0x14c: {  	v19 =	vperm.xlane v17, v4;
	v18 =	vadd.s32 v3, v18;
	_ =	sdelay $0x1  }
0x14d: {  	v25 =	vperm.xlane v17, v5;
	v19 =	vadd.s32 v3, v19;
	_ =	sdelay $0x1  }
0x14e: {  	s25 =	sadd.s32 $0x2800, s1;
	v26 =	vperm.xlane v17, v0;
	v20 =	vadd.s32 v3, v25  }
0x14f: {  	[tilespmem:s25], [sflag:$0x1] =	stream.indirect_vreg.gather [hbm4b:s20+s18], $0x80, v18, vm0, $0xb8;
	[tilespmem:$0x10000] =	vst v63  }
0x150: {  	s26 =	sadd.s32 $0x2880, s1;
	v27 =	vperm.xlane v17, v6;
	v18 =	vadd.s32 v3, v26  }
0x151: {  	[tilespmem:s26], [sflag:$0x1] =	stream.indirect_vreg.gather [hbm4b:s20+s18], $0x80, v19, vm0, $0xb8;
	[tilespmem:$0x10000] =	vst v63  }
0x152: {  	s2 =	sadd.s32 $0x2900, s1;
	v28 =	vperm.xlane v17, v7;
	v19 =	vadd.s32 v3, v27  }
0x153: {  	[tilespmem:s2], [sflag:$0x1] =	stream.indirect_vreg.gather [hbm4b:s20+s18], $0x80, v20, vm0, $0xb8;
	[tilespmem:$0x10000] =	vst v63  }
0x154: {  	s4 =	sadd.s32 $0x2980, s1;
	v30 =	vperm.xlane v17, v8;
	v29 =	vadd.s32 v3, v28  }
0x155: {  	[tilespmem:s4], [sflag:$0x1] =	stream.indirect_vreg.gather [hbm4b:s20+s18], $0x80, v18, vm0, $0xb8;
	[tilespmem:$0x10000] =	vst v63  }
0x156: {  	s5 =	sadd.s32 $0x2A00, s1;
	v31 =	vperm.xlane v17, v1;
	v18 =	vadd.s32 v3, v30  }
0x157: {  	[tilespmem:s5], [sflag:$0x1] =	stream.indirect_vreg.gather [hbm4b:s20+s18], $0x80, v19, vm0, $0xb8;
	[tilespmem:$0x10000] =	vst v63  }
0x158: {  	s6 =	sadd.s32 $0x2A80, s1;
	v32 =	vperm.xlane v17, v9;
	v19 =	vadd.s32 v3, v31  }
0x159: {  	[tilespmem:s6], [sflag:$0x1] =	stream.indirect_vreg.gather [hbm4b:s20+s18], $0x80, v29, vm0, $0xb8;
	[tilespmem:$0x10000] =	vst v63  }
0x15a: {  	s7 =	sadd.s32 $0x2B00, s1;
	v34 =	vperm.xlane v17, v10;
	v33 =	vadd.s32 v3, v32  }
0x15b: {  	[tilespmem:s7], [sflag:$0x1] =	stream.indirect_vreg.gather [hbm4b:s20+s18], $0x80, v18, vm0, $0xb8;
	[tilespmem:$0x10000] =	vst v63  }
0x15c: {  	s8 =	sadd.s32 $0x2B80, s1;
	v35 =	vperm.xlane v17, v11;
	v18 =	vadd.s32 v3, v34  }
0x15d: {  	[tilespmem:s8], [sflag:$0x1] =	stream.indirect_vreg.gather [hbm4b:s20+s18], $0x80, v19, vm0, $0xb8;
	[tilespmem:$0x10000] =	vst v63  }
0x15e: {  	s9 =	sadd.s32 $0x2C00, s1;
	v36 =	vperm.xlane v17, v12;
	v19 =	vadd.s32 v3, v35  }
0x15f: {  	[tilespmem:s9], [sflag:$0x1] =	stream.indirect_vreg.gather [hbm4b:s20+s18], $0x80, v33, vm0, $0xb8;
	[tilespmem:$0x10000] =	vst v63  }
0x160: {  	s10 =	sadd.s32 $0x2C80, s1;
	v38 =	vperm.xlane v17, v13;
	v37 =	vadd.s32 v3, v36  }
0x161: {  	[tilespmem:s10], [sflag:$0x1] =	stream.indirect_vreg.gather [hbm4b:s20+s18], $0x80, v18, vm0, $0xb8;
	[tilespmem:$0x10000] =	vst v63  }
0x162: {  	s11 =	sadd.s32 $0x2D00, s1;
	v39 =	vperm.xlane v17, v14;
	v18 =	vadd.s32 v3, v38  }
0x163: {  	[tilespmem:s11], [sflag:$0x1] =	stream.indirect_vreg.gather [hbm4b:s20+s18], $0x80, v19, vm0, $0xb8;
	[tilespmem:$0x10000] =	vst v63  }
0x164: {  	s12 =	sadd.s32 $0x2D80, s1;
	v40 =	vperm.xlane v17, v15;
	v19 =	vadd.s32 v3, v39  }
0x165: {  	[tilespmem:s12], [sflag:$0x1] =	stream.indirect_vreg.gather [hbm4b:s20+s18], $0x80, v37, vm0, $0xb8;
	[tilespmem:$0x10000] =	vst v63  }
0x166: {  	s13 =	sadd.s32 $0x2E00, s1;
	v17 =	vperm.xlane v17, v16;
	v41 =	vadd.s32 v3, v40  }
0x167: {  	[tilespmem:s13], [sflag:$0x1] =	stream.indirect_vreg.gather [hbm4b:s20+s18], $0x80, v18, vm0, $0xb8;
	[tilespmem:$0x10000] =	vst v63  }
0x168: {  	s14 =	sadd.s32 $0x2E80, s1;
	v17 =	vadd.s32 v3, v17  }
0x169: {  	[tilespmem:s14], [sflag:$0x1] =	stream.indirect_vreg.gather [hbm4b:s20+s18], $0x80, v19, vm0, $0xb8;
	[tilespmem:$0x10000] =	vst v63  }
0x16a: {  	s15 =	sadd.s32 $0x2F00, s1  }
0x16b: {  	[tilespmem:s15], [sflag:$0x1] =	stream.indirect_vreg.gather [hbm4b:s20+s18], $0x80, v41, vm0, $0xb8;
	[tilespmem:$0x10000] =	vst v63  }
0x16c: {  	s16 =	sadd.s32 $0x2F80, s1  }
0x16d: {  	[tilespmem:s16], [sflag:$0x1] =	stream.indirect_vreg.gather [hbm4b:s20+s18], $0x80, v17, vm0, $0xb8;
	[tilespmem:$0x10000] =	vst v63  }
0x16e: {  	v17 =	vld [tilespmem:s19+$0x40];
	_ =	sdelay $0x4  }
0x16f: {  	v18 =	vshrl.u32 v17, $0x3  }
0x170: {  	v18 =	vmul.u32 $0x18, v18  }
0x171: {  	v17 =	vand.u32 $0x7, v17  }
0x172: {  	v17 =	vor.u32 v17, v18  }
0x173: {  	v18 =	vperm.xlane v17, v2;
	_ =	sdelay $0x1  }
0x174: {  	v19 =	vperm.xlane v17, v4;
	v18 =	vadd.s32 v3, v18;
	_ =	sdelay $0x1  }
0x175: {  	v42 =	vperm.xlane v17, v5;
	v19 =	vadd.s32 v3, v19;
	_ =	sdelay $0x1  }
0x176: {  	s17 =	sadd.s32 $0x3000, s1;
	v43 =	vperm.xlane v17, v0;
	v20 =	vadd.s32 v3, v42  }
0x177: {  	[tilespmem:s17], [sflag:$0x1] =	stream.indirect_vreg.gather [hbm4b:s20+s18], $0x80, v18, vm0, $0xb8;
	[tilespmem:$0x10000] =	vst v63  }
0x178: {  	s21 =	sadd.s32 $0x3080, s1;
	v44 =	vperm.xlane v17, v6;
	v18 =	vadd.s32 v3, v43  }
0x179: {  	[tilespmem:s21], [sflag:$0x1] =	stream.indirect_vreg.gather [hbm4b:s20+s18], $0x80, v19, vm0, $0xb8;
	[tilespmem:$0x10000] =	vst v63  }
0x17a: {  	s22 =	sadd.s32 $0x3100, s1;
	v45 =	vperm.xlane v17, v7;
	v19 =	vadd.s32 v3, v44  }
0x17b: {  	[tilespmem:s22], [sflag:$0x1] =	stream.indirect_vreg.gather [hbm4b:s20+s18], $0x80, v20, vm0, $0xb8;
	[tilespmem:$0x10000] =	vst v63  }
0x17c: {  	s23 =	sadd.s32 $0x3180, s1;
	v47 =	vperm.xlane v17, v8;
	v46 =	vadd.s32 v3, v45  }
0x17d: {  	[tilespmem:s23], [sflag:$0x1] =	stream.indirect_vreg.gather [hbm4b:s20+s18], $0x80, v18, vm0, $0xb8;
	[tilespmem:$0x10000] =	vst v63  }
0x17e: {  	s24 =	sadd.s32 $0x3200, s1;
	v48 =	vperm.xlane v17, v1;
	v18 =	vadd.s32 v3, v47  }
0x17f: {  	[tilespmem:s24], [sflag:$0x1] =	stream.indirect_vreg.gather [hbm4b:s20+s18], $0x80, v19, vm0, $0xb8;
	[tilespmem:$0x10000] =	vst v63  }
0x180: {  	s25 =	sadd.s32 $0x3280, s1;
	v49 =	vperm.xlane v17, v9;
	v19 =	vadd.s32 v3, v48  }
0x181: {  	[tilespmem:s25], [sflag:$0x1] =	stream.indirect_vreg.gather [hbm4b:s20+s18], $0x80, v46, vm0, $0xb8;
	[tilespmem:$0x10000] =	vst v63  }
0x182: {  	s26 =	sadd.s32 $0x3300, s1;
	v51 =	vperm.xlane v17, v10;
	v50 =	vadd.s32 v3, v49  }
0x183: {  	[tilespmem:s26], [sflag:$0x1] =	stream.indirect_vreg.gather [hbm4b:s20+s18], $0x80, v18, vm0, $0xb8;
	[tilespmem:$0x10000] =	vst v63  }
0x184: {  	s2 =	sadd.s32 $0x3380, s1;
	v52 =	vperm.xlane v17, v11;
	v18 =	vadd.s32 v3, v51  }
0x185: {  	[tilespmem:s2], [sflag:$0x1] =	stream.indirect_vreg.gather [hbm4b:s20+s18], $0x80, v19, vm0, $0xb8;
	[tilespmem:$0x10000] =	vst v63  }
0x186: {  	s4 =	sadd.s32 $0x3400, s1;
	v53 =	vperm.xlane v17, v12;
	v19 =	vadd.s32 v3, v52  }
0x187: {  	[tilespmem:s4], [sflag:$0x1] =	stream.indirect_vreg.gather [hbm4b:s20+s18], $0x80, v50, vm0, $0xb8;
	[tilespmem:$0x10000] =	vst v63  }
0x188: {  	s5 =	sadd.s32 $0x3480, s1;
	v55 =	vperm.xlane v17, v13;
	v54 =	vadd.s32 v3, v53  }
0x189: {  	[tilespmem:s5], [sflag:$0x1] =	stream.indirect_vreg.gather [hbm4b:s20+s18], $0x80, v18, vm0, $0xb8;
	[tilespmem:$0x10000] =	vst v63  }
0x18a: {  	s6 =	sadd.s32 $0x3500, s1;
	v56 =	vperm.xlane v17, v14;
	v18 =	vadd.s32 v3, v55  }
0x18b: {  	[tilespmem:s6], [sflag:$0x1] =	stream.indirect_vreg.gather [hbm4b:s20+s18], $0x80, v19, vm0, $0xb8;
	[tilespmem:$0x10000] =	vst v63  }
0x18c: {  	s7 =	sadd.s32 $0x3580, s1;
	v57 =	vperm.xlane v17, v15;
	v19 =	vadd.s32 v3, v56  }
0x18d: {  	[tilespmem:s7], [sflag:$0x1] =	stream.indirect_vreg.gather [hbm4b:s20+s18], $0x80, v54, vm0, $0xb8;
	[tilespmem:$0x10000] =	vst v63  }
0x18e: {  	s8 =	sadd.s32 $0x3600, s1;
	v17 =	vperm.xlane v17, v16;
	v58 =	vadd.s32 v3, v57  }
0x18f: {  	[tilespmem:s8], [sflag:$0x1] =	stream.indirect_vreg.gather [hbm4b:s20+s18], $0x80, v18, vm0, $0xb8;
	[tilespmem:$0x10000] =	vst v63  }
0x190: {  	s9 =	sadd.s32 $0x3680, s1;
	v17 =	vadd.s32 v3, v17  }
0x191: {  	[tilespmem:s9], [sflag:$0x1] =	stream.indirect_vreg.gather [hbm4b:s20+s18], $0x80, v19, vm0, $0xb8;
	[tilespmem:$0x10000] =	vst v63  }
0x192: {  	s10 =	sadd.s32 $0x3700, s1  }
0x193: {  	[tilespmem:s10], [sflag:$0x1] =	stream.indirect_vreg.gather [hbm4b:s20+s18], $0x80, v58, vm0, $0xb8;
	[tilespmem:$0x10000] =	vst v63  }
0x194: {  	s11 =	sadd.s32 $0x3780, s1  }
0x195: {  	[tilespmem:s11], [sflag:$0x1] =	stream.indirect_vreg.gather [hbm4b:s20+s18], $0x80, v17, vm0, $0xb8;
	[tilespmem:$0x10000] =	vst v63  }
0x196: {  	v17 =	vld [tilespmem:s19+$0x0];
	_ =	sdelay $0x4  }
0x197: {  	v18 =	vshrl.u32 v17, $0x3  }
0x198: {  	v18 =	vmul.u32 $0x18, v18  }
0x199: {  	v17 =	vand.u32 $0x7, v17  }
0x19a: {  	v17 =	vor.u32 v17, v18  }
0x19b: {  	v18 =	vperm.xlane v17, v2;
	_ =	sdelay $0x1  }
0x19c: {  	v19 =	vperm.xlane v17, v4;
	v18 =	vadd.s32 v3, v18;
	_ =	sdelay $0x1  }
0x19d: {  	v59 =	vperm.xlane v17, v5;
	v19 =	vadd.s32 v3, v19;
	_ =	sdelay $0x1  }
0x19e: {  	s12 =	sadd.s32 $0x3800, s1;
	s2 =	rddreg [dreg:$0x9];
	v60 =	vperm.xlane v17, v0;
	v20 =	vadd.s32 v3, v59  }
0x19f: {  	[tilespmem:s12], [sflag:$0x1] =	stream.indirect_vreg.gather [hbm4b:s2+s18], $0x80, v18, vm0, $0xb8;
	[tilespmem:$0x10000] =	vst v63  }
0x1a0: {  	s13 =	sadd.s32 $0x3880, s1;
	v61 =	vperm.xlane v17, v6;
	v18 =	vadd.s32 v3, v60  }
0x1a1: {  	[tilespmem:s13], [sflag:$0x1] =	stream.indirect_vreg.gather [hbm4b:s2+s18], $0x80, v19, vm0, $0xb8;
	[tilespmem:$0x10000] =	vst v63  }
0x1a2: {  	s14 =	sadd.s32 $0x3900, s1;
	v62 =	vperm.xlane v17, v7;
	v19 =	vadd.s32 v3, v61  }
0x1a3: {  	[tilespmem:s14], [sflag:$0x1] =	stream.indirect_vreg.gather [hbm4b:s2+s18], $0x80, v20, vm0, $0xb8;
	[tilespmem:$0x10000] =	vst v63  }
0x1a4: {  	s15 =	sadd.s32 $0x3980, s1;
	v24 =	vperm.xlane v17, v8;
	v63 =	vadd.s32 v3, v62  }
0x1a5: {  	[tilespmem:s15], [sflag:$0x1] =	stream.indirect_vreg.gather [hbm4b:s2+s18], $0x80, v18, vm0, $0xb8;
	[tilespmem:$0x10000] =	vst v63  }
0x1a6: {  	s16 =	sadd.s32 $0x3A00, s1;
	v25 =	vperm.xlane v17, v1;
	v18 =	vadd.s32 v3, v24  }
0x1a7: {  	[tilespmem:s16], [sflag:$0x1] =	stream.indirect_vreg.gather [hbm4b:s2+s18], $0x80, v19, vm0, $0xb8;
	[tilespmem:$0x10000] =	vst v63  }
0x1a8: {  	s17 =	sadd.s32 $0x3A80, s1;
	v26 =	vperm.xlane v17, v9;
	v19 =	vadd.s32 v3, v25  }
0x1a9: {  	[tilespmem:s17], [sflag:$0x1] =	stream.indirect_vreg.gather [hbm4b:s2+s18], $0x80, v63, vm0, $0xb8;
	[tilespmem:$0x10000] =	vst v63  }
0x1aa: {  	s21 =	sadd.s32 $0x3B00, s1;
	v28 =	vperm.xlane v17, v10;
	v27 =	vadd.s32 v3, v26  }
0x1ab: {  	[tilespmem:s21], [sflag:$0x1] =	stream.indirect_vreg.gather [hbm4b:s2+s18], $0x80, v18, vm0, $0xb8;
	[tilespmem:$0x10000] =	vst v63  }
0x1ac: {  	s22 =	sadd.s32 $0x3B80, s1;
	v29 =	vperm.xlane v17, v11;
	v18 =	vadd.s32 v3, v28  }
0x1ad: {  	[tilespmem:s22], [sflag:$0x1] =	stream.indirect_vreg.gather [hbm4b:s2+s18], $0x80, v19, vm0, $0xb8;
	[tilespmem:$0x10000] =	vst v63  }
0x1ae: {  	s23 =	sadd.s32 $0x3C00, s1;
	v30 =	vperm.xlane v17, v12;
	v19 =	vadd.s32 v3, v29  }
0x1af: {  	[tilespmem:s23], [sflag:$0x1] =	stream.indirect_vreg.gather [hbm4b:s2+s18], $0x80, v27, vm0, $0xb8;
	[tilespmem:$0x10000] =	vst v63  }
0x1b0: {  	s24 =	sadd.s32 $0x3C80, s1;
	v32 =	vperm.xlane v17, v13;
	v31 =	vadd.s32 v3, v30  }
0x1b1: {  	[tilespmem:s24], [sflag:$0x1] =	stream.indirect_vreg.gather [hbm4b:s2+s18], $0x80, v18, vm0, $0xb8;
	[tilespmem:$0x10000] =	vst v63  }
0x1b2: {  	s25 =	sadd.s32 $0x3D00, s1;
	v33 =	vperm.xlane v17, v14;
	v18 =	vadd.s32 v3, v32  }
0x1b3: {  	[tilespmem:s25], [sflag:$0x1] =	stream.indirect_vreg.gather [hbm4b:s2+s18], $0x80, v19, vm0, $0xb8;
	[tilespmem:$0x10000] =	vst v63  }
0x1b4: {  	s26 =	sadd.s32 $0x3D80, s1;
	v34 =	vperm.xlane v17, v15;
	v19 =	vadd.s32 v3, v33  }
0x1b5: {  	[tilespmem:s26], [sflag:$0x1] =	stream.indirect_vreg.gather [hbm4b:s2+s18], $0x80, v31, vm0, $0xb8;
	[tilespmem:$0x10000] =	vst v63  }
0x1b6: {  	s4 =	sadd.s32 $0x3E00, s1;
	v17 =	vperm.xlane v17, v16;
	v35 =	vadd.s32 v3, v34  }
0x1b7: {  	[tilespmem:s4], [sflag:$0x1] =	stream.indirect_vreg.gather [hbm4b:s2+s18], $0x80, v18, vm0, $0xb8;
	[tilespmem:$0x10000] =	vst v63  }
0x1b8: {  	s5 =	sadd.s32 $0x3E80, s1;
	v17 =	vadd.s32 v3, v17  }
0x1b9: {  	[tilespmem:s5], [sflag:$0x1] =	stream.indirect_vreg.gather [hbm4b:s2+s18], $0x80, v19, vm0, $0xb8;
	[tilespmem:$0x10000] =	vst v63  }
0x1ba: {  	s6 =	sadd.s32 $0x3F00, s1  }
0x1bb: {  	[tilespmem:s6], [sflag:$0x1] =	stream.indirect_vreg.gather [hbm4b:s2+s18], $0x80, v35, vm0, $0xb8;
	[tilespmem:$0x10000] =	vst v63  }
0x1bc: {  	s7 =	sadd.s32 $0x3F80, s1  }
0x1bd: {  	[tilespmem:s7], [sflag:$0x1] =	stream.indirect_vreg.gather [hbm4b:s2+s18], $0x80, v17, vm0, $0xb8;
	[tilespmem:$0x10000] =	vst v63  }
0x1be: {  	v17 =	vld [tilespmem:s19+$0x10];
	_ =	sdelay $0x4  }
0x1bf: {  	v18 =	vshrl.u32 v17, $0x3  }
0x1c0: {  	v18 =	vmul.u32 $0x18, v18  }
0x1c1: {  	v17 =	vand.u32 $0x7, v17  }
0x1c2: {  	v17 =	vor.u32 v17, v18  }
0x1c3: {  	v18 =	vperm.xlane v17, v2;
	_ =	sdelay $0x1  }
0x1c4: {  	v19 =	vperm.xlane v17, v4;
	v18 =	vadd.s32 v3, v18;
	_ =	sdelay $0x1  }
0x1c5: {  	v36 =	vperm.xlane v17, v5;
	v19 =	vadd.s32 v3, v19;
	_ =	sdelay $0x1  }
0x1c6: {  	s8 =	sadd.s32 $0x4000, s1;
	v37 =	vperm.xlane v17, v0;
	v20 =	vadd.s32 v3, v36  }
0x1c7: {  	[tilespmem:s8], [sflag:$0x1] =	stream.indirect_vreg.gather [hbm4b:s2+s18], $0x80, v18, vm0, $0xb8;
	[tilespmem:$0x10000] =	vst v63  }
0x1c8: {  	s9 =	sadd.s32 $0x4080, s1;
	v38 =	vperm.xlane v17, v6;
	v18 =	vadd.s32 v3, v37  }
0x1c9: {  	[tilespmem:s9], [sflag:$0x1] =	stream.indirect_vreg.gather [hbm4b:s2+s18], $0x80, v19, vm0, $0xb8;
	[tilespmem:$0x10000] =	vst v63  }
0x1ca: {  	s10 =	sadd.s32 $0x4100, s1;
	v39 =	vperm.xlane v17, v7;
	v19 =	vadd.s32 v3, v38  }
0x1cb: {  	[tilespmem:s10], [sflag:$0x1] =	stream.indirect_vreg.gather [hbm4b:s2+s18], $0x80, v20, vm0, $0xb8;
	[tilespmem:$0x10000] =	vst v63  }
0x1cc: {  	s11 =	sadd.s32 $0x4180, s1;
	v41 =	vperm.xlane v17, v8;
	v40 =	vadd.s32 v3, v39  }
0x1cd: {  	[tilespmem:s11], [sflag:$0x1] =	stream.indirect_vreg.gather [hbm4b:s2+s18], $0x80, v18, vm0, $0xb8;
	[tilespmem:$0x10000] =	vst v63  }
0x1ce: {  	s12 =	sadd.s32 $0x4200, s1;
	v42 =	vperm.xlane v17, v1;
	v18 =	vadd.s32 v3, v41  }
0x1cf: {  	[tilespmem:s12], [sflag:$0x1] =	stream.indirect_vreg.gather [hbm4b:s2+s18], $0x80, v19, vm0, $0xb8;
	[tilespmem:$0x10000] =	vst v63  }
0x1d0: {  	s13 =	sadd.s32 $0x4280, s1;
	v43 =	vperm.xlane v17, v9;
	v19 =	vadd.s32 v3, v42  }
0x1d1: {  	[tilespmem:s13], [sflag:$0x1] =	stream.indirect_vreg.gather [hbm4b:s2+s18], $0x80, v40, vm0, $0xb8;
	[tilespmem:$0x10000] =	vst v63  }
0x1d2: {  	s14 =	sadd.s32 $0x4300, s1;
	v45 =	vperm.xlane v17, v10;
	v44 =	vadd.s32 v3, v43  }
0x1d3: {  	[tilespmem:s14], [sflag:$0x1] =	stream.indirect_vreg.gather [hbm4b:s2+s18], $0x80, v18, vm0, $0xb8;
	[tilespmem:$0x10000] =	vst v63  }
0x1d4: {  	s15 =	sadd.s32 $0x4380, s1;
	v46 =	vperm.xlane v17, v11;
	v18 =	vadd.s32 v3, v45  }
0x1d5: {  	[tilespmem:s15], [sflag:$0x1] =	stream.indirect_vreg.gather [hbm4b:s2+s18], $0x80, v19, vm0, $0xb8;
	[tilespmem:$0x10000] =	vst v63  }
0x1d6: {  	s16 =	sadd.s32 $0x4400, s1;
	v47 =	vperm.xlane v17, v12;
	v19 =	vadd.s32 v3, v46  }
0x1d7: {  	[tilespmem:s16], [sflag:$0x1] =	stream.indirect_vreg.gather [hbm4b:s2+s18], $0x80, v44, vm0, $0xb8;
	[tilespmem:$0x10000] =	vst v63  }
0x1d8: {  	s17 =	sadd.s32 $0x4480, s1;
	v49 =	vperm.xlane v17, v13;
	v48 =	vadd.s32 v3, v47  }
0x1d9: {  	[tilespmem:s17], [sflag:$0x1] =	stream.indirect_vreg.gather [hbm4b:s2+s18], $0x80, v18, vm0, $0xb8;
	[tilespmem:$0x10000] =	vst v63  }
0x1da: {  	s21 =	sadd.s32 $0x4500, s1;
	v50 =	vperm.xlane v17, v14;
	v18 =	vadd.s32 v3, v49  }
0x1db: {  	[tilespmem:s21], [sflag:$0x1] =	stream.indirect_vreg.gather [hbm4b:s2+s18], $0x80, v19, vm0, $0xb8;
	[tilespmem:$0x10000] =	vst v63  }
0x1dc: {  	s22 =	sadd.s32 $0x4580, s1;
	v51 =	vperm.xlane v17, v15;
	v19 =	vadd.s32 v3, v50  }
0x1dd: {  	[tilespmem:s22], [sflag:$0x1] =	stream.indirect_vreg.gather [hbm4b:s2+s18], $0x80, v48, vm0, $0xb8;
	[tilespmem:$0x10000] =	vst v63  }
0x1de: {  	s23 =	sadd.s32 $0x4600, s1;
	v17 =	vperm.xlane v17, v16;
	v52 =	vadd.s32 v3, v51  }
0x1df: {  	[tilespmem:s23], [sflag:$0x1] =	stream.indirect_vreg.gather [hbm4b:s2+s18], $0x80, v18, vm0, $0xb8;
	[tilespmem:$0x10000] =	vst v63  }
0x1e0: {  	s24 =	sadd.s32 $0x4680, s1;
	v17 =	vadd.s32 v3, v17  }
0x1e1: {  	[tilespmem:s24], [sflag:$0x1] =	stream.indirect_vreg.gather [hbm4b:s2+s18], $0x80, v19, vm0, $0xb8;
	[tilespmem:$0x10000] =	vst v63  }
0x1e2: {  	s25 =	sadd.s32 $0x4700, s1  }
0x1e3: {  	[tilespmem:s25], [sflag:$0x1] =	stream.indirect_vreg.gather [hbm4b:s2+s18], $0x80, v52, vm0, $0xb8;
	[tilespmem:$0x10000] =	vst v63  }
0x1e4: {  	s26 =	sadd.s32 $0x4780, s1  }
0x1e5: {  	[tilespmem:s26], [sflag:$0x1] =	stream.indirect_vreg.gather [hbm4b:s2+s18], $0x80, v17, vm0, $0xb8;
	[tilespmem:$0x10000] =	vst v63  }
0x1e6: {  	v17 =	vld [tilespmem:s19+$0x20];
	_ =	sdelay $0x4  }
0x1e7: {  	v18 =	vshrl.u32 v17, $0x3  }
0x1e8: {  	v18 =	vmul.u32 $0x18, v18  }
0x1e9: {  	v17 =	vand.u32 $0x7, v17  }
0x1ea: {  	v17 =	vor.u32 v17, v18  }
0x1eb: {  	v18 =	vperm.xlane v17, v2;
	_ =	sdelay $0x1  }
0x1ec: {  	v19 =	vperm.xlane v17, v4;
	v18 =	vadd.s32 v3, v18;
	_ =	sdelay $0x1  }
0x1ed: {  	v53 =	vperm.xlane v17, v5;
	v19 =	vadd.s32 v3, v19;
	_ =	sdelay $0x1  }
0x1ee: {  	s4 =	sadd.s32 $0x4800, s1;
	v54 =	vperm.xlane v17, v0;
	v20 =	vadd.s32 v3, v53  }
0x1ef: {  	[tilespmem:s4], [sflag:$0x1] =	stream.indirect_vreg.gather [hbm4b:s2+s18], $0x80, v18, vm0, $0xb8;
	[tilespmem:$0x10000] =	vst v63  }
0x1f0: {  	s5 =	sadd.s32 $0x4880, s1;
	v55 =	vperm.xlane v17, v6;
	v18 =	vadd.s32 v3, v54  }
0x1f1: {  	[tilespmem:s5], [sflag:$0x1] =	stream.indirect_vreg.gather [hbm4b:s2+s18], $0x80, v19, vm0, $0xb8;
	[tilespmem:$0x10000] =	vst v63  }
0x1f2: {  	s6 =	sadd.s32 $0x4900, s1;
	v56 =	vperm.xlane v17, v7;
	v19 =	vadd.s32 v3, v55  }
0x1f3: {  	[tilespmem:s6], [sflag:$0x1] =	stream.indirect_vreg.gather [hbm4b:s2+s18], $0x80, v20, vm0, $0xb8;
	[tilespmem:$0x10000] =	vst v63  }
0x1f4: {  	s7 =	sadd.s32 $0x4980, s1;
	v58 =	vperm.xlane v17, v8;
	v57 =	vadd.s32 v3, v56  }
0x1f5: {  	[tilespmem:s7], [sflag:$0x1] =	stream.indirect_vreg.gather [hbm4b:s2+s18], $0x80, v18, vm0, $0xb8;
	[tilespmem:$0x10000] =	vst v63  }
0x1f6: {  	s8 =	sadd.s32 $0x4A00, s1;
	v59 =	vperm.xlane v17, v1;
	v18 =	vadd.s32 v3, v58  }
0x1f7: {  	[tilespmem:s8], [sflag:$0x1] =	stream.indirect_vreg.gather [hbm4b:s2+s18], $0x80, v19, vm0, $0xb8;
	[tilespmem:$0x10000] =	vst v63  }
0x1f8: {  	s9 =	sadd.s32 $0x4A80, s1;
	v60 =	vperm.xlane v17, v9;
	v19 =	vadd.s32 v3, v59  }
0x1f9: {  	[tilespmem:s9], [sflag:$0x1] =	stream.indirect_vreg.gather [hbm4b:s2+s18], $0x80, v57, vm0, $0xb8;
	[tilespmem:$0x10000] =	vst v63  }
0x1fa: {  	s10 =	sadd.s32 $0x4B00, s1;
	v62 =	vperm.xlane v17, v10;
	v61 =	vadd.s32 v3, v60  }
0x1fb: {  	[tilespmem:s10], [sflag:$0x1] =	stream.indirect_vreg.gather [hbm4b:s2+s18], $0x80, v18, vm0, $0xb8;
	[tilespmem:$0x10000] =	vst v63  }
0x1fc: {  	s11 =	sadd.s32 $0x4B80, s1;
	v63 =	vperm.xlane v17, v11;
	v18 =	vadd.s32 v3, v62  }
0x1fd: {  	[tilespmem:s11], [sflag:$0x1] =	stream.indirect_vreg.gather [hbm4b:s2+s18], $0x80, v19, vm0, $0xb8;
	[tilespmem:$0x10000] =	vst v63  }
0x1fe: {  	s12 =	sadd.s32 $0x4C00, s1;
	v24 =	vperm.xlane v17, v12;
	v19 =	vadd.s32 v3, v63  }
0x1ff: {  	[tilespmem:s12], [sflag:$0x1] =	stream.indirect_vreg.gather [hbm4b:s2+s18], $0x80, v61, vm0, $0xb8;
	[tilespmem:$0x10000] =	vst v63  }
0x200: {  	s13 =	sadd.s32 $0x4C80, s1;
	v26 =	vperm.xlane v17, v13;
	v25 =	vadd.s32 v3, v24  }
0x201: {  	[tilespmem:s13], [sflag:$0x1] =	stream.indirect_vreg.gather [hbm4b:s2+s18], $0x80, v18, vm0, $0xb8;
	[tilespmem:$0x10000] =	vst v63  }
0x202: {  	s14 =	sadd.s32 $0x4D00, s1;
	v27 =	vperm.xlane v17, v14;
	v18 =	vadd.s32 v3, v26  }
0x203: {  	[tilespmem:s14], [sflag:$0x1] =	stream.indirect_vreg.gather [hbm4b:s2+s18], $0x80, v19, vm0, $0xb8;
	[tilespmem:$0x10000] =	vst v63  }
0x204: {  	s15 =	sadd.s32 $0x4D80, s1;
	v28 =	vperm.xlane v17, v15;
	v19 =	vadd.s32 v3, v27  }
0x205: {  	[tilespmem:s15], [sflag:$0x1] =	stream.indirect_vreg.gather [hbm4b:s2+s18], $0x80, v25, vm0, $0xb8;
	[tilespmem:$0x10000] =	vst v63  }
0x206: {  	s16 =	sadd.s32 $0x4E00, s1;
	v17 =	vperm.xlane v17, v16;
	v29 =	vadd.s32 v3, v28  }
0x207: {  	[tilespmem:s16], [sflag:$0x1] =	stream.indirect_vreg.gather [hbm4b:s2+s18], $0x80, v18, vm0, $0xb8;
	[tilespmem:$0x10000] =	vst v63  }
0x208: {  	s17 =	sadd.s32 $0x4E80, s1;
	v17 =	vadd.s32 v3, v17  }
0x209: {  	[tilespmem:s17], [sflag:$0x1] =	stream.indirect_vreg.gather [hbm4b:s2+s18], $0x80, v19, vm0, $0xb8;
	[tilespmem:$0x10000] =	vst v63  }
0x20a: {  	s21 =	sadd.s32 $0x4F00, s1  }
0x20b: {  	[tilespmem:s21], [sflag:$0x1] =	stream.indirect_vreg.gather [hbm4b:s2+s18], $0x80, v29, vm0, $0xb8;
	[tilespmem:$0x10000] =	vst v63  }
0x20c: {  	s22 =	sadd.s32 $0x4F80, s1  }
0x20d: {  	[tilespmem:s22], [sflag:$0x1] =	stream.indirect_vreg.gather [hbm4b:s2+s18], $0x80, v17, vm0, $0xb8;
	[tilespmem:$0x10000] =	vst v63  }
0x20e: {  	v17 =	vld [tilespmem:s19+$0x30];
	_ =	sdelay $0x4  }
0x20f: {  	v18 =	vshrl.u32 v17, $0x3  }
0x210: {  	v18 =	vmul.u32 $0x18, v18  }
0x211: {  	v17 =	vand.u32 $0x7, v17  }
0x212: {  	v17 =	vor.u32 v17, v18  }
0x213: {  	v18 =	vperm.xlane v17, v2;
	_ =	sdelay $0x1  }
0x214: {  	v19 =	vperm.xlane v17, v4;
	v18 =	vadd.s32 v3, v18;
	_ =	sdelay $0x1  }
0x215: {  	v30 =	vperm.xlane v17, v5;
	v19 =	vadd.s32 v3, v19;
	_ =	sdelay $0x1  }
0x216: {  	s23 =	sadd.s32 $0x5000, s1;
	v31 =	vperm.xlane v17, v0;
	v20 =	vadd.s32 v3, v30  }
0x217: {  	[tilespmem:s23], [sflag:$0x1] =	stream.indirect_vreg.gather [hbm4b:s2+s18], $0x80, v18, vm0, $0xb8;
	[tilespmem:$0x10000] =	vst v63  }
0x218: {  	s24 =	sadd.s32 $0x5080, s1;
	v32 =	vperm.xlane v17, v6;
	v18 =	vadd.s32 v3, v31  }
0x219: {  	[tilespmem:s24], [sflag:$0x1] =	stream.indirect_vreg.gather [hbm4b:s2+s18], $0x80, v19, vm0, $0xb8;
	[tilespmem:$0x10000] =	vst v63  }
0x21a: {  	s25 =	sadd.s32 $0x5100, s1;
	v33 =	vperm.xlane v17, v7;
	v19 =	vadd.s32 v3, v32  }
0x21b: {  	[tilespmem:s25], [sflag:$0x1] =	stream.indirect_vreg.gather [hbm4b:s2+s18], $0x80, v20, vm0, $0xb8;
	[tilespmem:$0x10000] =	vst v63  }
0x21c: {  	s26 =	sadd.s32 $0x5180, s1;
	v35 =	vperm.xlane v17, v8;
	v34 =	vadd.s32 v3, v33  }
0x21d: {  	[tilespmem:s26], [sflag:$0x1] =	stream.indirect_vreg.gather [hbm4b:s2+s18], $0x80, v18, vm0, $0xb8;
	[tilespmem:$0x10000] =	vst v63  }
0x21e: {  	s4 =	sadd.s32 $0x5200, s1;
	v36 =	vperm.xlane v17, v1;
	v18 =	vadd.s32 v3, v35  }
0x21f: {  	[tilespmem:s4], [sflag:$0x1] =	stream.indirect_vreg.gather [hbm4b:s2+s18], $0x80, v19, vm0, $0xb8;
	[tilespmem:$0x10000] =	vst v63  }
0x220: {  	s5 =	sadd.s32 $0x5280, s1;
	v37 =	vperm.xlane v17, v9;
	v19 =	vadd.s32 v3, v36  }
0x221: {  	[tilespmem:s5], [sflag:$0x1] =	stream.indirect_vreg.gather [hbm4b:s2+s18], $0x80, v34, vm0, $0xb8;
	[tilespmem:$0x10000] =	vst v63  }
0x222: {  	s6 =	sadd.s32 $0x5300, s1;
	v39 =	vperm.xlane v17, v10;
	v38 =	vadd.s32 v3, v37  }
0x223: {  	[tilespmem:s6], [sflag:$0x1] =	stream.indirect_vreg.gather [hbm4b:s2+s18], $0x80, v18, vm0, $0xb8;
	[tilespmem:$0x10000] =	vst v63  }
0x224: {  	s7 =	sadd.s32 $0x5380, s1;
	v40 =	vperm.xlane v17, v11;
	v18 =	vadd.s32 v3, v39  }
0x225: {  	[tilespmem:s7], [sflag:$0x1] =	stream.indirect_vreg.gather [hbm4b:s2+s18], $0x80, v19, vm0, $0xb8;
	[tilespmem:$0x10000] =	vst v63  }
0x226: {  	s8 =	sadd.s32 $0x5400, s1;
	v41 =	vperm.xlane v17, v12;
	v19 =	vadd.s32 v3, v40  }
0x227: {  	[tilespmem:s8], [sflag:$0x1] =	stream.indirect_vreg.gather [hbm4b:s2+s18], $0x80, v38, vm0, $0xb8;
	[tilespmem:$0x10000] =	vst v63  }
0x228: {  	s9 =	sadd.s32 $0x5480, s1;
	v43 =	vperm.xlane v17, v13;
	v42 =	vadd.s32 v3, v41  }
0x229: {  	[tilespmem:s9], [sflag:$0x1] =	stream.indirect_vreg.gather [hbm4b:s2+s18], $0x80, v18, vm0, $0xb8;
	[tilespmem:$0x10000] =	vst v63  }
0x22a: {  	s10 =	sadd.s32 $0x5500, s1;
	v44 =	vperm.xlane v17, v14;
	v18 =	vadd.s32 v3, v43  }
0x22b: {  	[tilespmem:s10], [sflag:$0x1] =	stream.indirect_vreg.gather [hbm4b:s2+s18], $0x80, v19, vm0, $0xb8;
	[tilespmem:$0x10000] =	vst v63  }
0x22c: {  	s11 =	sadd.s32 $0x5580, s1;
	v45 =	vperm.xlane v17, v15;
	v19 =	vadd.s32 v3, v44  }
0x22d: {  	[tilespmem:s11], [sflag:$0x1] =	stream.indirect_vreg.gather [hbm4b:s2+s18], $0x80, v42, vm0, $0xb8;
	[tilespmem:$0x10000] =	vst v63  }
0x22e: {  	s12 =	sadd.s32 $0x5600, s1;
	v17 =	vperm.xlane v17, v16;
	v46 =	vadd.s32 v3, v45  }
0x22f: {  	[tilespmem:s12], [sflag:$0x1] =	stream.indirect_vreg.gather [hbm4b:s2+s18], $0x80, v18, vm0, $0xb8;
	[tilespmem:$0x10000] =	vst v63  }
0x230: {  	s13 =	sadd.s32 $0x5680, s1;
	v17 =	vadd.s32 v3, v17  }
0x231: {  	[tilespmem:s13], [sflag:$0x1] =	stream.indirect_vreg.gather [hbm4b:s2+s18], $0x80, v19, vm0, $0xb8;
	[tilespmem:$0x10000] =	vst v63  }
0x232: {  	s14 =	sadd.s32 $0x5700, s1  }
0x233: {  	[tilespmem:s14], [sflag:$0x1] =	stream.indirect_vreg.gather [hbm4b:s2+s18], $0x80, v46, vm0, $0xb8;
	[tilespmem:$0x10000] =	vst v63  }
0x234: {  	s15 =	sadd.s32 $0x5780, s1  }
0x235: {  	[tilespmem:s15], [sflag:$0x1] =	stream.indirect_vreg.gather [hbm4b:s2+s18], $0x80, v17, vm0, $0xb8;
	[tilespmem:$0x10000] =	vst v63  }
0x236: {  	v17 =	vld [tilespmem:s19+$0x40];
	_ =	sdelay $0x4  }
0x237: {  	v18 =	vshrl.u32 v17, $0x3  }
0x238: {  	v18 =	vmul.u32 $0x18, v18  }
0x239: {  	v17 =	vand.u32 $0x7, v17  }
0x23a: {  	v17 =	vor.u32 v17, v18  }
0x23b: {  	v18 =	vperm.xlane v17, v2;
	_ =	sdelay $0x1  }
0x23c: {  	v19 =	vperm.xlane v17, v4;
	v18 =	vadd.s32 v3, v18;
	_ =	sdelay $0x1  }
0x23d: {  	v47 =	vperm.xlane v17, v5;
	v19 =	vadd.s32 v3, v19;
	_ =	sdelay $0x1  }
0x23e: {  	s16 =	sadd.s32 $0x5800, s1;
	v48 =	vperm.xlane v17, v0;
	v20 =	vadd.s32 v3, v47  }
0x23f: {  	[tilespmem:s16], [sflag:$0x1] =	stream.indirect_vreg.gather [hbm4b:s2+s18], $0x80, v18, vm0, $0xb8;
	[tilespmem:$0x10000] =	vst v63  }
0x240: {  	s17 =	sadd.s32 $0x5880, s1;
	v49 =	vperm.xlane v17, v6;
	v18 =	vadd.s32 v3, v48  }
0x241: {  	[tilespmem:s17], [sflag:$0x1] =	stream.indirect_vreg.gather [hbm4b:s2+s18], $0x80, v19, vm0, $0xb8;
	[tilespmem:$0x10000] =	vst v63  }
0x242: {  	s19 =	sadd.s32 $0x5900, s1;
	v50 =	vperm.xlane v17, v7;
	v19 =	vadd.s32 v3, v49  }
0x243: {  	[tilespmem:s19], [sflag:$0x1] =	stream.indirect_vreg.gather [hbm4b:s2+s18], $0x80, v20, vm0, $0xb8;
	[tilespmem:$0x10000] =	vst v63  }
0x244: {  	s21 =	sadd.s32 $0x5980, s1;
	v52 =	vperm.xlane v17, v8;
	v51 =	vadd.s32 v3, v50  }
0x245: {  	[tilespmem:s21], [sflag:$0x1] =	stream.indirect_vreg.gather [hbm4b:s2+s18], $0x80, v18, vm0, $0xb8;
	[tilespmem:$0x10000] =	vst v63  }
0x246: {  	s22 =	sadd.s32 $0x5A00, s1;
	v53 =	vperm.xlane v17, v1;
	v18 =	vadd.s32 v3, v52  }
0x247: {  	[tilespmem:s22], [sflag:$0x1] =	stream.indirect_vreg.gather [hbm4b:s2+s18], $0x80, v19, vm0, $0xb8;
	[tilespmem:$0x10000] =	vst v63  }
0x248: {  	s23 =	sadd.s32 $0x5A80, s1;
	v54 =	vperm.xlane v17, v9;
	v19 =	vadd.s32 v3, v53  }
0x249: {  	[tilespmem:s23], [sflag:$0x1] =	stream.indirect_vreg.gather [hbm4b:s2+s18], $0x80, v51, vm0, $0xb8;
	[tilespmem:$0x10000] =	vst v63  }
0x24a: {  	s24 =	sadd.s32 $0x5B00, s1;
	v56 =	vperm.xlane v17, v10;
	v55 =	vadd.s32 v3, v54  }
0x24b: {  	[tilespmem:s24], [sflag:$0x1] =	stream.indirect_vreg.gather [hbm4b:s2+s18], $0x80, v18, vm0, $0xb8;
	[tilespmem:$0x10000] =	vst v63  }
0x24c: {  	s25 =	sadd.s32 $0x5B80, s1;
	v57 =	vperm.xlane v17, v11;
	v18 =	vadd.s32 v3, v56  }
0x24d: {  	[tilespmem:s25], [sflag:$0x1] =	stream.indirect_vreg.gather [hbm4b:s2+s18], $0x80, v19, vm0, $0xb8;
	[tilespmem:$0x10000] =	vst v63  }
0x24e: {  	s26 =	sadd.s32 $0x5C00, s1;
	v58 =	vperm.xlane v17, v12;
	v19 =	vadd.s32 v3, v57  }
0x24f: {  	[tilespmem:s26], [sflag:$0x1] =	stream.indirect_vreg.gather [hbm4b:s2+s18], $0x80, v55, vm0, $0xb8;
	[tilespmem:$0x10000] =	vst v63  }
0x250: {  	s4 =	sadd.s32 $0x5C80, s1;
	v60 =	vperm.xlane v17, v13;
	v59 =	vadd.s32 v3, v58  }
0x251: {  	[tilespmem:s4], [sflag:$0x1] =	stream.indirect_vreg.gather [hbm4b:s2+s18], $0x80, v18, vm0, $0xb8;
	[tilespmem:$0x10000] =	vst v63  }
0x252: {  	s5 =	sadd.s32 $0x5D00, s1;
	v61 =	vperm.xlane v17, v14;
	v18 =	vadd.s32 v3, v60  }
0x253: {  	[tilespmem:s5], [sflag:$0x1] =	stream.indirect_vreg.gather [hbm4b:s2+s18], $0x80, v19, vm0, $0xb8;
	[tilespmem:$0x10000] =	vst v63  }
0x254: {  	s6 =	sadd.s32 $0x5D80, s1;
	v62 =	vperm.xlane v17, v15;
	v19 =	vadd.s32 v3, v61  }
0x255: {  	[tilespmem:s6], [sflag:$0x1] =	stream.indirect_vreg.gather [hbm4b:s2+s18], $0x80, v59, vm0, $0xb8;
	[tilespmem:$0x10000] =	vst v63  }
0x256: {  	s7 =	sadd.s32 $0x5E00, s1;
	v17 =	vperm.xlane v17, v16;
	v63 =	vadd.s32 v3, v62  }
0x257: {  	[tilespmem:s7], [sflag:$0x1] =	stream.indirect_vreg.gather [hbm4b:s2+s18], $0x80, v18, vm0, $0xb8;
	[tilespmem:$0x10000] =	vst v63  }
0x258: {  	s8 =	sadd.s32 $0x5E80, s1;
	v17 =	vadd.s32 v3, v17  }
0x259: {  	[tilespmem:s8], [sflag:$0x1] =	stream.indirect_vreg.gather [hbm4b:s2+s18], $0x80, v19, vm0, $0xb8;
	[tilespmem:$0x10000] =	vst v63  }
0x25a: {  	s9 =	sadd.s32 $0x5F00, s1  }
0x25b: {  	[tilespmem:s9], [sflag:$0x1] =	stream.indirect_vreg.gather [hbm4b:s2+s18], $0x80, v63, vm0, $0xb8;
	[tilespmem:$0x10000] =	vst v63  }
0x25c: {  	s10 =	sadd.s32 $0x5F80, s1  }
0x25d: {  	[tilespmem:s10], [sflag:$0x1] =	stream.indirect_vreg.gather [hbm4b:s2+s18], $0x80, v17, vm0, $0xb8;
	[tilespmem:$0x10000] =	vst v63  }
0x25e: {  	v17 =	vld [tilespmem:s3+$0x0];
	_ =	sdelay $0x4  }
0x25f: {  	(v2sf) =	vpush v17, $0xD  }
0x260: {  	(v2sf) =	vpush v17, $0xC  }
0x261: {  	(v2sf) =	vpush v17, $0x1  }
0x262: {  	(v2sf) =	vpush v17, $0x0;
	_ =	sdelay $0x1  }
0x263: {  	(v2sf) =	vpush v17, $0xE;
	_ =	sdelay $0x1  }
0x264: {  	(v2sf) =	vpush v17, $0x3  }
0x265: {  	(v2sf) =	vpush v17, $0x9;
	_ =	sdelay $0x1  }
0x266: {  	s11 =	rddreg [dreg:$0x3];
	(v2sf) =	vpush v17, $0xB  }
0x267: {  	s1 =	sadd.s32 $0x0, s11;
	(v2sf) =	vpush v17, $0xA  }
0x268: {  	[dreg:$0x11] =	wrdreg s3;
	s19 =	sadd.s32 $0x480, s1;
	(v2sf) =	vpush v17, $0x4  }
0x269: {  	s21 =	simm.s32 $0x2000;
	s22 =	sadd.s32 $0x10, s3;
	s23 =	sadd.s32 $0x400, s1  }
0x26a: {  	s24 =	sadd.s32 $0x500, s1;
	s25 =	sadd.s32 $0x200, s1;
	s26 =	sadd.s32 $0x300, s1  }
0x26b: {  	s8 =	sadd.s32 $0x100, s1;
	s9 =	sadd.s32 $0x80, s1;
	s12 =	spop (v2sf)  }
0x26c: {  	s14 =	spop (v2sf);
	s13 =	sshll.u32 s12, $0x7;
	s0 =	sshrl.u32 s12, $0x3  }
0x26d: {  	s6 =	sshrl.u32 s14, $0x3;
	s4 =	spop (v2sf);
	s2 =	sshll.u32 s14, $0x7  }
0x26e: {  	s7 =	spop (v2sf);
	s5 =	sshrl.u32 s4, $0x3;
	s11 =	sand.u32 $0x380, s2  }
0x26f: {  	s4 =	sshll.u32 s4, $0x7;
	s10 =	sshrl.u32 s7, $0x3;
	s12 =	smul.u32 $0xC00, s5  }
0x270: {  	s15 =	spop (v2sf);
	s4 =	sand.u32 $0x380, s4;
	s5 =	smul.u32 $0xC00, s0  }
0x271: {  	s29 =	sshll.u32 s7, $0x7;
	s7 =	smul.u32 $0xC00, s6;
	s18 =	sshrl.u32 s15, $0x3  }
0x272: {  	s17 =	spop (v2sf);
	s2 =	sshll.u32 s15, $0x7;
	[dreg:$0x4] =	wrdreg s18  }
0x273: {  	s16 =	spop (v2sf);
	s14 =	sshrl.u32 s17, $0x3;
	[dreg:$0x5] =	wrdreg s2  }
0x274: {  	s2 =	smul.u32 $0xC00, s10;
	s17 =	sshll.u32 s17, $0x7;
	s10 =	sadd.s32 $0x280, s1  }
0x275: {  	s31 =	smul.u32 $0xC00, s14;
	s28 =	sshrl.u32 s16, $0x3;
	s15 =	spop (v2sf)  }
0x276: {  	s0 =	sshll.u32 s16, $0x7;
	s16 =	sor.u32 s4, s12;
	s4 =	spop (v2sf)  }
0x277: {  	(v2sf) =	vpush v17, $0x2;
	s12 =	sadd.s32 $0x380, s1;
	s14 =	sand.u32 $0x380, s0;
	s30 =	spop (v2sf)  }
0x278: {  	(v2sf) =	vpush v17, $0x5;
	s0 =	smul.u32 $0xC00, s28;
	s28 =	sshrl.u32 s4, $0x3;
	s6 =	sshrl.u32 s30, $0x3  }
.LBB2_3:
0x279: {  	s18 =	sand.u32 $0x380, s29;
	s3 =	sand.u32 $0x380, s17  }
0x27a: {  	s17 =	sadd.s32 $0x180, s1;
	s29 =	smov.u32 s21;
	s6 =	smul.u32 $0xC00, s6  }
0x27b: {  	s28 =	smul.u32 $0xC00, s28;
	s16 =	sadd.s32 $0x800, s16;
	[dreg:$0x6] =	wrdreg s29  }
0x27c: {  	s3 =	sor.u32 s3, s31;
	s31 =	sshrl.u32 s15, $0x3;
	s15 =	sshll.u32 s15, $0x7  }
0x27d: {  	s0 =	sor.u32 s14, s0;
	s14 =	sshll.u32 s4, $0x7;
	s2 =	sor.u32 s18, s2  }
0x27e: {  	(v2sf) =	vpush v17, $0x6;
	s29 =	smov.u32 s24;
	s24 =	smov.u32 s19;
	s7 =	sor.u32 s11, s7  }
0x27f: {  	(v2sf) =	vpush v17, $0x7;
	s11 =	sand.u32 $0x380, s13;
	s16 =	sshrl.u32 s16, $0x3;
	s3 =	sadd.s32 $0x800, s3  }
0x280: {  	s0 =	sadd.s32 $0x800, s0;
	s15 =	sand.u32 $0x380, s15;
	s2 =	sadd.s32 $0x800, s2  }
0x281: {  	s31 =	smul.u32 $0xC00, s31;
	s5 =	sor.u32 s11, s5;
	s2 =	sshrl.u32 s2, $0x3  }
0x282: {  	s3 =	sshrl.u32 s3, $0x3;
	s4 =	sshrl.u32 s0, $0x3;
	s0 =	sand.u32 $0x380, s14  }
0x283: {  	s5 =	sadd.s32 $0x800, s5;
	s2 =	sadd.s32 s20, s2;
	s15 =	sor.u32 s15, s31  }
0x284: {  	s31 =	simm.s32 $0x0;
	s0 =	sor.u32 s0, s28;
	s3 =	sadd.s32 s20, s3  }
0x285: {  	[tilespmem:s1], [sflag:$0x2] =	stream.linear.gather [hbm4b:s2+s31], $0x80, $0x38;
	[tilespmem:$0x10000] =	vst v63  }
0x286: {  	s4 =	sadd.s32 s20, s4;
	s0 =	sadd.s32 $0x800, s0;
	s18 =	spop (v2sf)  }
0x287: {  	s15 =	sadd.s32 $0x800, s15;
	s0 =	sshrl.u32 s0, $0x3;
	s19 =	sshrl.u32 s18, $0x3  }
0x288: {  	s18 =	sshll.u32 s18, $0x7;
	s14 =	smul.u32 $0xC00, s19;
	s19 =	sshll.u32 s30, $0x7  }
0x289: {  	s18 =	sand.u32 $0x380, s18;
	s30 =	spop (v2sf);
	(v2sf) =	vpush v17, $0x8;
	s19 =	sand.u32 $0x380, s19  }
0x28a: {  	s0 =	sadd.s32 s20, s0;
	s18 =	sor.u32 s18, s14;
	s6 =	sor.u32 s19, s6  }
0x28b: {  	s19 =	sshll.u32 s30, $0x7;
	s2 =	sadd.s32 $0x800, s18;
	s18 =	sshrl.u32 s30, $0x3  }
0x28c: {  	s6 =	sadd.s32 $0x800, s6;
	s14 =	sand.u32 $0x380, s19;
	s2 =	sshrl.u32 s2, $0x3  }
0x28d: {  	s13 =	smul.u32 $0xC00, s18;
	s18 =	spop (v2sf);
	s6 =	sshrl.u32 s6, $0x3  }
0x28e: {  	s2 =	sadd.s32 s20, s2;
	s19 =	sshrl.u32 s18, $0x3;
	s28 =	spop (v2sf)  }
0x28f: {  	s6 =	sadd.s32 s20, s6;
	s13 =	sor.u32 s14, s13;
	s14 =	sadd.s32 s20, s16  }
0x290: {  	s16 =	sshrl.u32 s28, $0x3;
	s28 =	sshll.u32 s28, $0x7;
	s13 =	sadd.s32 $0x800, s13  }
0x291: {  	(v2sf) =	vpush v17, $0xF;
	[tilespmem:s9], [sflag:$0x2] =	stream.linear.gather [hbm4b:s14+s31], $0x80, $0x38;
	[tilespmem:$0x10000] =	vst v63  }
0x292: {  	s14 =	sshrl.u32 s13, $0x3;
	s13 =	smul.u32 $0xC00, s19;
	s19 =	sshll.u32 s18, $0x7  }
0x293: {  	[tilespmem:s8], [sflag:$0x2] =	stream.linear.gather [hbm4b:s2+s31], $0x80, $0x38;
	[tilespmem:$0x10000] =	vst v63  }
0x294: {  	s28 =	sand.u32 $0x380, s28;
	s18 =	sand.u32 $0x380, s19;
	s19 =	smul.u32 $0xC00, s16  }
0x295: {  	[tilespmem:s17], [sflag:$0x2] =	stream.linear.gather [hbm4b:s3+s31], $0x80, $0x38;
	[tilespmem:$0x10000] =	vst v63  }
0x296: {  	s2 =	sadd.s32 s20, s14;
	s14 =	sor.u32 s18, s13;
	s16 =	sor.u32 s28, s19  }
0x297: {  	[tilespmem:s25], [sflag:$0x2] =	stream.linear.gather [hbm4b:s6+s31], $0x80, $0x38;
	[tilespmem:$0x10000] =	vst v63  }
0x298: {  	s3 =	sadd.s32 $0x800, s14;
	s8 =	sadd.s32 $0x800, s16;
	s17 =	spop (v2sf)  }
0x299: {  	[tilespmem:s10], [sflag:$0x2] =	stream.linear.gather [hbm4b:s2+s31], $0x80, $0x38;
	[tilespmem:$0x10000] =	vst v63  }
0x29a: {  	s3 =	sshrl.u32 s3, $0x3;
	s16 =	rddreg [dreg:$0x5];
	s18 =	sshrl.u32 s17, $0x3  }
0x29b: {  	s8 =	sshrl.u32 s8, $0x3;
	s9 =	sshll.u32 s17, $0x7;
	s13 =	smul.u32 $0xC00, s18  }
0x29c: {  	s8 =	sadd.s32 s20, s8;
	s10 =	sand.u32 $0x380, s16;
	s19 =	sand.u32 $0x380, s9  }
0x29d: {  	s9 =	sshrl.u32 s15, $0x3;
	s18 =	rddreg [dreg:$0x4];
	s6 =	sor.u32 s19, s13  }
0x29e: {  	s13 =	sadd.s32 s20, s3;
	s3 =	smul.u32 $0xC00, s18;
	s14 =	sadd.s32 $0x800, s6  }
0x29f: {  	[tilespmem:s26], [sflag:$0x2] =	stream.linear.gather [hbm4b:s13+s31], $0x80, $0x38;
	[tilespmem:$0x10000] =	vst v63  }
0x2a0: {  	s19 =	sadd.s32 $0x800, s7;
	s25 =	spop (v2sf);
	s17 =	sshrl.u32 s14, $0x3  }
0x2a1: {  	[tilespmem:s12], [sflag:$0x2] =	stream.linear.gather [hbm4b:s8+s31], $0x80, $0x38;
	[tilespmem:$0x10000] =	vst v63  }
0x2a2: {  	s26 =	sshrl.u32 s5, $0x3;
	s15 =	sshrl.u32 s25, $0x3;
	s2 =	sadd.s32 s20, s17  }
0x2a3: {  	[tilespmem:s23], [sflag:$0x2] =	stream.linear.gather [hbm4b:s2+s31], $0x80, $0x38;
	[tilespmem:$0x10000] =	vst v63  }
0x2a4: {  	s11 =	sshll.u32 s25, $0x7;
	s3 =	sor.u32 s10, s3;
	s25 =	sadd.s32 $0x600, s1  }
0x2a5: {  	[tilespmem:s24], [sflag:$0x2] =	stream.linear.gather [hbm4b:s4+s31], $0x80, $0x38;
	[tilespmem:$0x10000] =	vst v63  }
0x2a6: {  	s5 =	sadd.s32 s20, s26;
	s6 =	smul.u32 $0xC00, s15;
	s11 =	sand.u32 $0x380, s11  }
0x2a7: {  	[tilespmem:s29], [sflag:$0x2] =	stream.linear.gather [hbm4b:s0+s31], $0x80, $0x38;
	[tilespmem:$0x10000] =	vst v63  }
0x2a8: {  	s23 =	sadd.s32 s20, s9;
	s2 =	sshrl.u32 s19, $0x3;
	s24 =	sadd.s32 $0x580, s1  }
0x2a9: {  	[tilespmem:s24], [sflag:$0x2] =	stream.linear.gather [hbm4b:s23+s31], $0x80, $0x38;
	[tilespmem:$0x10000] =	vst v63  }
0x2aa: {  	s3 =	sadd.s32 $0x800, s3;
	s6 =	sor.u32 s11, s6;
	s2 =	sadd.s32 s20, s2  }
0x2ab: {  	[tilespmem:s25], [sflag:$0x2] =	stream.linear.gather [hbm4b:s2+s31], $0x80, $0x38;
	[tilespmem:$0x10000] =	vst v63  }
0x2ac: {  	s3 =	sshrl.u32 s3, $0x3;
	s6 =	sadd.s32 $0x800, s6;
	s2 =	sadd.s32 $0x680, s1  }
0x2ad: {  	[tilespmem:s2], [sflag:$0x2] =	stream.linear.gather [hbm4b:s5+s31], $0x80, $0x38;
	[tilespmem:$0x10000] =	vst v63  }
0x2ae: {  	s8 =	sadd.s32 $0x700, s1;
	s9 =	sadd.s32 s20, s3;
	s7 =	sshrl.u32 s6, $0x3  }
0x2af: {  	[tilespmem:s8], [sflag:$0x2] =	stream.linear.gather [hbm4b:s9+s31], $0x80, $0x38;
	[tilespmem:$0x10000] =	vst v63  }
0x2b0: {  	s12 =	sadd.s32 $0x780, s1;
	s10 =	sadd.s32 s20, s7  }
0x2b1: {  	[tilespmem:s12], [sflag:$0x2] =	stream.linear.gather [hbm4b:s10+s31], $0x80, $0x38;
	[tilespmem:$0x10000] =	vst v63  }
0x2b2: {  	v17 =	vld [tilespmem:s22+$0x0];
	_ =	sdelay $0x4  }
0x2b3: {  	(v2sf) =	vpush v17, $0xD  }
0x2b4: {  	(v2sf) =	vpush v17, $0xC  }
0x2b5: {  	(v2sf) =	vpush v17, $0x1;
	_ =	sdelay $0x1  }
0x2b6: {  	(v2sf) =	vpush v17, $0x0  }
0x2b7: {  	(v2sf) =	vpush v17, $0xE  }
0x2b8: {  	(v2sf) =	vpush v17, $0x3  }
0x2b9: {  	(v2sf) =	vpush v17, $0x9;
	_ =	sdelay $0x1  }
0x2ba: {  	s13 =	rddreg [dreg:$0x6]  }
0x2bb: {  	s11 =	rddreg [dreg:$0x3];
	s1 =	sshra.s32 s13, $0x2;
	(v2sf) =	vpush v17, $0xB  }
0x2bc: {  	s1 =	sadd.s32 s1, s11;
	(v2sf) =	vpush v17, $0xA  }
0x2bd: {  	p1 =	sne.s32 s21, $0x8000;
	s21 =	sadd.s32 $0x2000, s21;
	s25 =	sadd.s32 $0x200, s1;
	(v2sf) =	vpush v17, $0x4  }
0x2be: {  	s23 =	sadd.s32 $0x400, s1;
	s19 =	sadd.s32 $0x480, s1;
	s24 =	sadd.s32 $0x500, s1  }
0x2bf: {  	s26 =	sadd.s32 $0x300, s1;
	s9 =	sadd.s32 $0x80, s1;
	s8 =	sadd.s32 $0x100, s1  }
0x2c0: {  	s12 =	sadd.s32 $0x380, s1;
	s10 =	sadd.s32 $0x280, s1;
	s14 =	spop (v2sf)  }
0x2c1: {  	s22 =	sadd.s32 $0x10, s22;
	s13 =	sshll.u32 s14, $0x7;
	s15 =	spop (v2sf)  }
0x2c2: {  	s0 =	sshrl.u32 s14, $0x3;
	s3 =	sshrl.u32 s15, $0x3;
	s16 =	spop (v2sf)  }
0x2c3: {  	s2 =	sshll.u32 s15, $0x7;
	s5 =	smul.u32 $0xC00, s0;
	s17 =	sshrl.u32 s16, $0x3  }
0x2c4: {  	s6 =	spop (v2sf);
	s11 =	sand.u32 $0x380, s2;
	s4 =	sshll.u32 s16, $0x7  }
0x2c5: {  	s7 =	sshrl.u32 s6, $0x3;
	s2 =	spop (v2sf);
	s14 =	smul.u32 $0xC00, s17  }
0x2c6: {  	s4 =	sand.u32 $0x380, s4;
	s29 =	sshll.u32 s6, $0x7;
	s17 =	spop (v2sf)  }
0x2c7: {  	s18 =	sshrl.u32 s2, $0x3;
	s2 =	sshll.u32 s2, $0x7;
	s0 =	spop (v2sf)  }
0x2c8: {  	s15 =	sshrl.u32 s17, $0x3;
	[dreg:$0x5] =	wrdreg s2;
	s2 =	smul.u32 $0xC00, s7  }
.Ltmp4:
0x2c9: {  	[dreg:$0x4] =	wrdreg s18;
	s16 =	sor.u32 s4, s14;
	(pc) =	sbr.rel @p1 .LBB2_3-.Ltmp4, $4  }
0x2ca: {  	s17 =	sshll.u32 s17, $0x7;
	s31 =	smul.u32 $0xC00, s15;
	s15 =	spop (v2sf)  }
0x2cb: {  	s18 =	sshrl.u32 s0, $0x3;
	s0 =	sshll.u32 s0, $0x7;
	s4 =	spop (v2sf)  }
0x2cc: {  	(v2sf) =	vpush v17, $0x2;
	s7 =	smul.u32 $0xC00, s3;
	s14 =	sand.u32 $0x380, s0;
	s30 =	spop (v2sf)  }
0x2cd: {  	(v2sf) =	vpush v17, $0x5;
	s0 =	smul.u32 $0xC00, s18;
	s28 =	sshrl.u32 s4, $0x3;
	s6 =	sshrl.u32 s30, $0x3  }
0x2ce: {  	_ =	sdelay $0x3  }
0x2cf: {  	s3 =	sand.u32 $0x380, s29  }
0x2d0: {  	s2 =	sor.u32 s3, s2  }
0x2d1: {  	s2 =	sadd.s32 $0x800, s2  }
0x2d2: {  	s2 =	sshrl.u32 s2, $0x3  }
0x2d3: {  	s18 =	simm.s32 $0x0;
	s22 =	sadd.s32 $0x800, s16;
	s2 =	sadd.s32 s20, s2  }
0x2d4: {  	[tilespmem:s1], [sflag:$0x2] =	stream.linear.gather [hbm4b:s2+s18], $0x80, $0x38;
	[tilespmem:$0x10000] =	vst v63  }
0x2d5: {  	s2 =	sshrl.u32 s22, $0x3  }
0x2d6: {  	s2 =	sadd.s32 s20, s2  }
0x2d7: {  	[tilespmem:s9], [sflag:$0x2] =	stream.linear.gather [hbm4b:s2+s18], $0x80, $0x38;
	[tilespmem:$0x10000] =	vst v63  }
0x2d8: {  	s29 =	spop (v2sf)  }
0x2d9: {  	s9 =	sshrl.u32 s29, $0x3  }
0x2da: {  	s2 =	sshll.u32 s29, $0x7;
	s3 =	smul.u32 $0xC00, s9  }
0x2db: {  	s2 =	sand.u32 $0x380, s2  }
0x2dc: {  	s2 =	sor.u32 s2, s3  }
0x2dd: {  	s2 =	sadd.s32 $0x800, s2  }
0x2de: {  	s2 =	sshrl.u32 s2, $0x3  }
0x2df: {  	s16 =	sand.u32 $0x380, s17;
	s2 =	sadd.s32 s20, s2  }
0x2e0: {  	[tilespmem:s8], [sflag:$0x2] =	stream.linear.gather [hbm4b:s2+s18], $0x80, $0x38;
	[tilespmem:$0x10000] =	vst v63  }
0x2e1: {  	s2 =	sor.u32 s16, s31  }
0x2e2: {  	(v2sf) =	vpush v17, $0x6;
	s2 =	sadd.s32 $0x800, s2  }
0x2e3: {  	s17 =	sadd.s32 $0x180, s1;
	s22 =	sshll.u32 s30, $0x7;
	s2 =	sshrl.u32 s2, $0x3  }
0x2e4: {  	s21 =	smul.u32 $0xC00, s6;
	s3 =	sand.u32 $0x380, s22;
	s2 =	sadd.s32 s20, s2  }
0x2e5: {  	[tilespmem:s17], [sflag:$0x2] =	stream.linear.gather [hbm4b:s2+s18], $0x80, $0x38;
	[tilespmem:$0x10000] =	vst v63  }
0x2e6: {  	s2 =	sor.u32 s3, s21  }
0x2e7: {  	s2 =	sadd.s32 $0x800, s2  }
0x2e8: {  	s2 =	sshrl.u32 s2, $0x3  }
0x2e9: {  	s2 =	sadd.s32 s20, s2  }
0x2ea: {  	[tilespmem:s25], [sflag:$0x2] =	stream.linear.gather [hbm4b:s2+s18], $0x80, $0x38;
	[tilespmem:$0x10000] =	vst v63  }
0x2eb: {  	s25 =	spop (v2sf)  }
0x2ec: {  	(v2sf) =	vpush v17, $0x7;
	s29 =	sshrl.u32 s25, $0x3  }
0x2ed: {  	s2 =	sshll.u32 s25, $0x7;
	s3 =	smul.u32 $0xC00, s29  }
0x2ee: {  	s2 =	sand.u32 $0x380, s2  }
0x2ef: {  	s2 =	sor.u32 s2, s3  }
0x2f0: {  	s2 =	sadd.s32 $0x800, s2  }
0x2f1: {  	s30 =	spop (v2sf);
	s2 =	sshrl.u32 s2, $0x3  }
0x2f2: {  	(v2sf) =	vpush v17, $0x8;
	s31 =	sshrl.u32 s30, $0x3;
	s2 =	sadd.s32 s20, s2  }
0x2f3: {  	[tilespmem:s10], [sflag:$0x2] =	stream.linear.gather [hbm4b:s2+s18], $0x80, $0x38;
	[tilespmem:$0x10000] =	vst v63  }
0x2f4: {  	s3 =	smul.u32 $0xC00, s31;
	s2 =	sshll.u32 s30, $0x7  }
0x2f5: {  	s2 =	sand.u32 $0x380, s2  }
0x2f6: {  	s2 =	sor.u32 s2, s3  }
0x2f7: {  	s2 =	sadd.s32 $0x800, s2  }
0x2f8: {  	s2 =	sshrl.u32 s2, $0x3  }
0x2f9: {  	s2 =	sadd.s32 s20, s2  }
0x2fa: {  	[tilespmem:s26], [sflag:$0x2] =	stream.linear.gather [hbm4b:s2+s18], $0x80, $0x38;
	[tilespmem:$0x10000] =	vst v63  }
0x2fb: {  	s6 =	spop (v2sf)  }
0x2fc: {  	s8 =	sshrl.u32 s6, $0x3  }
0x2fd: {  	s2 =	sshll.u32 s6, $0x7;
	s3 =	smul.u32 $0xC00, s8  }
0x2fe: {  	s2 =	sand.u32 $0x380, s2  }
0x2ff: {  	s2 =	sor.u32 s2, s3  }
0x300: {  	s2 =	sadd.s32 $0x800, s2  }
0x301: {  	s9 =	spop (v2sf);
	s2 =	sshrl.u32 s2, $0x3  }
0x302: {  	s10 =	sshrl.u32 s9, $0x3;
	s2 =	sadd.s32 s20, s2  }
0x303: {  	[tilespmem:s12], [sflag:$0x2] =	stream.linear.gather [hbm4b:s2+s18], $0x80, $0x38;
	[tilespmem:$0x10000] =	vst v63  }
0x304: {  	s3 =	smul.u32 $0xC00, s10;
	s2 =	sshll.u32 s9, $0x7  }
0x305: {  	s2 =	sand.u32 $0x380, s2  }
0x306: {  	s2 =	sor.u32 s2, s3  }
0x307: {  	s0 =	sor.u32 s14, s0;
	s2 =	sadd.s32 $0x800, s2  }
0x308: {  	s0 =	sadd.s32 $0x800, s0;
	s2 =	sshrl.u32 s2, $0x3  }
0x309: {  	s0 =	sshrl.u32 s0, $0x3;
	s2 =	sadd.s32 s20, s2  }
0x30a: {  	[tilespmem:s23], [sflag:$0x2] =	stream.linear.gather [hbm4b:s2+s18], $0x80, $0x38;
	[tilespmem:$0x10000] =	vst v63  }
0x30b: {  	s14 =	smul.u32 $0xC00, s28;
	s0 =	sadd.s32 s20, s0;
	s12 =	sshll.u32 s4, $0x7  }
0x30c: {  	[tilespmem:s19], [sflag:$0x2] =	stream.linear.gather [hbm4b:s0+s18], $0x80, $0x38;
	[tilespmem:$0x10000] =	vst v63  }
0x30d: {  	s0 =	sand.u32 $0x380, s12  }
0x30e: {  	s0 =	sor.u32 s0, s14  }
0x30f: {  	s0 =	sadd.s32 $0x800, s0  }
0x310: {  	s0 =	sshrl.u32 s0, $0x3  }
0x311: {  	s16 =	sshrl.u32 s15, $0x3;
	s0 =	sadd.s32 s20, s0  }
0x312: {  	[tilespmem:s24], [sflag:$0x2] =	stream.linear.gather [hbm4b:s0+s18], $0x80, $0x38;
	[tilespmem:$0x10000] =	vst v63  }
0x313: {  	s17 =	sshll.u32 s15, $0x7;
	s0 =	smul.u32 $0xC00, s16  }
0x314: {  	s2 =	sand.u32 $0x380, s17  }
0x315: {  	s0 =	sor.u32 s2, s0  }
0x316: {  	s0 =	sadd.s32 $0x800, s0  }
0x317: {  	s0 =	sshrl.u32 s0, $0x3  }
0x318: {  	s21 =	sor.u32 s11, s7;
	(v2sf) =	vpush v17, $0xF;
	s19 =	sadd.s32 $0x580, s1;
	s0 =	sadd.s32 s20, s0  }
0x319: {  	[tilespmem:s19], [sflag:$0x2] =	stream.linear.gather [hbm4b:s0+s18], $0x80, $0x38;
	[tilespmem:$0x10000] =	vst v63  }
0x31a: {  	s0 =	sadd.s32 $0x800, s21  }
0x31b: {  	s0 =	sshrl.u32 s0, $0x3  }
0x31c: {  	s22 =	sadd.s32 $0x600, s1;
	s23 =	sand.u32 $0x380, s13;
	s0 =	sadd.s32 s20, s0  }
0x31d: {  	[tilespmem:s22], [sflag:$0x2] =	stream.linear.gather [hbm4b:s0+s18], $0x80, $0x38;
	[tilespmem:$0x10000] =	vst v63  }
0x31e: {  	s0 =	sor.u32 s23, s5  }
0x31f: {  	s0 =	sadd.s32 $0x800, s0  }
0x320: {  	s0 =	sshrl.u32 s0, $0x3  }
0x321: {  	s25 =	rddreg [dreg:$0x4];
	s24 =	sadd.s32 $0x680, s1;
	s0 =	sadd.s32 s20, s0  }
0x322: {  	[tilespmem:s24], [sflag:$0x2] =	stream.linear.gather [hbm4b:s0+s18], $0x80, $0x38;
	[tilespmem:$0x10000] =	vst v63  }
0x323: {  	s26 =	rddreg [dreg:$0x5];
	s0 =	smul.u32 $0xC00, s25  }
0x324: {  	s2 =	sand.u32 $0x380, s26  }
0x325: {  	s0 =	sor.u32 s2, s0  }
0x326: {  	s0 =	sadd.s32 $0x800, s0  }
0x327: {  	s29 =	spop (v2sf);
	s0 =	sshrl.u32 s0, $0x3  }
0x328: {  	s28 =	sadd.s32 $0x700, s1;
	s30 =	sshrl.u32 s29, $0x3;
	s0 =	sadd.s32 s20, s0  }
0x329: {  	[tilespmem:s28], [sflag:$0x2] =	stream.linear.gather [hbm4b:s0+s18], $0x80, $0x38;
	[tilespmem:$0x10000] =	vst v63  }
0x32a: {  	s11 =	rddreg [dreg:$0x12];
	s2 =	smul.u32 $0xC00, s30;
	s0 =	sshll.u32 s29, $0x7  }
0x32b: {  	p1 =	seq.s32 s11, $0x0;
	s0 =	sand.u32 $0x380, s0  }
.Ltmp5:
0x32c: {  	s0 =	sor.u32 s0, s2;
	(pc) =	sbr.rel @p1 .LBB2_6-.Ltmp5, $4  }
0x32d: {  	s0 =	sadd.s32 $0x800, s0  }
0x32e: {  	s0 =	sshrl.u32 s0, $0x3  }
0x32f: {  	s7 =	simm.s32 $0x0;
	s31 =	sadd.s32 $0x780, s1;
	s0 =	sadd.s32 s20, s0  }
0x330: {  	[tilespmem:s31], [sflag:$0x2] =	stream.linear.gather [hbm4b:s0+s18], $0x80, $0x38;
	[tilespmem:$0x10000] =	vst v63  }
0x331: {  	s2 =	simm.s32 $0x1  }
0x332: {  	_ =	swait.ge [sflag:s2], $0x2800  }
0x333: {  	[sflag:s2] =	ssyncset.done $0x0  }
0x334: {  	[sflag:s2] =	ssyncadd.s32 $0xFFFFD800  }
0x335: {  	s24 =	sshll.u32 s11, $0x2;
	_ =	swait.ge [sflag:s2], $0x2800  }
0x336: {  	s4 =	simm.s32 $0x2;
	s9 =	simm.s32 $0x400;
	s0 =	rddreg [dreg:$0x13]  }
0x337: {  	[sflag:s2] =	ssyncset.done $0x0;
	s25 =	rddreg [dreg:$0xa];
	s1 =	sxor.u32 $0x1, s0  }
0x338: {  	[sflag:s2] =	ssyncadd.s32 $0xFFFFD800;
	s2 =	sadd.s32 s24, s25;
	s26 =	smul.u32 $0x14000, s1  }
0x339: {  	s10 =	simm.s32 $0xC00;
	_ =	swait.ge [sflag:s4], $0x2800;
	s3 =	smul.u32 $0x480, s2  }
0x33a: {  	[sflag:s4] =	ssyncset.done $0x0;
	s6 =	rddreg [dreg:$0x7];
	s0 =	sshrl.u32 s26, $0x2  }
0x33b: {  	[sflag:s4] =	ssyncadd.s32 $0xFFFFD800;
	s3 =	sadd.s32 s6, s3;
	s28 =	sadd.s32 $0x1000, s0  }
0x33c: {  	[hbm4b:s3+s9] =	stream.strided.scatter [tilespmem:s28], [sflag:$0x3], $0x800, s10, s9, $0x38;
	[tilespmem:$0x10000] =	vst v63  }
0x33d: {  	s1 =	smul.u32 $0xA000, s1;
	s29 =	sadd.s32 $0x1800, s0;
	s5 =	sadd.s32 $0x300, s3  }
0x33e: {  	[hbm4b:s5+s7] =	stream.linear.scatter [tilespmem:s29], [sflag:$0x3], $0x200, $0x38;
	[tilespmem:$0x10000] =	vst v63  }
0x33f: {  	s2 =	smul.u32 $0x2400, s2;
	s30 =	sadd.s32 $0x3800, s0;
	s31 =	sadd.s32 $0x80, s3  }
0x340: {  	[hbm4b:s31+s9] =	stream.strided.scatter [tilespmem:s30], [sflag:$0x3], $0x800, s10, s9, $0x38;
	[tilespmem:$0x10000] =	vst v63  }
0x341: {  	s1 =	sshrl.u32 s1, $0x2;
	s8 =	sadd.s32 $0x4000, s0;
	s12 =	sadd.s32 $0x380, s3  }
0x342: {  	[hbm4b:s12+s7] =	stream.linear.scatter [tilespmem:s8], [sflag:$0x3], $0x200, $0x38;
	[tilespmem:$0x10000] =	vst v63  }
0x343: {  	s2 =	sshrl.u32 s2, $0x3;
	s13 =	sadd.s32 $0xB000, s1;
	s14 =	sadd.s32 $0x100, s3  }
0x344: {  	[hbm4b:s14+s9] =	stream.strided.scatter [tilespmem:s13], [sflag:$0x3], $0x800, s10, s9, $0x38;
	[tilespmem:$0x10000] =	vst v63  }
0x345: {  	s15 =	sadd.s32 $0xB800, s1;
	s2 =	sadd.s32 s6, s2;
	s3 =	sadd.s32 $0x400, s3  }
0x346: {  	[hbm4b:s3+s7] =	stream.linear.scatter [tilespmem:s15], [sflag:$0x3], $0x200, $0x38;
	[tilespmem:$0x10000] =	vst v63  }
0x347: {  	s17 =	sadd.s32 $0x1A00, s0;
	s16 =	sadd.s32 $0x480, s2  }
0x348: {  	[hbm4b:s16+s9] =	stream.strided.scatter [tilespmem:s17], [sflag:$0x3], $0x800, s10, s9, $0x38;
	[tilespmem:$0x10000] =	vst v63  }
0x349: {  	s18 =	sadd.s32 $0x2200, s0;
	s19 =	sadd.s32 $0x780, s2  }
0x34a: {  	[hbm4b:s19+s7] =	stream.linear.scatter [tilespmem:s18], [sflag:$0x3], $0x200, $0x38;
	[tilespmem:$0x10000] =	vst v63  }
0x34b: {  	s21 =	sadd.s32 $0x4200, s0;
	s22 =	sadd.s32 $0x500, s2  }
0x34c: {  	[hbm4b:s22+s9] =	stream.strided.scatter [tilespmem:s21], [sflag:$0x3], $0x800, s10, s9, $0x38;
	[tilespmem:$0x10000] =	vst v63  }
0x34d: {  	s23 =	sadd.s32 $0x4A00, s0;
	s24 =	sadd.s32 $0x800, s2  }
0x34e: {  	[hbm4b:s24+s7] =	stream.linear.scatter [tilespmem:s23], [sflag:$0x3], $0x200, $0x38;
	[tilespmem:$0x10000] =	vst v63  }
0x34f: {  	s25 =	sadd.s32 $0xBA00, s1;
	s26 =	sadd.s32 $0x580, s2  }
0x350: {  	[hbm4b:s26+s9] =	stream.strided.scatter [tilespmem:s25], [sflag:$0x3], $0x800, s10, s9, $0x38;
	[tilespmem:$0x10000] =	vst v63  }
0x351: {  	s28 =	sor.u32 $0xC200, s1;
	s29 =	sadd.s32 $0x880, s2  }
0x352: {  	[hbm4b:s29+s7] =	stream.linear.scatter [tilespmem:s28], [sflag:$0x3], $0x200, $0x38;
	[tilespmem:$0x10000] =	vst v63  }
0x353: {  	s30 =	sadd.s32 $0x900, s2;
	s31 =	sadd.s32 $0x2400, s0  }
0x354: {  	[hbm4b:s30+s9] =	stream.strided.scatter [tilespmem:s31], [sflag:$0x3], $0x800, s10, s9, $0x38;
	[tilespmem:$0x10000] =	vst v63  }
0x355: {  	s6 =	sadd.s32 $0xC00, s2;
	s5 =	sadd.s32 $0x2C00, s0  }
0x356: {  	[hbm4b:s6+s7] =	stream.linear.scatter [tilespmem:s5], [sflag:$0x3], $0x200, $0x38;
	[tilespmem:$0x10000] =	vst v63  }
0x357: {  	s8 =	sadd.s32 $0x4C00, s0;
	s12 =	sadd.s32 $0x980, s2  }
0x358: {  	[hbm4b:s12+s9] =	stream.strided.scatter [tilespmem:s8], [sflag:$0x3], $0x800, s10, s9, $0x38;
	[tilespmem:$0x10000] =	vst v63  }
0x359: {  	s13 =	sadd.s32 $0x5400, s0;
	s14 =	sadd.s32 $0xC80, s2  }
0x35a: {  	[hbm4b:s14+s7] =	stream.linear.scatter [tilespmem:s13], [sflag:$0x3], $0x200, $0x38;
	[tilespmem:$0x10000] =	vst v63  }
0x35b: {  	s15 =	sor.u32 $0xC400, s1;
	s16 =	sadd.s32 $0xA00, s2  }
0x35c: {  	[hbm4b:s16+s9] =	stream.strided.scatter [tilespmem:s15], [sflag:$0x3], $0x800, s10, s9, $0x38;
	[tilespmem:$0x10000] =	vst v63  }
0x35d: {  	s17 =	sadd.s32 $0xCC00, s1;
	s18 =	sadd.s32 $0xD00, s2  }
0x35e: {  	[hbm4b:s18+s7] =	stream.linear.scatter [tilespmem:s17], [sflag:$0x3], $0x200, $0x38;
	[tilespmem:$0x10000] =	vst v63  }
0x35f: {  	s19 =	sadd.s32 $0xD80, s2;
	s21 =	sadd.s32 $0x2E00, s0  }
0x360: {  	[hbm4b:s19+s9] =	stream.strided.scatter [tilespmem:s21], [sflag:$0x3], $0x800, s10, s9, $0x38;
	[tilespmem:$0x10000] =	vst v63  }
0x361: {  	s22 =	sadd.s32 $0x3600, s0;
	s23 =	sadd.s32 $0x1080, s2  }
0x362: {  	[hbm4b:s23+s7] =	stream.linear.scatter [tilespmem:s22], [sflag:$0x3], $0x200, $0x38;
	[tilespmem:$0x10000] =	vst v63  }
0x363: {  	s24 =	sadd.s32 $0x5600, s0;
	s25 =	sadd.s32 $0xE00, s2  }
0x364: {  	[hbm4b:s25+s9] =	stream.strided.scatter [tilespmem:s24], [sflag:$0x3], $0x800, s10, s9, $0x38;
	[tilespmem:$0x10000] =	vst v63  }
0x365: {  	s0 =	sadd.s32 $0x5E00, s0;
	s26 =	sadd.s32 $0x1100, s2  }
0x366: {  	[hbm4b:s26+s7] =	stream.linear.scatter [tilespmem:s0], [sflag:$0x3], $0x200, $0x38;
	[tilespmem:$0x10000] =	vst v63  }
.Ltmp6:
0x367: {  	_ = 	snop;
	(pc) =	sbr.rel .LBB2_6-.Ltmp6, $4  }
0x368: {  	s28 =	sadd.s32 $0xCE00, s1;
	s29 =	sadd.s32 $0xE80, s2  }
0x369: {  	[hbm4b:s29+s9] =	stream.strided.scatter [tilespmem:s28], [sflag:$0x3], $0x800, s10, s9, $0x38;
	[tilespmem:$0x10000] =	vst v63  }
0x36a: {  	s30 =	sadd.s32 $0xD600, s1;
	s31 =	sadd.s32 $0x1180, s2  }
0x36b: {  	[hbm4b:s31+s7] =	stream.linear.scatter [tilespmem:s30], [sflag:$0x3], $0x200, $0x38;
	[tilespmem:$0x10000] =	vst v63  }
.LBB2_8:
0x36c: {  	_ =	sfence.sel $0x180000  }
0x36d: {  	[bflag:$0x0] =	sbarrier.arrive $0xFFFF  }
0x36e: {  	_ =	strace $0x90000047  }
0x36f: {  	s0 =	stileid.u32;
	[bflag:$0x2] =	sbarrier.arrive $0xFFFF  }
0x370: {  	p0 =	sne.s32 s0, $0x0;
	s0 =	rddreg [dreg:$0x2]  }
0x371: {  	s0 =	sadd.s32 @!p0 $0x100000, s0  }
0x372: {  	[sflag:s0] =	ssyncadd.tile.s32 @!p0 $0x1;
	_ =	shalt  }
.Lfunc_end2:
_tile_overlayer_lowered:
.L_overlay_start_2:
0x373: {  	(tag) =	ssettag $0x2  }
0x374: {  	s0 =	rddreg [dreg:$0x0];
	s2 =	stileid.u32  }
0x375: {  	s1 =	rddreg [dreg:$0x1];
	p0 =	sne.s32 s2, $0x0  }
0x376: {  	s3 =	rddreg [dreg:$0x2];
	[bflag:$0x3] =	sbarrier.arrive $0xFFFF;
	s2 =	simm.s32 @!p0 $0x1C04  }
0x377: {  	[timem:s3], [sflag:s2] =	dma.local @!p0 [hbm:s0], s1  }
0x378: {  	s0 =	simm.s32 @!p0 $0x4  }
0x379: {  	_ =	swait.ge @!p0 [sflag:s0], s1  }
0x37a: {  	s1 =	ssub.s32 @!p0 $0x0, s1;
	[sflag:s0] =	ssyncset.done @!p0 $0x0  }
0x37b: {  	[sflag:s0] =	ssyncadd.s32 @!p0 s1  }
0x37c: {  	[bflag:$0x3] =	sbarrier.arrive $0xFFFF  }
0x37d: {  	_ =	shalt  }

</sc_bundles>
